<compile_context>
chip_gen: v7x
topology: tpu7x:2x2x1
jax: 0.10.2.dev20260603
libtpu: 0.0.44.dev20260713+nightly
codegen_flags: <defaults>
</compile_context>

<pallas_src>
import functools

import jax
import jax.numpy as jnp
from jax import lax
from jax.experimental import pallas as pl
from jax.experimental.pallas import tpu as pltpu
from jax.experimental.pallas import tpu_sc as plsc

D_MODEL = 64
GROUP = 128
NJ = 4
NDT = D_MODEL // 8


@functools.cache
def _build(n_rows: int, n_btiles: int, num_cores: int, num_subcores: int):
    num_workers = num_cores * num_subcores
    jc_per_row = n_btiles // NJ
    n_chunks = n_rows * jc_per_row
    chunks_per_worker = n_chunks // num_workers
    groups_per_worker = chunks_per_worker * NJ
    assert chunks_per_worker * num_workers == n_chunks
    assert chunks_per_worker % 2 == 0

    mesh = plsc.VectorSubcoreMesh(core_axis_name="c", subcore_axis_name="s")

    @functools.partial(
        pl.kernel,
        out_type=(
            jax.ShapeDtypeStruct((n_rows, NDT, n_btiles, 8, GROUP), jnp.float32),
            jax.ShapeDtypeStruct((NJ * D_MODEL, GROUP), jnp.float32),
        ),
        mesh=mesh,
        scratch_types=[
            pltpu.VMEM((groups_per_worker, GROUP), jnp.int32),
            pltpu.VMEM((2, NJ, GROUP, D_MODEL), jnp.float32),
            pltpu.VMEM((NJ * D_MODEL, GROUP), jnp.float32),
            pltpu.SemaphoreType.DMA,
            pltpu.SemaphoreType.DMA,
            pltpu.SemaphoreType.DMA,
        ],
        compiler_params=pltpu.CompilerParams(
            use_tc_tiling_on_sc=False, needs_layout_passes=False
        ),
    )
    def gather_kernel(idx_hbm, table_hbm, out_hbm, dummy_hbm, idx_v, rows_v,
                      rowsT_v, sem_g0, sem_g1, sem_s):
        wid = lax.axis_index("s") * num_cores + lax.axis_index("c")
        c0 = wid * chunks_per_worker
        c_end = c0 + chunks_per_worker
        sems = (sem_g0, sem_g1)
        lane = lax.iota(jnp.int32, 16)

        pltpu.sync_copy(
            idx_hbm.at[pl.ds(c0 * NJ, groups_per_worker)], idx_v
        )

        def fire(c, buf):
            g0 = (c - c0) * NJ
            for j in range(NJ):
                pltpu.async_copy(
                    table_hbm.at[idx_v.at[g0 + j]], rows_v.at[buf, j],
                    sems[buf],
                )

        def wait_gathers(c, buf):
            g0 = (c - c0) * NJ
            for j in range(NJ):
                pltpu.make_async_copy(
                    table_hbm.at[idx_v.at[g0 + j]], rows_v.at[buf, j],
                    sems[buf],
                ).wait()

        def drain_stores():
            pltpu.make_async_copy(dummy_hbm, rowsT_v, sem_s).wait()

        def consume(c, buf):
            r = c // jc_per_row
            j0 = (c % jc_per_row) * NJ

            @plsc.parallel_loop(0, (GROUP // 16) * 16, unroll=8)
            def _bs(i):
                bb = i >> 4
                bvec = bb * 16 + lane
                pg = (lane + (i & 15)) & 15
                for j in range(NJ):
                    src = rows_v.at[buf, j]
                    for dg in range(D_MODEL // 16):
                        d0 = dg * 16
                        dst = rowsT_v.at[pl.ds(j * D_MODEL + d0, 16)]
                        v = plsc.load_gather(src, [bvec, d0 + pg])
                        plsc.store_scatter(dst, [pg, bvec], v)

            for dt in range(NDT):
                for j in range(NJ):
                    pltpu.async_copy(
                        rowsT_v.at[pl.ds(j * D_MODEL + dt * 8, 8)],
                        out_hbm.at[r, dt, j0 + j],
                        sem_s,
                    )

        fire(c0, 0)

        @pl.loop(0, chunks_per_worker, step=2)
        def _outer(i):
            c = c0 + i
            for b in range(2):
                cb = c + b

                @pl.when(cb + 1 < c_end)
                def _():
                    fire(cb + 1, 1 - b)

                @pl.when(cb > c0)
                def _():
                    drain_stores()

                wait_gathers(cb, b)
                consume(cb, b)

        drain_stores()

    return gather_kernel


def kernel(x, table):
    batch, max_n = x.shape
    n_btiles = batch // GROUP
    xt = x.T.reshape(max_n * n_btiles, GROUP).astype(jnp.int32)
    info = plsc.get_sparse_core_info()
    f = _build(max_n, n_btiles, info.num_cores, info.num_subcores)
    z, _ = f(xt, table)
    return z.transpose(2, 4, 0, 1, 3).reshape(batch, max_n, D_MODEL)

# --- scband reference (transcript-rebuilt; emitter-appended) ---
"""Pipeline reference for scband-element-embedding-9457517986429 (READ-ONLY COPY).

The authoritative reference and input builder live on the scoring server;
editing this copy changes nothing except your own understanding.
"""

import jax, jax.numpy as jnp
import numpy as np

D_MODEL = 64
N_ALL_ELEMS = 100000
BATCH = 16384
MAX_N_ELEM = 50


def setup_inputs(seed: int = 0) -> dict:
    key = jax.random.key(seed)
    k_idx, k_tab = jax.random.split(key)
    x = jax.random.randint(k_idx, (BATCH, MAX_N_ELEM), 0, N_ALL_ELEMS, dtype=jnp.int64 if jax.config.jax_enable_x64 else jnp.int32)
    table = jax.random.normal(k_tab, (N_ALL_ELEMS, D_MODEL), dtype=jnp.float32)
    # nn.Embedding with padding_idx=0 initializes the padding row to zeros
    table = table.at[0].set(0.0)
    return {"x": x, "table": table}


def reference(x, table):
    # nn.Embedding forward: gather rows of the table by index
    return jnp.take(table, x, axis=0)

if __name__ == "__main__":
    import jax
    _d = setup_inputs()
    print(jax.jit(kernel)(*tuple(_d.values())))

</pallas_src>

<mosaic_0001>
#map = affine_map<(d0, d1) -> (0, 0)>
#map1 = affine_map<(d0, d1) -> (0, 0, 0, 0, 0)>
module attributes {stable_mosaic.version = 14 : i64} {
  func.func @gather_kernel(%arg0: i32, %arg1: i32, %arg2: memref<6400x128xi32, #tpu.memory_space<hbm>>, %arg3: memref<100000x64xf32, #tpu.memory_space<hbm>>, %arg4: memref<50x8x128x8x128xf32, #tpu.memory_space<hbm>>, %arg5: memref<256x128xf32, #tpu.memory_space<hbm>>, %arg6: memref<200x128xi32, #tpu.memory_space<vmem>>, %arg7: memref<2x4x128x64xf32, #tpu.memory_space<vmem>>, %arg8: memref<256x128xf32, #tpu.memory_space<vmem>>, %arg9: memref<!tpu.dma_semaphore, #tpu.memory_space<semaphore_mem>>, %arg10: memref<!tpu.dma_semaphore, #tpu.memory_space<semaphore_mem>>, %arg11: memref<!tpu.dma_semaphore, #tpu.memory_space<semaphore_mem>>) attributes {dimension_semantics = [#tpu.dimension_semantics<core_parallel>, #tpu.dimension_semantics<subcore_parallel>], iteration_bounds = array<i64: 2, 16>, scalar_prefetch = 0 : i64, scratch_operands = 6 : i64, tpu.core_type = #tpu.core_type<sc_vector_subcore>, window_params = [{transform_indices = #map}, {transform_indices = #map}, {transform_indices = #map1}, {transform_indices = #map}]} {
    %mul3A = arith.constant 2 : i32
    %mul3A_0 = arith.muli %arg1, %mul3A : i32
    %add3A = arith.addi %mul3A_0, %arg0 : i32
    %mul3A_1 = arith.constant 50 : i32
    %mul3A_2 = arith.muli %add3A, %mul3A_1 : i32
    %add3A_3 = arith.constant 50 : i32
    %add3A_4 = arith.addi %mul3A_2, %add3A_3 : i32
    %iota3A = tpu.iota {dimensions = array<i32: 0>} : vector<16xi32>
    %mul3A_5 = arith.constant 4 : i32
    %mul3A_6 = arith.muli %mul3A_2, %mul3A_5 : i32
    "tpu.region"() ({
      %run_scoped3A = tpu.sem_alloc : memref<!tpu.dma_semaphore, #tpu.memory_space<semaphore_mem>>
      %dma_start3A_68 = arith.constant 0 : i32
      %dma_start3A_69 = tpu.memref_slice %arg2[%mul3A_6, %dma_start3A_68] : memref<6400x128xi32, #tpu.memory_space<hbm>> -> memref<200x128xi32, #tpu.memory_space<hbm>>
      %dma_start3A_70 = arith.constant 0 : i32
      %dma_start3A_71 = tpu.memref_slice %arg2[%mul3A_6, %dma_start3A_70] : memref<6400x128xi32, #tpu.memory_space<hbm>> -> memref<200x128xi32, #tpu.memory_space<hbm>>
      tpu.enqueue_dma source(%dma_start3A_71 : memref<200x128xi32, #tpu.memory_space<hbm>>) target(%arg6 : memref<200x128xi32, #tpu.memory_space<vmem>>) target_semaphore(%run_scoped3A : memref<!tpu.dma_semaphore, #tpu.memory_space<semaphore_mem>>)
      %dma_wait3A = arith.constant 0 : i32
      %dma_wait3A_72 = tpu.memref_slice %arg2[%mul3A_6, %dma_wait3A] : memref<6400x128xi32, #tpu.memory_space<hbm>> -> memref<200x128xi32, #tpu.memory_space<hbm>>
      %dma_wait3A_73 = arith.constant 0 : i32
      %dma_wait3A_74 = tpu.memref_slice %arg2[%mul3A_6, %dma_wait3A_73] : memref<6400x128xi32, #tpu.memory_space<hbm>> -> memref<200x128xi32, #tpu.memory_space<hbm>>
      tpu.wait_dma2 semaphore(%run_scoped3A : memref<!tpu.dma_semaphore, #tpu.memory_space<semaphore_mem>>) src(%dma_wait3A_74 : memref<200x128xi32, #tpu.memory_space<hbm>>) dst(%arg6 : memref<200x128xi32, #tpu.memory_space<vmem>>)
      tpu.yield
    }) : () -> ()
    %sub3A = arith.subi %mul3A_2, %mul3A_2 : i32
    %mul3A_7 = arith.constant 4 : i32
    %mul3A_8 = arith.muli %sub3A, %mul3A_7 : i32
    %add3A_9 = arith.constant 0 : i32
    %add3A_10 = arith.addi %mul3A_8, %add3A_9 : i32
    %dma_start3A = arith.constant 0 : i32
    %dma_start3A_11 = arith.constant 0 : i32
    %dma_start3A_12 = arith.constant 0 : i32
    %dma_start3A_13 = arith.constant 0 : i32
    %dma_start3A_14 = tpu.memref_slice %arg7[%dma_start3A, %dma_start3A_11, %dma_start3A_12, %dma_start3A_13] : memref<2x4x128x64xf32, #tpu.memory_space<vmem>> -> memref<1x1x128x64xf32, #tpu.memory_space<vmem>>
    %dma_start3A_15 = tpu.memref_squeeze %dma_start3A_14 : memref<1x1x128x64xf32, #tpu.memory_space<vmem>> -> memref<128x64xf32, #tpu.memory_space<vmem>>
    %dma_start3A_16 = arith.constant 0 : i32
    %dma_start3A_17 = tpu.memref_slice %arg6[%add3A_10, %dma_start3A_16] : memref<200x128xi32, #tpu.memory_space<vmem>> -> memref<1x128xi32, #tpu.memory_space<vmem>>
    %dma_start3A_18 = tpu.memref_squeeze %dma_start3A_17 : memref<1x128xi32, #tpu.memory_space<vmem>> -> memref<128xi32, #tpu.memory_space<vmem>>
    %dma_start3A_19 = arith.constant 0 : i32
    %dma_start3A_20 = arith.constant 0 : i32
    %dma_start3A_21 = tpu.memref_slice %arg3[%dma_start3A_19, %dma_start3A_20] : memref<100000x64xf32, #tpu.memory_space<hbm>> -> memref<100000x64xf32, #tpu.memory_space<hbm>>
    tpu.enqueue_indirect_dma source(%dma_start3A_21 : memref<100000x64xf32, #tpu.memory_space<hbm>>) target(%dma_start3A_15 : memref<128x64xf32, #tpu.memory_space<vmem>>) offsets(%dma_start3A_18 : memref<128xi32, #tpu.memory_space<vmem>>) semaphore(%arg9 : memref<!tpu.dma_semaphore, #tpu.memory_space<semaphore_mem>>)
    %add3A_22 = arith.constant 1 : i32
    %add3A_23 = arith.addi %mul3A_8, %add3A_22 : i32
    %dma_start3A_24 = arith.constant 0 : i32
    %dma_start3A_25 = arith.constant 1 : i32
    %dma_start3A_26 = arith.constant 0 : i32
    %dma_start3A_27 = arith.constant 0 : i32
    %dma_start3A_28 = tpu.memref_slice %arg7[%dma_start3A_24, %dma_start3A_25, %dma_start3A_26, %dma_start3A_27] : memref<2x4x128x64xf32, #tpu.memory_space<vmem>> -> memref<1x1x128x64xf32, #tpu.memory_space<vmem>>
    %dma_start3A_29 = tpu.memref_squeeze %dma_start3A_28 : memref<1x1x128x64xf32, #tpu.memory_space<vmem>> -> memref<128x64xf32, #tpu.memory_space<vmem>>
    %dma_start3A_30 = arith.constant 0 : i32
    %dma_start3A_31 = tpu.memref_slice %arg6[%add3A_23, %dma_start3A_30] : memref<200x128xi32, #tpu.memory_space<vmem>> -> memref<1x128xi32, #tpu.memory_space<vmem>>
    %dma_start3A_32 = tpu.memref_squeeze %dma_start3A_31 : memref<1x128xi32, #tpu.memory_space<vmem>> -> memref<128xi32, #tpu.memory_space<vmem>>
    %dma_start3A_33 = arith.constant 0 : i32
    %dma_start3A_34 = arith.constant 0 : i32
    %dma_start3A_35 = tpu.memref_slice %arg3[%dma_start3A_33, %dma_start3A_34] : memref<100000x64xf32, #tpu.memory_space<hbm>> -> memref<100000x64xf32, #tpu.memory_space<hbm>>
    tpu.enqueue_indirect_dma source(%dma_start3A_35 : memref<100000x64xf32, #tpu.memory_space<hbm>>) target(%dma_start3A_29 : memref<128x64xf32, #tpu.memory_space<vmem>>) offsets(%dma_start3A_32 : memref<128xi32, #tpu.memory_space<vmem>>) semaphore(%arg9 : memref<!tpu.dma_semaphore, #tpu.memory_space<semaphore_mem>>)
    %add3A_36 = arith.constant 2 : i32
    %add3A_37 = arith.addi %mul3A_8, %add3A_36 : i32
    %dma_start3A_38 = arith.constant 0 : i32
    %dma_start3A_39 = arith.constant 2 : i32
    %dma_start3A_40 = arith.constant 0 : i32
    %dma_start3A_41 = arith.constant 0 : i32
    %dma_start3A_42 = tpu.memref_slice %arg7[%dma_start3A_38, %dma_start3A_39, %dma_start3A_40, %dma_start3A_41] : memref<2x4x128x64xf32, #tpu.memory_space<vmem>> -> memref<1x1x128x64xf32, #tpu.memory_space<vmem>>
    %dma_start3A_43 = tpu.memref_squeeze %dma_start3A_42 : memref<1x1x128x64xf32, #tpu.memory_space<vmem>> -> memref<128x64xf32, #tpu.memory_space<vmem>>
    %dma_start3A_44 = arith.constant 0 : i32
    %dma_start3A_45 = tpu.memref_slice %arg6[%add3A_37, %dma_start3A_44] : memref<200x128xi32, #tpu.memory_space<vmem>> -> memref<1x128xi32, #tpu.memory_space<vmem>>
    %dma_start3A_46 = tpu.memref_squeeze %dma_start3A_45 : memref<1x128xi32, #tpu.memory_space<vmem>> -> memref<128xi32, #tpu.memory_space<vmem>>
    %dma_start3A_47 = arith.constant 0 : i32
    %dma_start3A_48 = arith.constant 0 : i32
    %dma_start3A_49 = tpu.memref_slice %arg3[%dma_start3A_47, %dma_start3A_48] : memref<100000x64xf32, #tpu.memory_space<hbm>> -> memref<100000x64xf32, #tpu.memory_space<hbm>>
    tpu.enqueue_indirect_dma source(%dma_start3A_49 : memref<100000x64xf32, #tpu.memory_space<hbm>>) target(%dma_start3A_43 : memref<128x64xf32, #tpu.memory_space<vmem>>) offsets(%dma_start3A_46 : memref<128xi32, #tpu.memory_space<vmem>>) semaphore(%arg9 : memref<!tpu.dma_semaphore, #tpu.memory_space<semaphore_mem>>)
    %add3A_50 = arith.constant 3 : i32
    %add3A_51 = arith.addi %mul3A_8, %add3A_50 : i32
    %dma_start3A_52 = arith.constant 0 : i32
    %dma_start3A_53 = arith.constant 3 : i32
    %dma_start3A_54 = arith.constant 0 : i32
    %dma_start3A_55 = arith.constant 0 : i32
    %dma_start3A_56 = tpu.memref_slice %arg7[%dma_start3A_52, %dma_start3A_53, %dma_start3A_54, %dma_start3A_55] : memref<2x4x128x64xf32, #tpu.memory_space<vmem>> -> memref<1x1x128x64xf32, #tpu.memory_space<vmem>>
    %dma_start3A_57 = tpu.memref_squeeze %dma_start3A_56 : memref<1x1x128x64xf32, #tpu.memory_space<vmem>> -> memref<128x64xf32, #tpu.memory_space<vmem>>
    %dma_start3A_58 = arith.constant 0 : i32
    %dma_start3A_59 = tpu.memref_slice %arg6[%add3A_51, %dma_start3A_58] : memref<200x128xi32, #tpu.memory_space<vmem>> -> memref<1x128xi32, #tpu.memory_space<vmem>>
    %dma_start3A_60 = tpu.memref_squeeze %dma_start3A_59 : memref<1x128xi32, #tpu.memory_space<vmem>> -> memref<128xi32, #tpu.memory_space<vmem>>
    %dma_start3A_61 = arith.constant 0 : i32
    %dma_start3A_62 = arith.constant 0 : i32
    %dma_start3A_63 = tpu.memref_slice %arg3[%dma_start3A_61, %dma_start3A_62] : memref<100000x64xf32, #tpu.memory_space<hbm>> -> memref<100000x64xf32, #tpu.memory_space<hbm>>
    tpu.enqueue_indirect_dma source(%dma_start3A_63 : memref<100000x64xf32, #tpu.memory_space<hbm>>) target(%dma_start3A_57 : memref<128x64xf32, #tpu.memory_space<vmem>>) offsets(%dma_start3A_60 : memref<128xi32, #tpu.memory_space<vmem>>) semaphore(%arg9 : memref<!tpu.dma_semaphore, #tpu.memory_space<semaphore_mem>>)
    %scan3A = arith.constant 0 : i32
    %scan3A_64 = arith.constant 25 : i32
    %scan3A_65 = arith.addi %scan3A, %scan3A_64 : i32
    %scan3A_66 = arith.constant 1 : i32
    scf.for %scan3A_68 = %scan3A to %scan3A_65 step %scan3A_66  : i32 {
      %mul3A_69 = arith.constant 2 : i32
      %mul3A_70 = arith.muli %scan3A_68, %mul3A_69 : i32
      %add3A_71 = arith.constant 0 : i32
      %add3A_72 = arith.addi %add3A_71, %mul3A_70 : i32
      %add3A_73 = arith.addi %mul3A_2, %add3A_72 : i32
      %add3A_74 = arith.constant 0 : i32
      %add3A_75 = arith.addi %add3A_73, %add3A_74 : i32
      %add3A_76 = arith.constant 1 : i32
      %add3A_77 = arith.addi %add3A_75, %add3A_76 : i32
      %lt3A = arith.cmpi slt, %add3A_77, %add3A_4 : i32
      %convert_element_type3A = arith.extui %lt3A : i1 to i32
      %cond3A = arith.constant 0 : i32
      %cond3A_78 = arith.cmpi ne, %convert_element_type3A, %cond3A : i32
      scf.if %cond3A_78 {
        %add3A_1380 = arith.constant 1 : i32
        %add3A_1381 = arith.addi %add3A_75, %add3A_1380 : i32
        %sub3A_1382 = arith.subi %add3A_1381, %mul3A_2 : i32
        %mul3A_1383 = arith.constant 4 : i32
        %mul3A_1384 = arith.muli %sub3A_1382, %mul3A_1383 : i32
        %add3A_1385 = arith.constant 0 : i32
        %add3A_1386 = arith.addi %mul3A_1384, %add3A_1385 : i32
        %dma_start3A_1387 = arith.constant 1 : i32
        %dma_start3A_1388 = arith.constant 0 : i32
        %dma_start3A_1389 = arith.constant 0 : i32
        %dma_start3A_1390 = arith.constant 0 : i32
        %dma_start3A_1391 = tpu.memref_slice %arg7[%dma_start3A_1387, %dma_start3A_1388, %dma_start3A_1389, %dma_start3A_1390] : memref<2x4x128x64xf32, #tpu.memory_space<vmem>> -> memref<1x1x128x64xf32, #tpu.memory_space<vmem>>
        %dma_start3A_1392 = tpu.memref_squeeze %dma_start3A_1391 : memref<1x1x128x64xf32, #tpu.memory_space<vmem>> -> memref<128x64xf32, #tpu.memory_space<vmem>>
        %dma_start3A_1393 = arith.constant 0 : i32
        %dma_start3A_1394 = tpu.memref_slice %arg6[%add3A_1386, %dma_start3A_1393] : memref<200x128xi32, #tpu.memory_space<vmem>> -> memref<1x128xi32, #tpu.memory_space<vmem>>
        %dma_start3A_1395 = tpu.memref_squeeze %dma_start3A_1394 : memref<1x128xi32, #tpu.memory_space<vmem>> -> memref<128xi32, #tpu.memory_space<vmem>>
        %dma_start3A_1396 = arith.constant 0 : i32
        %dma_start3A_1397 = arith.constant 0 : i32
        %dma_start3A_1398 = tpu.memref_slice %arg3[%dma_start3A_1396, %dma_start3A_1397] : memref<100000x64xf32, #tpu.memory_space<hbm>> -> memref<100000x64xf32, #tpu.memory_space<hbm>>
        tpu.enqueue_indirect_dma source(%dma_start3A_1398 : memref<100000x64xf32, #tpu.memory_space<hbm>>) target(%dma_start3A_1392 : memref<128x64xf32, #tpu.memory_space<vmem>>) offsets(%dma_start3A_1395 : memref<128xi32, #tpu.memory_space<vmem>>) semaphore(%arg10 : memref<!tpu.dma_semaphore, #tpu.memory_space<semaphore_mem>>)
        %add3A_1399 = arith.constant 1 : i32
        %add3A_1400 = arith.addi %mul3A_1384, %add3A_1399 : i32
        %dma_start3A_1401 = arith.constant 1 : i32
        %dma_start3A_1402 = arith.constant 1 : i32
        %dma_start3A_1403 = arith.constant 0 : i32
        %dma_start3A_1404 = arith.constant 0 : i32
        %dma_start3A_1405 = tpu.memref_slice %arg7[%dma_start3A_1401, %dma_start3A_1402, %dma_start3A_1403, %dma_start3A_1404] : memref<2x4x128x64xf32, #tpu.memory_space<vmem>> -> memref<1x1x128x64xf32, #tpu.memory_space<vmem>>
        %dma_start3A_1406 = tpu.memref_squeeze %dma_start3A_1405 : memref<1x1x128x64xf32, #tpu.memory_space<vmem>> -> memref<128x64xf32, #tpu.memory_space<vmem>>
        %dma_start3A_1407 = arith.constant 0 : i32
        %dma_start3A_1408 = tpu.memref_slice %arg6[%add3A_1400, %dma_start3A_1407] : memref<200x128xi32, #tpu.memory_space<vmem>> -> memref<1x128xi32, #tpu.memory_space<vmem>>
        %dma_start3A_1409 = tpu.memref_squeeze %dma_start3A_1408 : memref<1x128xi32, #tpu.memory_space<vmem>> -> memref<128xi32, #tpu.memory_space<vmem>>
        %dma_start3A_1410 = arith.constant 0 : i32
        %dma_start3A_1411 = arith.constant 0 : i32
        %dma_start3A_1412 = tpu.memref_slice %arg3[%dma_start3A_1410, %dma_start3A_1411] : memref<100000x64xf32, #tpu.memory_space<hbm>> -> memref<100000x64xf32, #tpu.memory_space<hbm>>
        tpu.enqueue_indirect_dma source(%dma_start3A_1412 : memref<100000x64xf32, #tpu.memory_space<hbm>>) target(%dma_start3A_1406 : memref<128x64xf32, #tpu.memory_space<vmem>>) offsets(%dma_start3A_1409 : memref<128xi32, #tpu.memory_space<vmem>>) semaphore(%arg10 : memref<!tpu.dma_semaphore, #tpu.memory_space<semaphore_mem>>)
        %add3A_1413 = arith.constant 2 : i32
        %add3A_1414 = arith.addi %mul3A_1384, %add3A_1413 : i32
        %dma_start3A_1415 = arith.constant 1 : i32
        %dma_start3A_1416 = arith.constant 2 : i32
        %dma_start3A_1417 = arith.constant 0 : i32
        %dma_start3A_1418 = arith.constant 0 : i32
        %dma_start3A_1419 = tpu.memref_slice %arg7[%dma_start3A_1415, %dma_start3A_1416, %dma_start3A_1417, %dma_start3A_1418] : memref<2x4x128x64xf32, #tpu.memory_space<vmem>> -> memref<1x1x128x64xf32, #tpu.memory_space<vmem>>
        %dma_start3A_1420 = tpu.memref_squeeze %dma_start3A_1419 : memref<1x1x128x64xf32, #tpu.memory_space<vmem>> -> memref<128x64xf32, #tpu.memory_space<vmem>>
        %dma_start3A_1421 = arith.constant 0 : i32
        %dma_start3A_1422 = tpu.memref_slice %arg6[%add3A_1414, %dma_start3A_1421] : memref<200x128xi32, #tpu.memory_space<vmem>> -> memref<1x128xi32, #tpu.memory_space<vmem>>
        %dma_start3A_1423 = tpu.memref_squeeze %dma_start3A_1422 : memref<1x128xi32, #tpu.memory_space<vmem>> -> memref<128xi32, #tpu.memory_space<vmem>>
        %dma_start3A_1424 = arith.constant 0 : i32
        %dma_start3A_1425 = arith.constant 0 : i32
        %dma_start3A_1426 = tpu.memref_slice %arg3[%dma_start3A_1424, %dma_start3A_1425] : memref<100000x64xf32, #tpu.memory_space<hbm>> -> memref<100000x64xf32, #tpu.memory_space<hbm>>
        tpu.enqueue_indirect_dma source(%dma_start3A_1426 : memref<100000x64xf32, #tpu.memory_space<hbm>>) target(%dma_start3A_1420 : memref<128x64xf32, #tpu.memory_space<vmem>>) offsets(%dma_start3A_1423 : memref<128xi32, #tpu.memory_space<vmem>>) semaphore(%arg10 : memref<!tpu.dma_semaphore, #tpu.memory_space<semaphore_mem>>)
        %add3A_1427 = arith.constant 3 : i32
        %add3A_1428 = arith.addi %mul3A_1384, %add3A_1427 : i32
        %dma_start3A_1429 = arith.constant 1 : i32
        %dma_start3A_1430 = arith.constant 3 : i32
        %dma_start3A_1431 = arith.constant 0 : i32
        %dma_start3A_1432 = arith.constant 0 : i32
        %dma_start3A_1433 = tpu.memref_slice %arg7[%dma_start3A_1429, %dma_start3A_1430, %dma_start3A_1431, %dma_start3A_1432] : memref<2x4x128x64xf32, #tpu.memory_space<vmem>> -> memref<1x1x128x64xf32, #tpu.memory_space<vmem>>
        %dma_start3A_1434 = tpu.memref_squeeze %dma_start3A_1433 : memref<1x1x128x64xf32, #tpu.memory_space<vmem>> -> memref<128x64xf32, #tpu.memory_space<vmem>>
        %dma_start3A_1435 = arith.constant 0 : i32
        %dma_start3A_1436 = tpu.memref_slice %arg6[%add3A_1428, %dma_start3A_1435] : memref<200x128xi32, #tpu.memory_space<vmem>> -> memref<1x128xi32, #tpu.memory_space<vmem>>
        %dma_start3A_1437 = tpu.memref_squeeze %dma_start3A_1436 : memref<1x128xi32, #tpu.memory_space<vmem>> -> memref<128xi32, #tpu.memory_space<vmem>>
        %dma_start3A_1438 = arith.constant 0 : i32
        %dma_start3A_1439 = arith.constant 0 : i32
        %dma_start3A_1440 = tpu.memref_slice %arg3[%dma_start3A_1438, %dma_start3A_1439] : memref<100000x64xf32, #tpu.memory_space<hbm>> -> memref<100000x64xf32, #tpu.memory_space<hbm>>
        tpu.enqueue_indirect_dma source(%dma_start3A_1440 : memref<100000x64xf32, #tpu.memory_space<hbm>>) target(%dma_start3A_1434 : memref<128x64xf32, #tpu.memory_space<vmem>>) offsets(%dma_start3A_1437 : memref<128xi32, #tpu.memory_space<vmem>>) semaphore(%arg10 : memref<!tpu.dma_semaphore, #tpu.memory_space<semaphore_mem>>)
      } else {
      }
      %gt3A = arith.cmpi sgt, %add3A_75, %mul3A_2 : i32
      %convert_element_type3A_79 = arith.extui %gt3A : i1 to i32
      %cond3A_80 = arith.constant 0 : i32
      %cond3A_81 = arith.cmpi ne, %convert_element_type3A_79, %cond3A_80 : i32
      scf.if %cond3A_81 {
        tpu.wait_dma2 semaphore(%arg11 : memref<!tpu.dma_semaphore, #tpu.memory_space<semaphore_mem>>) src(%arg5 : memref<256x128xf32, #tpu.memory_space<hbm>>) dst(%arg8 : memref<256x128xf32, #tpu.memory_space<vmem>>)
      } else {
      }
      %sub3A_82 = arith.subi %add3A_75, %mul3A_2 : i32
      %mul3A_83 = arith.constant 4 : i32
      %mul3A_84 = arith.muli %sub3A_82, %mul3A_83 : i32
      %add3A_85 = arith.constant 0 : i32
      %add3A_86 = arith.addi %mul3A_84, %add3A_85 : i32
      %dma_wait3A = arith.constant 0 : i32
      %dma_wait3A_87 = arith.constant 0 : i32
      %dma_wait3A_88 = arith.constant 0 : i32
      %dma_wait3A_89 = arith.constant 0 : i32
      %dma_wait3A_90 = tpu.memref_slice %arg7[%dma_wait3A, %dma_wait3A_87, %dma_wait3A_88, %dma_wait3A_89] : memref<2x4x128x64xf32, #tpu.memory_space<vmem>> -> memref<1x1x128x64xf32, #tpu.memory_space<vmem>>
      %dma_wait3A_91 = tpu.memref_squeeze %dma_wait3A_90 : memref<1x1x128x64xf32, #tpu.memory_space<vmem>> -> memref<128x64xf32, #tpu.memory_space<vmem>>
      %dma_wait3A_92 = arith.constant 0 : i32
      %dma_wait3A_93 = tpu.memref_slice %arg6[%add3A_86, %dma_wait3A_92] : memref<200x128xi32, #tpu.memory_space<vmem>> -> memref<1x128xi32, #tpu.memory_space<vmem>>
      %dma_wait3A_94 = tpu.memref_squeeze %dma_wait3A_93 : memref<1x128xi32, #tpu.memory_space<vmem>> -> memref<128xi32, #tpu.memory_space<vmem>>
      %dma_wait3A_95 = arith.constant 0 : i32
      %dma_wait3A_96 = arith.constant 0 : i32
      %dma_wait3A_97 = tpu.memref_slice %arg3[%dma_wait3A_95, %dma_wait3A_96] : memref<100000x64xf32, #tpu.memory_space<hbm>> -> memref<100000x64xf32, #tpu.memory_space<hbm>>
      tpu.wait_indirect_dma semaphore(%arg9 : memref<!tpu.dma_semaphore, #tpu.memory_space<semaphore_mem>>) src(%dma_wait3A_97 : memref<100000x64xf32, #tpu.memory_space<hbm>>) dst(%dma_wait3A_91 : memref<128x64xf32, #tpu.memory_space<vmem>>)
      %add3A_98 = arith.constant 1 : i32
      %add3A_99 = arith.addi %mul3A_84, %add3A_98 : i32
      %dma_wait3A_100 = arith.constant 0 : i32
      %dma_wait3A_101 = arith.constant 1 : i32
      %dma_wait3A_102 = arith.constant 0 : i32
      %dma_wait3A_103 = arith.constant 0 : i32
      %dma_wait3A_104 = tpu.memref_slice %arg7[%dma_wait3A_100, %dma_wait3A_101, %dma_wait3A_102, %dma_wait3A_103] : memref<2x4x128x64xf32, #tpu.memory_space<vmem>> -> memref<1x1x128x64xf32, #tpu.memory_space<vmem>>
      %dma_wait3A_105 = tpu.memref_squeeze %dma_wait3A_104 : memref<1x1x128x64xf32, #tpu.memory_space<vmem>> -> memref<128x64xf32, #tpu.memory_space<vmem>>
      %dma_wait3A_106 = arith.constant 0 : i32
      %dma_wait3A_107 = tpu.memref_slice %arg6[%add3A_99, %dma_wait3A_106] : memref<200x128xi32, #tpu.memory_space<vmem>> -> memref<1x128xi32, #tpu.memory_space<vmem>>
      %dma_wait3A_108 = tpu.memref_squeeze %dma_wait3A_107 : memref<1x128xi32, #tpu.memory_space<vmem>> -> memref<128xi32, #tpu.memory_space<vmem>>
      %dma_wait3A_109 = arith.constant 0 : i32
      %dma_wait3A_110 = arith.constant 0 : i32
      %dma_wait3A_111 = tpu.memref_slice %arg3[%dma_wait3A_109, %dma_wait3A_110] : memref<100000x64xf32, #tpu.memory_space<hbm>> -> memref<100000x64xf32, #tpu.memory_space<hbm>>
      tpu.wait_indirect_dma semaphore(%arg9 : memref<!tpu.dma_semaphore, #tpu.memory_space<semaphore_mem>>) src(%dma_wait3A_111 : memref<100000x64xf32, #tpu.memory_space<hbm>>) dst(%dma_wait3A_105 : memref<128x64xf32, #tpu.memory_space<vmem>>)
      %add3A_112 = arith.constant 2 : i32
      %add3A_113 = arith.addi %mul3A_84, %add3A_112 : i32
      %dma_wait3A_114 = arith.constant 0 : i32
      %dma_wait3A_115 = arith.constant 2 : i32
      %dma_wait3A_116 = arith.constant 0 : i32
      %dma_wait3A_117 = arith.constant 0 : i32
      %dma_wait3A_118 = tpu.memref_slice %arg7[%dma_wait3A_114, %dma_wait3A_115, %dma_wait3A_116, %dma_wait3A_117] : memref<2x4x128x64xf32, #tpu.memory_space<vmem>> -> memref<1x1x128x64xf32, #tpu.memory_space<vmem>>
      %dma_wait3A_119 = tpu.memref_squeeze %dma_wait3A_118 : memref<1x1x128x64xf32, #tpu.memory_space<vmem>> -> memref<128x64xf32, #tpu.memory_space<vmem>>
      %dma_wait3A_120 = arith.constant 0 : i32
      %dma_wait3A_121 = tpu.memref_slice %arg6[%add3A_113, %dma_wait3A_120] : memref<200x128xi32, #tpu.memory_space<vmem>> -> memref<1x128xi32, #tpu.memory_space<vmem>>
      %dma_wait3A_122 = tpu.memref_squeeze %dma_wait3A_121 : memref<1x128xi32, #tpu.memory_space<vmem>> -> memref<128xi32, #tpu.memory_space<vmem>>
      %dma_wait3A_123 = arith.constant 0 : i32
      %dma_wait3A_124 = arith.constant 0 : i32
      %dma_wait3A_125 = tpu.memref_slice %arg3[%dma_wait3A_123, %dma_wait3A_124] : memref<100000x64xf32, #tpu.memory_space<hbm>> -> memref<100000x64xf32, #tpu.memory_space<hbm>>
      tpu.wait_indirect_dma semaphore(%arg9 : memref<!tpu.dma_semaphore, #tpu.memory_space<semaphore_mem>>) src(%dma_wait3A_125 : memref<100000x64xf32, #tpu.memory_space<hbm>>) dst(%dma_wait3A_119 : memref<128x64xf32, #tpu.memory_space<vmem>>)
      %add3A_126 = arith.constant 3 : i32
      %add3A_127 = arith.addi %mul3A_84, %add3A_126 : i32
      %dma_wait3A_128 = arith.constant 0 : i32
      %dma_wait3A_129 = arith.constant 3 : i32
      %dma_wait3A_130 = arith.constant 0 : i32
      %dma_wait3A_131 = arith.constant 0 : i32
      %dma_wait3A_132 = tpu.memref_slice %arg7[%dma_wait3A_128, %dma_wait3A_129, %dma_wait3A_130, %dma_wait3A_131] : memref<2x4x128x64xf32, #tpu.memory_space<vmem>> -> memref<1x1x128x64xf32, #tpu.memory_space<vmem>>
      %dma_wait3A_133 = tpu.memref_squeeze %dma_wait3A_132 : memref<1x1x128x64xf32, #tpu.memory_space<vmem>> -> memref<128x64xf32, #tpu.memory_space<vmem>>
      %dma_wait3A_134 = arith.constant 0 : i32
      %dma_wait3A_135 = tpu.memref_slice %arg6[%add3A_127, %dma_wait3A_134] : memref<200x128xi32, #tpu.memory_space<vmem>> -> memref<1x128xi32, #tpu.memory_space<vmem>>
      %dma_wait3A_136 = tpu.memref_squeeze %dma_wait3A_135 : memref<1x128xi32, #tpu.memory_space<vmem>> -> memref<128xi32, #tpu.memory_space<vmem>>
      %dma_wait3A_137 = arith.constant 0 : i32
      %dma_wait3A_138 = arith.constant 0 : i32
      %dma_wait3A_139 = tpu.memref_slice %arg3[%dma_wait3A_137, %dma_wait3A_138] : memref<100000x64xf32, #tpu.memory_space<hbm>> -> memref<100000x64xf32, #tpu.memory_space<hbm>>
      tpu.wait_indirect_dma semaphore(%arg9 : memref<!tpu.dma_semaphore, #tpu.memory_space<semaphore_mem>>) src(%dma_wait3A_139 : memref<100000x64xf32, #tpu.memory_space<hbm>>) dst(%dma_wait3A_133 : memref<128x64xf32, #tpu.memory_space<vmem>>)
      %jit3A = arith.constant 32 : i32
      %div3A = arith.divsi %add3A_75, %jit3A : i32
      %sign3A = arith.constant 0 : i32
      %sign3A_140 = arith.cmpi sgt, %add3A_75, %sign3A : i32
      %sign3A_141 = arith.extui %sign3A_140 : i1 to i32
      %sign3A_142 = arith.constant 0 : i32
      %sign3A_143 = arith.cmpi slt, %add3A_75, %sign3A_142 : i32
      %sign3A_144 = arith.extui %sign3A_143 : i1 to i32
      %sign3A_145 = arith.subi %sign3A_141, %sign3A_144 : i32
      %sign3A_146 = arith.constant 0 : i32
      %sign3A_147 = arith.cmpi sgt, %jit3A, %sign3A_146 : i32
      %sign3A_148 = arith.extui %sign3A_147 : i1 to i32
      %sign3A_149 = arith.constant 0 : i32
      %sign3A_150 = arith.cmpi slt, %jit3A, %sign3A_149 : i32
      %sign3A_151 = arith.extui %sign3A_150 : i1 to i32
      %sign3A_152 = arith.subi %sign3A_148, %sign3A_151 : i32
      %ne3A = arith.cmpi ne, %sign3A_145, %sign3A_152 : i32
      %rem3A = arith.remsi %add3A_75, %jit3A : i32
      %ne3A_153 = arith.constant 0 : i32
      %ne3A_154 = arith.cmpi ne, %rem3A, %ne3A_153 : i32
      %and3A = arith.andi %ne3A, %ne3A_154 : i1
      %sub3A_155 = arith.constant 1 : i32
      %sub3A_156 = arith.subi %div3A, %sub3A_155 : i32
      %select_n3A = arith.select %and3A, %sub3A_156, %div3A : i32
      %jit3A_157 = arith.constant 32 : i32
      %eq3A = arith.constant 0 : i32
      %eq3A_158 = arith.cmpi eq, %jit3A_157, %eq3A : i32
      %jit3A_159 = arith.constant 1 : i32
      %select_n3A_160 = arith.select %eq3A_158, %jit3A_159, %jit3A_157 : i32
      %rem3A_161 = arith.remsi %add3A_75, %select_n3A_160 : i32
      %ne3A_162 = arith.constant 0 : i32
      %ne3A_163 = arith.cmpi ne, %rem3A_161, %ne3A_162 : i32
      %lt3A_164 = arith.constant 0 : i32
      %lt3A_165 = arith.cmpi slt, %rem3A_161, %lt3A_164 : i32
      %lt3A_166 = arith.constant 0 : i32
      %lt3A_167 = arith.cmpi slt, %select_n3A_160, %lt3A_166 : i32
      %ne3A_168 = arith.xori %lt3A_165, %lt3A_167 : i1
      %and3A_169 = arith.andi %ne3A_168, %ne3A_163 : i1
      %add3A_170 = arith.addi %rem3A_161, %select_n3A_160 : i32
      %select_n3A_171 = arith.select %and3A_169, %add3A_170, %rem3A_161 : i32
      %mul3A_172 = arith.constant 4 : i32
      %mul3A_173 = arith.muli %select_n3A_171, %mul3A_172 : i32
      %parallel_loop3A = arith.constant 0 : i32
      %parallel_loop3A_174 = arith.constant 128 : i32
      %parallel_loop3A_175 = arith.constant 1 : i32
      scf.for %parallel_loop3A_1380 = %parallel_loop3A to %parallel_loop3A_174 step %parallel_loop3A_175  : i32 {
        %parallel_loop3A_1381 = arith.constant 4 : i32
        %parallel_loop3A_1382 = arith.shrsi %parallel_loop3A_1380, %parallel_loop3A_1381 : i32
        %parallel_loop3A_1383 = arith.constant 16 : i32
        %parallel_loop3A_1384 = arith.muli %parallel_loop3A_1382, %parallel_loop3A_1383 : i32
        %parallel_loop3A_1385 = vector.broadcast %parallel_loop3A_1384 : i32 to vector<16xi32>
        %parallel_loop3A_1386 = arith.addi %parallel_loop3A_1385, %iota3A : vector<16xi32>
        %parallel_loop3A_1387 = arith.constant 15 : i32
        %parallel_loop3A_1388 = arith.andi %parallel_loop3A_1380, %parallel_loop3A_1387 : i32
        %parallel_loop3A_1389 = vector.broadcast %parallel_loop3A_1388 : i32 to vector<16xi32>
        %parallel_loop3A_1390 = arith.addi %iota3A, %parallel_loop3A_1389 : vector<16xi32>
        %parallel_loop3A_1391 = arith.constant 15 : i32
        %parallel_loop3A_1392 = vector.broadcast %parallel_loop3A_1391 : i32 to vector<16xi32>
        %parallel_loop3A_1393 = arith.andi %parallel_loop3A_1390, %parallel_loop3A_1392 : vector<16xi32>
        %parallel_loop3A_1394 = arith.constant 0 : i32
        %parallel_loop3A_1395 = vector.broadcast %parallel_loop3A_1394 : i32 to vector<16xi32>
        %parallel_loop3A_1396 = arith.addi %parallel_loop3A_1395, %parallel_loop3A_1393 : vector<16xi32>
        %parallel_loop3A_1397 = arith.constant 0 : i32
        %parallel_loop3A_1398 = arith.constant 0 : i32
        %parallel_loop3A_1399 = arith.constant 0 : i32
        %parallel_loop3A_1400 = arith.constant 0 : i32
        %parallel_loop3A_1401 = tpu.memref_slice %arg7[%parallel_loop3A_1397, %parallel_loop3A_1398, %parallel_loop3A_1399, %parallel_loop3A_1400] : memref<2x4x128x64xf32, #tpu.memory_space<vmem>> -> memref<1x1x128x64xf32, #tpu.memory_space<vmem>>
        %parallel_loop3A_1402 = tpu.memref_squeeze %parallel_loop3A_1401 : memref<1x1x128x64xf32, #tpu.memory_space<vmem>> -> memref<128x64xf32, #tpu.memory_space<vmem>>
        %parallel_loop3A_1403 = tpu.vector_load_idx %parallel_loop3A_1402[%parallel_loop3A_1386, %parallel_loop3A_1396] : memref<128x64xf32, #tpu.memory_space<vmem>>[vector<16xi32>, vector<16xi32>], vector<16xf32>,
        %parallel_loop3A_1404 = arith.constant 0 : i32
        %parallel_loop3A_1405 = arith.constant 0 : i32
        %parallel_loop3A_1406 = tpu.memref_slice %arg8[%parallel_loop3A_1404, %parallel_loop3A_1405] : memref<256x128xf32, #tpu.memory_space<vmem>> -> memref<16x128xf32, #tpu.memory_space<vmem>>
        tpu.vector_store_idx %parallel_loop3A_1406[%parallel_loop3A_1393, %parallel_loop3A_1386], %parallel_loop3A_1403 : memref<16x128xf32, #tpu.memory_space<vmem>>[vector<16xi32>, vector<16xi32>], vector<16xf32>,
        %parallel_loop3A_1407 = arith.constant 16 : i32
        %parallel_loop3A_1408 = vector.broadcast %parallel_loop3A_1407 : i32 to vector<16xi32>
        %parallel_loop3A_1409 = arith.addi %parallel_loop3A_1408, %parallel_loop3A_1393 : vector<16xi32>
        %parallel_loop3A_1410 = arith.constant 0 : i32
        %parallel_loop3A_1411 = arith.constant 0 : i32
        %parallel_loop3A_1412 = arith.constant 0 : i32
        %parallel_loop3A_1413 = arith.constant 0 : i32
        %parallel_loop3A_1414 = tpu.memref_slice %arg7[%parallel_loop3A_1410, %parallel_loop3A_1411, %parallel_loop3A_1412, %parallel_loop3A_1413] : memref<2x4x128x64xf32, #tpu.memory_space<vmem>> -> memref<1x1x128x64xf32, #tpu.memory_space<vmem>>
        %parallel_loop3A_1415 = tpu.memref_squeeze %parallel_loop3A_1414 : memref<1x1x128x64xf32, #tpu.memory_space<vmem>> -> memref<128x64xf32, #tpu.memory_space<vmem>>
        %parallel_loop3A_1416 = tpu.vector_load_idx %parallel_loop3A_1415[%parallel_loop3A_1386, %parallel_loop3A_1409] : memref<128x64xf32, #tpu.memory_space<vmem>>[vector<16xi32>, vector<16xi32>], vector<16xf32>,
        %parallel_loop3A_1417 = arith.constant 16 : i32
        %parallel_loop3A_1418 = arith.constant 0 : i32
        %parallel_loop3A_1419 = tpu.memref_slice %arg8[%parallel_loop3A_1417, %parallel_loop3A_1418] : memref<256x128xf32, #tpu.memory_space<vmem>> -> memref<16x128xf32, #tpu.memory_space<vmem>>
        tpu.vector_store_idx %parallel_loop3A_1419[%parallel_loop3A_1393, %parallel_loop3A_1386], %parallel_loop3A_1416 : memref<16x128xf32, #tpu.memory_space<vmem>>[vector<16xi32>, vector<16xi32>], vector<16xf32>,
        %parallel_loop3A_1420 = arith.constant 32 : i32
        %parallel_loop3A_1421 = vector.broadcast %parallel_loop3A_1420 : i32 to vector<16xi32>
        %parallel_loop3A_1422 = arith.addi %parallel_loop3A_1421, %parallel_loop3A_1393 : vector<16xi32>
        %parallel_loop3A_1423 = arith.constant 0 : i32
        %parallel_loop3A_1424 = arith.constant 0 : i32
        %parallel_loop3A_1425 = arith.constant 0 : i32
        %parallel_loop3A_1426 = arith.constant 0 : i32
        %parallel_loop3A_1427 = tpu.memref_slice %arg7[%parallel_loop3A_1423, %parallel_loop3A_1424, %parallel_loop3A_1425, %parallel_loop3A_1426] : memref<2x4x128x64xf32, #tpu.memory_space<vmem>> -> memref<1x1x128x64xf32, #tpu.memory_space<vmem>>
        %parallel_loop3A_1428 = tpu.memref_squeeze %parallel_loop3A_1427 : memref<1x1x128x64xf32, #tpu.memory_space<vmem>> -> memref<128x64xf32, #tpu.memory_space<vmem>>
        %parallel_loop3A_1429 = tpu.vector_load_idx %parallel_loop3A_1428[%parallel_loop3A_1386, %parallel_loop3A_1422] : memref<128x64xf32, #tpu.memory_space<vmem>>[vector<16xi32>, vector<16xi32>], vector<16xf32>,
        %parallel_loop3A_1430 = arith.constant 32 : i32
        %parallel_loop3A_1431 = arith.constant 0 : i32
        %parallel_loop3A_1432 = tpu.memref_slice %arg8[%parallel_loop3A_1430, %parallel_loop3A_1431] : memref<256x128xf32, #tpu.memory_space<vmem>> -> memref<16x128xf32, #tpu.memory_space<vmem>>
        tpu.vector_store_idx %parallel_loop3A_1432[%parallel_loop3A_1393, %parallel_loop3A_1386], %parallel_loop3A_1429 : memref<16x128xf32, #tpu.memory_space<vmem>>[vector<16xi32>, vector<16xi32>], vector<16xf32>,
        %parallel_loop3A_1433 = arith.constant 48 : i32
        %parallel_loop3A_1434 = vector.broadcast %parallel_loop3A_1433 : i32 to vector<16xi32>
        %parallel_loop3A_1435 = arith.addi %parallel_loop3A_1434, %parallel_loop3A_1393 : vector<16xi32>
        %parallel_loop3A_1436 = arith.constant 0 : i32
        %parallel_loop3A_1437 = arith.constant 0 : i32
        %parallel_loop3A_1438 = arith.constant 0 : i32
        %parallel_loop3A_1439 = arith.constant 0 : i32
        %parallel_loop3A_1440 = tpu.memref_slice %arg7[%parallel_loop3A_1436, %parallel_loop3A_1437, %parallel_loop3A_1438, %parallel_loop3A_1439] : memref<2x4x128x64xf32, #tpu.memory_space<vmem>> -> memref<1x1x128x64xf32, #tpu.memory_space<vmem>>
        %parallel_loop3A_1441 = tpu.memref_squeeze %parallel_loop3A_1440 : memref<1x1x128x64xf32, #tpu.memory_space<vmem>> -> memref<128x64xf32, #tpu.memory_space<vmem>>
        %parallel_loop3A_1442 = tpu.vector_load_idx %parallel_loop3A_1441[%parallel_loop3A_1386, %parallel_loop3A_1435] : memref<128x64xf32, #tpu.memory_space<vmem>>[vector<16xi32>, vector<16xi32>], vector<16xf32>,
        %parallel_loop3A_1443 = arith.constant 48 : i32
        %parallel_loop3A_1444 = arith.constant 0 : i32
        %parallel_loop3A_1445 = tpu.memref_slice %arg8[%parallel_loop3A_1443, %parallel_loop3A_1444] : memref<256x128xf32, #tpu.memory_space<vmem>> -> memref<16x128xf32, #tpu.memory_space<vmem>>
        tpu.vector_store_idx %parallel_loop3A_1445[%parallel_loop3A_1393, %parallel_loop3A_1386], %parallel_loop3A_1442 : memref<16x128xf32, #tpu.memory_space<vmem>>[vector<16xi32>, vector<16xi32>], vector<16xf32>,
        %parallel_loop3A_1446 = arith.constant 0 : i32
        %parallel_loop3A_1447 = vector.broadcast %parallel_loop3A_1446 : i32 to vector<16xi32>
        %parallel_loop3A_1448 = arith.addi %parallel_loop3A_1447, %parallel_loop3A_1393 : vector<16xi32>
        %parallel_loop3A_1449 = arith.constant 0 : i32
        %parallel_loop3A_1450 = arith.constant 1 : i32
        %parallel_loop3A_1451 = arith.constant 0 : i32
        %parallel_loop3A_1452 = arith.constant 0 : i32
        %parallel_loop3A_1453 = tpu.memref_slice %arg7[%parallel_loop3A_1449, %parallel_loop3A_1450, %parallel_loop3A_1451, %parallel_loop3A_1452] : memref<2x4x128x64xf32, #tpu.memory_space<vmem>> -> memref<1x1x128x64xf32, #tpu.memory_space<vmem>>
        %parallel_loop3A_1454 = tpu.memref_squeeze %parallel_loop3A_1453 : memref<1x1x128x64xf32, #tpu.memory_space<vmem>> -> memref<128x64xf32, #tpu.memory_space<vmem>>
        %parallel_loop3A_1455 = tpu.vector_load_idx %parallel_loop3A_1454[%parallel_loop3A_1386, %parallel_loop3A_1448] : memref<128x64xf32, #tpu.memory_space<vmem>>[vector<16xi32>, vector<16xi32>], vector<16xf32>,
        %parallel_loop3A_1456 = arith.constant 64 : i32
        %parallel_loop3A_1457 = arith.constant 0 : i32
        %parallel_loop3A_1458 = tpu.memref_slice %arg8[%parallel_loop3A_1456, %parallel_loop3A_1457] : memref<256x128xf32, #tpu.memory_space<vmem>> -> memref<16x128xf32, #tpu.memory_space<vmem>>
        tpu.vector_store_idx %parallel_loop3A_1458[%parallel_loop3A_1393, %parallel_loop3A_1386], %parallel_loop3A_1455 : memref<16x128xf32, #tpu.memory_space<vmem>>[vector<16xi32>, vector<16xi32>], vector<16xf32>,
        %parallel_loop3A_1459 = arith.constant 16 : i32
        %parallel_loop3A_1460 = vector.broadcast %parallel_loop3A_1459 : i32 to vector<16xi32>
        %parallel_loop3A_1461 = arith.addi %parallel_loop3A_1460, %parallel_loop3A_1393 : vector<16xi32>
        %parallel_loop3A_1462 = arith.constant 0 : i32
        %parallel_loop3A_1463 = arith.constant 1 : i32
        %parallel_loop3A_1464 = arith.constant 0 : i32
        %parallel_loop3A_1465 = arith.constant 0 : i32
        %parallel_loop3A_1466 = tpu.memref_slice %arg7[%parallel_loop3A_1462, %parallel_loop3A_1463, %parallel_loop3A_1464, %parallel_loop3A_1465] : memref<2x4x128x64xf32, #tpu.memory_space<vmem>> -> memref<1x1x128x64xf32, #tpu.memory_space<vmem>>
        %parallel_loop3A_1467 = tpu.memref_squeeze %parallel_loop3A_1466 : memref<1x1x128x64xf32, #tpu.memory_space<vmem>> -> memref<128x64xf32, #tpu.memory_space<vmem>>
        %parallel_loop3A_1468 = tpu.vector_load_idx %parallel_loop3A_1467[%parallel_loop3A_1386, %parallel_loop3A_1461] : memref<128x64xf32, #tpu.memory_space<vmem>>[vector<16xi32>, vector<16xi32>], vector<16xf32>,
        %parallel_loop3A_1469 = arith.constant 80 : i32
        %parallel_loop3A_1470 = arith.constant 0 : i32
        %parallel_loop3A_1471 = tpu.memref_slice %arg8[%parallel_loop3A_1469, %parallel_loop3A_1470] : memref<256x128xf32, #tpu.memory_space<vmem>> -> memref<16x128xf32, #tpu.memory_space<vmem>>
        tpu.vector_store_idx %parallel_loop3A_1471[%parallel_loop3A_1393, %parallel_loop3A_1386], %parallel_loop3A_1468 : memref<16x128xf32, #tpu.memory_space<vmem>>[vector<16xi32>, vector<16xi32>], vector<16xf32>,
        %parallel_loop3A_1472 = arith.constant 32 : i32
        %parallel_loop3A_1473 = vector.broadcast %parallel_loop3A_1472 : i32 to vector<16xi32>
        %parallel_loop3A_1474 = arith.addi %parallel_loop3A_1473, %parallel_loop3A_1393 : vector<16xi32>
        %parallel_loop3A_1475 = arith.constant 0 : i32
        %parallel_loop3A_1476 = arith.constant 1 : i32
        %parallel_loop3A_1477 = arith.constant 0 : i32
        %parallel_loop3A_1478 = arith.constant 0 : i32
        %parallel_loop3A_1479 = tpu.memref_slice %arg7[%parallel_loop3A_1475, %parallel_loop3A_1476, %parallel_loop3A_1477, %parallel_loop3A_1478] : memref<2x4x128x64xf32, #tpu.memory_space<vmem>> -> memref<1x1x128x64xf32, #tpu.memory_space<vmem>>
        %parallel_loop3A_1480 = tpu.memref_squeeze %parallel_loop3A_1479 : memref<1x1x128x64xf32, #tpu.memory_space<vmem>> -> memref<128x64xf32, #tpu.memory_space<vmem>>
        %parallel_loop3A_1481 = tpu.vector_load_idx %parallel_loop3A_1480[%parallel_loop3A_1386, %parallel_loop3A_1474] : memref<128x64xf32, #tpu.memory_space<vmem>>[vector<16xi32>, vector<16xi32>], vector<16xf32>,
        %parallel_loop3A_1482 = arith.constant 96 : i32
        %parallel_loop3A_1483 = arith.constant 0 : i32
        %parallel_loop3A_1484 = tpu.memref_slice %arg8[%parallel_loop3A_1482, %parallel_loop3A_1483] : memref<256x128xf32, #tpu.memory_space<vmem>> -> memref<16x128xf32, #tpu.memory_space<vmem>>
        tpu.vector_store_idx %parallel_loop3A_1484[%parallel_loop3A_1393, %parallel_loop3A_1386], %parallel_loop3A_1481 : memref<16x128xf32, #tpu.memory_space<vmem>>[vector<16xi32>, vector<16xi32>], vector<16xf32>,
        %parallel_loop3A_1485 = arith.constant 48 : i32
        %parallel_loop3A_1486 = vector.broadcast %parallel_loop3A_1485 : i32 to vector<16xi32>
        %parallel_loop3A_1487 = arith.addi %parallel_loop3A_1486, %parallel_loop3A_1393 : vector<16xi32>
        %parallel_loop3A_1488 = arith.constant 0 : i32
        %parallel_loop3A_1489 = arith.constant 1 : i32
        %parallel_loop3A_1490 = arith.constant 0 : i32
        %parallel_loop3A_1491 = arith.constant 0 : i32
        %parallel_loop3A_1492 = tpu.memref_slice %arg7[%parallel_loop3A_1488, %parallel_loop3A_1489, %parallel_loop3A_1490, %parallel_loop3A_1491] : memref<2x4x128x64xf32, #tpu.memory_space<vmem>> -> memref<1x1x128x64xf32, #tpu.memory_space<vmem>>
        %parallel_loop3A_1493 = tpu.memref_squeeze %parallel_loop3A_1492 : memref<1x1x128x64xf32, #tpu.memory_space<vmem>> -> memref<128x64xf32, #tpu.memory_space<vmem>>
        %parallel_loop3A_1494 = tpu.vector_load_idx %parallel_loop3A_1493[%parallel_loop3A_1386, %parallel_loop3A_1487] : memref<128x64xf32, #tpu.memory_space<vmem>>[vector<16xi32>, vector<16xi32>], vector<16xf32>,
        %parallel_loop3A_1495 = arith.constant 112 : i32
        %parallel_loop3A_1496 = arith.constant 0 : i32
        %parallel_loop3A_1497 = tpu.memref_slice %arg8[%parallel_loop3A_1495, %parallel_loop3A_1496] : memref<256x128xf32, #tpu.memory_space<vmem>> -> memref<16x128xf32, #tpu.memory_space<vmem>>
        tpu.vector_store_idx %parallel_loop3A_1497[%parallel_loop3A_1393, %parallel_loop3A_1386], %parallel_loop3A_1494 : memref<16x128xf32, #tpu.memory_space<vmem>>[vector<16xi32>, vector<16xi32>], vector<16xf32>,
        %parallel_loop3A_1498 = arith.constant 0 : i32
        %parallel_loop3A_1499 = vector.broadcast %parallel_loop3A_1498 : i32 to vector<16xi32>
        %parallel_loop3A_1500 = arith.addi %parallel_loop3A_1499, %parallel_loop3A_1393 : vector<16xi32>
        %parallel_loop3A_1501 = arith.constant 0 : i32
        %parallel_loop3A_1502 = arith.constant 2 : i32
        %parallel_loop3A_1503 = arith.constant 0 : i32
        %parallel_loop3A_1504 = arith.constant 0 : i32
        %parallel_loop3A_1505 = tpu.memref_slice %arg7[%parallel_loop3A_1501, %parallel_loop3A_1502, %parallel_loop3A_1503, %parallel_loop3A_1504] : memref<2x4x128x64xf32, #tpu.memory_space<vmem>> -> memref<1x1x128x64xf32, #tpu.memory_space<vmem>>
        %parallel_loop3A_1506 = tpu.memref_squeeze %parallel_loop3A_1505 : memref<1x1x128x64xf32, #tpu.memory_space<vmem>> -> memref<128x64xf32, #tpu.memory_space<vmem>>
        %parallel_loop3A_1507 = tpu.vector_load_idx %parallel_loop3A_1506[%parallel_loop3A_1386, %parallel_loop3A_1500] : memref<128x64xf32, #tpu.memory_space<vmem>>[vector<16xi32>, vector<16xi32>], vector<16xf32>,
        %parallel_loop3A_1508 = arith.constant 128 : i32
        %parallel_loop3A_1509 = arith.constant 0 : i32
        %parallel_loop3A_1510 = tpu.memref_slice %arg8[%parallel_loop3A_1508, %parallel_loop3A_1509] : memref<256x128xf32, #tpu.memory_space<vmem>> -> memref<16x128xf32, #tpu.memory_space<vmem>>
        tpu.vector_store_idx %parallel_loop3A_1510[%parallel_loop3A_1393, %parallel_loop3A_1386], %parallel_loop3A_1507 : memref<16x128xf32, #tpu.memory_space<vmem>>[vector<16xi32>, vector<16xi32>], vector<16xf32>,
        %parallel_loop3A_1511 = arith.constant 16 : i32
        %parallel_loop3A_1512 = vector.broadcast %parallel_loop3A_1511 : i32 to vector<16xi32>
        %parallel_loop3A_1513 = arith.addi %parallel_loop3A_1512, %parallel_loop3A_1393 : vector<16xi32>
        %parallel_loop3A_1514 = arith.constant 0 : i32
        %parallel_loop3A_1515 = arith.constant 2 : i32
        %parallel_loop3A_1516 = arith.constant 0 : i32
        %parallel_loop3A_1517 = arith.constant 0 : i32
        %parallel_loop3A_1518 = tpu.memref_slice %arg7[%parallel_loop3A_1514, %parallel_loop3A_1515, %parallel_loop3A_1516, %parallel_loop3A_1517] : memref<2x4x128x64xf32, #tpu.memory_space<vmem>> -> memref<1x1x128x64xf32, #tpu.memory_space<vmem>>
        %parallel_loop3A_1519 = tpu.memref_squeeze %parallel_loop3A_1518 : memref<1x1x128x64xf32, #tpu.memory_space<vmem>> -> memref<128x64xf32, #tpu.memory_space<vmem>>
        %parallel_loop3A_1520 = tpu.vector_load_idx %parallel_loop3A_1519[%parallel_loop3A_1386, %parallel_loop3A_1513] : memref<128x64xf32, #tpu.memory_space<vmem>>[vector<16xi32>, vector<16xi32>], vector<16xf32>,
        %parallel_loop3A_1521 = arith.constant 144 : i32
        %parallel_loop3A_1522 = arith.constant 0 : i32
        %parallel_loop3A_1523 = tpu.memref_slice %arg8[%parallel_loop3A_1521, %parallel_loop3A_1522] : memref<256x128xf32, #tpu.memory_space<vmem>> -> memref<16x128xf32, #tpu.memory_space<vmem>>
        tpu.vector_store_idx %parallel_loop3A_1523[%parallel_loop3A_1393, %parallel_loop3A_1386], %parallel_loop3A_1520 : memref<16x128xf32, #tpu.memory_space<vmem>>[vector<16xi32>, vector<16xi32>], vector<16xf32>,
        %parallel_loop3A_1524 = arith.constant 32 : i32
        %parallel_loop3A_1525 = vector.broadcast %parallel_loop3A_1524 : i32 to vector<16xi32>
        %parallel_loop3A_1526 = arith.addi %parallel_loop3A_1525, %parallel_loop3A_1393 : vector<16xi32>
        %parallel_loop3A_1527 = arith.constant 0 : i32
        %parallel_loop3A_1528 = arith.constant 2 : i32
        %parallel_loop3A_1529 = arith.constant 0 : i32
        %parallel_loop3A_1530 = arith.constant 0 : i32
        %parallel_loop3A_1531 = tpu.memref_slice %arg7[%parallel_loop3A_1527, %parallel_loop3A_1528, %parallel_loop3A_1529, %parallel_loop3A_1530] : memref<2x4x128x64xf32, #tpu.memory_space<vmem>> -> memref<1x1x128x64xf32, #tpu.memory_space<vmem>>
        %parallel_loop3A_1532 = tpu.memref_squeeze %parallel_loop3A_1531 : memref<1x1x128x64xf32, #tpu.memory_space<vmem>> -> memref<128x64xf32, #tpu.memory_space<vmem>>
        %parallel_loop3A_1533 = tpu.vector_load_idx %parallel_loop3A_1532[%parallel_loop3A_1386, %parallel_loop3A_1526] : memref<128x64xf32, #tpu.memory_space<vmem>>[vector<16xi32>, vector<16xi32>], vector<16xf32>,
        %parallel_loop3A_1534 = arith.constant 160 : i32
        %parallel_loop3A_1535 = arith.constant 0 : i32
        %parallel_loop3A_1536 = tpu.memref_slice %arg8[%parallel_loop3A_1534, %parallel_loop3A_1535] : memref<256x128xf32, #tpu.memory_space<vmem>> -> memref<16x128xf32, #tpu.memory_space<vmem>>
        tpu.vector_store_idx %parallel_loop3A_1536[%parallel_loop3A_1393, %parallel_loop3A_1386], %parallel_loop3A_1533 : memref<16x128xf32, #tpu.memory_space<vmem>>[vector<16xi32>, vector<16xi32>], vector<16xf32>,
        %parallel_loop3A_1537 = arith.constant 48 : i32
        %parallel_loop3A_1538 = vector.broadcast %parallel_loop3A_1537 : i32 to vector<16xi32>
        %parallel_loop3A_1539 = arith.addi %parallel_loop3A_1538, %parallel_loop3A_1393 : vector<16xi32>
        %parallel_loop3A_1540 = arith.constant 0 : i32
        %parallel_loop3A_1541 = arith.constant 2 : i32
        %parallel_loop3A_1542 = arith.constant 0 : i32
        %parallel_loop3A_1543 = arith.constant 0 : i32
        %parallel_loop3A_1544 = tpu.memref_slice %arg7[%parallel_loop3A_1540, %parallel_loop3A_1541, %parallel_loop3A_1542, %parallel_loop3A_1543] : memref<2x4x128x64xf32, #tpu.memory_space<vmem>> -> memref<1x1x128x64xf32, #tpu.memory_space<vmem>>
        %parallel_loop3A_1545 = tpu.memref_squeeze %parallel_loop3A_1544 : memref<1x1x128x64xf32, #tpu.memory_space<vmem>> -> memref<128x64xf32, #tpu.memory_space<vmem>>
        %parallel_loop3A_1546 = tpu.vector_load_idx %parallel_loop3A_1545[%parallel_loop3A_1386, %parallel_loop3A_1539] : memref<128x64xf32, #tpu.memory_space<vmem>>[vector<16xi32>, vector<16xi32>], vector<16xf32>,
        %parallel_loop3A_1547 = arith.constant 176 : i32
        %parallel_loop3A_1548 = arith.constant 0 : i32
        %parallel_loop3A_1549 = tpu.memref_slice %arg8[%parallel_loop3A_1547, %parallel_loop3A_1548] : memref<256x128xf32, #tpu.memory_space<vmem>> -> memref<16x128xf32, #tpu.memory_space<vmem>>
        tpu.vector_store_idx %parallel_loop3A_1549[%parallel_loop3A_1393, %parallel_loop3A_1386], %parallel_loop3A_1546 : memref<16x128xf32, #tpu.memory_space<vmem>>[vector<16xi32>, vector<16xi32>], vector<16xf32>,
        %parallel_loop3A_1550 = arith.constant 0 : i32
        %parallel_loop3A_1551 = vector.broadcast %parallel_loop3A_1550 : i32 to vector<16xi32>
        %parallel_loop3A_1552 = arith.addi %parallel_loop3A_1551, %parallel_loop3A_1393 : vector<16xi32>
        %parallel_loop3A_1553 = arith.constant 0 : i32
        %parallel_loop3A_1554 = arith.constant 3 : i32
        %parallel_loop3A_1555 = arith.constant 0 : i32
        %parallel_loop3A_1556 = arith.constant 0 : i32
        %parallel_loop3A_1557 = tpu.memref_slice %arg7[%parallel_loop3A_1553, %parallel_loop3A_1554, %parallel_loop3A_1555, %parallel_loop3A_1556] : memref<2x4x128x64xf32, #tpu.memory_space<vmem>> -> memref<1x1x128x64xf32, #tpu.memory_space<vmem>>
        %parallel_loop3A_1558 = tpu.memref_squeeze %parallel_loop3A_1557 : memref<1x1x128x64xf32, #tpu.memory_space<vmem>> -> memref<128x64xf32, #tpu.memory_space<vmem>>
        %parallel_loop3A_1559 = tpu.vector_load_idx %parallel_loop3A_1558[%parallel_loop3A_1386, %parallel_loop3A_1552] : memref<128x64xf32, #tpu.memory_space<vmem>>[vector<16xi32>, vector<16xi32>], vector<16xf32>,
        %parallel_loop3A_1560 = arith.constant 192 : i32
        %parallel_loop3A_1561 = arith.constant 0 : i32
        %parallel_loop3A_1562 = tpu.memref_slice %arg8[%parallel_loop3A_1560, %parallel_loop3A_1561] : memref<256x128xf32, #tpu.memory_space<vmem>> -> memref<16x128xf32, #tpu.memory_space<vmem>>
        tpu.vector_store_idx %parallel_loop3A_1562[%parallel_loop3A_1393, %parallel_loop3A_1386], %parallel_loop3A_1559 : memref<16x128xf32, #tpu.memory_space<vmem>>[vector<16xi32>, vector<16xi32>], vector<16xf32>,
        %parallel_loop3A_1563 = arith.constant 16 : i32
        %parallel_loop3A_1564 = vector.broadcast %parallel_loop3A_1563 : i32 to vector<16xi32>
        %parallel_loop3A_1565 = arith.addi %parallel_loop3A_1564, %parallel_loop3A_1393 : vector<16xi32>
        %parallel_loop3A_1566 = arith.constant 0 : i32
        %parallel_loop3A_1567 = arith.constant 3 : i32
        %parallel_loop3A_1568 = arith.constant 0 : i32
        %parallel_loop3A_1569 = arith.constant 0 : i32
        %parallel_loop3A_1570 = tpu.memref_slice %arg7[%parallel_loop3A_1566, %parallel_loop3A_1567, %parallel_loop3A_1568, %parallel_loop3A_1569] : memref<2x4x128x64xf32, #tpu.memory_space<vmem>> -> memref<1x1x128x64xf32, #tpu.memory_space<vmem>>
        %parallel_loop3A_1571 = tpu.memref_squeeze %parallel_loop3A_1570 : memref<1x1x128x64xf32, #tpu.memory_space<vmem>> -> memref<128x64xf32, #tpu.memory_space<vmem>>
        %parallel_loop3A_1572 = tpu.vector_load_idx %parallel_loop3A_1571[%parallel_loop3A_1386, %parallel_loop3A_1565] : memref<128x64xf32, #tpu.memory_space<vmem>>[vector<16xi32>, vector<16xi32>], vector<16xf32>,
        %parallel_loop3A_1573 = arith.constant 208 : i32
        %parallel_loop3A_1574 = arith.constant 0 : i32
        %parallel_loop3A_1575 = tpu.memref_slice %arg8[%parallel_loop3A_1573, %parallel_loop3A_1574] : memref<256x128xf32, #tpu.memory_space<vmem>> -> memref<16x128xf32, #tpu.memory_space<vmem>>
        tpu.vector_store_idx %parallel_loop3A_1575[%parallel_loop3A_1393, %parallel_loop3A_1386], %parallel_loop3A_1572 : memref<16x128xf32, #tpu.memory_space<vmem>>[vector<16xi32>, vector<16xi32>], vector<16xf32>,
        %parallel_loop3A_1576 = arith.constant 32 : i32
        %parallel_loop3A_1577 = vector.broadcast %parallel_loop3A_1576 : i32 to vector<16xi32>
        %parallel_loop3A_1578 = arith.addi %parallel_loop3A_1577, %parallel_loop3A_1393 : vector<16xi32>
        %parallel_loop3A_1579 = arith.constant 0 : i32
        %parallel_loop3A_1580 = arith.constant 3 : i32
        %parallel_loop3A_1581 = arith.constant 0 : i32
        %parallel_loop3A_1582 = arith.constant 0 : i32
        %parallel_loop3A_1583 = tpu.memref_slice %arg7[%parallel_loop3A_1579, %parallel_loop3A_1580, %parallel_loop3A_1581, %parallel_loop3A_1582] : memref<2x4x128x64xf32, #tpu.memory_space<vmem>> -> memref<1x1x128x64xf32, #tpu.memory_space<vmem>>
        %parallel_loop3A_1584 = tpu.memref_squeeze %parallel_loop3A_1583 : memref<1x1x128x64xf32, #tpu.memory_space<vmem>> -> memref<128x64xf32, #tpu.memory_space<vmem>>
        %parallel_loop3A_1585 = tpu.vector_load_idx %parallel_loop3A_1584[%parallel_loop3A_1386, %parallel_loop3A_1578] : memref<128x64xf32, #tpu.memory_space<vmem>>[vector<16xi32>, vector<16xi32>], vector<16xf32>,
        %parallel_loop3A_1586 = arith.constant 224 : i32
        %parallel_loop3A_1587 = arith.constant 0 : i32
        %parallel_loop3A_1588 = tpu.memref_slice %arg8[%parallel_loop3A_1586, %parallel_loop3A_1587] : memref<256x128xf32, #tpu.memory_space<vmem>> -> memref<16x128xf32, #tpu.memory_space<vmem>>
        tpu.vector_store_idx %parallel_loop3A_1588[%parallel_loop3A_1393, %parallel_loop3A_1386], %parallel_loop3A_1585 : memref<16x128xf32, #tpu.memory_space<vmem>>[vector<16xi32>, vector<16xi32>], vector<16xf32>,
        %parallel_loop3A_1589 = arith.constant 48 : i32
        %parallel_loop3A_1590 = vector.broadcast %parallel_loop3A_1589 : i32 to vector<16xi32>
        %parallel_loop3A_1591 = arith.addi %parallel_loop3A_1590, %parallel_loop3A_1393 : vector<16xi32>
        %parallel_loop3A_1592 = arith.constant 0 : i32
        %parallel_loop3A_1593 = arith.constant 3 : i32
        %parallel_loop3A_1594 = arith.constant 0 : i32
        %parallel_loop3A_1595 = arith.constant 0 : i32
        %parallel_loop3A_1596 = tpu.memref_slice %arg7[%parallel_loop3A_1592, %parallel_loop3A_1593, %parallel_loop3A_1594, %parallel_loop3A_1595] : memref<2x4x128x64xf32, #tpu.memory_space<vmem>> -> memref<1x1x128x64xf32, #tpu.memory_space<vmem>>
        %parallel_loop3A_1597 = tpu.memref_squeeze %parallel_loop3A_1596 : memref<1x1x128x64xf32, #tpu.memory_space<vmem>> -> memref<128x64xf32, #tpu.memory_space<vmem>>
        %parallel_loop3A_1598 = tpu.vector_load_idx %parallel_loop3A_1597[%parallel_loop3A_1386, %parallel_loop3A_1591] : memref<128x64xf32, #tpu.memory_space<vmem>>[vector<16xi32>, vector<16xi32>], vector<16xf32>,
        %parallel_loop3A_1599 = arith.constant 240 : i32
        %parallel_loop3A_1600 = arith.constant 0 : i32
        %parallel_loop3A_1601 = tpu.memref_slice %arg8[%parallel_loop3A_1599, %parallel_loop3A_1600] : memref<256x128xf32, #tpu.memory_space<vmem>> -> memref<16x128xf32, #tpu.memory_space<vmem>>
        tpu.vector_store_idx %parallel_loop3A_1601[%parallel_loop3A_1393, %parallel_loop3A_1386], %parallel_loop3A_1598 : memref<16x128xf32, #tpu.memory_space<vmem>>[vector<16xi32>, vector<16xi32>], vector<16xf32>,
      } {sc.loop_unroll_factor = 8 : i64, sc.parallel_access}
      %add3A_176 = arith.constant 0 : i32
      %add3A_177 = arith.addi %mul3A_173, %add3A_176 : i32
      %dma_start3A_178 = arith.constant 0 : i32
      %dma_start3A_179 = arith.constant 0 : i32
      %dma_start3A_180 = arith.constant 0 : i32
      %dma_start3A_181 = tpu.memref_slice %arg8[%dma_start3A_179, %dma_start3A_180] : memref<256x128xf32, #tpu.memory_space<vmem>> -> memref<8x128xf32, #tpu.memory_space<vmem>>
      %dma_start3A_182 = arith.constant 0 : i32
      %dma_start3A_183 = arith.constant 0 : i32
      %dma_start3A_184 = tpu.memref_slice %arg4[%select_n3A, %dma_start3A_178, %add3A_177, %dma_start3A_182, %dma_start3A_183] : memref<50x8x128x8x128xf32, #tpu.memory_space<hbm>> -> memref<1x1x1x8x128xf32, #tpu.memory_space<hbm>>
      %dma_start3A_185 = tpu.memref_squeeze %dma_start3A_184 : memref<1x1x1x8x128xf32, #tpu.memory_space<hbm>> -> memref<8x128xf32, #tpu.memory_space<hbm>>
      %dma_start3A_186 = arith.constant 0 : i32
      %dma_start3A_187 = arith.constant 0 : i32
      %dma_start3A_188 = tpu.memref_slice %arg4[%select_n3A, %dma_start3A_178, %add3A_177, %dma_start3A_186, %dma_start3A_187] : memref<50x8x128x8x128xf32, #tpu.memory_space<hbm>> -> memref<1x1x1x8x128xf32, #tpu.memory_space<hbm>>
      %dma_start3A_189 = tpu.memref_squeeze %dma_start3A_188 : memref<1x1x1x8x128xf32, #tpu.memory_space<hbm>> -> memref<8x128xf32, #tpu.memory_space<hbm>>
      %dma_start3A_190 = arith.constant 0 : i32
      %dma_start3A_191 = arith.constant 0 : i32
      %dma_start3A_192 = tpu.memref_slice %arg8[%dma_start3A_190, %dma_start3A_191] : memref<256x128xf32, #tpu.memory_space<vmem>> -> memref<8x128xf32, #tpu.memory_space<vmem>>
      tpu.enqueue_dma source(%dma_start3A_192 : memref<8x128xf32, #tpu.memory_space<vmem>>) target(%dma_start3A_189 : memref<8x128xf32, #tpu.memory_space<hbm>>) target_semaphore(%arg11 : memref<!tpu.dma_semaphore, #tpu.memory_space<semaphore_mem>>)
      %add3A_193 = arith.constant 1 : i32
      %add3A_194 = arith.addi %mul3A_173, %add3A_193 : i32
      %dma_start3A_195 = arith.constant 0 : i32
      %dma_start3A_196 = arith.constant 64 : i32
      %dma_start3A_197 = arith.constant 0 : i32
      %dma_start3A_198 = tpu.memref_slice %arg8[%dma_start3A_196, %dma_start3A_197] : memref<256x128xf32, #tpu.memory_space<vmem>> -> memref<8x128xf32, #tpu.memory_space<vmem>>
      %dma_start3A_199 = arith.constant 0 : i32
      %dma_start3A_200 = arith.constant 0 : i32
      %dma_start3A_201 = tpu.memref_slice %arg4[%select_n3A, %dma_start3A_195, %add3A_194, %dma_start3A_199, %dma_start3A_200] : memref<50x8x128x8x128xf32, #tpu.memory_space<hbm>> -> memref<1x1x1x8x128xf32, #tpu.memory_space<hbm>>
      %dma_start3A_202 = tpu.memref_squeeze %dma_start3A_201 : memref<1x1x1x8x128xf32, #tpu.memory_space<hbm>> -> memref<8x128xf32, #tpu.memory_space<hbm>>
      %dma_start3A_203 = arith.constant 0 : i32
      %dma_start3A_204 = arith.constant 0 : i32
      %dma_start3A_205 = tpu.memref_slice %arg4[%select_n3A, %dma_start3A_195, %add3A_194, %dma_start3A_203, %dma_start3A_204] : memref<50x8x128x8x128xf32, #tpu.memory_space<hbm>> -> memref<1x1x1x8x128xf32, #tpu.memory_space<hbm>>
      %dma_start3A_206 = tpu.memref_squeeze %dma_start3A_205 : memref<1x1x1x8x128xf32, #tpu.memory_space<hbm>> -> memref<8x128xf32, #tpu.memory_space<hbm>>
      %dma_start3A_207 = arith.constant 64 : i32
      %dma_start3A_208 = arith.constant 0 : i32
      %dma_start3A_209 = tpu.memref_slice %arg8[%dma_start3A_207, %dma_start3A_208] : memref<256x128xf32, #tpu.memory_space<vmem>> -> memref<8x128xf32, #tpu.memory_space<vmem>>
      tpu.enqueue_dma source(%dma_start3A_209 : memref<8x128xf32, #tpu.memory_space<vmem>>) target(%dma_start3A_206 : memref<8x128xf32, #tpu.memory_space<hbm>>) target_semaphore(%arg11 : memref<!tpu.dma_semaphore, #tpu.memory_space<semaphore_mem>>)
      %add3A_210 = arith.constant 2 : i32
      %add3A_211 = arith.addi %mul3A_173, %add3A_210 : i32
      %dma_start3A_212 = arith.constant 0 : i32
      %dma_start3A_213 = arith.constant 128 : i32
      %dma_start3A_214 = arith.constant 0 : i32
      %dma_start3A_215 = tpu.memref_slice %arg8[%dma_start3A_213, %dma_start3A_214] : memref<256x128xf32, #tpu.memory_space<vmem>> -> memref<8x128xf32, #tpu.memory_space<vmem>>
      %dma_start3A_216 = arith.constant 0 : i32
      %dma_start3A_217 = arith.constant 0 : i32
      %dma_start3A_218 = tpu.memref_slice %arg4[%select_n3A, %dma_start3A_212, %add3A_211, %dma_start3A_216, %dma_start3A_217] : memref<50x8x128x8x128xf32, #tpu.memory_space<hbm>> -> memref<1x1x1x8x128xf32, #tpu.memory_space<hbm>>
      %dma_start3A_219 = tpu.memref_squeeze %dma_start3A_218 : memref<1x1x1x8x128xf32, #tpu.memory_space<hbm>> -> memref<8x128xf32, #tpu.memory_space<hbm>>
      %dma_start3A_220 = arith.constant 0 : i32
      %dma_start3A_221 = arith.constant 0 : i32
      %dma_start3A_222 = tpu.memref_slice %arg4[%select_n3A, %dma_start3A_212, %add3A_211, %dma_start3A_220, %dma_start3A_221] : memref<50x8x128x8x128xf32, #tpu.memory_space<hbm>> -> memref<1x1x1x8x128xf32, #tpu.memory_space<hbm>>
      %dma_start3A_223 = tpu.memref_squeeze %dma_start3A_222 : memref<1x1x1x8x128xf32, #tpu.memory_space<hbm>> -> memref<8x128xf32, #tpu.memory_space<hbm>>
      %dma_start3A_224 = arith.constant 128 : i32
      %dma_start3A_225 = arith.constant 0 : i32
      %dma_start3A_226 = tpu.memref_slice %arg8[%dma_start3A_224, %dma_start3A_225] : memref<256x128xf32, #tpu.memory_space<vmem>> -> memref<8x128xf32, #tpu.memory_space<vmem>>
      tpu.enqueue_dma source(%dma_start3A_226 : memref<8x128xf32, #tpu.memory_space<vmem>>) target(%dma_start3A_223 : memref<8x128xf32, #tpu.memory_space<hbm>>) target_semaphore(%arg11 : memref<!tpu.dma_semaphore, #tpu.memory_space<semaphore_mem>>)
      %add3A_227 = arith.constant 3 : i32
      %add3A_228 = arith.addi %mul3A_173, %add3A_227 : i32
      %dma_start3A_229 = arith.constant 0 : i32
      %dma_start3A_230 = arith.constant 192 : i32
      %dma_start3A_231 = arith.constant 0 : i32
      %dma_start3A_232 = tpu.memref_slice %arg8[%dma_start3A_230, %dma_start3A_231] : memref<256x128xf32, #tpu.memory_space<vmem>> -> memref<8x128xf32, #tpu.memory_space<vmem>>
      %dma_start3A_233 = arith.constant 0 : i32
      %dma_start3A_234 = arith.constant 0 : i32
      %dma_start3A_235 = tpu.memref_slice %arg4[%select_n3A, %dma_start3A_229, %add3A_228, %dma_start3A_233, %dma_start3A_234] : memref<50x8x128x8x128xf32, #tpu.memory_space<hbm>> -> memref<1x1x1x8x128xf32, #tpu.memory_space<hbm>>
      %dma_start3A_236 = tpu.memref_squeeze %dma_start3A_235 : memref<1x1x1x8x128xf32, #tpu.memory_space<hbm>> -> memref<8x128xf32, #tpu.memory_space<hbm>>
      %dma_start3A_237 = arith.constant 0 : i32
      %dma_start3A_238 = arith.constant 0 : i32
      %dma_start3A_239 = tpu.memref_slice %arg4[%select_n3A, %dma_start3A_229, %add3A_228, %dma_start3A_237, %dma_start3A_238] : memref<50x8x128x8x128xf32, #tpu.memory_space<hbm>> -> memref<1x1x1x8x128xf32, #tpu.memory_space<hbm>>
      %dma_start3A_240 = tpu.memref_squeeze %dma_start3A_239 : memref<1x1x1x8x128xf32, #tpu.memory_space<hbm>> -> memref<8x128xf32, #tpu.memory_space<hbm>>
      %dma_start3A_241 = arith.constant 192 : i32
      %dma_start3A_242 = arith.constant 0 : i32
      %dma_start3A_243 = tpu.memref_slice %arg8[%dma_start3A_241, %dma_start3A_242] : memref<256x128xf32, #tpu.memory_space<vmem>> -> memref<8x128xf32, #tpu.memory_space<vmem>>
      tpu.enqueue_dma source(%dma_start3A_243 : memref<8x128xf32, #tpu.memory_space<vmem>>) target(%dma_start3A_240 : memref<8x128xf32, #tpu.memory_space<hbm>>) target_semaphore(%arg11 : memref<!tpu.dma_semaphore, #tpu.memory_space<semaphore_mem>>)
      %add3A_244 = arith.constant 0 : i32
      %add3A_245 = arith.addi %mul3A_173, %add3A_244 : i32
      %dma_start3A_246 = arith.constant 1 : i32
      %dma_start3A_247 = arith.constant 8 : i32
      %dma_start3A_248 = arith.constant 0 : i32
      %dma_start3A_249 = tpu.memref_slice %arg8[%dma_start3A_247, %dma_start3A_248] : memref<256x128xf32, #tpu.memory_space<vmem>> -> memref<8x128xf32, #tpu.memory_space<vmem>>
      %dma_start3A_250 = arith.constant 0 : i32
      %dma_start3A_251 = arith.constant 0 : i32
      %dma_start3A_252 = tpu.memref_slice %arg4[%select_n3A, %dma_start3A_246, %add3A_245, %dma_start3A_250, %dma_start3A_251] : memref<50x8x128x8x128xf32, #tpu.memory_space<hbm>> -> memref<1x1x1x8x128xf32, #tpu.memory_space<hbm>>
      %dma_start3A_253 = tpu.memref_squeeze %dma_start3A_252 : memref<1x1x1x8x128xf32, #tpu.memory_space<hbm>> -> memref<8x128xf32, #tpu.memory_space<hbm>>
      %dma_start3A_254 = arith.constant 0 : i32
      %dma_start3A_255 = arith.constant 0 : i32
      %dma_start3A_256 = tpu.memref_slice %arg4[%select_n3A, %dma_start3A_246, %add3A_245, %dma_start3A_254, %dma_start3A_255] : memref<50x8x128x8x128xf32, #tpu.memory_space<hbm>> -> memref<1x1x1x8x128xf32, #tpu.memory_space<hbm>>
      %dma_start3A_257 = tpu.memref_squeeze %dma_start3A_256 : memref<1x1x1x8x128xf32, #tpu.memory_space<hbm>> -> memref<8x128xf32, #tpu.memory_space<hbm>>
      %dma_start3A_258 = arith.constant 8 : i32
      %dma_start3A_259 = arith.constant 0 : i32
      %dma_start3A_260 = tpu.memref_slice %arg8[%dma_start3A_258, %dma_start3A_259] : memref<256x128xf32, #tpu.memory_space<vmem>> -> memref<8x128xf32, #tpu.memory_space<vmem>>
      tpu.enqueue_dma source(%dma_start3A_260 : memref<8x128xf32, #tpu.memory_space<vmem>>) target(%dma_start3A_257 : memref<8x128xf32, #tpu.memory_space<hbm>>) target_semaphore(%arg11 : memref<!tpu.dma_semaphore, #tpu.memory_space<semaphore_mem>>)
      %add3A_261 = arith.constant 1 : i32
      %add3A_262 = arith.addi %mul3A_173, %add3A_261 : i32
      %dma_start3A_263 = arith.constant 1 : i32
      %dma_start3A_264 = arith.constant 72 : i32
      %dma_start3A_265 = arith.constant 0 : i32
      %dma_start3A_266 = tpu.memref_slice %arg8[%dma_start3A_264, %dma_start3A_265] : memref<256x128xf32, #tpu.memory_space<vmem>> -> memref<8x128xf32, #tpu.memory_space<vmem>>
      %dma_start3A_267 = arith.constant 0 : i32
      %dma_start3A_268 = arith.constant 0 : i32
      %dma_start3A_269 = tpu.memref_slice %arg4[%select_n3A, %dma_start3A_263, %add3A_262, %dma_start3A_267, %dma_start3A_268] : memref<50x8x128x8x128xf32, #tpu.memory_space<hbm>> -> memref<1x1x1x8x128xf32, #tpu.memory_space<hbm>>
      %dma_start3A_270 = tpu.memref_squeeze %dma_start3A_269 : memref<1x1x1x8x128xf32, #tpu.memory_space<hbm>> -> memref<8x128xf32, #tpu.memory_space<hbm>>
      %dma_start3A_271 = arith.constant 0 : i32
      %dma_start3A_272 = arith.constant 0 : i32
      %dma_start3A_273 = tpu.memref_slice %arg4[%select_n3A, %dma_start3A_263, %add3A_262, %dma_start3A_271, %dma_start3A_272] : memref<50x8x128x8x128xf32, #tpu.memory_space<hbm>> -> memref<1x1x1x8x128xf32, #tpu.memory_space<hbm>>
      %dma_start3A_274 = tpu.memref_squeeze %dma_start3A_273 : memref<1x1x1x8x128xf32, #tpu.memory_space<hbm>> -> memref<8x128xf32, #tpu.memory_space<hbm>>
      %dma_start3A_275 = arith.constant 72 : i32
      %dma_start3A_276 = arith.constant 0 : i32
      %dma_start3A_277 = tpu.memref_slice %arg8[%dma_start3A_275, %dma_start3A_276] : memref<256x128xf32, #tpu.memory_space<vmem>> -> memref<8x128xf32, #tpu.memory_space<vmem>>
      tpu.enqueue_dma source(%dma_start3A_277 : memref<8x128xf32, #tpu.memory_space<vmem>>) target(%dma_start3A_274 : memref<8x128xf32, #tpu.memory_space<hbm>>) target_semaphore(%arg11 : memref<!tpu.dma_semaphore, #tpu.memory_space<semaphore_mem>>)
      %add3A_278 = arith.constant 2 : i32
      %add3A_279 = arith.addi %mul3A_173, %add3A_278 : i32
      %dma_start3A_280 = arith.constant 1 : i32
      %dma_start3A_281 = arith.constant 136 : i32
      %dma_start3A_282 = arith.constant 0 : i32
      %dma_start3A_283 = tpu.memref_slice %arg8[%dma_start3A_281, %dma_start3A_282] : memref<256x128xf32, #tpu.memory_space<vmem>> -> memref<8x128xf32, #tpu.memory_space<vmem>>
      %dma_start3A_284 = arith.constant 0 : i32
      %dma_start3A_285 = arith.constant 0 : i32
      %dma_start3A_286 = tpu.memref_slice %arg4[%select_n3A, %dma_start3A_280, %add3A_279, %dma_start3A_284, %dma_start3A_285] : memref<50x8x128x8x128xf32, #tpu.memory_space<hbm>> -> memref<1x1x1x8x128xf32, #tpu.memory_space<hbm>>
      %dma_start3A_287 = tpu.memref_squeeze %dma_start3A_286 : memref<1x1x1x8x128xf32, #tpu.memory_space<hbm>> -> memref<8x128xf32, #tpu.memory_space<hbm>>
      %dma_start3A_288 = arith.constant 0 : i32
      %dma_start3A_289 = arith.constant 0 : i32
      %dma_start3A_290 = tpu.memref_slice %arg4[%select_n3A, %dma_start3A_280, %add3A_279, %dma_start3A_288, %dma_start3A_289] : memref<50x8x128x8x128xf32, #tpu.memory_space<hbm>> -> memref<1x1x1x8x128xf32, #tpu.memory_space<hbm>>
      %dma_start3A_291 = tpu.memref_squeeze %dma_start3A_290 : memref<1x1x1x8x128xf32, #tpu.memory_space<hbm>> -> memref<8x128xf32, #tpu.memory_space<hbm>>
      %dma_start3A_292 = arith.constant 136 : i32
      %dma_start3A_293 = arith.constant 0 : i32
      %dma_start3A_294 = tpu.memref_slice %arg8[%dma_start3A_292, %dma_start3A_293] : memref<256x128xf32, #tpu.memory_space<vmem>> -> memref<8x128xf32, #tpu.memory_space<vmem>>
      tpu.enqueue_dma source(%dma_start3A_294 : memref<8x128xf32, #tpu.memory_space<vmem>>) target(%dma_start3A_291 : memref<8x128xf32, #tpu.memory_space<hbm>>) target_semaphore(%arg11 : memref<!tpu.dma_semaphore, #tpu.memory_space<semaphore_mem>>)
      %add3A_295 = arith.constant 3 : i32
      %add3A_296 = arith.addi %mul3A_173, %add3A_295 : i32
      %dma_start3A_297 = arith.constant 1 : i32
      %dma_start3A_298 = arith.constant 200 : i32
      %dma_start3A_299 = arith.constant 0 : i32
      %dma_start3A_300 = tpu.memref_slice %arg8[%dma_start3A_298, %dma_start3A_299] : memref<256x128xf32, #tpu.memory_space<vmem>> -> memref<8x128xf32, #tpu.memory_space<vmem>>
      %dma_start3A_301 = arith.constant 0 : i32
      %dma_start3A_302 = arith.constant 0 : i32
      %dma_start3A_303 = tpu.memref_slice %arg4[%select_n3A, %dma_start3A_297, %add3A_296, %dma_start3A_301, %dma_start3A_302] : memref<50x8x128x8x128xf32, #tpu.memory_space<hbm>> -> memref<1x1x1x8x128xf32, #tpu.memory_space<hbm>>
      %dma_start3A_304 = tpu.memref_squeeze %dma_start3A_303 : memref<1x1x1x8x128xf32, #tpu.memory_space<hbm>> -> memref<8x128xf32, #tpu.memory_space<hbm>>
      %dma_start3A_305 = arith.constant 0 : i32
      %dma_start3A_306 = arith.constant 0 : i32
      %dma_start3A_307 = tpu.memref_slice %arg4[%select_n3A, %dma_start3A_297, %add3A_296, %dma_start3A_305, %dma_start3A_306] : memref<50x8x128x8x128xf32, #tpu.memory_space<hbm>> -> memref<1x1x1x8x128xf32, #tpu.memory_space<hbm>>
      %dma_start3A_308 = tpu.memref_squeeze %dma_start3A_307 : memref<1x1x1x8x128xf32, #tpu.memory_space<hbm>> -> memref<8x128xf32, #tpu.memory_space<hbm>>
      %dma_start3A_309 = arith.constant 200 : i32
      %dma_start3A_310 = arith.constant 0 : i32
      %dma_start3A_311 = tpu.memref_slice %arg8[%dma_start3A_309, %dma_start3A_310] : memref<256x128xf32, #tpu.memory_space<vmem>> -> memref<8x128xf32, #tpu.memory_space<vmem>>
      tpu.enqueue_dma source(%dma_start3A_311 : memref<8x128xf32, #tpu.memory_space<vmem>>) target(%dma_start3A_308 : memref<8x128xf32, #tpu.memory_space<hbm>>) target_semaphore(%arg11 : memref<!tpu.dma_semaphore, #tpu.memory_space<semaphore_mem>>)
      %add3A_312 = arith.constant 0 : i32
      %add3A_313 = arith.addi %mul3A_173, %add3A_312 : i32
      %dma_start3A_314 = arith.constant 2 : i32
      %dma_start3A_315 = arith.constant 16 : i32
      %dma_start3A_316 = arith.constant 0 : i32
      %dma_start3A_317 = tpu.memref_slice %arg8[%dma_start3A_315, %dma_start3A_316] : memref<256x128xf32, #tpu.memory_space<vmem>> -> memref<8x128xf32, #tpu.memory_space<vmem>>
      %dma_start3A_318 = arith.constant 0 : i32
      %dma_start3A_319 = arith.constant 0 : i32
      %dma_start3A_320 = tpu.memref_slice %arg4[%select_n3A, %dma_start3A_314, %add3A_313, %dma_start3A_318, %dma_start3A_319] : memref<50x8x128x8x128xf32, #tpu.memory_space<hbm>> -> memref<1x1x1x8x128xf32, #tpu.memory_space<hbm>>
      %dma_start3A_321 = tpu.memref_squeeze %dma_start3A_320 : memref<1x1x1x8x128xf32, #tpu.memory_space<hbm>> -> memref<8x128xf32, #tpu.memory_space<hbm>>
      %dma_start3A_322 = arith.constant 0 : i32
      %dma_start3A_323 = arith.constant 0 : i32
      %dma_start3A_324 = tpu.memref_slice %arg4[%select_n3A, %dma_start3A_314, %add3A_313, %dma_start3A_322, %dma_start3A_323] : memref<50x8x128x8x128xf32, #tpu.memory_space<hbm>> -> memref<1x1x1x8x128xf32, #tpu.memory_space<hbm>>
      %dma_start3A_325 = tpu.memref_squeeze %dma_start3A_324 : memref<1x1x1x8x128xf32, #tpu.memory_space<hbm>> -> memref<8x128xf32, #tpu.memory_space<hbm>>
      %dma_start3A_326 = arith.constant 16 : i32
      %dma_start3A_327 = arith.constant 0 : i32
      %dma_start3A_328 = tpu.memref_slice %arg8[%dma_start3A_326, %dma_start3A_327] : memref<256x128xf32, #tpu.memory_space<vmem>> -> memref<8x128xf32, #tpu.memory_space<vmem>>
      tpu.enqueue_dma source(%dma_start3A_328 : memref<8x128xf32, #tpu.memory_space<vmem>>) target(%dma_start3A_325 : memref<8x128xf32, #tpu.memory_space<hbm>>) target_semaphore(%arg11 : memref<!tpu.dma_semaphore, #tpu.memory_space<semaphore_mem>>)
      %add3A_329 = arith.constant 1 : i32
      %add3A_330 = arith.addi %mul3A_173, %add3A_329 : i32
      %dma_start3A_331 = arith.constant 2 : i32
      %dma_start3A_332 = arith.constant 80 : i32
      %dma_start3A_333 = arith.constant 0 : i32
      %dma_start3A_334 = tpu.memref_slice %arg8[%dma_start3A_332, %dma_start3A_333] : memref<256x128xf32, #tpu.memory_space<vmem>> -> memref<8x128xf32, #tpu.memory_space<vmem>>
      %dma_start3A_335 = arith.constant 0 : i32
      %dma_start3A_336 = arith.constant 0 : i32
      %dma_start3A_337 = tpu.memref_slice %arg4[%select_n3A, %dma_start3A_331, %add3A_330, %dma_start3A_335, %dma_start3A_336] : memref<50x8x128x8x128xf32, #tpu.memory_space<hbm>> -> memref<1x1x1x8x128xf32, #tpu.memory_space<hbm>>
      %dma_start3A_338 = tpu.memref_squeeze %dma_start3A_337 : memref<1x1x1x8x128xf32, #tpu.memory_space<hbm>> -> memref<8x128xf32, #tpu.memory_space<hbm>>
      %dma_start3A_339 = arith.constant 0 : i32
      %dma_start3A_340 = arith.constant 0 : i32
      %dma_start3A_341 = tpu.memref_slice %arg4[%select_n3A, %dma_start3A_331, %add3A_330, %dma_start3A_339, %dma_start3A_340] : memref<50x8x128x8x128xf32, #tpu.memory_space<hbm>> -> memref<1x1x1x8x128xf32, #tpu.memory_space<hbm>>
      %dma_start3A_342 = tpu.memref_squeeze %dma_start3A_341 : memref<1x1x1x8x128xf32, #tpu.memory_space<hbm>> -> memref<8x128xf32, #tpu.memory_space<hbm>>
      %dma_start3A_343 = arith.constant 80 : i32
      %dma_start3A_344 = arith.constant 0 : i32
      %dma_start3A_345 = tpu.memref_slice %arg8[%dma_start3A_343, %dma_start3A_344] : memref<256x128xf32, #tpu.memory_space<vmem>> -> memref<8x128xf32, #tpu.memory_space<vmem>>
      tpu.enqueue_dma source(%dma_start3A_345 : memref<8x128xf32, #tpu.memory_space<vmem>>) target(%dma_start3A_342 : memref<8x128xf32, #tpu.memory_space<hbm>>) target_semaphore(%arg11 : memref<!tpu.dma_semaphore, #tpu.memory_space<semaphore_mem>>)
      %add3A_346 = arith.constant 2 : i32
      %add3A_347 = arith.addi %mul3A_173, %add3A_346 : i32
      %dma_start3A_348 = arith.constant 2 : i32
      %dma_start3A_349 = arith.constant 144 : i32
      %dma_start3A_350 = arith.constant 0 : i32
      %dma_start3A_351 = tpu.memref_slice %arg8[%dma_start3A_349, %dma_start3A_350] : memref<256x128xf32, #tpu.memory_space<vmem>> -> memref<8x128xf32, #tpu.memory_space<vmem>>
      %dma_start3A_352 = arith.constant 0 : i32
      %dma_start3A_353 = arith.constant 0 : i32
      %dma_start3A_354 = tpu.memref_slice %arg4[%select_n3A, %dma_start3A_348, %add3A_347, %dma_start3A_352, %dma_start3A_353] : memref<50x8x128x8x128xf32, #tpu.memory_space<hbm>> -> memref<1x1x1x8x128xf32, #tpu.memory_space<hbm>>
      %dma_start3A_355 = tpu.memref_squeeze %dma_start3A_354 : memref<1x1x1x8x128xf32, #tpu.memory_space<hbm>> -> memref<8x128xf32, #tpu.memory_space<hbm>>
      %dma_start3A_356 = arith.constant 0 : i32
      %dma_start3A_357 = arith.constant 0 : i32
      %dma_start3A_358 = tpu.memref_slice %arg4[%select_n3A, %dma_start3A_348, %add3A_347, %dma_start3A_356, %dma_start3A_357] : memref<50x8x128x8x128xf32, #tpu.memory_space<hbm>> -> memref<1x1x1x8x128xf32, #tpu.memory_space<hbm>>
      %dma_start3A_359 = tpu.memref_squeeze %dma_start3A_358 : memref<1x1x1x8x128xf32, #tpu.memory_space<hbm>> -> memref<8x128xf32, #tpu.memory_space<hbm>>
      %dma_start3A_360 = arith.constant 144 : i32
      %dma_start3A_361 = arith.constant 0 : i32
      %dma_start3A_362 = tpu.memref_slice %arg8[%dma_start3A_360, %dma_start3A_361] : memref<256x128xf32, #tpu.memory_space<vmem>> -> memref<8x128xf32, #tpu.memory_space<vmem>>
      tpu.enqueue_dma source(%dma_start3A_362 : memref<8x128xf32, #tpu.memory_space<vmem>>) target(%dma_start3A_359 : memref<8x128xf32, #tpu.memory_space<hbm>>) target_semaphore(%arg11 : memref<!tpu.dma_semaphore, #tpu.memory_space<semaphore_mem>>)
      %add3A_363 = arith.constant 3 : i32
      %add3A_364 = arith.addi %mul3A_173, %add3A_363 : i32
      %dma_start3A_365 = arith.constant 2 : i32
      %dma_start3A_366 = arith.constant 208 : i32
      %dma_start3A_367 = arith.constant 0 : i32
      %dma_start3A_368 = tpu.memref_slice %arg8[%dma_start3A_366, %dma_start3A_367] : memref<256x128xf32, #tpu.memory_space<vmem>> -> memref<8x128xf32, #tpu.memory_space<vmem>>
      %dma_start3A_369 = arith.constant 0 : i32
      %dma_start3A_370 = arith.constant 0 : i32
      %dma_start3A_371 = tpu.memref_slice %arg4[%select_n3A, %dma_start3A_365, %add3A_364, %dma_start3A_369, %dma_start3A_370] : memref<50x8x128x8x128xf32, #tpu.memory_space<hbm>> -> memref<1x1x1x8x128xf32, #tpu.memory_space<hbm>>
      %dma_start3A_372 = tpu.memref_squeeze %dma_start3A_371 : memref<1x1x1x8x128xf32, #tpu.memory_space<hbm>> -> memref<8x128xf32, #tpu.memory_space<hbm>>
      %dma_start3A_373 = arith.constant 0 : i32
      %dma_start3A_374 = arith.constant 0 : i32
      %dma_start3A_375 = tpu.memref_slice %arg4[%select_n3A, %dma_start3A_365, %add3A_364, %dma_start3A_373, %dma_start3A_374] : memref<50x8x128x8x128xf32, #tpu.memory_space<hbm>> -> memref<1x1x1x8x128xf32, #tpu.memory_space<hbm>>
      %dma_start3A_376 = tpu.memref_squeeze %dma_start3A_375 : memref<1x1x1x8x128xf32, #tpu.memory_space<hbm>> -> memref<8x128xf32, #tpu.memory_space<hbm>>
      %dma_start3A_377 = arith.constant 208 : i32
      %dma_start3A_378 = arith.constant 0 : i32
      %dma_start3A_379 = tpu.memref_slice %arg8[%dma_start3A_377, %dma_start3A_378] : memref<256x128xf32, #tpu.memory_space<vmem>> -> memref<8x128xf32, #tpu.memory_space<vmem>>
      tpu.enqueue_dma source(%dma_start3A_379 : memref<8x128xf32, #tpu.memory_space<vmem>>) target(%dma_start3A_376 : memref<8x128xf32, #tpu.memory_space<hbm>>) target_semaphore(%arg11 : memref<!tpu.dma_semaphore, #tpu.memory_space<semaphore_mem>>)
      %add3A_380 = arith.constant 0 : i32
      %add3A_381 = arith.addi %mul3A_173, %add3A_380 : i32
      %dma_start3A_382 = arith.constant 3 : i32
      %dma_start3A_383 = arith.constant 24 : i32
      %dma_start3A_384 = arith.constant 0 : i32
      %dma_start3A_385 = tpu.memref_slice %arg8[%dma_start3A_383, %dma_start3A_384] : memref<256x128xf32, #tpu.memory_space<vmem>> -> memref<8x128xf32, #tpu.memory_space<vmem>>
      %dma_start3A_386 = arith.constant 0 : i32
      %dma_start3A_387 = arith.constant 0 : i32
      %dma_start3A_388 = tpu.memref_slice %arg4[%select_n3A, %dma_start3A_382, %add3A_381, %dma_start3A_386, %dma_start3A_387] : memref<50x8x128x8x128xf32, #tpu.memory_space<hbm>> -> memref<1x1x1x8x128xf32, #tpu.memory_space<hbm>>
      %dma_start3A_389 = tpu.memref_squeeze %dma_start3A_388 : memref<1x1x1x8x128xf32, #tpu.memory_space<hbm>> -> memref<8x128xf32, #tpu.memory_space<hbm>>
      %dma_start3A_390 = arith.constant 0 : i32
      %dma_start3A_391 = arith.constant 0 : i32
      %dma_start3A_392 = tpu.memref_slice %arg4[%select_n3A, %dma_start3A_382, %add3A_381, %dma_start3A_390, %dma_start3A_391] : memref<50x8x128x8x128xf32, #tpu.memory_space<hbm>> -> memref<1x1x1x8x128xf32, #tpu.memory_space<hbm>>
      %dma_start3A_393 = tpu.memref_squeeze %dma_start3A_392 : memref<1x1x1x8x128xf32, #tpu.memory_space<hbm>> -> memref<8x128xf32, #tpu.memory_space<hbm>>
      %dma_start3A_394 = arith.constant 24 : i32
      %dma_start3A_395 = arith.constant 0 : i32
      %dma_start3A_396 = tpu.memref_slice %arg8[%dma_start3A_394, %dma_start3A_395] : memref<256x128xf32, #tpu.memory_space<vmem>> -> memref<8x128xf32, #tpu.memory_space<vmem>>
      tpu.enqueue_dma source(%dma_start3A_396 : memref<8x128xf32, #tpu.memory_space<vmem>>) target(%dma_start3A_393 : memref<8x128xf32, #tpu.memory_space<hbm>>) target_semaphore(%arg11 : memref<!tpu.dma_semaphore, #tpu.memory_space<semaphore_mem>>)
      %add3A_397 = arith.constant 1 : i32
      %add3A_398 = arith.addi %mul3A_173, %add3A_397 : i32
      %dma_start3A_399 = arith.constant 3 : i32
      %dma_start3A_400 = arith.constant 88 : i32
      %dma_start3A_401 = arith.constant 0 : i32
      %dma_start3A_402 = tpu.memref_slice %arg8[%dma_start3A_400, %dma_start3A_401] : memref<256x128xf32, #tpu.memory_space<vmem>> -> memref<8x128xf32, #tpu.memory_space<vmem>>
      %dma_start3A_403 = arith.constant 0 : i32
      %dma_start3A_404 = arith.constant 0 : i32
      %dma_start3A_405 = tpu.memref_slice %arg4[%select_n3A, %dma_start3A_399, %add3A_398, %dma_start3A_403, %dma_start3A_404] : memref<50x8x128x8x128xf32, #tpu.memory_space<hbm>> -> memref<1x1x1x8x128xf32, #tpu.memory_space<hbm>>
      %dma_start3A_406 = tpu.memref_squeeze %dma_start3A_405 : memref<1x1x1x8x128xf32, #tpu.memory_space<hbm>> -> memref<8x128xf32, #tpu.memory_space<hbm>>
      %dma_start3A_407 = arith.constant 0 : i32
      %dma_start3A_408 = arith.constant 0 : i32
      %dma_start3A_409 = tpu.memref_slice %arg4[%select_n3A, %dma_start3A_399, %add3A_398, %dma_start3A_407, %dma_start3A_408] : memref<50x8x128x8x128xf32, #tpu.memory_space<hbm>> -> memref<1x1x1x8x128xf32, #tpu.memory_space<hbm>>
      %dma_start3A_410 = tpu.memref_squeeze %dma_start3A_409 : memref<1x1x1x8x128xf32, #tpu.memory_space<hbm>> -> memref<8x128xf32, #tpu.memory_space<hbm>>
      %dma_start3A_411 = arith.constant 88 : i32
      %dma_start3A_412 = arith.constant 0 : i32
      %dma_start3A_413 = tpu.memref_slice %arg8[%dma_start3A_411, %dma_start3A_412] : memref<256x128xf32, #tpu.memory_space<vmem>> -> memref<8x128xf32, #tpu.memory_space<vmem>>
      tpu.enqueue_dma source(%dma_start3A_413 : memref<8x128xf32, #tpu.memory_space<vmem>>) target(%dma_start3A_410 : memref<8x128xf32, #tpu.memory_space<hbm>>) target_semaphore(%arg11 : memref<!tpu.dma_semaphore, #tpu.memory_space<semaphore_mem>>)
      %add3A_414 = arith.constant 2 : i32
      %add3A_415 = arith.addi %mul3A_173, %add3A_414 : i32
      %dma_start3A_416 = arith.constant 3 : i32
      %dma_start3A_417 = arith.constant 152 : i32
      %dma_start3A_418 = arith.constant 0 : i32
      %dma_start3A_419 = tpu.memref_slice %arg8[%dma_start3A_417, %dma_start3A_418] : memref<256x128xf32, #tpu.memory_space<vmem>> -> memref<8x128xf32, #tpu.memory_space<vmem>>
      %dma_start3A_420 = arith.constant 0 : i32
      %dma_start3A_421 = arith.constant 0 : i32
      %dma_start3A_422 = tpu.memref_slice %arg4[%select_n3A, %dma_start3A_416, %add3A_415, %dma_start3A_420, %dma_start3A_421] : memref<50x8x128x8x128xf32, #tpu.memory_space<hbm>> -> memref<1x1x1x8x128xf32, #tpu.memory_space<hbm>>
      %dma_start3A_423 = tpu.memref_squeeze %dma_start3A_422 : memref<1x1x1x8x128xf32, #tpu.memory_space<hbm>> -> memref<8x128xf32, #tpu.memory_space<hbm>>
      %dma_start3A_424 = arith.constant 0 : i32
      %dma_start3A_425 = arith.constant 0 : i32
      %dma_start3A_426 = tpu.memref_slice %arg4[%select_n3A, %dma_start3A_416, %add3A_415, %dma_start3A_424, %dma_start3A_425] : memref<50x8x128x8x128xf32, #tpu.memory_space<hbm>> -> memref<1x1x1x8x128xf32, #tpu.memory_space<hbm>>
      %dma_start3A_427 = tpu.memref_squeeze %dma_start3A_426 : memref<1x1x1x8x128xf32, #tpu.memory_space<hbm>> -> memref<8x128xf32, #tpu.memory_space<hbm>>
      %dma_start3A_428 = arith.constant 152 : i32
      %dma_start3A_429 = arith.constant 0 : i32
      %dma_start3A_430 = tpu.memref_slice %arg8[%dma_start3A_428, %dma_start3A_429] : memref<256x128xf32, #tpu.memory_space<vmem>> -> memref<8x128xf32, #tpu.memory_space<vmem>>
      tpu.enqueue_dma source(%dma_start3A_430 : memref<8x128xf32, #tpu.memory_space<vmem>>) target(%dma_start3A_427 : memref<8x128xf32, #tpu.memory_space<hbm>>) target_semaphore(%arg11 : memref<!tpu.dma_semaphore, #tpu.memory_space<semaphore_mem>>)
      %add3A_431 = arith.constant 3 : i32
      %add3A_432 = arith.addi %mul3A_173, %add3A_431 : i32
      %dma_start3A_433 = arith.constant 3 : i32
      %dma_start3A_434 = arith.constant 216 : i32
      %dma_start3A_435 = arith.constant 0 : i32
      %dma_start3A_436 = tpu.memref_slice %arg8[%dma_start3A_434, %dma_start3A_435] : memref<256x128xf32, #tpu.memory_space<vmem>> -> memref<8x128xf32, #tpu.memory_space<vmem>>
      %dma_start3A_437 = arith.constant 0 : i32
      %dma_start3A_438 = arith.constant 0 : i32
      %dma_start3A_439 = tpu.memref_slice %arg4[%select_n3A, %dma_start3A_433, %add3A_432, %dma_start3A_437, %dma_start3A_438] : memref<50x8x128x8x128xf32, #tpu.memory_space<hbm>> -> memref<1x1x1x8x128xf32, #tpu.memory_space<hbm>>
      %dma_start3A_440 = tpu.memref_squeeze %dma_start3A_439 : memref<1x1x1x8x128xf32, #tpu.memory_space<hbm>> -> memref<8x128xf32, #tpu.memory_space<hbm>>
      %dma_start3A_441 = arith.constant 0 : i32
      %dma_start3A_442 = arith.constant 0 : i32
      %dma_start3A_443 = tpu.memref_slice %arg4[%select_n3A, %dma_start3A_433, %add3A_432, %dma_start3A_441, %dma_start3A_442] : memref<50x8x128x8x128xf32, #tpu.memory_space<hbm>> -> memref<1x1x1x8x128xf32, #tpu.memory_space<hbm>>
      %dma_start3A_444 = tpu.memref_squeeze %dma_start3A_443 : memref<1x1x1x8x128xf32, #tpu.memory_space<hbm>> -> memref<8x128xf32, #tpu.memory_space<hbm>>
      %dma_start3A_445 = arith.constant 216 : i32
      %dma_start3A_446 = arith.constant 0 : i32
      %dma_start3A_447 = tpu.memref_slice %arg8[%dma_start3A_445, %dma_start3A_446] : memref<256x128xf32, #tpu.memory_space<vmem>> -> memref<8x128xf32, #tpu.memory_space<vmem>>
      tpu.enqueue_dma source(%dma_start3A_447 : memref<8x128xf32, #tpu.memory_space<vmem>>) target(%dma_start3A_444 : memref<8x128xf32, #tpu.memory_space<hbm>>) target_semaphore(%arg11 : memref<!tpu.dma_semaphore, #tpu.memory_space<semaphore_mem>>)
      %add3A_448 = arith.constant 0 : i32
      %add3A_449 = arith.addi %mul3A_173, %add3A_448 : i32
      %dma_start3A_450 = arith.constant 4 : i32
      %dma_start3A_451 = arith.constant 32 : i32
      %dma_start3A_452 = arith.constant 0 : i32
      %dma_start3A_453 = tpu.memref_slice %arg8[%dma_start3A_451, %dma_start3A_452] : memref<256x128xf32, #tpu.memory_space<vmem>> -> memref<8x128xf32, #tpu.memory_space<vmem>>
      %dma_start3A_454 = arith.constant 0 : i32
      %dma_start3A_455 = arith.constant 0 : i32
      %dma_start3A_456 = tpu.memref_slice %arg4[%select_n3A, %dma_start3A_450, %add3A_449, %dma_start3A_454, %dma_start3A_455] : memref<50x8x128x8x128xf32, #tpu.memory_space<hbm>> -> memref<1x1x1x8x128xf32, #tpu.memory_space<hbm>>
      %dma_start3A_457 = tpu.memref_squeeze %dma_start3A_456 : memref<1x1x1x8x128xf32, #tpu.memory_space<hbm>> -> memref<8x128xf32, #tpu.memory_space<hbm>>
      %dma_start3A_458 = arith.constant 0 : i32
      %dma_start3A_459 = arith.constant 0 : i32
      %dma_start3A_460 = tpu.memref_slice %arg4[%select_n3A, %dma_start3A_450, %add3A_449, %dma_start3A_458, %dma_start3A_459] : memref<50x8x128x8x128xf32, #tpu.memory_space<hbm>> -> memref<1x1x1x8x128xf32, #tpu.memory_space<hbm>>
      %dma_start3A_461 = tpu.memref_squeeze %dma_start3A_460 : memref<1x1x1x8x128xf32, #tpu.memory_space<hbm>> -> memref<8x128xf32, #tpu.memory_space<hbm>>
      %dma_start3A_462 = arith.constant 32 : i32
      %dma_start3A_463 = arith.constant 0 : i32
      %dma_start3A_464 = tpu.memref_slice %arg8[%dma_start3A_462, %dma_start3A_463] : memref<256x128xf32, #tpu.memory_space<vmem>> -> memref<8x128xf32, #tpu.memory_space<vmem>>
      tpu.enqueue_dma source(%dma_start3A_464 : memref<8x128xf32, #tpu.memory_space<vmem>>) target(%dma_start3A_461 : memref<8x128xf32, #tpu.memory_space<hbm>>) target_semaphore(%arg11 : memref<!tpu.dma_semaphore, #tpu.memory_space<semaphore_mem>>)
      %add3A_465 = arith.constant 1 : i32
      %add3A_466 = arith.addi %mul3A_173, %add3A_465 : i32
      %dma_start3A_467 = arith.constant 4 : i32
      %dma_start3A_468 = arith.constant 96 : i32
      %dma_start3A_469 = arith.constant 0 : i32
      %dma_start3A_470 = tpu.memref_slice %arg8[%dma_start3A_468, %dma_start3A_469] : memref<256x128xf32, #tpu.memory_space<vmem>> -> memref<8x128xf32, #tpu.memory_space<vmem>>
      %dma_start3A_471 = arith.constant 0 : i32
      %dma_start3A_472 = arith.constant 0 : i32
      %dma_start3A_473 = tpu.memref_slice %arg4[%select_n3A, %dma_start3A_467, %add3A_466, %dma_start3A_471, %dma_start3A_472] : memref<50x8x128x8x128xf32, #tpu.memory_space<hbm>> -> memref<1x1x1x8x128xf32, #tpu.memory_space<hbm>>
      %dma_start3A_474 = tpu.memref_squeeze %dma_start3A_473 : memref<1x1x1x8x128xf32, #tpu.memory_space<hbm>> -> memref<8x128xf32, #tpu.memory_space<hbm>>
      %dma_start3A_475 = arith.constant 0 : i32
      %dma_start3A_476 = arith.constant 0 : i32
      %dma_start3A_477 = tpu.memref_slice %arg4[%select_n3A, %dma_start3A_467, %add3A_466, %dma_start3A_475, %dma_start3A_476] : memref<50x8x128x8x128xf32, #tpu.memory_space<hbm>> -> memref<1x1x1x8x128xf32, #tpu.memory_space<hbm>>
      %dma_start3A_478 = tpu.memref_squeeze %dma_start3A_477 : memref<1x1x1x8x128xf32, #tpu.memory_space<hbm>> -> memref<8x128xf32, #tpu.memory_space<hbm>>
      %dma_start3A_479 = arith.constant 96 : i32
      %dma_start3A_480 = arith.constant 0 : i32
      %dma_start3A_481 = tpu.memref_slice %arg8[%dma_start3A_479, %dma_start3A_480] : memref<256x128xf32, #tpu.memory_space<vmem>> -> memref<8x128xf32, #tpu.memory_space<vmem>>
      tpu.enqueue_dma source(%dma_start3A_481 : memref<8x128xf32, #tpu.memory_space<vmem>>) target(%dma_start3A_478 : memref<8x128xf32, #tpu.memory_space<hbm>>) target_semaphore(%arg11 : memref<!tpu.dma_semaphore, #tpu.memory_space<semaphore_mem>>)
      %add3A_482 = arith.constant 2 : i32
      %add3A_483 = arith.addi %mul3A_173, %add3A_482 : i32
      %dma_start3A_484 = arith.constant 4 : i32
      %dma_start3A_485 = arith.constant 160 : i32
      %dma_start3A_486 = arith.constant 0 : i32
      %dma_start3A_487 = tpu.memref_slice %arg8[%dma_start3A_485, %dma_start3A_486] : memref<256x128xf32, #tpu.memory_space<vmem>> -> memref<8x128xf32, #tpu.memory_space<vmem>>
      %dma_start3A_488 = arith.constant 0 : i32
      %dma_start3A_489 = arith.constant 0 : i32
      %dma_start3A_490 = tpu.memref_slice %arg4[%select_n3A, %dma_start3A_484, %add3A_483, %dma_start3A_488, %dma_start3A_489] : memref<50x8x128x8x128xf32, #tpu.memory_space<hbm>> -> memref<1x1x1x8x128xf32, #tpu.memory_space<hbm>>
      %dma_start3A_491 = tpu.memref_squeeze %dma_start3A_490 : memref<1x1x1x8x128xf32, #tpu.memory_space<hbm>> -> memref<8x128xf32, #tpu.memory_space<hbm>>
      %dma_start3A_492 = arith.constant 0 : i32
      %dma_start3A_493 = arith.constant 0 : i32
      %dma_start3A_494 = tpu.memref_slice %arg4[%select_n3A, %dma_start3A_484, %add3A_483, %dma_start3A_492, %dma_start3A_493] : memref<50x8x128x8x128xf32, #tpu.memory_space<hbm>> -> memref<1x1x1x8x128xf32, #tpu.memory_space<hbm>>
      %dma_start3A_495 = tpu.memref_squeeze %dma_start3A_494 : memref<1x1x1x8x128xf32, #tpu.memory_space<hbm>> -> memref<8x128xf32, #tpu.memory_space<hbm>>
      %dma_start3A_496 = arith.constant 160 : i32
      %dma_start3A_497 = arith.constant 0 : i32
      %dma_start3A_498 = tpu.memref_slice %arg8[%dma_start3A_496, %dma_start3A_497] : memref<256x128xf32, #tpu.memory_space<vmem>> -> memref<8x128xf32, #tpu.memory_space<vmem>>
      tpu.enqueue_dma source(%dma_start3A_498 : memref<8x128xf32, #tpu.memory_space<vmem>>) target(%dma_start3A_495 : memref<8x128xf32, #tpu.memory_space<hbm>>) target_semaphore(%arg11 : memref<!tpu.dma_semaphore, #tpu.memory_space<semaphore_mem>>)
      %add3A_499 = arith.constant 3 : i32
      %add3A_500 = arith.addi %mul3A_173, %add3A_499 : i32
      %dma_start3A_501 = arith.constant 4 : i32
      %dma_start3A_502 = arith.constant 224 : i32
      %dma_start3A_503 = arith.constant 0 : i32
      %dma_start3A_504 = tpu.memref_slice %arg8[%dma_start3A_502, %dma_start3A_503] : memref<256x128xf32, #tpu.memory_space<vmem>> -> memref<8x128xf32, #tpu.memory_space<vmem>>
      %dma_start3A_505 = arith.constant 0 : i32
      %dma_start3A_506 = arith.constant 0 : i32
      %dma_start3A_507 = tpu.memref_slice %arg4[%select_n3A, %dma_start3A_501, %add3A_500, %dma_start3A_505, %dma_start3A_506] : memref<50x8x128x8x128xf32, #tpu.memory_space<hbm>> -> memref<1x1x1x8x128xf32, #tpu.memory_space<hbm>>
      %dma_start3A_508 = tpu.memref_squeeze %dma_start3A_507 : memref<1x1x1x8x128xf32, #tpu.memory_space<hbm>> -> memref<8x128xf32, #tpu.memory_space<hbm>>
      %dma_start3A_509 = arith.constant 0 : i32
      %dma_start3A_510 = arith.constant 0 : i32
      %dma_start3A_511 = tpu.memref_slice %arg4[%select_n3A, %dma_start3A_501, %add3A_500, %dma_start3A_509, %dma_start3A_510] : memref<50x8x128x8x128xf32, #tpu.memory_space<hbm>> -> memref<1x1x1x8x128xf32, #tpu.memory_space<hbm>>
      %dma_start3A_512 = tpu.memref_squeeze %dma_start3A_511 : memref<1x1x1x8x128xf32, #tpu.memory_space<hbm>> -> memref<8x128xf32, #tpu.memory_space<hbm>>
      %dma_start3A_513 = arith.constant 224 : i32
      %dma_start3A_514 = arith.constant 0 : i32
      %dma_start3A_515 = tpu.memref_slice %arg8[%dma_start3A_513, %dma_start3A_514] : memref<256x128xf32, #tpu.memory_space<vmem>> -> memref<8x128xf32, #tpu.memory_space<vmem>>
      tpu.enqueue_dma source(%dma_start3A_515 : memref<8x128xf32, #tpu.memory_space<vmem>>) target(%dma_start3A_512 : memref<8x128xf32, #tpu.memory_space<hbm>>) target_semaphore(%arg11 : memref<!tpu.dma_semaphore, #tpu.memory_space<semaphore_mem>>)
      %add3A_516 = arith.constant 0 : i32
      %add3A_517 = arith.addi %mul3A_173, %add3A_516 : i32
      %dma_start3A_518 = arith.constant 5 : i32
      %dma_start3A_519 = arith.constant 40 : i32
      %dma_start3A_520 = arith.constant 0 : i32
      %dma_start3A_521 = tpu.memref_slice %arg8[%dma_start3A_519, %dma_start3A_520] : memref<256x128xf32, #tpu.memory_space<vmem>> -> memref<8x128xf32, #tpu.memory_space<vmem>>
      %dma_start3A_522 = arith.constant 0 : i32
      %dma_start3A_523 = arith.constant 0 : i32
      %dma_start3A_524 = tpu.memref_slice %arg4[%select_n3A, %dma_start3A_518, %add3A_517, %dma_start3A_522, %dma_start3A_523] : memref<50x8x128x8x128xf32, #tpu.memory_space<hbm>> -> memref<1x1x1x8x128xf32, #tpu.memory_space<hbm>>
      %dma_start3A_525 = tpu.memref_squeeze %dma_start3A_524 : memref<1x1x1x8x128xf32, #tpu.memory_space<hbm>> -> memref<8x128xf32, #tpu.memory_space<hbm>>
      %dma_start3A_526 = arith.constant 0 : i32
      %dma_start3A_527 = arith.constant 0 : i32
      %dma_start3A_528 = tpu.memref_slice %arg4[%select_n3A, %dma_start3A_518, %add3A_517, %dma_start3A_526, %dma_start3A_527] : memref<50x8x128x8x128xf32, #tpu.memory_space<hbm>> -> memref<1x1x1x8x128xf32, #tpu.memory_space<hbm>>
      %dma_start3A_529 = tpu.memref_squeeze %dma_start3A_528 : memref<1x1x1x8x128xf32, #tpu.memory_space<hbm>> -> memref<8x128xf32, #tpu.memory_space<hbm>>
      %dma_start3A_530 = arith.constant 40 : i32
      %dma_start3A_531 = arith.constant 0 : i32
      %dma_start3A_532 = tpu.memref_slice %arg8[%dma_start3A_530, %dma_start3A_531] : memref<256x128xf32, #tpu.memory_space<vmem>> -> memref<8x128xf32, #tpu.memory_space<vmem>>
      tpu.enqueue_dma source(%dma_start3A_532 : memref<8x128xf32, #tpu.memory_space<vmem>>) target(%dma_start3A_529 : memref<8x128xf32, #tpu.memory_space<hbm>>) target_semaphore(%arg11 : memref<!tpu.dma_semaphore, #tpu.memory_space<semaphore_mem>>)
      %add3A_533 = arith.constant 1 : i32
      %add3A_534 = arith.addi %mul3A_173, %add3A_533 : i32
      %dma_start3A_535 = arith.constant 5 : i32
      %dma_start3A_536 = arith.constant 104 : i32
      %dma_start3A_537 = arith.constant 0 : i32
      %dma_start3A_538 = tpu.memref_slice %arg8[%dma_start3A_536, %dma_start3A_537] : memref<256x128xf32, #tpu.memory_space<vmem>> -> memref<8x128xf32, #tpu.memory_space<vmem>>
      %dma_start3A_539 = arith.constant 0 : i32
      %dma_start3A_540 = arith.constant 0 : i32
      %dma_start3A_541 = tpu.memref_slice %arg4[%select_n3A, %dma_start3A_535, %add3A_534, %dma_start3A_539, %dma_start3A_540] : memref<50x8x128x8x128xf32, #tpu.memory_space<hbm>> -> memref<1x1x1x8x128xf32, #tpu.memory_space<hbm>>
      %dma_start3A_542 = tpu.memref_squeeze %dma_start3A_541 : memref<1x1x1x8x128xf32, #tpu.memory_space<hbm>> -> memref<8x128xf32, #tpu.memory_space<hbm>>
      %dma_start3A_543 = arith.constant 0 : i32
      %dma_start3A_544 = arith.constant 0 : i32
      %dma_start3A_545 = tpu.memref_slice %arg4[%select_n3A, %dma_start3A_535, %add3A_534, %dma_start3A_543, %dma_start3A_544] : memref<50x8x128x8x128xf32, #tpu.memory_space<hbm>> -> memref<1x1x1x8x128xf32, #tpu.memory_space<hbm>>
      %dma_start3A_546 = tpu.memref_squeeze %dma_start3A_545 : memref<1x1x1x8x128xf32, #tpu.memory_space<hbm>> -> memref<8x128xf32, #tpu.memory_space<hbm>>
      %dma_start3A_547 = arith.constant 104 : i32
      %dma_start3A_548 = arith.constant 0 : i32
      %dma_start3A_549 = tpu.memref_slice %arg8[%dma_start3A_547, %dma_start3A_548] : memref<256x128xf32, #tpu.memory_space<vmem>> -> memref<8x128xf32, #tpu.memory_space<vmem>>
      tpu.enqueue_dma source(%dma_start3A_549 : memref<8x128xf32, #tpu.memory_space<vmem>>) target(%dma_start3A_546 : memref<8x128xf32, #tpu.memory_space<hbm>>) target_semaphore(%arg11 : memref<!tpu.dma_semaphore, #tpu.memory_space<semaphore_mem>>)
      %add3A_550 = arith.constant 2 : i32
      %add3A_551 = arith.addi %mul3A_173, %add3A_550 : i32
      %dma_start3A_552 = arith.constant 5 : i32
      %dma_start3A_553 = arith.constant 168 : i32
      %dma_start3A_554 = arith.constant 0 : i32
      %dma_start3A_555 = tpu.memref_slice %arg8[%dma_start3A_553, %dma_start3A_554] : memref<256x128xf32, #tpu.memory_space<vmem>> -> memref<8x128xf32, #tpu.memory_space<vmem>>
      %dma_start3A_556 = arith.constant 0 : i32
      %dma_start3A_557 = arith.constant 0 : i32
      %dma_start3A_558 = tpu.memref_slice %arg4[%select_n3A, %dma_start3A_552, %add3A_551, %dma_start3A_556, %dma_start3A_557] : memref<50x8x128x8x128xf32, #tpu.memory_space<hbm>> -> memref<1x1x1x8x128xf32, #tpu.memory_space<hbm>>
      %dma_start3A_559 = tpu.memref_squeeze %dma_start3A_558 : memref<1x1x1x8x128xf32, #tpu.memory_space<hbm>> -> memref<8x128xf32, #tpu.memory_space<hbm>>
      %dma_start3A_560 = arith.constant 0 : i32
      %dma_start3A_561 = arith.constant 0 : i32
      %dma_start3A_562 = tpu.memref_slice %arg4[%select_n3A, %dma_start3A_552, %add3A_551, %dma_start3A_560, %dma_start3A_561] : memref<50x8x128x8x128xf32, #tpu.memory_space<hbm>> -> memref<1x1x1x8x128xf32, #tpu.memory_space<hbm>>
      %dma_start3A_563 = tpu.memref_squeeze %dma_start3A_562 : memref<1x1x1x8x128xf32, #tpu.memory_space<hbm>> -> memref<8x128xf32, #tpu.memory_space<hbm>>
      %dma_start3A_564 = arith.constant 168 : i32
      %dma_start3A_565 = arith.constant 0 : i32
      %dma_start3A_566 = tpu.memref_slice %arg8[%dma_start3A_564, %dma_start3A_565] : memref<256x128xf32, #tpu.memory_space<vmem>> -> memref<8x128xf32, #tpu.memory_space<vmem>>
      tpu.enqueue_dma source(%dma_start3A_566 : memref<8x128xf32, #tpu.memory_space<vmem>>) target(%dma_start3A_563 : memref<8x128xf32, #tpu.memory_space<hbm>>) target_semaphore(%arg11 : memref<!tpu.dma_semaphore, #tpu.memory_space<semaphore_mem>>)
      %add3A_567 = arith.constant 3 : i32
      %add3A_568 = arith.addi %mul3A_173, %add3A_567 : i32
      %dma_start3A_569 = arith.constant 5 : i32
      %dma_start3A_570 = arith.constant 232 : i32
      %dma_start3A_571 = arith.constant 0 : i32
      %dma_start3A_572 = tpu.memref_slice %arg8[%dma_start3A_570, %dma_start3A_571] : memref<256x128xf32, #tpu.memory_space<vmem>> -> memref<8x128xf32, #tpu.memory_space<vmem>>
      %dma_start3A_573 = arith.constant 0 : i32
      %dma_start3A_574 = arith.constant 0 : i32
      %dma_start3A_575 = tpu.memref_slice %arg4[%select_n3A, %dma_start3A_569, %add3A_568, %dma_start3A_573, %dma_start3A_574] : memref<50x8x128x8x128xf32, #tpu.memory_space<hbm>> -> memref<1x1x1x8x128xf32, #tpu.memory_space<hbm>>
      %dma_start3A_576 = tpu.memref_squeeze %dma_start3A_575 : memref<1x1x1x8x128xf32, #tpu.memory_space<hbm>> -> memref<8x128xf32, #tpu.memory_space<hbm>>
      %dma_start3A_577 = arith.constant 0 : i32
      %dma_start3A_578 = arith.constant 0 : i32
      %dma_start3A_579 = tpu.memref_slice %arg4[%select_n3A, %dma_start3A_569, %add3A_568, %dma_start3A_577, %dma_start3A_578] : memref<50x8x128x8x128xf32, #tpu.memory_space<hbm>> -> memref<1x1x1x8x128xf32, #tpu.memory_space<hbm>>
      %dma_start3A_580 = tpu.memref_squeeze %dma_start3A_579 : memref<1x1x1x8x128xf32, #tpu.memory_space<hbm>> -> memref<8x128xf32, #tpu.memory_space<hbm>>
      %dma_start3A_581 = arith.constant 232 : i32
      %dma_start3A_582 = arith.constant 0 : i32
      %dma_start3A_583 = tpu.memref_slice %arg8[%dma_start3A_581, %dma_start3A_582] : memref<256x128xf32, #tpu.memory_space<vmem>> -> memref<8x128xf32, #tpu.memory_space<vmem>>
      tpu.enqueue_dma source(%dma_start3A_583 : memref<8x128xf32, #tpu.memory_space<vmem>>) target(%dma_start3A_580 : memref<8x128xf32, #tpu.memory_space<hbm>>) target_semaphore(%arg11 : memref<!tpu.dma_semaphore, #tpu.memory_space<semaphore_mem>>)
      %add3A_584 = arith.constant 0 : i32
      %add3A_585 = arith.addi %mul3A_173, %add3A_584 : i32
      %dma_start3A_586 = arith.constant 6 : i32
      %dma_start3A_587 = arith.constant 48 : i32
      %dma_start3A_588 = arith.constant 0 : i32
      %dma_start3A_589 = tpu.memref_slice %arg8[%dma_start3A_587, %dma_start3A_588] : memref<256x128xf32, #tpu.memory_space<vmem>> -> memref<8x128xf32, #tpu.memory_space<vmem>>
      %dma_start3A_590 = arith.constant 0 : i32
      %dma_start3A_591 = arith.constant 0 : i32
      %dma_start3A_592 = tpu.memref_slice %arg4[%select_n3A, %dma_start3A_586, %add3A_585, %dma_start3A_590, %dma_start3A_591] : memref<50x8x128x8x128xf32, #tpu.memory_space<hbm>> -> memref<1x1x1x8x128xf32, #tpu.memory_space<hbm>>
      %dma_start3A_593 = tpu.memref_squeeze %dma_start3A_592 : memref<1x1x1x8x128xf32, #tpu.memory_space<hbm>> -> memref<8x128xf32, #tpu.memory_space<hbm>>
      %dma_start3A_594 = arith.constant 0 : i32
      %dma_start3A_595 = arith.constant 0 : i32
      %dma_start3A_596 = tpu.memref_slice %arg4[%select_n3A, %dma_start3A_586, %add3A_585, %dma_start3A_594, %dma_start3A_595] : memref<50x8x128x8x128xf32, #tpu.memory_space<hbm>> -> memref<1x1x1x8x128xf32, #tpu.memory_space<hbm>>
      %dma_start3A_597 = tpu.memref_squeeze %dma_start3A_596 : memref<1x1x1x8x128xf32, #tpu.memory_space<hbm>> -> memref<8x128xf32, #tpu.memory_space<hbm>>
      %dma_start3A_598 = arith.constant 48 : i32
      %dma_start3A_599 = arith.constant 0 : i32
      %dma_start3A_600 = tpu.memref_slice %arg8[%dma_start3A_598, %dma_start3A_599] : memref<256x128xf32, #tpu.memory_space<vmem>> -> memref<8x128xf32, #tpu.memory_space<vmem>>
      tpu.enqueue_dma source(%dma_start3A_600 : memref<8x128xf32, #tpu.memory_space<vmem>>) target(%dma_start3A_597 : memref<8x128xf32, #tpu.memory_space<hbm>>) target_semaphore(%arg11 : memref<!tpu.dma_semaphore, #tpu.memory_space<semaphore_mem>>)
      %add3A_601 = arith.constant 1 : i32
      %add3A_602 = arith.addi %mul3A_173, %add3A_601 : i32
      %dma_start3A_603 = arith.constant 6 : i32
      %dma_start3A_604 = arith.constant 112 : i32
      %dma_start3A_605 = arith.constant 0 : i32
      %dma_start3A_606 = tpu.memref_slice %arg8[%dma_start3A_604, %dma_start3A_605] : memref<256x128xf32, #tpu.memory_space<vmem>> -> memref<8x128xf32, #tpu.memory_space<vmem>>
      %dma_start3A_607 = arith.constant 0 : i32
      %dma_start3A_608 = arith.constant 0 : i32
      %dma_start3A_609 = tpu.memref_slice %arg4[%select_n3A, %dma_start3A_603, %add3A_602, %dma_start3A_607, %dma_start3A_608] : memref<50x8x128x8x128xf32, #tpu.memory_space<hbm>> -> memref<1x1x1x8x128xf32, #tpu.memory_space<hbm>>
      %dma_start3A_610 = tpu.memref_squeeze %dma_start3A_609 : memref<1x1x1x8x128xf32, #tpu.memory_space<hbm>> -> memref<8x128xf32, #tpu.memory_space<hbm>>
      %dma_start3A_611 = arith.constant 0 : i32
      %dma_start3A_612 = arith.constant 0 : i32
      %dma_start3A_613 = tpu.memref_slice %arg4[%select_n3A, %dma_start3A_603, %add3A_602, %dma_start3A_611, %dma_start3A_612] : memref<50x8x128x8x128xf32, #tpu.memory_space<hbm>> -> memref<1x1x1x8x128xf32, #tpu.memory_space<hbm>>
      %dma_start3A_614 = tpu.memref_squeeze %dma_start3A_613 : memref<1x1x1x8x128xf32, #tpu.memory_space<hbm>> -> memref<8x128xf32, #tpu.memory_space<hbm>>
      %dma_start3A_615 = arith.constant 112 : i32
      %dma_start3A_616 = arith.constant 0 : i32
      %dma_start3A_617 = tpu.memref_slice %arg8[%dma_start3A_615, %dma_start3A_616] : memref<256x128xf32, #tpu.memory_space<vmem>> -> memref<8x128xf32, #tpu.memory_space<vmem>>
      tpu.enqueue_dma source(%dma_start3A_617 : memref<8x128xf32, #tpu.memory_space<vmem>>) target(%dma_start3A_614 : memref<8x128xf32, #tpu.memory_space<hbm>>) target_semaphore(%arg11 : memref<!tpu.dma_semaphore, #tpu.memory_space<semaphore_mem>>)
      %add3A_618 = arith.constant 2 : i32
      %add3A_619 = arith.addi %mul3A_173, %add3A_618 : i32
      %dma_start3A_620 = arith.constant 6 : i32
      %dma_start3A_621 = arith.constant 176 : i32
      %dma_start3A_622 = arith.constant 0 : i32
      %dma_start3A_623 = tpu.memref_slice %arg8[%dma_start3A_621, %dma_start3A_622] : memref<256x128xf32, #tpu.memory_space<vmem>> -> memref<8x128xf32, #tpu.memory_space<vmem>>
      %dma_start3A_624 = arith.constant 0 : i32
      %dma_start3A_625 = arith.constant 0 : i32
      %dma_start3A_626 = tpu.memref_slice %arg4[%select_n3A, %dma_start3A_620, %add3A_619, %dma_start3A_624, %dma_start3A_625] : memref<50x8x128x8x128xf32, #tpu.memory_space<hbm>> -> memref<1x1x1x8x128xf32, #tpu.memory_space<hbm>>
      %dma_start3A_627 = tpu.memref_squeeze %dma_start3A_626 : memref<1x1x1x8x128xf32, #tpu.memory_space<hbm>> -> memref<8x128xf32, #tpu.memory_space<hbm>>
      %dma_start3A_628 = arith.constant 0 : i32
      %dma_start3A_629 = arith.constant 0 : i32
      %dma_start3A_630 = tpu.memref_slice %arg4[%select_n3A, %dma_start3A_620, %add3A_619, %dma_start3A_628, %dma_start3A_629] : memref<50x8x128x8x128xf32, #tpu.memory_space<hbm>> -> memref<1x1x1x8x128xf32, #tpu.memory_space<hbm>>
      %dma_start3A_631 = tpu.memref_squeeze %dma_start3A_630 : memref<1x1x1x8x128xf32, #tpu.memory_space<hbm>> -> memref<8x128xf32, #tpu.memory_space<hbm>>
      %dma_start3A_632 = arith.constant 176 : i32
      %dma_start3A_633 = arith.constant 0 : i32
      %dma_start3A_634 = tpu.memref_slice %arg8[%dma_start3A_632, %dma_start3A_633] : memref<256x128xf32, #tpu.memory_space<vmem>> -> memref<8x128xf32, #tpu.memory_space<vmem>>
      tpu.enqueue_dma source(%dma_start3A_634 : memref<8x128xf32, #tpu.memory_space<vmem>>) target(%dma_start3A_631 : memref<8x128xf32, #tpu.memory_space<hbm>>) target_semaphore(%arg11 : memref<!tpu.dma_semaphore, #tpu.memory_space<semaphore_mem>>)
      %add3A_635 = arith.constant 3 : i32
      %add3A_636 = arith.addi %mul3A_173, %add3A_635 : i32
      %dma_start3A_637 = arith.constant 6 : i32
      %dma_start3A_638 = arith.constant 240 : i32
      %dma_start3A_639 = arith.constant 0 : i32
      %dma_start3A_640 = tpu.memref_slice %arg8[%dma_start3A_638, %dma_start3A_639] : memref<256x128xf32, #tpu.memory_space<vmem>> -> memref<8x128xf32, #tpu.memory_space<vmem>>
      %dma_start3A_641 = arith.constant 0 : i32
      %dma_start3A_642 = arith.constant 0 : i32
      %dma_start3A_643 = tpu.memref_slice %arg4[%select_n3A, %dma_start3A_637, %add3A_636, %dma_start3A_641, %dma_start3A_642] : memref<50x8x128x8x128xf32, #tpu.memory_space<hbm>> -> memref<1x1x1x8x128xf32, #tpu.memory_space<hbm>>
      %dma_start3A_644 = tpu.memref_squeeze %dma_start3A_643 : memref<1x1x1x8x128xf32, #tpu.memory_space<hbm>> -> memref<8x128xf32, #tpu.memory_space<hbm>>
      %dma_start3A_645 = arith.constant 0 : i32
      %dma_start3A_646 = arith.constant 0 : i32
      %dma_start3A_647 = tpu.memref_slice %arg4[%select_n3A, %dma_start3A_637, %add3A_636, %dma_start3A_645, %dma_start3A_646] : memref<50x8x128x8x128xf32, #tpu.memory_space<hbm>> -> memref<1x1x1x8x128xf32, #tpu.memory_space<hbm>>
      %dma_start3A_648 = tpu.memref_squeeze %dma_start3A_647 : memref<1x1x1x8x128xf32, #tpu.memory_space<hbm>> -> memref<8x128xf32, #tpu.memory_space<hbm>>
      %dma_start3A_649 = arith.constant 240 : i32
      %dma_start3A_650 = arith.constant 0 : i32
      %dma_start3A_651 = tpu.memref_slice %arg8[%dma_start3A_649, %dma_start3A_650] : memref<256x128xf32, #tpu.memory_space<vmem>> -> memref<8x128xf32, #tpu.memory_space<vmem>>
      tpu.enqueue_dma source(%dma_start3A_651 : memref<8x128xf32, #tpu.memory_space<vmem>>) target(%dma_start3A_648 : memref<8x128xf32, #tpu.memory_space<hbm>>) target_semaphore(%arg11 : memref<!tpu.dma_semaphore, #tpu.memory_space<semaphore_mem>>)
      %add3A_652 = arith.constant 0 : i32
      %add3A_653 = arith.addi %mul3A_173, %add3A_652 : i32
      %dma_start3A_654 = arith.constant 7 : i32
      %dma_start3A_655 = arith.constant 56 : i32
      %dma_start3A_656 = arith.constant 0 : i32
      %dma_start3A_657 = tpu.memref_slice %arg8[%dma_start3A_655, %dma_start3A_656] : memref<256x128xf32, #tpu.memory_space<vmem>> -> memref<8x128xf32, #tpu.memory_space<vmem>>
      %dma_start3A_658 = arith.constant 0 : i32
      %dma_start3A_659 = arith.constant 0 : i32
      %dma_start3A_660 = tpu.memref_slice %arg4[%select_n3A, %dma_start3A_654, %add3A_653, %dma_start3A_658, %dma_start3A_659] : memref<50x8x128x8x128xf32, #tpu.memory_space<hbm>> -> memref<1x1x1x8x128xf32, #tpu.memory_space<hbm>>
      %dma_start3A_661 = tpu.memref_squeeze %dma_start3A_660 : memref<1x1x1x8x128xf32, #tpu.memory_space<hbm>> -> memref<8x128xf32, #tpu.memory_space<hbm>>
      %dma_start3A_662 = arith.constant 0 : i32
      %dma_start3A_663 = arith.constant 0 : i32
      %dma_start3A_664 = tpu.memref_slice %arg4[%select_n3A, %dma_start3A_654, %add3A_653, %dma_start3A_662, %dma_start3A_663] : memref<50x8x128x8x128xf32, #tpu.memory_space<hbm>> -> memref<1x1x1x8x128xf32, #tpu.memory_space<hbm>>
      %dma_start3A_665 = tpu.memref_squeeze %dma_start3A_664 : memref<1x1x1x8x128xf32, #tpu.memory_space<hbm>> -> memref<8x128xf32, #tpu.memory_space<hbm>>
      %dma_start3A_666 = arith.constant 56 : i32
      %dma_start3A_667 = arith.constant 0 : i32
      %dma_start3A_668 = tpu.memref_slice %arg8[%dma_start3A_666, %dma_start3A_667] : memref<256x128xf32, #tpu.memory_space<vmem>> -> memref<8x128xf32, #tpu.memory_space<vmem>>
      tpu.enqueue_dma source(%dma_start3A_668 : memref<8x128xf32, #tpu.memory_space<vmem>>) target(%dma_start3A_665 : memref<8x128xf32, #tpu.memory_space<hbm>>) target_semaphore(%arg11 : memref<!tpu.dma_semaphore, #tpu.memory_space<semaphore_mem>>)
      %add3A_669 = arith.constant 1 : i32
      %add3A_670 = arith.addi %mul3A_173, %add3A_669 : i32
      %dma_start3A_671 = arith.constant 7 : i32
      %dma_start3A_672 = arith.constant 120 : i32
      %dma_start3A_673 = arith.constant 0 : i32
      %dma_start3A_674 = tpu.memref_slice %arg8[%dma_start3A_672, %dma_start3A_673] : memref<256x128xf32, #tpu.memory_space<vmem>> -> memref<8x128xf32, #tpu.memory_space<vmem>>
      %dma_start3A_675 = arith.constant 0 : i32
      %dma_start3A_676 = arith.constant 0 : i32
      %dma_start3A_677 = tpu.memref_slice %arg4[%select_n3A, %dma_start3A_671, %add3A_670, %dma_start3A_675, %dma_start3A_676] : memref<50x8x128x8x128xf32, #tpu.memory_space<hbm>> -> memref<1x1x1x8x128xf32, #tpu.memory_space<hbm>>
      %dma_start3A_678 = tpu.memref_squeeze %dma_start3A_677 : memref<1x1x1x8x128xf32, #tpu.memory_space<hbm>> -> memref<8x128xf32, #tpu.memory_space<hbm>>
      %dma_start3A_679 = arith.constant 0 : i32
      %dma_start3A_680 = arith.constant 0 : i32
      %dma_start3A_681 = tpu.memref_slice %arg4[%select_n3A, %dma_start3A_671, %add3A_670, %dma_start3A_679, %dma_start3A_680] : memref<50x8x128x8x128xf32, #tpu.memory_space<hbm>> -> memref<1x1x1x8x128xf32, #tpu.memory_space<hbm>>
      %dma_start3A_682 = tpu.memref_squeeze %dma_start3A_681 : memref<1x1x1x8x128xf32, #tpu.memory_space<hbm>> -> memref<8x128xf32, #tpu.memory_space<hbm>>
      %dma_start3A_683 = arith.constant 120 : i32
      %dma_start3A_684 = arith.constant 0 : i32
      %dma_start3A_685 = tpu.memref_slice %arg8[%dma_start3A_683, %dma_start3A_684] : memref<256x128xf32, #tpu.memory_space<vmem>> -> memref<8x128xf32, #tpu.memory_space<vmem>>
      tpu.enqueue_dma source(%dma_start3A_685 : memref<8x128xf32, #tpu.memory_space<vmem>>) target(%dma_start3A_682 : memref<8x128xf32, #tpu.memory_space<hbm>>) target_semaphore(%arg11 : memref<!tpu.dma_semaphore, #tpu.memory_space<semaphore_mem>>)
      %add3A_686 = arith.constant 2 : i32
      %add3A_687 = arith.addi %mul3A_173, %add3A_686 : i32
      %dma_start3A_688 = arith.constant 7 : i32
      %dma_start3A_689 = arith.constant 184 : i32
      %dma_start3A_690 = arith.constant 0 : i32
      %dma_start3A_691 = tpu.memref_slice %arg8[%dma_start3A_689, %dma_start3A_690] : memref<256x128xf32, #tpu.memory_space<vmem>> -> memref<8x128xf32, #tpu.memory_space<vmem>>
      %dma_start3A_692 = arith.constant 0 : i32
      %dma_start3A_693 = arith.constant 0 : i32
      %dma_start3A_694 = tpu.memref_slice %arg4[%select_n3A, %dma_start3A_688, %add3A_687, %dma_start3A_692, %dma_start3A_693] : memref<50x8x128x8x128xf32, #tpu.memory_space<hbm>> -> memref<1x1x1x8x128xf32, #tpu.memory_space<hbm>>
      %dma_start3A_695 = tpu.memref_squeeze %dma_start3A_694 : memref<1x1x1x8x128xf32, #tpu.memory_space<hbm>> -> memref<8x128xf32, #tpu.memory_space<hbm>>
      %dma_start3A_696 = arith.constant 0 : i32
      %dma_start3A_697 = arith.constant 0 : i32
      %dma_start3A_698 = tpu.memref_slice %arg4[%select_n3A, %dma_start3A_688, %add3A_687, %dma_start3A_696, %dma_start3A_697] : memref<50x8x128x8x128xf32, #tpu.memory_space<hbm>> -> memref<1x1x1x8x128xf32, #tpu.memory_space<hbm>>
      %dma_start3A_699 = tpu.memref_squeeze %dma_start3A_698 : memref<1x1x1x8x128xf32, #tpu.memory_space<hbm>> -> memref<8x128xf32, #tpu.memory_space<hbm>>
      %dma_start3A_700 = arith.constant 184 : i32
      %dma_start3A_701 = arith.constant 0 : i32
      %dma_start3A_702 = tpu.memref_slice %arg8[%dma_start3A_700, %dma_start3A_701] : memref<256x128xf32, #tpu.memory_space<vmem>> -> memref<8x128xf32, #tpu.memory_space<vmem>>
      tpu.enqueue_dma source(%dma_start3A_702 : memref<8x128xf32, #tpu.memory_space<vmem>>) target(%dma_start3A_699 : memref<8x128xf32, #tpu.memory_space<hbm>>) target_semaphore(%arg11 : memref<!tpu.dma_semaphore, #tpu.memory_space<semaphore_mem>>)
      %add3A_703 = arith.constant 3 : i32
      %add3A_704 = arith.addi %mul3A_173, %add3A_703 : i32
      %dma_start3A_705 = arith.constant 7 : i32
      %dma_start3A_706 = arith.constant 248 : i32
      %dma_start3A_707 = arith.constant 0 : i32
      %dma_start3A_708 = tpu.memref_slice %arg8[%dma_start3A_706, %dma_start3A_707] : memref<256x128xf32, #tpu.memory_space<vmem>> -> memref<8x128xf32, #tpu.memory_space<vmem>>
      %dma_start3A_709 = arith.constant 0 : i32
      %dma_start3A_710 = arith.constant 0 : i32
      %dma_start3A_711 = tpu.memref_slice %arg4[%select_n3A, %dma_start3A_705, %add3A_704, %dma_start3A_709, %dma_start3A_710] : memref<50x8x128x8x128xf32, #tpu.memory_space<hbm>> -> memref<1x1x1x8x128xf32, #tpu.memory_space<hbm>>
      %dma_start3A_712 = tpu.memref_squeeze %dma_start3A_711 : memref<1x1x1x8x128xf32, #tpu.memory_space<hbm>> -> memref<8x128xf32, #tpu.memory_space<hbm>>
      %dma_start3A_713 = arith.constant 0 : i32
      %dma_start3A_714 = arith.constant 0 : i32
      %dma_start3A_715 = tpu.memref_slice %arg4[%select_n3A, %dma_start3A_705, %add3A_704, %dma_start3A_713, %dma_start3A_714] : memref<50x8x128x8x128xf32, #tpu.memory_space<hbm>> -> memref<1x1x1x8x128xf32, #tpu.memory_space<hbm>>
      %dma_start3A_716 = tpu.memref_squeeze %dma_start3A_715 : memref<1x1x1x8x128xf32, #tpu.memory_space<hbm>> -> memref<8x128xf32, #tpu.memory_space<hbm>>
      %dma_start3A_717 = arith.constant 248 : i32
      %dma_start3A_718 = arith.constant 0 : i32
      %dma_start3A_719 = tpu.memref_slice %arg8[%dma_start3A_717, %dma_start3A_718] : memref<256x128xf32, #tpu.memory_space<vmem>> -> memref<8x128xf32, #tpu.memory_space<vmem>>
      tpu.enqueue_dma source(%dma_start3A_719 : memref<8x128xf32, #tpu.memory_space<vmem>>) target(%dma_start3A_716 : memref<8x128xf32, #tpu.memory_space<hbm>>) target_semaphore(%arg11 : memref<!tpu.dma_semaphore, #tpu.memory_space<semaphore_mem>>)
      %add3A_720 = arith.constant 1 : i32
      %add3A_721 = arith.addi %add3A_73, %add3A_720 : i32
      %add3A_722 = arith.constant 1 : i32
      %add3A_723 = arith.addi %add3A_721, %add3A_722 : i32
      %lt3A_724 = arith.cmpi slt, %add3A_723, %add3A_4 : i32
      %convert_element_type3A_725 = arith.extui %lt3A_724 : i1 to i32
      %cond3A_726 = arith.constant 0 : i32
      %cond3A_727 = arith.cmpi ne, %convert_element_type3A_725, %cond3A_726 : i32
      scf.if %cond3A_727 {
        %add3A_1380 = arith.constant 1 : i32
        %add3A_1381 = arith.addi %add3A_721, %add3A_1380 : i32
        %sub3A_1382 = arith.subi %add3A_1381, %mul3A_2 : i32
        %mul3A_1383 = arith.constant 4 : i32
        %mul3A_1384 = arith.muli %sub3A_1382, %mul3A_1383 : i32
        %add3A_1385 = arith.constant 0 : i32
        %add3A_1386 = arith.addi %mul3A_1384, %add3A_1385 : i32
        %dma_start3A_1387 = arith.constant 0 : i32
        %dma_start3A_1388 = arith.constant 0 : i32
        %dma_start3A_1389 = arith.constant 0 : i32
        %dma_start3A_1390 = arith.constant 0 : i32
        %dma_start3A_1391 = tpu.memref_slice %arg7[%dma_start3A_1387, %dma_start3A_1388, %dma_start3A_1389, %dma_start3A_1390] : memref<2x4x128x64xf32, #tpu.memory_space<vmem>> -> memref<1x1x128x64xf32, #tpu.memory_space<vmem>>
        %dma_start3A_1392 = tpu.memref_squeeze %dma_start3A_1391 : memref<1x1x128x64xf32, #tpu.memory_space<vmem>> -> memref<128x64xf32, #tpu.memory_space<vmem>>
        %dma_start3A_1393 = arith.constant 0 : i32
        %dma_start3A_1394 = tpu.memref_slice %arg6[%add3A_1386, %dma_start3A_1393] : memref<200x128xi32, #tpu.memory_space<vmem>> -> memref<1x128xi32, #tpu.memory_space<vmem>>
        %dma_start3A_1395 = tpu.memref_squeeze %dma_start3A_1394 : memref<1x128xi32, #tpu.memory_space<vmem>> -> memref<128xi32, #tpu.memory_space<vmem>>
        %dma_start3A_1396 = arith.constant 0 : i32
        %dma_start3A_1397 = arith.constant 0 : i32
        %dma_start3A_1398 = tpu.memref_slice %arg3[%dma_start3A_1396, %dma_start3A_1397] : memref<100000x64xf32, #tpu.memory_space<hbm>> -> memref<100000x64xf32, #tpu.memory_space<hbm>>
        tpu.enqueue_indirect_dma source(%dma_start3A_1398 : memref<100000x64xf32, #tpu.memory_space<hbm>>) target(%dma_start3A_1392 : memref<128x64xf32, #tpu.memory_space<vmem>>) offsets(%dma_start3A_1395 : memref<128xi32, #tpu.memory_space<vmem>>) semaphore(%arg9 : memref<!tpu.dma_semaphore, #tpu.memory_space<semaphore_mem>>)
        %add3A_1399 = arith.constant 1 : i32
        %add3A_1400 = arith.addi %mul3A_1384, %add3A_1399 : i32
        %dma_start3A_1401 = arith.constant 0 : i32
        %dma_start3A_1402 = arith.constant 1 : i32
        %dma_start3A_1403 = arith.constant 0 : i32
        %dma_start3A_1404 = arith.constant 0 : i32
        %dma_start3A_1405 = tpu.memref_slice %arg7[%dma_start3A_1401, %dma_start3A_1402, %dma_start3A_1403, %dma_start3A_1404] : memref<2x4x128x64xf32, #tpu.memory_space<vmem>> -> memref<1x1x128x64xf32, #tpu.memory_space<vmem>>
        %dma_start3A_1406 = tpu.memref_squeeze %dma_start3A_1405 : memref<1x1x128x64xf32, #tpu.memory_space<vmem>> -> memref<128x64xf32, #tpu.memory_space<vmem>>
        %dma_start3A_1407 = arith.constant 0 : i32
        %dma_start3A_1408 = tpu.memref_slice %arg6[%add3A_1400, %dma_start3A_1407] : memref<200x128xi32, #tpu.memory_space<vmem>> -> memref<1x128xi32, #tpu.memory_space<vmem>>
        %dma_start3A_1409 = tpu.memref_squeeze %dma_start3A_1408 : memref<1x128xi32, #tpu.memory_space<vmem>> -> memref<128xi32, #tpu.memory_space<vmem>>
        %dma_start3A_1410 = arith.constant 0 : i32
        %dma_start3A_1411 = arith.constant 0 : i32
        %dma_start3A_1412 = tpu.memref_slice %arg3[%dma_start3A_1410, %dma_start3A_1411] : memref<100000x64xf32, #tpu.memory_space<hbm>> -> memref<100000x64xf32, #tpu.memory_space<hbm>>
        tpu.enqueue_indirect_dma source(%dma_start3A_1412 : memref<100000x64xf32, #tpu.memory_space<hbm>>) target(%dma_start3A_1406 : memref<128x64xf32, #tpu.memory_space<vmem>>) offsets(%dma_start3A_1409 : memref<128xi32, #tpu.memory_space<vmem>>) semaphore(%arg9 : memref<!tpu.dma_semaphore, #tpu.memory_space<semaphore_mem>>)
        %add3A_1413 = arith.constant 2 : i32
        %add3A_1414 = arith.addi %mul3A_1384, %add3A_1413 : i32
        %dma_start3A_1415 = arith.constant 0 : i32
        %dma_start3A_1416 = arith.constant 2 : i32
        %dma_start3A_1417 = arith.constant 0 : i32
        %dma_start3A_1418 = arith.constant 0 : i32
        %dma_start3A_1419 = tpu.memref_slice %arg7[%dma_start3A_1415, %dma_start3A_1416, %dma_start3A_1417, %dma_start3A_1418] : memref<2x4x128x64xf32, #tpu.memory_space<vmem>> -> memref<1x1x128x64xf32, #tpu.memory_space<vmem>>
        %dma_start3A_1420 = tpu.memref_squeeze %dma_start3A_1419 : memref<1x1x128x64xf32, #tpu.memory_space<vmem>> -> memref<128x64xf32, #tpu.memory_space<vmem>>
        %dma_start3A_1421 = arith.constant 0 : i32
        %dma_start3A_1422 = tpu.memref_slice %arg6[%add3A_1414, %dma_start3A_1421] : memref<200x128xi32, #tpu.memory_space<vmem>> -> memref<1x128xi32, #tpu.memory_space<vmem>>
        %dma_start3A_1423 = tpu.memref_squeeze %dma_start3A_1422 : memref<1x128xi32, #tpu.memory_space<vmem>> -> memref<128xi32, #tpu.memory_space<vmem>>
        %dma_start3A_1424 = arith.constant 0 : i32
        %dma_start3A_1425 = arith.constant 0 : i32
        %dma_start3A_1426 = tpu.memref_slice %arg3[%dma_start3A_1424, %dma_start3A_1425] : memref<100000x64xf32, #tpu.memory_space<hbm>> -> memref<100000x64xf32, #tpu.memory_space<hbm>>
        tpu.enqueue_indirect_dma source(%dma_start3A_1426 : memref<100000x64xf32, #tpu.memory_space<hbm>>) target(%dma_start3A_1420 : memref<128x64xf32, #tpu.memory_space<vmem>>) offsets(%dma_start3A_1423 : memref<128xi32, #tpu.memory_space<vmem>>) semaphore(%arg9 : memref<!tpu.dma_semaphore, #tpu.memory_space<semaphore_mem>>)
        %add3A_1427 = arith.constant 3 : i32
        %add3A_1428 = arith.addi %mul3A_1384, %add3A_1427 : i32
        %dma_start3A_1429 = arith.constant 0 : i32
        %dma_start3A_1430 = arith.constant 3 : i32
        %dma_start3A_1431 = arith.constant 0 : i32
        %dma_start3A_1432 = arith.constant 0 : i32
        %dma_start3A_1433 = tpu.memref_slice %arg7[%dma_start3A_1429, %dma_start3A_1430, %dma_start3A_1431, %dma_start3A_1432] : memref<2x4x128x64xf32, #tpu.memory_space<vmem>> -> memref<1x1x128x64xf32, #tpu.memory_space<vmem>>
        %dma_start3A_1434 = tpu.memref_squeeze %dma_start3A_1433 : memref<1x1x128x64xf32, #tpu.memory_space<vmem>> -> memref<128x64xf32, #tpu.memory_space<vmem>>
        %dma_start3A_1435 = arith.constant 0 : i32
        %dma_start3A_1436 = tpu.memref_slice %arg6[%add3A_1428, %dma_start3A_1435] : memref<200x128xi32, #tpu.memory_space<vmem>> -> memref<1x128xi32, #tpu.memory_space<vmem>>
        %dma_start3A_1437 = tpu.memref_squeeze %dma_start3A_1436 : memref<1x128xi32, #tpu.memory_space<vmem>> -> memref<128xi32, #tpu.memory_space<vmem>>
        %dma_start3A_1438 = arith.constant 0 : i32
        %dma_start3A_1439 = arith.constant 0 : i32
        %dma_start3A_1440 = tpu.memref_slice %arg3[%dma_start3A_1438, %dma_start3A_1439] : memref<100000x64xf32, #tpu.memory_space<hbm>> -> memref<100000x64xf32, #tpu.memory_space<hbm>>
        tpu.enqueue_indirect_dma source(%dma_start3A_1440 : memref<100000x64xf32, #tpu.memory_space<hbm>>) target(%dma_start3A_1434 : memref<128x64xf32, #tpu.memory_space<vmem>>) offsets(%dma_start3A_1437 : memref<128xi32, #tpu.memory_space<vmem>>) semaphore(%arg9 : memref<!tpu.dma_semaphore, #tpu.memory_space<semaphore_mem>>)
      } else {
      }
      %gt3A_728 = arith.cmpi sgt, %add3A_721, %mul3A_2 : i32
      %convert_element_type3A_729 = arith.extui %gt3A_728 : i1 to i32
      %cond3A_730 = arith.constant 0 : i32
      %cond3A_731 = arith.cmpi ne, %convert_element_type3A_729, %cond3A_730 : i32
      scf.if %cond3A_731 {
        tpu.wait_dma2 semaphore(%arg11 : memref<!tpu.dma_semaphore, #tpu.memory_space<semaphore_mem>>) src(%arg5 : memref<256x128xf32, #tpu.memory_space<hbm>>) dst(%arg8 : memref<256x128xf32, #tpu.memory_space<vmem>>)
      } else {
      }
      %sub3A_732 = arith.subi %add3A_721, %mul3A_2 : i32
      %mul3A_733 = arith.constant 4 : i32
      %mul3A_734 = arith.muli %sub3A_732, %mul3A_733 : i32
      %add3A_735 = arith.constant 0 : i32
      %add3A_736 = arith.addi %mul3A_734, %add3A_735 : i32
      %dma_wait3A_737 = arith.constant 1 : i32
      %dma_wait3A_738 = arith.constant 0 : i32
      %dma_wait3A_739 = arith.constant 0 : i32
      %dma_wait3A_740 = arith.constant 0 : i32
      %dma_wait3A_741 = tpu.memref_slice %arg7[%dma_wait3A_737, %dma_wait3A_738, %dma_wait3A_739, %dma_wait3A_740] : memref<2x4x128x64xf32, #tpu.memory_space<vmem>> -> memref<1x1x128x64xf32, #tpu.memory_space<vmem>>
      %dma_wait3A_742 = tpu.memref_squeeze %dma_wait3A_741 : memref<1x1x128x64xf32, #tpu.memory_space<vmem>> -> memref<128x64xf32, #tpu.memory_space<vmem>>
      %dma_wait3A_743 = arith.constant 0 : i32
      %dma_wait3A_744 = tpu.memref_slice %arg6[%add3A_736, %dma_wait3A_743] : memref<200x128xi32, #tpu.memory_space<vmem>> -> memref<1x128xi32, #tpu.memory_space<vmem>>
      %dma_wait3A_745 = tpu.memref_squeeze %dma_wait3A_744 : memref<1x128xi32, #tpu.memory_space<vmem>> -> memref<128xi32, #tpu.memory_space<vmem>>
      %dma_wait3A_746 = arith.constant 0 : i32
      %dma_wait3A_747 = arith.constant 0 : i32
      %dma_wait3A_748 = tpu.memref_slice %arg3[%dma_wait3A_746, %dma_wait3A_747] : memref<100000x64xf32, #tpu.memory_space<hbm>> -> memref<100000x64xf32, #tpu.memory_space<hbm>>
      tpu.wait_indirect_dma semaphore(%arg10 : memref<!tpu.dma_semaphore, #tpu.memory_space<semaphore_mem>>) src(%dma_wait3A_748 : memref<100000x64xf32, #tpu.memory_space<hbm>>) dst(%dma_wait3A_742 : memref<128x64xf32, #tpu.memory_space<vmem>>)
      %add3A_749 = arith.constant 1 : i32
      %add3A_750 = arith.addi %mul3A_734, %add3A_749 : i32
      %dma_wait3A_751 = arith.constant 1 : i32
      %dma_wait3A_752 = arith.constant 1 : i32
      %dma_wait3A_753 = arith.constant 0 : i32
      %dma_wait3A_754 = arith.constant 0 : i32
      %dma_wait3A_755 = tpu.memref_slice %arg7[%dma_wait3A_751, %dma_wait3A_752, %dma_wait3A_753, %dma_wait3A_754] : memref<2x4x128x64xf32, #tpu.memory_space<vmem>> -> memref<1x1x128x64xf32, #tpu.memory_space<vmem>>
      %dma_wait3A_756 = tpu.memref_squeeze %dma_wait3A_755 : memref<1x1x128x64xf32, #tpu.memory_space<vmem>> -> memref<128x64xf32, #tpu.memory_space<vmem>>
      %dma_wait3A_757 = arith.constant 0 : i32
      %dma_wait3A_758 = tpu.memref_slice %arg6[%add3A_750, %dma_wait3A_757] : memref<200x128xi32, #tpu.memory_space<vmem>> -> memref<1x128xi32, #tpu.memory_space<vmem>>
      %dma_wait3A_759 = tpu.memref_squeeze %dma_wait3A_758 : memref<1x128xi32, #tpu.memory_space<vmem>> -> memref<128xi32, #tpu.memory_space<vmem>>
      %dma_wait3A_760 = arith.constant 0 : i32
      %dma_wait3A_761 = arith.constant 0 : i32
      %dma_wait3A_762 = tpu.memref_slice %arg3[%dma_wait3A_760, %dma_wait3A_761] : memref<100000x64xf32, #tpu.memory_space<hbm>> -> memref<100000x64xf32, #tpu.memory_space<hbm>>
      tpu.wait_indirect_dma semaphore(%arg10 : memref<!tpu.dma_semaphore, #tpu.memory_space<semaphore_mem>>) src(%dma_wait3A_762 : memref<100000x64xf32, #tpu.memory_space<hbm>>) dst(%dma_wait3A_756 : memref<128x64xf32, #tpu.memory_space<vmem>>)
      %add3A_763 = arith.constant 2 : i32
      %add3A_764 = arith.addi %mul3A_734, %add3A_763 : i32
      %dma_wait3A_765 = arith.constant 1 : i32
      %dma_wait3A_766 = arith.constant 2 : i32
      %dma_wait3A_767 = arith.constant 0 : i32
      %dma_wait3A_768 = arith.constant 0 : i32
      %dma_wait3A_769 = tpu.memref_slice %arg7[%dma_wait3A_765, %dma_wait3A_766, %dma_wait3A_767, %dma_wait3A_768] : memref<2x4x128x64xf32, #tpu.memory_space<vmem>> -> memref<1x1x128x64xf32, #tpu.memory_space<vmem>>
      %dma_wait3A_770 = tpu.memref_squeeze %dma_wait3A_769 : memref<1x1x128x64xf32, #tpu.memory_space<vmem>> -> memref<128x64xf32, #tpu.memory_space<vmem>>
      %dma_wait3A_771 = arith.constant 0 : i32
      %dma_wait3A_772 = tpu.memref_slice %arg6[%add3A_764, %dma_wait3A_771] : memref<200x128xi32, #tpu.memory_space<vmem>> -> memref<1x128xi32, #tpu.memory_space<vmem>>
      %dma_wait3A_773 = tpu.memref_squeeze %dma_wait3A_772 : memref<1x128xi32, #tpu.memory_space<vmem>> -> memref<128xi32, #tpu.memory_space<vmem>>
      %dma_wait3A_774 = arith.constant 0 : i32
      %dma_wait3A_775 = arith.constant 0 : i32
      %dma_wait3A_776 = tpu.memref_slice %arg3[%dma_wait3A_774, %dma_wait3A_775] : memref<100000x64xf32, #tpu.memory_space<hbm>> -> memref<100000x64xf32, #tpu.memory_space<hbm>>
      tpu.wait_indirect_dma semaphore(%arg10 : memref<!tpu.dma_semaphore, #tpu.memory_space<semaphore_mem>>) src(%dma_wait3A_776 : memref<100000x64xf32, #tpu.memory_space<hbm>>) dst(%dma_wait3A_770 : memref<128x64xf32, #tpu.memory_space<vmem>>)
      %add3A_777 = arith.constant 3 : i32
      %add3A_778 = arith.addi %mul3A_734, %add3A_777 : i32
      %dma_wait3A_779 = arith.constant 1 : i32
      %dma_wait3A_780 = arith.constant 3 : i32
      %dma_wait3A_781 = arith.constant 0 : i32
      %dma_wait3A_782 = arith.constant 0 : i32
      %dma_wait3A_783 = tpu.memref_slice %arg7[%dma_wait3A_779, %dma_wait3A_780, %dma_wait3A_781, %dma_wait3A_782] : memref<2x4x128x64xf32, #tpu.memory_space<vmem>> -> memref<1x1x128x64xf32, #tpu.memory_space<vmem>>
      %dma_wait3A_784 = tpu.memref_squeeze %dma_wait3A_783 : memref<1x1x128x64xf32, #tpu.memory_space<vmem>> -> memref<128x64xf32, #tpu.memory_space<vmem>>
      %dma_wait3A_785 = arith.constant 0 : i32
      %dma_wait3A_786 = tpu.memref_slice %arg6[%add3A_778, %dma_wait3A_785] : memref<200x128xi32, #tpu.memory_space<vmem>> -> memref<1x128xi32, #tpu.memory_space<vmem>>
      %dma_wait3A_787 = tpu.memref_squeeze %dma_wait3A_786 : memref<1x128xi32, #tpu.memory_space<vmem>> -> memref<128xi32, #tpu.memory_space<vmem>>
      %dma_wait3A_788 = arith.constant 0 : i32
      %dma_wait3A_789 = arith.constant 0 : i32
      %dma_wait3A_790 = tpu.memref_slice %arg3[%dma_wait3A_788, %dma_wait3A_789] : memref<100000x64xf32, #tpu.memory_space<hbm>> -> memref<100000x64xf32, #tpu.memory_space<hbm>>
      tpu.wait_indirect_dma semaphore(%arg10 : memref<!tpu.dma_semaphore, #tpu.memory_space<semaphore_mem>>) src(%dma_wait3A_790 : memref<100000x64xf32, #tpu.memory_space<hbm>>) dst(%dma_wait3A_784 : memref<128x64xf32, #tpu.memory_space<vmem>>)
      %jit3A_791 = arith.constant 32 : i32
      %div3A_792 = arith.divsi %add3A_721, %jit3A_791 : i32
      %sign3A_793 = arith.constant 0 : i32
      %sign3A_794 = arith.cmpi sgt, %add3A_721, %sign3A_793 : i32
      %sign3A_795 = arith.extui %sign3A_794 : i1 to i32
      %sign3A_796 = arith.constant 0 : i32
      %sign3A_797 = arith.cmpi slt, %add3A_721, %sign3A_796 : i32
      %sign3A_798 = arith.extui %sign3A_797 : i1 to i32
      %sign3A_799 = arith.subi %sign3A_795, %sign3A_798 : i32
      %sign3A_800 = arith.constant 0 : i32
      %sign3A_801 = arith.cmpi sgt, %jit3A_791, %sign3A_800 : i32
      %sign3A_802 = arith.extui %sign3A_801 : i1 to i32
      %sign3A_803 = arith.constant 0 : i32
      %sign3A_804 = arith.cmpi slt, %jit3A_791, %sign3A_803 : i32
      %sign3A_805 = arith.extui %sign3A_804 : i1 to i32
      %sign3A_806 = arith.subi %sign3A_802, %sign3A_805 : i32
      %ne3A_807 = arith.cmpi ne, %sign3A_799, %sign3A_806 : i32
      %rem3A_808 = arith.remsi %add3A_721, %jit3A_791 : i32
      %ne3A_809 = arith.constant 0 : i32
      %ne3A_810 = arith.cmpi ne, %rem3A_808, %ne3A_809 : i32
      %and3A_811 = arith.andi %ne3A_807, %ne3A_810 : i1
      %sub3A_812 = arith.constant 1 : i32
      %sub3A_813 = arith.subi %div3A_792, %sub3A_812 : i32
      %select_n3A_814 = arith.select %and3A_811, %sub3A_813, %div3A_792 : i32
      %jit3A_815 = arith.constant 32 : i32
      %eq3A_816 = arith.constant 0 : i32
      %eq3A_817 = arith.cmpi eq, %jit3A_815, %eq3A_816 : i32
      %jit3A_818 = arith.constant 1 : i32
      %select_n3A_819 = arith.select %eq3A_817, %jit3A_818, %jit3A_815 : i32
      %rem3A_820 = arith.remsi %add3A_721, %select_n3A_819 : i32
      %ne3A_821 = arith.constant 0 : i32
      %ne3A_822 = arith.cmpi ne, %rem3A_820, %ne3A_821 : i32
      %lt3A_823 = arith.constant 0 : i32
      %lt3A_824 = arith.cmpi slt, %rem3A_820, %lt3A_823 : i32
      %lt3A_825 = arith.constant 0 : i32
      %lt3A_826 = arith.cmpi slt, %select_n3A_819, %lt3A_825 : i32
      %ne3A_827 = arith.xori %lt3A_824, %lt3A_826 : i1
      %and3A_828 = arith.andi %ne3A_827, %ne3A_822 : i1
      %add3A_829 = arith.addi %rem3A_820, %select_n3A_819 : i32
      %select_n3A_830 = arith.select %and3A_828, %add3A_829, %rem3A_820 : i32
      %mul3A_831 = arith.constant 4 : i32
      %mul3A_832 = arith.muli %select_n3A_830, %mul3A_831 : i32
      %parallel_loop3A_833 = arith.constant 0 : i32
      %parallel_loop3A_834 = arith.constant 128 : i32
      %parallel_loop3A_835 = arith.constant 1 : i32
      scf.for %parallel_loop3A_1380 = %parallel_loop3A_833 to %parallel_loop3A_834 step %parallel_loop3A_835  : i32 {
        %parallel_loop3A_1381 = arith.constant 4 : i32
        %parallel_loop3A_1382 = arith.shrsi %parallel_loop3A_1380, %parallel_loop3A_1381 : i32
        %parallel_loop3A_1383 = arith.constant 16 : i32
        %parallel_loop3A_1384 = arith.muli %parallel_loop3A_1382, %parallel_loop3A_1383 : i32
        %parallel_loop3A_1385 = vector.broadcast %parallel_loop3A_1384 : i32 to vector<16xi32>
        %parallel_loop3A_1386 = arith.addi %parallel_loop3A_1385, %iota3A : vector<16xi32>
        %parallel_loop3A_1387 = arith.constant 15 : i32
        %parallel_loop3A_1388 = arith.andi %parallel_loop3A_1380, %parallel_loop3A_1387 : i32
        %parallel_loop3A_1389 = vector.broadcast %parallel_loop3A_1388 : i32 to vector<16xi32>
        %parallel_loop3A_1390 = arith.addi %iota3A, %parallel_loop3A_1389 : vector<16xi32>
        %parallel_loop3A_1391 = arith.constant 15 : i32
        %parallel_loop3A_1392 = vector.broadcast %parallel_loop3A_1391 : i32 to vector<16xi32>
        %parallel_loop3A_1393 = arith.andi %parallel_loop3A_1390, %parallel_loop3A_1392 : vector<16xi32>
        %parallel_loop3A_1394 = arith.constant 0 : i32
        %parallel_loop3A_1395 = vector.broadcast %parallel_loop3A_1394 : i32 to vector<16xi32>
        %parallel_loop3A_1396 = arith.addi %parallel_loop3A_1395, %parallel_loop3A_1393 : vector<16xi32>
        %parallel_loop3A_1397 = arith.constant 1 : i32
        %parallel_loop3A_1398 = arith.constant 0 : i32
        %parallel_loop3A_1399 = arith.constant 0 : i32
        %parallel_loop3A_1400 = arith.constant 0 : i32
        %parallel_loop3A_1401 = tpu.memref_slice %arg7[%parallel_loop3A_1397, %parallel_loop3A_1398, %parallel_loop3A_1399, %parallel_loop3A_1400] : memref<2x4x128x64xf32, #tpu.memory_space<vmem>> -> memref<1x1x128x64xf32, #tpu.memory_space<vmem>>
        %parallel_loop3A_1402 = tpu.memref_squeeze %parallel_loop3A_1401 : memref<1x1x128x64xf32, #tpu.memory_space<vmem>> -> memref<128x64xf32, #tpu.memory_space<vmem>>
        %parallel_loop3A_1403 = tpu.vector_load_idx %parallel_loop3A_1402[%parallel_loop3A_1386, %parallel_loop3A_1396] : memref<128x64xf32, #tpu.memory_space<vmem>>[vector<16xi32>, vector<16xi32>], vector<16xf32>,
        %parallel_loop3A_1404 = arith.constant 0 : i32
        %parallel_loop3A_1405 = arith.constant 0 : i32
        %parallel_loop3A_1406 = tpu.memref_slice %arg8[%parallel_loop3A_1404, %parallel_loop3A_1405] : memref<256x128xf32, #tpu.memory_space<vmem>> -> memref<16x128xf32, #tpu.memory_space<vmem>>
        tpu.vector_store_idx %parallel_loop3A_1406[%parallel_loop3A_1393, %parallel_loop3A_1386], %parallel_loop3A_1403 : memref<16x128xf32, #tpu.memory_space<vmem>>[vector<16xi32>, vector<16xi32>], vector<16xf32>,
        %parallel_loop3A_1407 = arith.constant 16 : i32
        %parallel_loop3A_1408 = vector.broadcast %parallel_loop3A_1407 : i32 to vector<16xi32>
        %parallel_loop3A_1409 = arith.addi %parallel_loop3A_1408, %parallel_loop3A_1393 : vector<16xi32>
        %parallel_loop3A_1410 = arith.constant 1 : i32
        %parallel_loop3A_1411 = arith.constant 0 : i32
        %parallel_loop3A_1412 = arith.constant 0 : i32
        %parallel_loop3A_1413 = arith.constant 0 : i32
        %parallel_loop3A_1414 = tpu.memref_slice %arg7[%parallel_loop3A_1410, %parallel_loop3A_1411, %parallel_loop3A_1412, %parallel_loop3A_1413] : memref<2x4x128x64xf32, #tpu.memory_space<vmem>> -> memref<1x1x128x64xf32, #tpu.memory_space<vmem>>
        %parallel_loop3A_1415 = tpu.memref_squeeze %parallel_loop3A_1414 : memref<1x1x128x64xf32, #tpu.memory_space<vmem>> -> memref<128x64xf32, #tpu.memory_space<vmem>>
        %parallel_loop3A_1416 = tpu.vector_load_idx %parallel_loop3A_1415[%parallel_loop3A_1386, %parallel_loop3A_1409] : memref<128x64xf32, #tpu.memory_space<vmem>>[vector<16xi32>, vector<16xi32>], vector<16xf32>,
        %parallel_loop3A_1417 = arith.constant 16 : i32
        %parallel_loop3A_1418 = arith.constant 0 : i32
        %parallel_loop3A_1419 = tpu.memref_slice %arg8[%parallel_loop3A_1417, %parallel_loop3A_1418] : memref<256x128xf32, #tpu.memory_space<vmem>> -> memref<16x128xf32, #tpu.memory_space<vmem>>
        tpu.vector_store_idx %parallel_loop3A_1419[%parallel_loop3A_1393, %parallel_loop3A_1386], %parallel_loop3A_1416 : memref<16x128xf32, #tpu.memory_space<vmem>>[vector<16xi32>, vector<16xi32>], vector<16xf32>,
        %parallel_loop3A_1420 = arith.constant 32 : i32
        %parallel_loop3A_1421 = vector.broadcast %parallel_loop3A_1420 : i32 to vector<16xi32>
        %parallel_loop3A_1422 = arith.addi %parallel_loop3A_1421, %parallel_loop3A_1393 : vector<16xi32>
        %parallel_loop3A_1423 = arith.constant 1 : i32
        %parallel_loop3A_1424 = arith.constant 0 : i32
        %parallel_loop3A_1425 = arith.constant 0 : i32
        %parallel_loop3A_1426 = arith.constant 0 : i32
        %parallel_loop3A_1427 = tpu.memref_slice %arg7[%parallel_loop3A_1423, %parallel_loop3A_1424, %parallel_loop3A_1425, %parallel_loop3A_1426] : memref<2x4x128x64xf32, #tpu.memory_space<vmem>> -> memref<1x1x128x64xf32, #tpu.memory_space<vmem>>
        %parallel_loop3A_1428 = tpu.memref_squeeze %parallel_loop3A_1427 : memref<1x1x128x64xf32, #tpu.memory_space<vmem>> -> memref<128x64xf32, #tpu.memory_space<vmem>>
        %parallel_loop3A_1429 = tpu.vector_load_idx %parallel_loop3A_1428[%parallel_loop3A_1386, %parallel_loop3A_1422] : memref<128x64xf32, #tpu.memory_space<vmem>>[vector<16xi32>, vector<16xi32>], vector<16xf32>,
        %parallel_loop3A_1430 = arith.constant 32 : i32
        %parallel_loop3A_1431 = arith.constant 0 : i32
        %parallel_loop3A_1432 = tpu.memref_slice %arg8[%parallel_loop3A_1430, %parallel_loop3A_1431] : memref<256x128xf32, #tpu.memory_space<vmem>> -> memref<16x128xf32, #tpu.memory_space<vmem>>
        tpu.vector_store_idx %parallel_loop3A_1432[%parallel_loop3A_1393, %parallel_loop3A_1386], %parallel_loop3A_1429 : memref<16x128xf32, #tpu.memory_space<vmem>>[vector<16xi32>, vector<16xi32>], vector<16xf32>,
        %parallel_loop3A_1433 = arith.constant 48 : i32
        %parallel_loop3A_1434 = vector.broadcast %parallel_loop3A_1433 : i32 to vector<16xi32>
        %parallel_loop3A_1435 = arith.addi %parallel_loop3A_1434, %parallel_loop3A_1393 : vector<16xi32>
        %parallel_loop3A_1436 = arith.constant 1 : i32
        %parallel_loop3A_1437 = arith.constant 0 : i32
        %parallel_loop3A_1438 = arith.constant 0 : i32
        %parallel_loop3A_1439 = arith.constant 0 : i32
        %parallel_loop3A_1440 = tpu.memref_slice %arg7[%parallel_loop3A_1436, %parallel_loop3A_1437, %parallel_loop3A_1438, %parallel_loop3A_1439] : memref<2x4x128x64xf32, #tpu.memory_space<vmem>> -> memref<1x1x128x64xf32, #tpu.memory_space<vmem>>
        %parallel_loop3A_1441 = tpu.memref_squeeze %parallel_loop3A_1440 : memref<1x1x128x64xf32, #tpu.memory_space<vmem>> -> memref<128x64xf32, #tpu.memory_space<vmem>>
        %parallel_loop3A_1442 = tpu.vector_load_idx %parallel_loop3A_1441[%parallel_loop3A_1386, %parallel_loop3A_1435] : memref<128x64xf32, #tpu.memory_space<vmem>>[vector<16xi32>, vector<16xi32>], vector<16xf32>,
        %parallel_loop3A_1443 = arith.constant 48 : i32
        %parallel_loop3A_1444 = arith.constant 0 : i32
        %parallel_loop3A_1445 = tpu.memref_slice %arg8[%parallel_loop3A_1443, %parallel_loop3A_1444] : memref<256x128xf32, #tpu.memory_space<vmem>> -> memref<16x128xf32, #tpu.memory_space<vmem>>
        tpu.vector_store_idx %parallel_loop3A_1445[%parallel_loop3A_1393, %parallel_loop3A_1386], %parallel_loop3A_1442 : memref<16x128xf32, #tpu.memory_space<vmem>>[vector<16xi32>, vector<16xi32>], vector<16xf32>,
        %parallel_loop3A_1446 = arith.constant 0 : i32
        %parallel_loop3A_1447 = vector.broadcast %parallel_loop3A_1446 : i32 to vector<16xi32>
        %parallel_loop3A_1448 = arith.addi %parallel_loop3A_1447, %parallel_loop3A_1393 : vector<16xi32>
        %parallel_loop3A_1449 = arith.constant 1 : i32
        %parallel_loop3A_1450 = arith.constant 1 : i32
        %parallel_loop3A_1451 = arith.constant 0 : i32
        %parallel_loop3A_1452 = arith.constant 0 : i32
        %parallel_loop3A_1453 = tpu.memref_slice %arg7[%parallel_loop3A_1449, %parallel_loop3A_1450, %parallel_loop3A_1451, %parallel_loop3A_1452] : memref<2x4x128x64xf32, #tpu.memory_space<vmem>> -> memref<1x1x128x64xf32, #tpu.memory_space<vmem>>
        %parallel_loop3A_1454 = tpu.memref_squeeze %parallel_loop3A_1453 : memref<1x1x128x64xf32, #tpu.memory_space<vmem>> -> memref<128x64xf32, #tpu.memory_space<vmem>>
        %parallel_loop3A_1455 = tpu.vector_load_idx %parallel_loop3A_1454[%parallel_loop3A_1386, %parallel_loop3A_1448] : memref<128x64xf32, #tpu.memory_space<vmem>>[vector<16xi32>, vector<16xi32>], vector<16xf32>,
        %parallel_loop3A_1456 = arith.constant 64 : i32
        %parallel_loop3A_1457 = arith.constant 0 : i32
        %parallel_loop3A_1458 = tpu.memref_slice %arg8[%parallel_loop3A_1456, %parallel_loop3A_1457] : memref<256x128xf32, #tpu.memory_space<vmem>> -> memref<16x128xf32, #tpu.memory_space<vmem>>
        tpu.vector_store_idx %parallel_loop3A_1458[%parallel_loop3A_1393, %parallel_loop3A_1386], %parallel_loop3A_1455 : memref<16x128xf32, #tpu.memory_space<vmem>>[vector<16xi32>, vector<16xi32>], vector<16xf32>,
        %parallel_loop3A_1459 = arith.constant 16 : i32
        %parallel_loop3A_1460 = vector.broadcast %parallel_loop3A_1459 : i32 to vector<16xi32>
        %parallel_loop3A_1461 = arith.addi %parallel_loop3A_1460, %parallel_loop3A_1393 : vector<16xi32>
        %parallel_loop3A_1462 = arith.constant 1 : i32
        %parallel_loop3A_1463 = arith.constant 1 : i32
        %parallel_loop3A_1464 = arith.constant 0 : i32
        %parallel_loop3A_1465 = arith.constant 0 : i32
        %parallel_loop3A_1466 = tpu.memref_slice %arg7[%parallel_loop3A_1462, %parallel_loop3A_1463, %parallel_loop3A_1464, %parallel_loop3A_1465] : memref<2x4x128x64xf32, #tpu.memory_space<vmem>> -> memref<1x1x128x64xf32, #tpu.memory_space<vmem>>
        %parallel_loop3A_1467 = tpu.memref_squeeze %parallel_loop3A_1466 : memref<1x1x128x64xf32, #tpu.memory_space<vmem>> -> memref<128x64xf32, #tpu.memory_space<vmem>>
        %parallel_loop3A_1468 = tpu.vector_load_idx %parallel_loop3A_1467[%parallel_loop3A_1386, %parallel_loop3A_1461] : memref<128x64xf32, #tpu.memory_space<vmem>>[vector<16xi32>, vector<16xi32>], vector<16xf32>,
        %parallel_loop3A_1469 = arith.constant 80 : i32
        %parallel_loop3A_1470 = arith.constant 0 : i32
        %parallel_loop3A_1471 = tpu.memref_slice %arg8[%parallel_loop3A_1469, %parallel_loop3A_1470] : memref<256x128xf32, #tpu.memory_space<vmem>> -> memref<16x128xf32, #tpu.memory_space<vmem>>
        tpu.vector_store_idx %parallel_loop3A_1471[%parallel_loop3A_1393, %parallel_loop3A_1386], %parallel_loop3A_1468 : memref<16x128xf32, #tpu.memory_space<vmem>>[vector<16xi32>, vector<16xi32>], vector<16xf32>,
        %parallel_loop3A_1472 = arith.constant 32 : i32
        %parallel_loop3A_1473 = vector.broadcast %parallel_loop3A_1472 : i32 to vector<16xi32>
        %parallel_loop3A_1474 = arith.addi %parallel_loop3A_1473, %parallel_loop3A_1393 : vector<16xi32>
        %parallel_loop3A_1475 = arith.constant 1 : i32
        %parallel_loop3A_1476 = arith.constant 1 : i32
        %parallel_loop3A_1477 = arith.constant 0 : i32
        %parallel_loop3A_1478 = arith.constant 0 : i32
        %parallel_loop3A_1479 = tpu.memref_slice %arg7[%parallel_loop3A_1475, %parallel_loop3A_1476, %parallel_loop3A_1477, %parallel_loop3A_1478] : memref<2x4x128x64xf32, #tpu.memory_space<vmem>> -> memref<1x1x128x64xf32, #tpu.memory_space<vmem>>
        %parallel_loop3A_1480 = tpu.memref_squeeze %parallel_loop3A_1479 : memref<1x1x128x64xf32, #tpu.memory_space<vmem>> -> memref<128x64xf32, #tpu.memory_space<vmem>>
        %parallel_loop3A_1481 = tpu.vector_load_idx %parallel_loop3A_1480[%parallel_loop3A_1386, %parallel_loop3A_1474] : memref<128x64xf32, #tpu.memory_space<vmem>>[vector<16xi32>, vector<16xi32>], vector<16xf32>,
        %parallel_loop3A_1482 = arith.constant 96 : i32
        %parallel_loop3A_1483 = arith.constant 0 : i32
        %parallel_loop3A_1484 = tpu.memref_slice %arg8[%parallel_loop3A_1482, %parallel_loop3A_1483] : memref<256x128xf32, #tpu.memory_space<vmem>> -> memref<16x128xf32, #tpu.memory_space<vmem>>
        tpu.vector_store_idx %parallel_loop3A_1484[%parallel_loop3A_1393, %parallel_loop3A_1386], %parallel_loop3A_1481 : memref<16x128xf32, #tpu.memory_space<vmem>>[vector<16xi32>, vector<16xi32>], vector<16xf32>,
        %parallel_loop3A_1485 = arith.constant 48 : i32
        %parallel_loop3A_1486 = vector.broadcast %parallel_loop3A_1485 : i32 to vector<16xi32>
        %parallel_loop3A_1487 = arith.addi %parallel_loop3A_1486, %parallel_loop3A_1393 : vector<16xi32>
        %parallel_loop3A_1488 = arith.constant 1 : i32
        %parallel_loop3A_1489 = arith.constant 1 : i32
        %parallel_loop3A_1490 = arith.constant 0 : i32
        %parallel_loop3A_1491 = arith.constant 0 : i32
        %parallel_loop3A_1492 = tpu.memref_slice %arg7[%parallel_loop3A_1488, %parallel_loop3A_1489, %parallel_loop3A_1490, %parallel_loop3A_1491] : memref<2x4x128x64xf32, #tpu.memory_space<vmem>> -> memref<1x1x128x64xf32, #tpu.memory_space<vmem>>
        %parallel_loop3A_1493 = tpu.memref_squeeze %parallel_loop3A_1492 : memref<1x1x128x64xf32, #tpu.memory_space<vmem>> -> memref<128x64xf32, #tpu.memory_space<vmem>>
        %parallel_loop3A_1494 = tpu.vector_load_idx %parallel_loop3A_1493[%parallel_loop3A_1386, %parallel_loop3A_1487] : memref<128x64xf32, #tpu.memory_space<vmem>>[vector<16xi32>, vector<16xi32>], vector<16xf32>,
        %parallel_loop3A_1495 = arith.constant 112 : i32
        %parallel_loop3A_1496 = arith.constant 0 : i32
        %parallel_loop3A_1497 = tpu.memref_slice %arg8[%parallel_loop3A_1495, %parallel_loop3A_1496] : memref<256x128xf32, #tpu.memory_space<vmem>> -> memref<16x128xf32, #tpu.memory_space<vmem>>
        tpu.vector_store_idx %parallel_loop3A_1497[%parallel_loop3A_1393, %parallel_loop3A_1386], %parallel_loop3A_1494 : memref<16x128xf32, #tpu.memory_space<vmem>>[vector<16xi32>, vector<16xi32>], vector<16xf32>,
        %parallel_loop3A_1498 = arith.constant 0 : i32
        %parallel_loop3A_1499 = vector.broadcast %parallel_loop3A_1498 : i32 to vector<16xi32>
        %parallel_loop3A_1500 = arith.addi %parallel_loop3A_1499, %parallel_loop3A_1393 : vector<16xi32>
        %parallel_loop3A_1501 = arith.constant 1 : i32
        %parallel_loop3A_1502 = arith.constant 2 : i32
        %parallel_loop3A_1503 = arith.constant 0 : i32
        %parallel_loop3A_1504 = arith.constant 0 : i32
        %parallel_loop3A_1505 = tpu.memref_slice %arg7[%parallel_loop3A_1501, %parallel_loop3A_1502, %parallel_loop3A_1503, %parallel_loop3A_1504] : memref<2x4x128x64xf32, #tpu.memory_space<vmem>> -> memref<1x1x128x64xf32, #tpu.memory_space<vmem>>
        %parallel_loop3A_1506 = tpu.memref_squeeze %parallel_loop3A_1505 : memref<1x1x128x64xf32, #tpu.memory_space<vmem>> -> memref<128x64xf32, #tpu.memory_space<vmem>>
        %parallel_loop3A_1507 = tpu.vector_load_idx %parallel_loop3A_1506[%parallel_loop3A_1386, %parallel_loop3A_1500] : memref<128x64xf32, #tpu.memory_space<vmem>>[vector<16xi32>, vector<16xi32>], vector<16xf32>,
        %parallel_loop3A_1508 = arith.constant 128 : i32
        %parallel_loop3A_1509 = arith.constant 0 : i32
        %parallel_loop3A_1510 = tpu.memref_slice %arg8[%parallel_loop3A_1508, %parallel_loop3A_1509] : memref<256x128xf32, #tpu.memory_space<vmem>> -> memref<16x128xf32, #tpu.memory_space<vmem>>
        tpu.vector_store_idx %parallel_loop3A_1510[%parallel_loop3A_1393, %parallel_loop3A_1386], %parallel_loop3A_1507 : memref<16x128xf32, #tpu.memory_space<vmem>>[vector<16xi32>, vector<16xi32>], vector<16xf32>,
        %parallel_loop3A_1511 = arith.constant 16 : i32
        %parallel_loop3A_1512 = vector.broadcast %parallel_loop3A_1511 : i32 to vector<16xi32>
        %parallel_loop3A_1513 = arith.addi %parallel_loop3A_1512, %parallel_loop3A_1393 : vector<16xi32>
        %parallel_loop3A_1514 = arith.constant 1 : i32
        %parallel_loop3A_1515 = arith.constant 2 : i32
        %parallel_loop3A_1516 = arith.constant 0 : i32
        %parallel_loop3A_1517 = arith.constant 0 : i32
        %parallel_loop3A_1518 = tpu.memref_slice %arg7[%parallel_loop3A_1514, %parallel_loop3A_1515, %parallel_loop3A_1516, %parallel_loop3A_1517] : memref<2x4x128x64xf32, #tpu.memory_space<vmem>> -> memref<1x1x128x64xf32, #tpu.memory_space<vmem>>
        %parallel_loop3A_1519 = tpu.memref_squeeze %parallel_loop3A_1518 : memref<1x1x128x64xf32, #tpu.memory_space<vmem>> -> memref<128x64xf32, #tpu.memory_space<vmem>>
        %parallel_loop3A_1520 = tpu.vector_load_idx %parallel_loop3A_1519[%parallel_loop3A_1386, %parallel_loop3A_1513] : memref<128x64xf32, #tpu.memory_space<vmem>>[vector<16xi32>, vector<16xi32>], vector<16xf32>,
        %parallel_loop3A_1521 = arith.constant 144 : i32
        %parallel_loop3A_1522 = arith.constant 0 : i32
        %parallel_loop3A_1523 = tpu.memref_slice %arg8[%parallel_loop3A_1521, %parallel_loop3A_1522] : memref<256x128xf32, #tpu.memory_space<vmem>> -> memref<16x128xf32, #tpu.memory_space<vmem>>
        tpu.vector_store_idx %parallel_loop3A_1523[%parallel_loop3A_1393, %parallel_loop3A_1386], %parallel_loop3A_1520 : memref<16x128xf32, #tpu.memory_space<vmem>>[vector<16xi32>, vector<16xi32>], vector<16xf32>,
        %parallel_loop3A_1524 = arith.constant 32 : i32
        %parallel_loop3A_1525 = vector.broadcast %parallel_loop3A_1524 : i32 to vector<16xi32>
        %parallel_loop3A_1526 = arith.addi %parallel_loop3A_1525, %parallel_loop3A_1393 : vector<16xi32>
        %parallel_loop3A_1527 = arith.constant 1 : i32
        %parallel_loop3A_1528 = arith.constant 2 : i32
        %parallel_loop3A_1529 = arith.constant 0 : i32
        %parallel_loop3A_1530 = arith.constant 0 : i32
        %parallel_loop3A_1531 = tpu.memref_slice %arg7[%parallel_loop3A_1527, %parallel_loop3A_1528, %parallel_loop3A_1529, %parallel_loop3A_1530] : memref<2x4x128x64xf32, #tpu.memory_space<vmem>> -> memref<1x1x128x64xf32, #tpu.memory_space<vmem>>
        %parallel_loop3A_1532 = tpu.memref_squeeze %parallel_loop3A_1531 : memref<1x1x128x64xf32, #tpu.memory_space<vmem>> -> memref<128x64xf32, #tpu.memory_space<vmem>>
        %parallel_loop3A_1533 = tpu.vector_load_idx %parallel_loop3A_1532[%parallel_loop3A_1386, %parallel_loop3A_1526] : memref<128x64xf32, #tpu.memory_space<vmem>>[vector<16xi32>, vector<16xi32>], vector<16xf32>,
        %parallel_loop3A_1534 = arith.constant 160 : i32
        %parallel_loop3A_1535 = arith.constant 0 : i32
        %parallel_loop3A_1536 = tpu.memref_slice %arg8[%parallel_loop3A_1534, %parallel_loop3A_1535] : memref<256x128xf32, #tpu.memory_space<vmem>> -> memref<16x128xf32, #tpu.memory_space<vmem>>
        tpu.vector_store_idx %parallel_loop3A_1536[%parallel_loop3A_1393, %parallel_loop3A_1386], %parallel_loop3A_1533 : memref<16x128xf32, #tpu.memory_space<vmem>>[vector<16xi32>, vector<16xi32>], vector<16xf32>,
        %parallel_loop3A_1537 = arith.constant 48 : i32
        %parallel_loop3A_1538 = vector.broadcast %parallel_loop3A_1537 : i32 to vector<16xi32>
        %parallel_loop3A_1539 = arith.addi %parallel_loop3A_1538, %parallel_loop3A_1393 : vector<16xi32>
        %parallel_loop3A_1540 = arith.constant 1 : i32
        %parallel_loop3A_1541 = arith.constant 2 : i32
        %parallel_loop3A_1542 = arith.constant 0 : i32
        %parallel_loop3A_1543 = arith.constant 0 : i32
        %parallel_loop3A_1544 = tpu.memref_slice %arg7[%parallel_loop3A_1540, %parallel_loop3A_1541, %parallel_loop3A_1542, %parallel_loop3A_1543] : memref<2x4x128x64xf32, #tpu.memory_space<vmem>> -> memref<1x1x128x64xf32, #tpu.memory_space<vmem>>
        %parallel_loop3A_1545 = tpu.memref_squeeze %parallel_loop3A_1544 : memref<1x1x128x64xf32, #tpu.memory_space<vmem>> -> memref<128x64xf32, #tpu.memory_space<vmem>>
        %parallel_loop3A_1546 = tpu.vector_load_idx %parallel_loop3A_1545[%parallel_loop3A_1386, %parallel_loop3A_1539] : memref<128x64xf32, #tpu.memory_space<vmem>>[vector<16xi32>, vector<16xi32>], vector<16xf32>,
        %parallel_loop3A_1547 = arith.constant 176 : i32
        %parallel_loop3A_1548 = arith.constant 0 : i32
        %parallel_loop3A_1549 = tpu.memref_slice %arg8[%parallel_loop3A_1547, %parallel_loop3A_1548] : memref<256x128xf32, #tpu.memory_space<vmem>> -> memref<16x128xf32, #tpu.memory_space<vmem>>
        tpu.vector_store_idx %parallel_loop3A_1549[%parallel_loop3A_1393, %parallel_loop3A_1386], %parallel_loop3A_1546 : memref<16x128xf32, #tpu.memory_space<vmem>>[vector<16xi32>, vector<16xi32>], vector<16xf32>,
        %parallel_loop3A_1550 = arith.constant 0 : i32
        %parallel_loop3A_1551 = vector.broadcast %parallel_loop3A_1550 : i32 to vector<16xi32>
        %parallel_loop3A_1552 = arith.addi %parallel_loop3A_1551, %parallel_loop3A_1393 : vector<16xi32>
        %parallel_loop3A_1553 = arith.constant 1 : i32
        %parallel_loop3A_1554 = arith.constant 3 : i32
        %parallel_loop3A_1555 = arith.constant 0 : i32
        %parallel_loop3A_1556 = arith.constant 0 : i32
        %parallel_loop3A_1557 = tpu.memref_slice %arg7[%parallel_loop3A_1553, %parallel_loop3A_1554, %parallel_loop3A_1555, %parallel_loop3A_1556] : memref<2x4x128x64xf32, #tpu.memory_space<vmem>> -> memref<1x1x128x64xf32, #tpu.memory_space<vmem>>
        %parallel_loop3A_1558 = tpu.memref_squeeze %parallel_loop3A_1557 : memref<1x1x128x64xf32, #tpu.memory_space<vmem>> -> memref<128x64xf32, #tpu.memory_space<vmem>>
        %parallel_loop3A_1559 = tpu.vector_load_idx %parallel_loop3A_1558[%parallel_loop3A_1386, %parallel_loop3A_1552] : memref<128x64xf32, #tpu.memory_space<vmem>>[vector<16xi32>, vector<16xi32>], vector<16xf32>,
        %parallel_loop3A_1560 = arith.constant 192 : i32
        %parallel_loop3A_1561 = arith.constant 0 : i32
        %parallel_loop3A_1562 = tpu.memref_slice %arg8[%parallel_loop3A_1560, %parallel_loop3A_1561] : memref<256x128xf32, #tpu.memory_space<vmem>> -> memref<16x128xf32, #tpu.memory_space<vmem>>
        tpu.vector_store_idx %parallel_loop3A_1562[%parallel_loop3A_1393, %parallel_loop3A_1386], %parallel_loop3A_1559 : memref<16x128xf32, #tpu.memory_space<vmem>>[vector<16xi32>, vector<16xi32>], vector<16xf32>,
        %parallel_loop3A_1563 = arith.constant 16 : i32
        %parallel_loop3A_1564 = vector.broadcast %parallel_loop3A_1563 : i32 to vector<16xi32>
        %parallel_loop3A_1565 = arith.addi %parallel_loop3A_1564, %parallel_loop3A_1393 : vector<16xi32>
        %parallel_loop3A_1566 = arith.constant 1 : i32
        %parallel_loop3A_1567 = arith.constant 3 : i32
        %parallel_loop3A_1568 = arith.constant 0 : i32
        %parallel_loop3A_1569 = arith.constant 0 : i32
        %parallel_loop3A_1570 = tpu.memref_slice %arg7[%parallel_loop3A_1566, %parallel_loop3A_1567, %parallel_loop3A_1568, %parallel_loop3A_1569] : memref<2x4x128x64xf32, #tpu.memory_space<vmem>> -> memref<1x1x128x64xf32, #tpu.memory_space<vmem>>
        %parallel_loop3A_1571 = tpu.memref_squeeze %parallel_loop3A_1570 : memref<1x1x128x64xf32, #tpu.memory_space<vmem>> -> memref<128x64xf32, #tpu.memory_space<vmem>>
        %parallel_loop3A_1572 = tpu.vector_load_idx %parallel_loop3A_1571[%parallel_loop3A_1386, %parallel_loop3A_1565] : memref<128x64xf32, #tpu.memory_space<vmem>>[vector<16xi32>, vector<16xi32>], vector<16xf32>,
        %parallel_loop3A_1573 = arith.constant 208 : i32
        %parallel_loop3A_1574 = arith.constant 0 : i32
        %parallel_loop3A_1575 = tpu.memref_slice %arg8[%parallel_loop3A_1573, %parallel_loop3A_1574] : memref<256x128xf32, #tpu.memory_space<vmem>> -> memref<16x128xf32, #tpu.memory_space<vmem>>
        tpu.vector_store_idx %parallel_loop3A_1575[%parallel_loop3A_1393, %parallel_loop3A_1386], %parallel_loop3A_1572 : memref<16x128xf32, #tpu.memory_space<vmem>>[vector<16xi32>, vector<16xi32>], vector<16xf32>,
        %parallel_loop3A_1576 = arith.constant 32 : i32
        %parallel_loop3A_1577 = vector.broadcast %parallel_loop3A_1576 : i32 to vector<16xi32>
        %parallel_loop3A_1578 = arith.addi %parallel_loop3A_1577, %parallel_loop3A_1393 : vector<16xi32>
        %parallel_loop3A_1579 = arith.constant 1 : i32
        %parallel_loop3A_1580 = arith.constant 3 : i32
        %parallel_loop3A_1581 = arith.constant 0 : i32
        %parallel_loop3A_1582 = arith.constant 0 : i32
        %parallel_loop3A_1583 = tpu.memref_slice %arg7[%parallel_loop3A_1579, %parallel_loop3A_1580, %parallel_loop3A_1581, %parallel_loop3A_1582] : memref<2x4x128x64xf32, #tpu.memory_space<vmem>> -> memref<1x1x128x64xf32, #tpu.memory_space<vmem>>
        %parallel_loop3A_1584 = tpu.memref_squeeze %parallel_loop3A_1583 : memref<1x1x128x64xf32, #tpu.memory_space<vmem>> -> memref<128x64xf32, #tpu.memory_space<vmem>>
        %parallel_loop3A_1585 = tpu.vector_load_idx %parallel_loop3A_1584[%parallel_loop3A_1386, %parallel_loop3A_1578] : memref<128x64xf32, #tpu.memory_space<vmem>>[vector<16xi32>, vector<16xi32>], vector<16xf32>,
        %parallel_loop3A_1586 = arith.constant 224 : i32
        %parallel_loop3A_1587 = arith.constant 0 : i32
        %parallel_loop3A_1588 = tpu.memref_slice %arg8[%parallel_loop3A_1586, %parallel_loop3A_1587] : memref<256x128xf32, #tpu.memory_space<vmem>> -> memref<16x128xf32, #tpu.memory_space<vmem>>
        tpu.vector_store_idx %parallel_loop3A_1588[%parallel_loop3A_1393, %parallel_loop3A_1386], %parallel_loop3A_1585 : memref<16x128xf32, #tpu.memory_space<vmem>>[vector<16xi32>, vector<16xi32>], vector<16xf32>,
        %parallel_loop3A_1589 = arith.constant 48 : i32
        %parallel_loop3A_1590 = vector.broadcast %parallel_loop3A_1589 : i32 to vector<16xi32>
        %parallel_loop3A_1591 = arith.addi %parallel_loop3A_1590, %parallel_loop3A_1393 : vector<16xi32>
        %parallel_loop3A_1592 = arith.constant 1 : i32
        %parallel_loop3A_1593 = arith.constant 3 : i32
        %parallel_loop3A_1594 = arith.constant 0 : i32
        %parallel_loop3A_1595 = arith.constant 0 : i32
        %parallel_loop3A_1596 = tpu.memref_slice %arg7[%parallel_loop3A_1592, %parallel_loop3A_1593, %parallel_loop3A_1594, %parallel_loop3A_1595] : memref<2x4x128x64xf32, #tpu.memory_space<vmem>> -> memref<1x1x128x64xf32, #tpu.memory_space<vmem>>
        %parallel_loop3A_1597 = tpu.memref_squeeze %parallel_loop3A_1596 : memref<1x1x128x64xf32, #tpu.memory_space<vmem>> -> memref<128x64xf32, #tpu.memory_space<vmem>>
        %parallel_loop3A_1598 = tpu.vector_load_idx %parallel_loop3A_1597[%parallel_loop3A_1386, %parallel_loop3A_1591] : memref<128x64xf32, #tpu.memory_space<vmem>>[vector<16xi32>, vector<16xi32>], vector<16xf32>,
        %parallel_loop3A_1599 = arith.constant 240 : i32
        %parallel_loop3A_1600 = arith.constant 0 : i32
        %parallel_loop3A_1601 = tpu.memref_slice %arg8[%parallel_loop3A_1599, %parallel_loop3A_1600] : memref<256x128xf32, #tpu.memory_space<vmem>> -> memref<16x128xf32, #tpu.memory_space<vmem>>
        tpu.vector_store_idx %parallel_loop3A_1601[%parallel_loop3A_1393, %parallel_loop3A_1386], %parallel_loop3A_1598 : memref<16x128xf32, #tpu.memory_space<vmem>>[vector<16xi32>, vector<16xi32>], vector<16xf32>,
      } {sc.loop_unroll_factor = 8 : i64, sc.parallel_access}
      %add3A_836 = arith.constant 0 : i32
      %add3A_837 = arith.addi %mul3A_832, %add3A_836 : i32
      %dma_start3A_838 = arith.constant 0 : i32
      %dma_start3A_839 = arith.constant 0 : i32
      %dma_start3A_840 = arith.constant 0 : i32
      %dma_start3A_841 = tpu.memref_slice %arg8[%dma_start3A_839, %dma_start3A_840] : memref<256x128xf32, #tpu.memory_space<vmem>> -> memref<8x128xf32, #tpu.memory_space<vmem>>
      %dma_start3A_842 = arith.constant 0 : i32
      %dma_start3A_843 = arith.constant 0 : i32
      %dma_start3A_844 = tpu.memref_slice %arg4[%select_n3A_814, %dma_start3A_838, %add3A_837, %dma_start3A_842, %dma_start3A_843] : memref<50x8x128x8x128xf32, #tpu.memory_space<hbm>> -> memref<1x1x1x8x128xf32, #tpu.memory_space<hbm>>
      %dma_start3A_845 = tpu.memref_squeeze %dma_start3A_844 : memref<1x1x1x8x128xf32, #tpu.memory_space<hbm>> -> memref<8x128xf32, #tpu.memory_space<hbm>>
      %dma_start3A_846 = arith.constant 0 : i32
      %dma_start3A_847 = arith.constant 0 : i32
      %dma_start3A_848 = tpu.memref_slice %arg4[%select_n3A_814, %dma_start3A_838, %add3A_837, %dma_start3A_846, %dma_start3A_847] : memref<50x8x128x8x128xf32, #tpu.memory_space<hbm>> -> memref<1x1x1x8x128xf32, #tpu.memory_space<hbm>>
      %dma_start3A_849 = tpu.memref_squeeze %dma_start3A_848 : memref<1x1x1x8x128xf32, #tpu.memory_space<hbm>> -> memref<8x128xf32, #tpu.memory_space<hbm>>
      %dma_start3A_850 = arith.constant 0 : i32
      %dma_start3A_851 = arith.constant 0 : i32
      %dma_start3A_852 = tpu.memref_slice %arg8[%dma_start3A_850, %dma_start3A_851] : memref<256x128xf32, #tpu.memory_space<vmem>> -> memref<8x128xf32, #tpu.memory_space<vmem>>
      tpu.enqueue_dma source(%dma_start3A_852 : memref<8x128xf32, #tpu.memory_space<vmem>>) target(%dma_start3A_849 : memref<8x128xf32, #tpu.memory_space<hbm>>) target_semaphore(%arg11 : memref<!tpu.dma_semaphore, #tpu.memory_space<semaphore_mem>>)
      %add3A_853 = arith.constant 1 : i32
      %add3A_854 = arith.addi %mul3A_832, %add3A_853 : i32
      %dma_start3A_855 = arith.constant 0 : i32
      %dma_start3A_856 = arith.constant 64 : i32
      %dma_start3A_857 = arith.constant 0 : i32
      %dma_start3A_858 = tpu.memref_slice %arg8[%dma_start3A_856, %dma_start3A_857] : memref<256x128xf32, #tpu.memory_space<vmem>> -> memref<8x128xf32, #tpu.memory_space<vmem>>
      %dma_start3A_859 = arith.constant 0 : i32
      %dma_start3A_860 = arith.constant 0 : i32
      %dma_start3A_861 = tpu.memref_slice %arg4[%select_n3A_814, %dma_start3A_855, %add3A_854, %dma_start3A_859, %dma_start3A_860] : memref<50x8x128x8x128xf32, #tpu.memory_space<hbm>> -> memref<1x1x1x8x128xf32, #tpu.memory_space<hbm>>
      %dma_start3A_862 = tpu.memref_squeeze %dma_start3A_861 : memref<1x1x1x8x128xf32, #tpu.memory_space<hbm>> -> memref<8x128xf32, #tpu.memory_space<hbm>>
      %dma_start3A_863 = arith.constant 0 : i32
      %dma_start3A_864 = arith.constant 0 : i32
      %dma_start3A_865 = tpu.memref_slice %arg4[%select_n3A_814, %dma_start3A_855, %add3A_854, %dma_start3A_863, %dma_start3A_864] : memref<50x8x128x8x128xf32, #tpu.memory_space<hbm>> -> memref<1x1x1x8x128xf32, #tpu.memory_space<hbm>>
      %dma_start3A_866 = tpu.memref_squeeze %dma_start3A_865 : memref<1x1x1x8x128xf32, #tpu.memory_space<hbm>> -> memref<8x128xf32, #tpu.memory_space<hbm>>
      %dma_start3A_867 = arith.constant 64 : i32
      %dma_start3A_868 = arith.constant 0 : i32
      %dma_start3A_869 = tpu.memref_slice %arg8[%dma_start3A_867, %dma_start3A_868] : memref<256x128xf32, #tpu.memory_space<vmem>> -> memref<8x128xf32, #tpu.memory_space<vmem>>
      tpu.enqueue_dma source(%dma_start3A_869 : memref<8x128xf32, #tpu.memory_space<vmem>>) target(%dma_start3A_866 : memref<8x128xf32, #tpu.memory_space<hbm>>) target_semaphore(%arg11 : memref<!tpu.dma_semaphore, #tpu.memory_space<semaphore_mem>>)
      %add3A_870 = arith.constant 2 : i32
      %add3A_871 = arith.addi %mul3A_832, %add3A_870 : i32
      %dma_start3A_872 = arith.constant 0 : i32
      %dma_start3A_873 = arith.constant 128 : i32
      %dma_start3A_874 = arith.constant 0 : i32
      %dma_start3A_875 = tpu.memref_slice %arg8[%dma_start3A_873, %dma_start3A_874] : memref<256x128xf32, #tpu.memory_space<vmem>> -> memref<8x128xf32, #tpu.memory_space<vmem>>
      %dma_start3A_876 = arith.constant 0 : i32
      %dma_start3A_877 = arith.constant 0 : i32
      %dma_start3A_878 = tpu.memref_slice %arg4[%select_n3A_814, %dma_start3A_872, %add3A_871, %dma_start3A_876, %dma_start3A_877] : memref<50x8x128x8x128xf32, #tpu.memory_space<hbm>> -> memref<1x1x1x8x128xf32, #tpu.memory_space<hbm>>
      %dma_start3A_879 = tpu.memref_squeeze %dma_start3A_878 : memref<1x1x1x8x128xf32, #tpu.memory_space<hbm>> -> memref<8x128xf32, #tpu.memory_space<hbm>>
      %dma_start3A_880 = arith.constant 0 : i32
      %dma_start3A_881 = arith.constant 0 : i32
      %dma_start3A_882 = tpu.memref_slice %arg4[%select_n3A_814, %dma_start3A_872, %add3A_871, %dma_start3A_880, %dma_start3A_881] : memref<50x8x128x8x128xf32, #tpu.memory_space<hbm>> -> memref<1x1x1x8x128xf32, #tpu.memory_space<hbm>>
      %dma_start3A_883 = tpu.memref_squeeze %dma_start3A_882 : memref<1x1x1x8x128xf32, #tpu.memory_space<hbm>> -> memref<8x128xf32, #tpu.memory_space<hbm>>
      %dma_start3A_884 = arith.constant 128 : i32
      %dma_start3A_885 = arith.constant 0 : i32
      %dma_start3A_886 = tpu.memref_slice %arg8[%dma_start3A_884, %dma_start3A_885] : memref<256x128xf32, #tpu.memory_space<vmem>> -> memref<8x128xf32, #tpu.memory_space<vmem>>
      tpu.enqueue_dma source(%dma_start3A_886 : memref<8x128xf32, #tpu.memory_space<vmem>>) target(%dma_start3A_883 : memref<8x128xf32, #tpu.memory_space<hbm>>) target_semaphore(%arg11 : memref<!tpu.dma_semaphore, #tpu.memory_space<semaphore_mem>>)
      %add3A_887 = arith.constant 3 : i32
      %add3A_888 = arith.addi %mul3A_832, %add3A_887 : i32
      %dma_start3A_889 = arith.constant 0 : i32
      %dma_start3A_890 = arith.constant 192 : i32
      %dma_start3A_891 = arith.constant 0 : i32
      %dma_start3A_892 = tpu.memref_slice %arg8[%dma_start3A_890, %dma_start3A_891] : memref<256x128xf32, #tpu.memory_space<vmem>> -> memref<8x128xf32, #tpu.memory_space<vmem>>
      %dma_start3A_893 = arith.constant 0 : i32
      %dma_start3A_894 = arith.constant 0 : i32
      %dma_start3A_895 = tpu.memref_slice %arg4[%select_n3A_814, %dma_start3A_889, %add3A_888, %dma_start3A_893, %dma_start3A_894] : memref<50x8x128x8x128xf32, #tpu.memory_space<hbm>> -> memref<1x1x1x8x128xf32, #tpu.memory_space<hbm>>
      %dma_start3A_896 = tpu.memref_squeeze %dma_start3A_895 : memref<1x1x1x8x128xf32, #tpu.memory_space<hbm>> -> memref<8x128xf32, #tpu.memory_space<hbm>>
      %dma_start3A_897 = arith.constant 0 : i32
      %dma_start3A_898 = arith.constant 0 : i32
      %dma_start3A_899 = tpu.memref_slice %arg4[%select_n3A_814, %dma_start3A_889, %add3A_888, %dma_start3A_897, %dma_start3A_898] : memref<50x8x128x8x128xf32, #tpu.memory_space<hbm>> -> memref<1x1x1x8x128xf32, #tpu.memory_space<hbm>>
      %dma_start3A_900 = tpu.memref_squeeze %dma_start3A_899 : memref<1x1x1x8x128xf32, #tpu.memory_space<hbm>> -> memref<8x128xf32, #tpu.memory_space<hbm>>
      %dma_start3A_901 = arith.constant 192 : i32
      %dma_start3A_902 = arith.constant 0 : i32
      %dma_start3A_903 = tpu.memref_slice %arg8[%dma_start3A_901, %dma_start3A_902] : memref<256x128xf32, #tpu.memory_space<vmem>> -> memref<8x128xf32, #tpu.memory_space<vmem>>
      tpu.enqueue_dma source(%dma_start3A_903 : memref<8x128xf32, #tpu.memory_space<vmem>>) target(%dma_start3A_900 : memref<8x128xf32, #tpu.memory_space<hbm>>) target_semaphore(%arg11 : memref<!tpu.dma_semaphore, #tpu.memory_space<semaphore_mem>>)
      %add3A_904 = arith.constant 0 : i32
      %add3A_905 = arith.addi %mul3A_832, %add3A_904 : i32
      %dma_start3A_906 = arith.constant 1 : i32
      %dma_start3A_907 = arith.constant 8 : i32
      %dma_start3A_908 = arith.constant 0 : i32
      %dma_start3A_909 = tpu.memref_slice %arg8[%dma_start3A_907, %dma_start3A_908] : memref<256x128xf32, #tpu.memory_space<vmem>> -> memref<8x128xf32, #tpu.memory_space<vmem>>
      %dma_start3A_910 = arith.constant 0 : i32
      %dma_start3A_911 = arith.constant 0 : i32
      %dma_start3A_912 = tpu.memref_slice %arg4[%select_n3A_814, %dma_start3A_906, %add3A_905, %dma_start3A_910, %dma_start3A_911] : memref<50x8x128x8x128xf32, #tpu.memory_space<hbm>> -> memref<1x1x1x8x128xf32, #tpu.memory_space<hbm>>
      %dma_start3A_913 = tpu.memref_squeeze %dma_start3A_912 : memref<1x1x1x8x128xf32, #tpu.memory_space<hbm>> -> memref<8x128xf32, #tpu.memory_space<hbm>>
      %dma_start3A_914 = arith.constant 0 : i32
      %dma_start3A_915 = arith.constant 0 : i32
      %dma_start3A_916 = tpu.memref_slice %arg4[%select_n3A_814, %dma_start3A_906, %add3A_905, %dma_start3A_914, %dma_start3A_915] : memref<50x8x128x8x128xf32, #tpu.memory_space<hbm>> -> memref<1x1x1x8x128xf32, #tpu.memory_space<hbm>>
      %dma_start3A_917 = tpu.memref_squeeze %dma_start3A_916 : memref<1x1x1x8x128xf32, #tpu.memory_space<hbm>> -> memref<8x128xf32, #tpu.memory_space<hbm>>
      %dma_start3A_918 = arith.constant 8 : i32
      %dma_start3A_919 = arith.constant 0 : i32
      %dma_start3A_920 = tpu.memref_slice %arg8[%dma_start3A_918, %dma_start3A_919] : memref<256x128xf32, #tpu.memory_space<vmem>> -> memref<8x128xf32, #tpu.memory_space<vmem>>
      tpu.enqueue_dma source(%dma_start3A_920 : memref<8x128xf32, #tpu.memory_space<vmem>>) target(%dma_start3A_917 : memref<8x128xf32, #tpu.memory_space<hbm>>) target_semaphore(%arg11 : memref<!tpu.dma_semaphore, #tpu.memory_space<semaphore_mem>>)
      %add3A_921 = arith.constant 1 : i32
      %add3A_922 = arith.addi %mul3A_832, %add3A_921 : i32
      %dma_start3A_923 = arith.constant 1 : i32
      %dma_start3A_924 = arith.constant 72 : i32
      %dma_start3A_925 = arith.constant 0 : i32
      %dma_start3A_926 = tpu.memref_slice %arg8[%dma_start3A_924, %dma_start3A_925] : memref<256x128xf32, #tpu.memory_space<vmem>> -> memref<8x128xf32, #tpu.memory_space<vmem>>
      %dma_start3A_927 = arith.constant 0 : i32
      %dma_start3A_928 = arith.constant 0 : i32
      %dma_start3A_929 = tpu.memref_slice %arg4[%select_n3A_814, %dma_start3A_923, %add3A_922, %dma_start3A_927, %dma_start3A_928] : memref<50x8x128x8x128xf32, #tpu.memory_space<hbm>> -> memref<1x1x1x8x128xf32, #tpu.memory_space<hbm>>
      %dma_start3A_930 = tpu.memref_squeeze %dma_start3A_929 : memref<1x1x1x8x128xf32, #tpu.memory_space<hbm>> -> memref<8x128xf32, #tpu.memory_space<hbm>>
      %dma_start3A_931 = arith.constant 0 : i32
      %dma_start3A_932 = arith.constant 0 : i32
      %dma_start3A_933 = tpu.memref_slice %arg4[%select_n3A_814, %dma_start3A_923, %add3A_922, %dma_start3A_931, %dma_start3A_932] : memref<50x8x128x8x128xf32, #tpu.memory_space<hbm>> -> memref<1x1x1x8x128xf32, #tpu.memory_space<hbm>>
      %dma_start3A_934 = tpu.memref_squeeze %dma_start3A_933 : memref<1x1x1x8x128xf32, #tpu.memory_space<hbm>> -> memref<8x128xf32, #tpu.memory_space<hbm>>
      %dma_start3A_935 = arith.constant 72 : i32
      %dma_start3A_936 = arith.constant 0 : i32
      %dma_start3A_937 = tpu.memref_slice %arg8[%dma_start3A_935, %dma_start3A_936] : memref<256x128xf32, #tpu.memory_space<vmem>> -> memref<8x128xf32, #tpu.memory_space<vmem>>
      tpu.enqueue_dma source(%dma_start3A_937 : memref<8x128xf32, #tpu.memory_space<vmem>>) target(%dma_start3A_934 : memref<8x128xf32, #tpu.memory_space<hbm>>) target_semaphore(%arg11 : memref<!tpu.dma_semaphore, #tpu.memory_space<semaphore_mem>>)
      %add3A_938 = arith.constant 2 : i32
      %add3A_939 = arith.addi %mul3A_832, %add3A_938 : i32
      %dma_start3A_940 = arith.constant 1 : i32
      %dma_start3A_941 = arith.constant 136 : i32
      %dma_start3A_942 = arith.constant 0 : i32
      %dma_start3A_943 = tpu.memref_slice %arg8[%dma_start3A_941, %dma_start3A_942] : memref<256x128xf32, #tpu.memory_space<vmem>> -> memref<8x128xf32, #tpu.memory_space<vmem>>
      %dma_start3A_944 = arith.constant 0 : i32
      %dma_start3A_945 = arith.constant 0 : i32
      %dma_start3A_946 = tpu.memref_slice %arg4[%select_n3A_814, %dma_start3A_940, %add3A_939, %dma_start3A_944, %dma_start3A_945] : memref<50x8x128x8x128xf32, #tpu.memory_space<hbm>> -> memref<1x1x1x8x128xf32, #tpu.memory_space<hbm>>
      %dma_start3A_947 = tpu.memref_squeeze %dma_start3A_946 : memref<1x1x1x8x128xf32, #tpu.memory_space<hbm>> -> memref<8x128xf32, #tpu.memory_space<hbm>>
      %dma_start3A_948 = arith.constant 0 : i32
      %dma_start3A_949 = arith.constant 0 : i32
      %dma_start3A_950 = tpu.memref_slice %arg4[%select_n3A_814, %dma_start3A_940, %add3A_939, %dma_start3A_948, %dma_start3A_949] : memref<50x8x128x8x128xf32, #tpu.memory_space<hbm>> -> memref<1x1x1x8x128xf32, #tpu.memory_space<hbm>>
      %dma_start3A_951 = tpu.memref_squeeze %dma_start3A_950 : memref<1x1x1x8x128xf32, #tpu.memory_space<hbm>> -> memref<8x128xf32, #tpu.memory_space<hbm>>
      %dma_start3A_952 = arith.constant 136 : i32
      %dma_start3A_953 = arith.constant 0 : i32
      %dma_start3A_954 = tpu.memref_slice %arg8[%dma_start3A_952, %dma_start3A_953] : memref<256x128xf32, #tpu.memory_space<vmem>> -> memref<8x128xf32, #tpu.memory_space<vmem>>
      tpu.enqueue_dma source(%dma_start3A_954 : memref<8x128xf32, #tpu.memory_space<vmem>>) target(%dma_start3A_951 : memref<8x128xf32, #tpu.memory_space<hbm>>) target_semaphore(%arg11 : memref<!tpu.dma_semaphore, #tpu.memory_space<semaphore_mem>>)
      %add3A_955 = arith.constant 3 : i32
      %add3A_956 = arith.addi %mul3A_832, %add3A_955 : i32
      %dma_start3A_957 = arith.constant 1 : i32
      %dma_start3A_958 = arith.constant 200 : i32
      %dma_start3A_959 = arith.constant 0 : i32
      %dma_start3A_960 = tpu.memref_slice %arg8[%dma_start3A_958, %dma_start3A_959] : memref<256x128xf32, #tpu.memory_space<vmem>> -> memref<8x128xf32, #tpu.memory_space<vmem>>
      %dma_start3A_961 = arith.constant 0 : i32
      %dma_start3A_962 = arith.constant 0 : i32
      %dma_start3A_963 = tpu.memref_slice %arg4[%select_n3A_814, %dma_start3A_957, %add3A_956, %dma_start3A_961, %dma_start3A_962] : memref<50x8x128x8x128xf32, #tpu.memory_space<hbm>> -> memref<1x1x1x8x128xf32, #tpu.memory_space<hbm>>
      %dma_start3A_964 = tpu.memref_squeeze %dma_start3A_963 : memref<1x1x1x8x128xf32, #tpu.memory_space<hbm>> -> memref<8x128xf32, #tpu.memory_space<hbm>>
      %dma_start3A_965 = arith.constant 0 : i32
      %dma_start3A_966 = arith.constant 0 : i32
      %dma_start3A_967 = tpu.memref_slice %arg4[%select_n3A_814, %dma_start3A_957, %add3A_956, %dma_start3A_965, %dma_start3A_966] : memref<50x8x128x8x128xf32, #tpu.memory_space<hbm>> -> memref<1x1x1x8x128xf32, #tpu.memory_space<hbm>>
      %dma_start3A_968 = tpu.memref_squeeze %dma_start3A_967 : memref<1x1x1x8x128xf32, #tpu.memory_space<hbm>> -> memref<8x128xf32, #tpu.memory_space<hbm>>
      %dma_start3A_969 = arith.constant 200 : i32
      %dma_start3A_970 = arith.constant 0 : i32
      %dma_start3A_971 = tpu.memref_slice %arg8[%dma_start3A_969, %dma_start3A_970] : memref<256x128xf32, #tpu.memory_space<vmem>> -> memref<8x128xf32, #tpu.memory_space<vmem>>
      tpu.enqueue_dma source(%dma_start3A_971 : memref<8x128xf32, #tpu.memory_space<vmem>>) target(%dma_start3A_968 : memref<8x128xf32, #tpu.memory_space<hbm>>) target_semaphore(%arg11 : memref<!tpu.dma_semaphore, #tpu.memory_space<semaphore_mem>>)
      %add3A_972 = arith.constant 0 : i32
      %add3A_973 = arith.addi %mul3A_832, %add3A_972 : i32
      %dma_start3A_974 = arith.constant 2 : i32
      %dma_start3A_975 = arith.constant 16 : i32
      %dma_start3A_976 = arith.constant 0 : i32
      %dma_start3A_977 = tpu.memref_slice %arg8[%dma_start3A_975, %dma_start3A_976] : memref<256x128xf32, #tpu.memory_space<vmem>> -> memref<8x128xf32, #tpu.memory_space<vmem>>
      %dma_start3A_978 = arith.constant 0 : i32
      %dma_start3A_979 = arith.constant 0 : i32
      %dma_start3A_980 = tpu.memref_slice %arg4[%select_n3A_814, %dma_start3A_974, %add3A_973, %dma_start3A_978, %dma_start3A_979] : memref<50x8x128x8x128xf32, #tpu.memory_space<hbm>> -> memref<1x1x1x8x128xf32, #tpu.memory_space<hbm>>
      %dma_start3A_981 = tpu.memref_squeeze %dma_start3A_980 : memref<1x1x1x8x128xf32, #tpu.memory_space<hbm>> -> memref<8x128xf32, #tpu.memory_space<hbm>>
      %dma_start3A_982 = arith.constant 0 : i32
      %dma_start3A_983 = arith.constant 0 : i32
      %dma_start3A_984 = tpu.memref_slice %arg4[%select_n3A_814, %dma_start3A_974, %add3A_973, %dma_start3A_982, %dma_start3A_983] : memref<50x8x128x8x128xf32, #tpu.memory_space<hbm>> -> memref<1x1x1x8x128xf32, #tpu.memory_space<hbm>>
      %dma_start3A_985 = tpu.memref_squeeze %dma_start3A_984 : memref<1x1x1x8x128xf32, #tpu.memory_space<hbm>> -> memref<8x128xf32, #tpu.memory_space<hbm>>
      %dma_start3A_986 = arith.constant 16 : i32
      %dma_start3A_987 = arith.constant 0 : i32
      %dma_start3A_988 = tpu.memref_slice %arg8[%dma_start3A_986, %dma_start3A_987] : memref<256x128xf32, #tpu.memory_space<vmem>> -> memref<8x128xf32, #tpu.memory_space<vmem>>
      tpu.enqueue_dma source(%dma_start3A_988 : memref<8x128xf32, #tpu.memory_space<vmem>>) target(%dma_start3A_985 : memref<8x128xf32, #tpu.memory_space<hbm>>) target_semaphore(%arg11 : memref<!tpu.dma_semaphore, #tpu.memory_space<semaphore_mem>>)
      %add3A_989 = arith.constant 1 : i32
      %add3A_990 = arith.addi %mul3A_832, %add3A_989 : i32
      %dma_start3A_991 = arith.constant 2 : i32
      %dma_start3A_992 = arith.constant 80 : i32
      %dma_start3A_993 = arith.constant 0 : i32
      %dma_start3A_994 = tpu.memref_slice %arg8[%dma_start3A_992, %dma_start3A_993] : memref<256x128xf32, #tpu.memory_space<vmem>> -> memref<8x128xf32, #tpu.memory_space<vmem>>
      %dma_start3A_995 = arith.constant 0 : i32
      %dma_start3A_996 = arith.constant 0 : i32
      %dma_start3A_997 = tpu.memref_slice %arg4[%select_n3A_814, %dma_start3A_991, %add3A_990, %dma_start3A_995, %dma_start3A_996] : memref<50x8x128x8x128xf32, #tpu.memory_space<hbm>> -> memref<1x1x1x8x128xf32, #tpu.memory_space<hbm>>
      %dma_start3A_998 = tpu.memref_squeeze %dma_start3A_997 : memref<1x1x1x8x128xf32, #tpu.memory_space<hbm>> -> memref<8x128xf32, #tpu.memory_space<hbm>>
      %dma_start3A_999 = arith.constant 0 : i32
      %dma_start3A_1000 = arith.constant 0 : i32
      %dma_start3A_1001 = tpu.memref_slice %arg4[%select_n3A_814, %dma_start3A_991, %add3A_990, %dma_start3A_999, %dma_start3A_1000] : memref<50x8x128x8x128xf32, #tpu.memory_space<hbm>> -> memref<1x1x1x8x128xf32, #tpu.memory_space<hbm>>
      %dma_start3A_1002 = tpu.memref_squeeze %dma_start3A_1001 : memref<1x1x1x8x128xf32, #tpu.memory_space<hbm>> -> memref<8x128xf32, #tpu.memory_space<hbm>>
      %dma_start3A_1003 = arith.constant 80 : i32
      %dma_start3A_1004 = arith.constant 0 : i32
      %dma_start3A_1005 = tpu.memref_slice %arg8[%dma_start3A_1003, %dma_start3A_1004] : memref<256x128xf32, #tpu.memory_space<vmem>> -> memref<8x128xf32, #tpu.memory_space<vmem>>
      tpu.enqueue_dma source(%dma_start3A_1005 : memref<8x128xf32, #tpu.memory_space<vmem>>) target(%dma_start3A_1002 : memref<8x128xf32, #tpu.memory_space<hbm>>) target_semaphore(%arg11 : memref<!tpu.dma_semaphore, #tpu.memory_space<semaphore_mem>>)
      %add3A_1006 = arith.constant 2 : i32
      %add3A_1007 = arith.addi %mul3A_832, %add3A_1006 : i32
      %dma_start3A_1008 = arith.constant 2 : i32
      %dma_start3A_1009 = arith.constant 144 : i32
      %dma_start3A_1010 = arith.constant 0 : i32
      %dma_start3A_1011 = tpu.memref_slice %arg8[%dma_start3A_1009, %dma_start3A_1010] : memref<256x128xf32, #tpu.memory_space<vmem>> -> memref<8x128xf32, #tpu.memory_space<vmem>>
      %dma_start3A_1012 = arith.constant 0 : i32
      %dma_start3A_1013 = arith.constant 0 : i32
      %dma_start3A_1014 = tpu.memref_slice %arg4[%select_n3A_814, %dma_start3A_1008, %add3A_1007, %dma_start3A_1012, %dma_start3A_1013] : memref<50x8x128x8x128xf32, #tpu.memory_space<hbm>> -> memref<1x1x1x8x128xf32, #tpu.memory_space<hbm>>
      %dma_start3A_1015 = tpu.memref_squeeze %dma_start3A_1014 : memref<1x1x1x8x128xf32, #tpu.memory_space<hbm>> -> memref<8x128xf32, #tpu.memory_space<hbm>>
      %dma_start3A_1016 = arith.constant 0 : i32
      %dma_start3A_1017 = arith.constant 0 : i32
      %dma_start3A_1018 = tpu.memref_slice %arg4[%select_n3A_814, %dma_start3A_1008, %add3A_1007, %dma_start3A_1016, %dma_start3A_1017] : memref<50x8x128x8x128xf32, #tpu.memory_space<hbm>> -> memref<1x1x1x8x128xf32, #tpu.memory_space<hbm>>
      %dma_start3A_1019 = tpu.memref_squeeze %dma_start3A_1018 : memref<1x1x1x8x128xf32, #tpu.memory_space<hbm>> -> memref<8x128xf32, #tpu.memory_space<hbm>>
      %dma_start3A_1020 = arith.constant 144 : i32
      %dma_start3A_1021 = arith.constant 0 : i32
      %dma_start3A_1022 = tpu.memref_slice %arg8[%dma_start3A_1020, %dma_start3A_1021] : memref<256x128xf32, #tpu.memory_space<vmem>> -> memref<8x128xf32, #tpu.memory_space<vmem>>
      tpu.enqueue_dma source(%dma_start3A_1022 : memref<8x128xf32, #tpu.memory_space<vmem>>) target(%dma_start3A_1019 : memref<8x128xf32, #tpu.memory_space<hbm>>) target_semaphore(%arg11 : memref<!tpu.dma_semaphore, #tpu.memory_space<semaphore_mem>>)
      %add3A_1023 = arith.constant 3 : i32
      %add3A_1024 = arith.addi %mul3A_832, %add3A_1023 : i32
      %dma_start3A_1025 = arith.constant 2 : i32
      %dma_start3A_1026 = arith.constant 208 : i32
      %dma_start3A_1027 = arith.constant 0 : i32
      %dma_start3A_1028 = tpu.memref_slice %arg8[%dma_start3A_1026, %dma_start3A_1027] : memref<256x128xf32, #tpu.memory_space<vmem>> -> memref<8x128xf32, #tpu.memory_space<vmem>>
      %dma_start3A_1029 = arith.constant 0 : i32
      %dma_start3A_1030 = arith.constant 0 : i32
      %dma_start3A_1031 = tpu.memref_slice %arg4[%select_n3A_814, %dma_start3A_1025, %add3A_1024, %dma_start3A_1029, %dma_start3A_1030] : memref<50x8x128x8x128xf32, #tpu.memory_space<hbm>> -> memref<1x1x1x8x128xf32, #tpu.memory_space<hbm>>
      %dma_start3A_1032 = tpu.memref_squeeze %dma_start3A_1031 : memref<1x1x1x8x128xf32, #tpu.memory_space<hbm>> -> memref<8x128xf32, #tpu.memory_space<hbm>>
      %dma_start3A_1033 = arith.constant 0 : i32
      %dma_start3A_1034 = arith.constant 0 : i32
      %dma_start3A_1035 = tpu.memref_slice %arg4[%select_n3A_814, %dma_start3A_1025, %add3A_1024, %dma_start3A_1033, %dma_start3A_1034] : memref<50x8x128x8x128xf32, #tpu.memory_space<hbm>> -> memref<1x1x1x8x128xf32, #tpu.memory_space<hbm>>
      %dma_start3A_1036 = tpu.memref_squeeze %dma_start3A_1035 : memref<1x1x1x8x128xf32, #tpu.memory_space<hbm>> -> memref<8x128xf32, #tpu.memory_space<hbm>>
      %dma_start3A_1037 = arith.constant 208 : i32
      %dma_start3A_1038 = arith.constant 0 : i32
      %dma_start3A_1039 = tpu.memref_slice %arg8[%dma_start3A_1037, %dma_start3A_1038] : memref<256x128xf32, #tpu.memory_space<vmem>> -> memref<8x128xf32, #tpu.memory_space<vmem>>
      tpu.enqueue_dma source(%dma_start3A_1039 : memref<8x128xf32, #tpu.memory_space<vmem>>) target(%dma_start3A_1036 : memref<8x128xf32, #tpu.memory_space<hbm>>) target_semaphore(%arg11 : memref<!tpu.dma_semaphore, #tpu.memory_space<semaphore_mem>>)
      %add3A_1040 = arith.constant 0 : i32
      %add3A_1041 = arith.addi %mul3A_832, %add3A_1040 : i32
      %dma_start3A_1042 = arith.constant 3 : i32
      %dma_start3A_1043 = arith.constant 24 : i32
      %dma_start3A_1044 = arith.constant 0 : i32
      %dma_start3A_1045 = tpu.memref_slice %arg8[%dma_start3A_1043, %dma_start3A_1044] : memref<256x128xf32, #tpu.memory_space<vmem>> -> memref<8x128xf32, #tpu.memory_space<vmem>>
      %dma_start3A_1046 = arith.constant 0 : i32
      %dma_start3A_1047 = arith.constant 0 : i32
      %dma_start3A_1048 = tpu.memref_slice %arg4[%select_n3A_814, %dma_start3A_1042, %add3A_1041, %dma_start3A_1046, %dma_start3A_1047] : memref<50x8x128x8x128xf32, #tpu.memory_space<hbm>> -> memref<1x1x1x8x128xf32, #tpu.memory_space<hbm>>
      %dma_start3A_1049 = tpu.memref_squeeze %dma_start3A_1048 : memref<1x1x1x8x128xf32, #tpu.memory_space<hbm>> -> memref<8x128xf32, #tpu.memory_space<hbm>>
      %dma_start3A_1050 = arith.constant 0 : i32
      %dma_start3A_1051 = arith.constant 0 : i32
      %dma_start3A_1052 = tpu.memref_slice %arg4[%select_n3A_814, %dma_start3A_1042, %add3A_1041, %dma_start3A_1050, %dma_start3A_1051] : memref<50x8x128x8x128xf32, #tpu.memory_space<hbm>> -> memref<1x1x1x8x128xf32, #tpu.memory_space<hbm>>
      %dma_start3A_1053 = tpu.memref_squeeze %dma_start3A_1052 : memref<1x1x1x8x128xf32, #tpu.memory_space<hbm>> -> memref<8x128xf32, #tpu.memory_space<hbm>>
      %dma_start3A_1054 = arith.constant 24 : i32
      %dma_start3A_1055 = arith.constant 0 : i32
      %dma_start3A_1056 = tpu.memref_slice %arg8[%dma_start3A_1054, %dma_start3A_1055] : memref<256x128xf32, #tpu.memory_space<vmem>> -> memref<8x128xf32, #tpu.memory_space<vmem>>
      tpu.enqueue_dma source(%dma_start3A_1056 : memref<8x128xf32, #tpu.memory_space<vmem>>) target(%dma_start3A_1053 : memref<8x128xf32, #tpu.memory_space<hbm>>) target_semaphore(%arg11 : memref<!tpu.dma_semaphore, #tpu.memory_space<semaphore_mem>>)
      %add3A_1057 = arith.constant 1 : i32
      %add3A_1058 = arith.addi %mul3A_832, %add3A_1057 : i32
      %dma_start3A_1059 = arith.constant 3 : i32
      %dma_start3A_1060 = arith.constant 88 : i32
      %dma_start3A_1061 = arith.constant 0 : i32
      %dma_start3A_1062 = tpu.memref_slice %arg8[%dma_start3A_1060, %dma_start3A_1061] : memref<256x128xf32, #tpu.memory_space<vmem>> -> memref<8x128xf32, #tpu.memory_space<vmem>>
      %dma_start3A_1063 = arith.constant 0 : i32
      %dma_start3A_1064 = arith.constant 0 : i32
      %dma_start3A_1065 = tpu.memref_slice %arg4[%select_n3A_814, %dma_start3A_1059, %add3A_1058, %dma_start3A_1063, %dma_start3A_1064] : memref<50x8x128x8x128xf32, #tpu.memory_space<hbm>> -> memref<1x1x1x8x128xf32, #tpu.memory_space<hbm>>
      %dma_start3A_1066 = tpu.memref_squeeze %dma_start3A_1065 : memref<1x1x1x8x128xf32, #tpu.memory_space<hbm>> -> memref<8x128xf32, #tpu.memory_space<hbm>>
      %dma_start3A_1067 = arith.constant 0 : i32
      %dma_start3A_1068 = arith.constant 0 : i32
      %dma_start3A_1069 = tpu.memref_slice %arg4[%select_n3A_814, %dma_start3A_1059, %add3A_1058, %dma_start3A_1067, %dma_start3A_1068] : memref<50x8x128x8x128xf32, #tpu.memory_space<hbm>> -> memref<1x1x1x8x128xf32, #tpu.memory_space<hbm>>
      %dma_start3A_1070 = tpu.memref_squeeze %dma_start3A_1069 : memref<1x1x1x8x128xf32, #tpu.memory_space<hbm>> -> memref<8x128xf32, #tpu.memory_space<hbm>>
      %dma_start3A_1071 = arith.constant 88 : i32
      %dma_start3A_1072 = arith.constant 0 : i32
      %dma_start3A_1073 = tpu.memref_slice %arg8[%dma_start3A_1071, %dma_start3A_1072] : memref<256x128xf32, #tpu.memory_space<vmem>> -> memref<8x128xf32, #tpu.memory_space<vmem>>
      tpu.enqueue_dma source(%dma_start3A_1073 : memref<8x128xf32, #tpu.memory_space<vmem>>) target(%dma_start3A_1070 : memref<8x128xf32, #tpu.memory_space<hbm>>) target_semaphore(%arg11 : memref<!tpu.dma_semaphore, #tpu.memory_space<semaphore_mem>>)
      %add3A_1074 = arith.constant 2 : i32
      %add3A_1075 = arith.addi %mul3A_832, %add3A_1074 : i32
      %dma_start3A_1076 = arith.constant 3 : i32
      %dma_start3A_1077 = arith.constant 152 : i32
      %dma_start3A_1078 = arith.constant 0 : i32
      %dma_start3A_1079 = tpu.memref_slice %arg8[%dma_start3A_1077, %dma_start3A_1078] : memref<256x128xf32, #tpu.memory_space<vmem>> -> memref<8x128xf32, #tpu.memory_space<vmem>>
      %dma_start3A_1080 = arith.constant 0 : i32
      %dma_start3A_1081 = arith.constant 0 : i32
      %dma_start3A_1082 = tpu.memref_slice %arg4[%select_n3A_814, %dma_start3A_1076, %add3A_1075, %dma_start3A_1080, %dma_start3A_1081] : memref<50x8x128x8x128xf32, #tpu.memory_space<hbm>> -> memref<1x1x1x8x128xf32, #tpu.memory_space<hbm>>
      %dma_start3A_1083 = tpu.memref_squeeze %dma_start3A_1082 : memref<1x1x1x8x128xf32, #tpu.memory_space<hbm>> -> memref<8x128xf32, #tpu.memory_space<hbm>>
      %dma_start3A_1084 = arith.constant 0 : i32
      %dma_start3A_1085 = arith.constant 0 : i32
      %dma_start3A_1086 = tpu.memref_slice %arg4[%select_n3A_814, %dma_start3A_1076, %add3A_1075, %dma_start3A_1084, %dma_start3A_1085] : memref<50x8x128x8x128xf32, #tpu.memory_space<hbm>> -> memref<1x1x1x8x128xf32, #tpu.memory_space<hbm>>
      %dma_start3A_1087 = tpu.memref_squeeze %dma_start3A_1086 : memref<1x1x1x8x128xf32, #tpu.memory_space<hbm>> -> memref<8x128xf32, #tpu.memory_space<hbm>>
      %dma_start3A_1088 = arith.constant 152 : i32
      %dma_start3A_1089 = arith.constant 0 : i32
      %dma_start3A_1090 = tpu.memref_slice %arg8[%dma_start3A_1088, %dma_start3A_1089] : memref<256x128xf32, #tpu.memory_space<vmem>> -> memref<8x128xf32, #tpu.memory_space<vmem>>
      tpu.enqueue_dma source(%dma_start3A_1090 : memref<8x128xf32, #tpu.memory_space<vmem>>) target(%dma_start3A_1087 : memref<8x128xf32, #tpu.memory_space<hbm>>) target_semaphore(%arg11 : memref<!tpu.dma_semaphore, #tpu.memory_space<semaphore_mem>>)
      %add3A_1091 = arith.constant 3 : i32
      %add3A_1092 = arith.addi %mul3A_832, %add3A_1091 : i32
      %dma_start3A_1093 = arith.constant 3 : i32
      %dma_start3A_1094 = arith.constant 216 : i32
      %dma_start3A_1095 = arith.constant 0 : i32
      %dma_start3A_1096 = tpu.memref_slice %arg8[%dma_start3A_1094, %dma_start3A_1095] : memref<256x128xf32, #tpu.memory_space<vmem>> -> memref<8x128xf32, #tpu.memory_space<vmem>>
      %dma_start3A_1097 = arith.constant 0 : i32
      %dma_start3A_1098 = arith.constant 0 : i32
      %dma_start3A_1099 = tpu.memref_slice %arg4[%select_n3A_814, %dma_start3A_1093, %add3A_1092, %dma_start3A_1097, %dma_start3A_1098] : memref<50x8x128x8x128xf32, #tpu.memory_space<hbm>> -> memref<1x1x1x8x128xf32, #tpu.memory_space<hbm>>
      %dma_start3A_1100 = tpu.memref_squeeze %dma_start3A_1099 : memref<1x1x1x8x128xf32, #tpu.memory_space<hbm>> -> memref<8x128xf32, #tpu.memory_space<hbm>>
      %dma_start3A_1101 = arith.constant 0 : i32
      %dma_start3A_1102 = arith.constant 0 : i32
      %dma_start3A_1103 = tpu.memref_slice %arg4[%select_n3A_814, %dma_start3A_1093, %add3A_1092, %dma_start3A_1101, %dma_start3A_1102] : memref<50x8x128x8x128xf32, #tpu.memory_space<hbm>> -> memref<1x1x1x8x128xf32, #tpu.memory_space<hbm>>
      %dma_start3A_1104 = tpu.memref_squeeze %dma_start3A_1103 : memref<1x1x1x8x128xf32, #tpu.memory_space<hbm>> -> memref<8x128xf32, #tpu.memory_space<hbm>>
      %dma_start3A_1105 = arith.constant 216 : i32
      %dma_start3A_1106 = arith.constant 0 : i32
      %dma_start3A_1107 = tpu.memref_slice %arg8[%dma_start3A_1105, %dma_start3A_1106] : memref<256x128xf32, #tpu.memory_space<vmem>> -> memref<8x128xf32, #tpu.memory_space<vmem>>
      tpu.enqueue_dma source(%dma_start3A_1107 : memref<8x128xf32, #tpu.memory_space<vmem>>) target(%dma_start3A_1104 : memref<8x128xf32, #tpu.memory_space<hbm>>) target_semaphore(%arg11 : memref<!tpu.dma_semaphore, #tpu.memory_space<semaphore_mem>>)
      %add3A_1108 = arith.constant 0 : i32
      %add3A_1109 = arith.addi %mul3A_832, %add3A_1108 : i32
      %dma_start3A_1110 = arith.constant 4 : i32
      %dma_start3A_1111 = arith.constant 32 : i32
      %dma_start3A_1112 = arith.constant 0 : i32
      %dma_start3A_1113 = tpu.memref_slice %arg8[%dma_start3A_1111, %dma_start3A_1112] : memref<256x128xf32, #tpu.memory_space<vmem>> -> memref<8x128xf32, #tpu.memory_space<vmem>>
      %dma_start3A_1114 = arith.constant 0 : i32
      %dma_start3A_1115 = arith.constant 0 : i32
      %dma_start3A_1116 = tpu.memref_slice %arg4[%select_n3A_814, %dma_start3A_1110, %add3A_1109, %dma_start3A_1114, %dma_start3A_1115] : memref<50x8x128x8x128xf32, #tpu.memory_space<hbm>> -> memref<1x1x1x8x128xf32, #tpu.memory_space<hbm>>
      %dma_start3A_1117 = tpu.memref_squeeze %dma_start3A_1116 : memref<1x1x1x8x128xf32, #tpu.memory_space<hbm>> -> memref<8x128xf32, #tpu.memory_space<hbm>>
      %dma_start3A_1118 = arith.constant 0 : i32
      %dma_start3A_1119 = arith.constant 0 : i32
      %dma_start3A_1120 = tpu.memref_slice %arg4[%select_n3A_814, %dma_start3A_1110, %add3A_1109, %dma_start3A_1118, %dma_start3A_1119] : memref<50x8x128x8x128xf32, #tpu.memory_space<hbm>> -> memref<1x1x1x8x128xf32, #tpu.memory_space<hbm>>
      %dma_start3A_1121 = tpu.memref_squeeze %dma_start3A_1120 : memref<1x1x1x8x128xf32, #tpu.memory_space<hbm>> -> memref<8x128xf32, #tpu.memory_space<hbm>>
      %dma_start3A_1122 = arith.constant 32 : i32
      %dma_start3A_1123 = arith.constant 0 : i32
      %dma_start3A_1124 = tpu.memref_slice %arg8[%dma_start3A_1122, %dma_start3A_1123] : memref<256x128xf32, #tpu.memory_space<vmem>> -> memref<8x128xf32, #tpu.memory_space<vmem>>
      tpu.enqueue_dma source(%dma_start3A_1124 : memref<8x128xf32, #tpu.memory_space<vmem>>) target(%dma_start3A_1121 : memref<8x128xf32, #tpu.memory_space<hbm>>) target_semaphore(%arg11 : memref<!tpu.dma_semaphore, #tpu.memory_space<semaphore_mem>>)
      %add3A_1125 = arith.constant 1 : i32
      %add3A_1126 = arith.addi %mul3A_832, %add3A_1125 : i32
      %dma_start3A_1127 = arith.constant 4 : i32
      %dma_start3A_1128 = arith.constant 96 : i32
      %dma_start3A_1129 = arith.constant 0 : i32
      %dma_start3A_1130 = tpu.memref_slice %arg8[%dma_start3A_1128, %dma_start3A_1129] : memref<256x128xf32, #tpu.memory_space<vmem>> -> memref<8x128xf32, #tpu.memory_space<vmem>>
      %dma_start3A_1131 = arith.constant 0 : i32
      %dma_start3A_1132 = arith.constant 0 : i32
      %dma_start3A_1133 = tpu.memref_slice %arg4[%select_n3A_814, %dma_start3A_1127, %add3A_1126, %dma_start3A_1131, %dma_start3A_1132] : memref<50x8x128x8x128xf32, #tpu.memory_space<hbm>> -> memref<1x1x1x8x128xf32, #tpu.memory_space<hbm>>
      %dma_start3A_1134 = tpu.memref_squeeze %dma_start3A_1133 : memref<1x1x1x8x128xf32, #tpu.memory_space<hbm>> -> memref<8x128xf32, #tpu.memory_space<hbm>>
      %dma_start3A_1135 = arith.constant 0 : i32
      %dma_start3A_1136 = arith.constant 0 : i32
      %dma_start3A_1137 = tpu.memref_slice %arg4[%select_n3A_814, %dma_start3A_1127, %add3A_1126, %dma_start3A_1135, %dma_start3A_1136] : memref<50x8x128x8x128xf32, #tpu.memory_space<hbm>> -> memref<1x1x1x8x128xf32, #tpu.memory_space<hbm>>
      %dma_start3A_1138 = tpu.memref_squeeze %dma_start3A_1137 : memref<1x1x1x8x128xf32, #tpu.memory_space<hbm>> -> memref<8x128xf32, #tpu.memory_space<hbm>>
      %dma_start3A_1139 = arith.constant 96 : i32
      %dma_start3A_1140 = arith.constant 0 : i32
      %dma_start3A_1141 = tpu.memref_slice %arg8[%dma_start3A_1139, %dma_start3A_1140] : memref<256x128xf32, #tpu.memory_space<vmem>> -> memref<8x128xf32, #tpu.memory_space<vmem>>
      tpu.enqueue_dma source(%dma_start3A_1141 : memref<8x128xf32, #tpu.memory_space<vmem>>) target(%dma_start3A_1138 : memref<8x128xf32, #tpu.memory_space<hbm>>) target_semaphore(%arg11 : memref<!tpu.dma_semaphore, #tpu.memory_space<semaphore_mem>>)
      %add3A_1142 = arith.constant 2 : i32
      %add3A_1143 = arith.addi %mul3A_832, %add3A_1142 : i32
      %dma_start3A_1144 = arith.constant 4 : i32
      %dma_start3A_1145 = arith.constant 160 : i32
      %dma_start3A_1146 = arith.constant 0 : i32
      %dma_start3A_1147 = tpu.memref_slice %arg8[%dma_start3A_1145, %dma_start3A_1146] : memref<256x128xf32, #tpu.memory_space<vmem>> -> memref<8x128xf32, #tpu.memory_space<vmem>>
      %dma_start3A_1148 = arith.constant 0 : i32
      %dma_start3A_1149 = arith.constant 0 : i32
      %dma_start3A_1150 = tpu.memref_slice %arg4[%select_n3A_814, %dma_start3A_1144, %add3A_1143, %dma_start3A_1148, %dma_start3A_1149] : memref<50x8x128x8x128xf32, #tpu.memory_space<hbm>> -> memref<1x1x1x8x128xf32, #tpu.memory_space<hbm>>
      %dma_start3A_1151 = tpu.memref_squeeze %dma_start3A_1150 : memref<1x1x1x8x128xf32, #tpu.memory_space<hbm>> -> memref<8x128xf32, #tpu.memory_space<hbm>>
      %dma_start3A_1152 = arith.constant 0 : i32
      %dma_start3A_1153 = arith.constant 0 : i32
      %dma_start3A_1154 = tpu.memref_slice %arg4[%select_n3A_814, %dma_start3A_1144, %add3A_1143, %dma_start3A_1152, %dma_start3A_1153] : memref<50x8x128x8x128xf32, #tpu.memory_space<hbm>> -> memref<1x1x1x8x128xf32, #tpu.memory_space<hbm>>
      %dma_start3A_1155 = tpu.memref_squeeze %dma_start3A_1154 : memref<1x1x1x8x128xf32, #tpu.memory_space<hbm>> -> memref<8x128xf32, #tpu.memory_space<hbm>>
      %dma_start3A_1156 = arith.constant 160 : i32
      %dma_start3A_1157 = arith.constant 0 : i32
      %dma_start3A_1158 = tpu.memref_slice %arg8[%dma_start3A_1156, %dma_start3A_1157] : memref<256x128xf32, #tpu.memory_space<vmem>> -> memref<8x128xf32, #tpu.memory_space<vmem>>
      tpu.enqueue_dma source(%dma_start3A_1158 : memref<8x128xf32, #tpu.memory_space<vmem>>) target(%dma_start3A_1155 : memref<8x128xf32, #tpu.memory_space<hbm>>) target_semaphore(%arg11 : memref<!tpu.dma_semaphore, #tpu.memory_space<semaphore_mem>>)
      %add3A_1159 = arith.constant 3 : i32
      %add3A_1160 = arith.addi %mul3A_832, %add3A_1159 : i32
      %dma_start3A_1161 = arith.constant 4 : i32
      %dma_start3A_1162 = arith.constant 224 : i32
      %dma_start3A_1163 = arith.constant 0 : i32
      %dma_start3A_1164 = tpu.memref_slice %arg8[%dma_start3A_1162, %dma_start3A_1163] : memref<256x128xf32, #tpu.memory_space<vmem>> -> memref<8x128xf32, #tpu.memory_space<vmem>>
      %dma_start3A_1165 = arith.constant 0 : i32
      %dma_start3A_1166 = arith.constant 0 : i32
      %dma_start3A_1167 = tpu.memref_slice %arg4[%select_n3A_814, %dma_start3A_1161, %add3A_1160, %dma_start3A_1165, %dma_start3A_1166] : memref<50x8x128x8x128xf32, #tpu.memory_space<hbm>> -> memref<1x1x1x8x128xf32, #tpu.memory_space<hbm>>
      %dma_start3A_1168 = tpu.memref_squeeze %dma_start3A_1167 : memref<1x1x1x8x128xf32, #tpu.memory_space<hbm>> -> memref<8x128xf32, #tpu.memory_space<hbm>>
      %dma_start3A_1169 = arith.constant 0 : i32
      %dma_start3A_1170 = arith.constant 0 : i32
      %dma_start3A_1171 = tpu.memref_slice %arg4[%select_n3A_814, %dma_start3A_1161, %add3A_1160, %dma_start3A_1169, %dma_start3A_1170] : memref<50x8x128x8x128xf32, #tpu.memory_space<hbm>> -> memref<1x1x1x8x128xf32, #tpu.memory_space<hbm>>
      %dma_start3A_1172 = tpu.memref_squeeze %dma_start3A_1171 : memref<1x1x1x8x128xf32, #tpu.memory_space<hbm>> -> memref<8x128xf32, #tpu.memory_space<hbm>>
      %dma_start3A_1173 = arith.constant 224 : i32
      %dma_start3A_1174 = arith.constant 0 : i32
      %dma_start3A_1175 = tpu.memref_slice %arg8[%dma_start3A_1173, %dma_start3A_1174] : memref<256x128xf32, #tpu.memory_space<vmem>> -> memref<8x128xf32, #tpu.memory_space<vmem>>
      tpu.enqueue_dma source(%dma_start3A_1175 : memref<8x128xf32, #tpu.memory_space<vmem>>) target(%dma_start3A_1172 : memref<8x128xf32, #tpu.memory_space<hbm>>) target_semaphore(%arg11 : memref<!tpu.dma_semaphore, #tpu.memory_space<semaphore_mem>>)
      %add3A_1176 = arith.constant 0 : i32
      %add3A_1177 = arith.addi %mul3A_832, %add3A_1176 : i32
      %dma_start3A_1178 = arith.constant 5 : i32
      %dma_start3A_1179 = arith.constant 40 : i32
      %dma_start3A_1180 = arith.constant 0 : i32
      %dma_start3A_1181 = tpu.memref_slice %arg8[%dma_start3A_1179, %dma_start3A_1180] : memref<256x128xf32, #tpu.memory_space<vmem>> -> memref<8x128xf32, #tpu.memory_space<vmem>>
      %dma_start3A_1182 = arith.constant 0 : i32
      %dma_start3A_1183 = arith.constant 0 : i32
      %dma_start3A_1184 = tpu.memref_slice %arg4[%select_n3A_814, %dma_start3A_1178, %add3A_1177, %dma_start3A_1182, %dma_start3A_1183] : memref<50x8x128x8x128xf32, #tpu.memory_space<hbm>> -> memref<1x1x1x8x128xf32, #tpu.memory_space<hbm>>
      %dma_start3A_1185 = tpu.memref_squeeze %dma_start3A_1184 : memref<1x1x1x8x128xf32, #tpu.memory_space<hbm>> -> memref<8x128xf32, #tpu.memory_space<hbm>>
      %dma_start3A_1186 = arith.constant 0 : i32
      %dma_start3A_1187 = arith.constant 0 : i32
      %dma_start3A_1188 = tpu.memref_slice %arg4[%select_n3A_814, %dma_start3A_1178, %add3A_1177, %dma_start3A_1186, %dma_start3A_1187] : memref<50x8x128x8x128xf32, #tpu.memory_space<hbm>> -> memref<1x1x1x8x128xf32, #tpu.memory_space<hbm>>
      %dma_start3A_1189 = tpu.memref_squeeze %dma_start3A_1188 : memref<1x1x1x8x128xf32, #tpu.memory_space<hbm>> -> memref<8x128xf32, #tpu.memory_space<hbm>>
      %dma_start3A_1190 = arith.constant 40 : i32
      %dma_start3A_1191 = arith.constant 0 : i32
      %dma_start3A_1192 = tpu.memref_slice %arg8[%dma_start3A_1190, %dma_start3A_1191] : memref<256x128xf32, #tpu.memory_space<vmem>> -> memref<8x128xf32, #tpu.memory_space<vmem>>
      tpu.enqueue_dma source(%dma_start3A_1192 : memref<8x128xf32, #tpu.memory_space<vmem>>) target(%dma_start3A_1189 : memref<8x128xf32, #tpu.memory_space<hbm>>) target_semaphore(%arg11 : memref<!tpu.dma_semaphore, #tpu.memory_space<semaphore_mem>>)
      %add3A_1193 = arith.constant 1 : i32
      %add3A_1194 = arith.addi %mul3A_832, %add3A_1193 : i32
      %dma_start3A_1195 = arith.constant 5 : i32
      %dma_start3A_1196 = arith.constant 104 : i32
      %dma_start3A_1197 = arith.constant 0 : i32
      %dma_start3A_1198 = tpu.memref_slice %arg8[%dma_start3A_1196, %dma_start3A_1197] : memref<256x128xf32, #tpu.memory_space<vmem>> -> memref<8x128xf32, #tpu.memory_space<vmem>>
      %dma_start3A_1199 = arith.constant 0 : i32
      %dma_start3A_1200 = arith.constant 0 : i32
      %dma_start3A_1201 = tpu.memref_slice %arg4[%select_n3A_814, %dma_start3A_1195, %add3A_1194, %dma_start3A_1199, %dma_start3A_1200] : memref<50x8x128x8x128xf32, #tpu.memory_space<hbm>> -> memref<1x1x1x8x128xf32, #tpu.memory_space<hbm>>
      %dma_start3A_1202 = tpu.memref_squeeze %dma_start3A_1201 : memref<1x1x1x8x128xf32, #tpu.memory_space<hbm>> -> memref<8x128xf32, #tpu.memory_space<hbm>>
      %dma_start3A_1203 = arith.constant 0 : i32
      %dma_start3A_1204 = arith.constant 0 : i32
      %dma_start3A_1205 = tpu.memref_slice %arg4[%select_n3A_814, %dma_start3A_1195, %add3A_1194, %dma_start3A_1203, %dma_start3A_1204] : memref<50x8x128x8x128xf32, #tpu.memory_space<hbm>> -> memref<1x1x1x8x128xf32, #tpu.memory_space<hbm>>
      %dma_start3A_1206 = tpu.memref_squeeze %dma_start3A_1205 : memref<1x1x1x8x128xf32, #tpu.memory_space<hbm>> -> memref<8x128xf32, #tpu.memory_space<hbm>>
      %dma_start3A_1207 = arith.constant 104 : i32
      %dma_start3A_1208 = arith.constant 0 : i32
      %dma_start3A_1209 = tpu.memref_slice %arg8[%dma_start3A_1207, %dma_start3A_1208] : memref<256x128xf32, #tpu.memory_space<vmem>> -> memref<8x128xf32, #tpu.memory_space<vmem>>
      tpu.enqueue_dma source(%dma_start3A_1209 : memref<8x128xf32, #tpu.memory_space<vmem>>) target(%dma_start3A_1206 : memref<8x128xf32, #tpu.memory_space<hbm>>) target_semaphore(%arg11 : memref<!tpu.dma_semaphore, #tpu.memory_space<semaphore_mem>>)
      %add3A_1210 = arith.constant 2 : i32
      %add3A_1211 = arith.addi %mul3A_832, %add3A_1210 : i32
      %dma_start3A_1212 = arith.constant 5 : i32
      %dma_start3A_1213 = arith.constant 168 : i32
      %dma_start3A_1214 = arith.constant 0 : i32
      %dma_start3A_1215 = tpu.memref_slice %arg8[%dma_start3A_1213, %dma_start3A_1214] : memref<256x128xf32, #tpu.memory_space<vmem>> -> memref<8x128xf32, #tpu.memory_space<vmem>>
      %dma_start3A_1216 = arith.constant 0 : i32
      %dma_start3A_1217 = arith.constant 0 : i32
      %dma_start3A_1218 = tpu.memref_slice %arg4[%select_n3A_814, %dma_start3A_1212, %add3A_1211, %dma_start3A_1216, %dma_start3A_1217] : memref<50x8x128x8x128xf32, #tpu.memory_space<hbm>> -> memref<1x1x1x8x128xf32, #tpu.memory_space<hbm>>
      %dma_start3A_1219 = tpu.memref_squeeze %dma_start3A_1218 : memref<1x1x1x8x128xf32, #tpu.memory_space<hbm>> -> memref<8x128xf32, #tpu.memory_space<hbm>>
      %dma_start3A_1220 = arith.constant 0 : i32
      %dma_start3A_1221 = arith.constant 0 : i32
      %dma_start3A_1222 = tpu.memref_slice %arg4[%select_n3A_814, %dma_start3A_1212, %add3A_1211, %dma_start3A_1220, %dma_start3A_1221] : memref<50x8x128x8x128xf32, #tpu.memory_space<hbm>> -> memref<1x1x1x8x128xf32, #tpu.memory_space<hbm>>
      %dma_start3A_1223 = tpu.memref_squeeze %dma_start3A_1222 : memref<1x1x1x8x128xf32, #tpu.memory_space<hbm>> -> memref<8x128xf32, #tpu.memory_space<hbm>>
      %dma_start3A_1224 = arith.constant 168 : i32
      %dma_start3A_1225 = arith.constant 0 : i32
      %dma_start3A_1226 = tpu.memref_slice %arg8[%dma_start3A_1224, %dma_start3A_1225] : memref<256x128xf32, #tpu.memory_space<vmem>> -> memref<8x128xf32, #tpu.memory_space<vmem>>
      tpu.enqueue_dma source(%dma_start3A_1226 : memref<8x128xf32, #tpu.memory_space<vmem>>) target(%dma_start3A_1223 : memref<8x128xf32, #tpu.memory_space<hbm>>) target_semaphore(%arg11 : memref<!tpu.dma_semaphore, #tpu.memory_space<semaphore_mem>>)
      %add3A_1227 = arith.constant 3 : i32
      %add3A_1228 = arith.addi %mul3A_832, %add3A_1227 : i32
      %dma_start3A_1229 = arith.constant 5 : i32
      %dma_start3A_1230 = arith.constant 232 : i32
      %dma_start3A_1231 = arith.constant 0 : i32
      %dma_start3A_1232 = tpu.memref_slice %arg8[%dma_start3A_1230, %dma_start3A_1231] : memref<256x128xf32, #tpu.memory_space<vmem>> -> memref<8x128xf32, #tpu.memory_space<vmem>>
      %dma_start3A_1233 = arith.constant 0 : i32
      %dma_start3A_1234 = arith.constant 0 : i32
      %dma_start3A_1235 = tpu.memref_slice %arg4[%select_n3A_814, %dma_start3A_1229, %add3A_1228, %dma_start3A_1233, %dma_start3A_1234] : memref<50x8x128x8x128xf32, #tpu.memory_space<hbm>> -> memref<1x1x1x8x128xf32, #tpu.memory_space<hbm>>
      %dma_start3A_1236 = tpu.memref_squeeze %dma_start3A_1235 : memref<1x1x1x8x128xf32, #tpu.memory_space<hbm>> -> memref<8x128xf32, #tpu.memory_space<hbm>>
      %dma_start3A_1237 = arith.constant 0 : i32
      %dma_start3A_1238 = arith.constant 0 : i32
      %dma_start3A_1239 = tpu.memref_slice %arg4[%select_n3A_814, %dma_start3A_1229, %add3A_1228, %dma_start3A_1237, %dma_start3A_1238] : memref<50x8x128x8x128xf32, #tpu.memory_space<hbm>> -> memref<1x1x1x8x128xf32, #tpu.memory_space<hbm>>
      %dma_start3A_1240 = tpu.memref_squeeze %dma_start3A_1239 : memref<1x1x1x8x128xf32, #tpu.memory_space<hbm>> -> memref<8x128xf32, #tpu.memory_space<hbm>>
      %dma_start3A_1241 = arith.constant 232 : i32
      %dma_start3A_1242 = arith.constant 0 : i32
      %dma_start3A_1243 = tpu.memref_slice %arg8[%dma_start3A_1241, %dma_start3A_1242] : memref<256x128xf32, #tpu.memory_space<vmem>> -> memref<8x128xf32, #tpu.memory_space<vmem>>
      tpu.enqueue_dma source(%dma_start3A_1243 : memref<8x128xf32, #tpu.memory_space<vmem>>) target(%dma_start3A_1240 : memref<8x128xf32, #tpu.memory_space<hbm>>) target_semaphore(%arg11 : memref<!tpu.dma_semaphore, #tpu.memory_space<semaphore_mem>>)
      %add3A_1244 = arith.constant 0 : i32
      %add3A_1245 = arith.addi %mul3A_832, %add3A_1244 : i32
      %dma_start3A_1246 = arith.constant 6 : i32
      %dma_start3A_1247 = arith.constant 48 : i32
      %dma_start3A_1248 = arith.constant 0 : i32
      %dma_start3A_1249 = tpu.memref_slice %arg8[%dma_start3A_1247, %dma_start3A_1248] : memref<256x128xf32, #tpu.memory_space<vmem>> -> memref<8x128xf32, #tpu.memory_space<vmem>>
      %dma_start3A_1250 = arith.constant 0 : i32
      %dma_start3A_1251 = arith.constant 0 : i32
      %dma_start3A_1252 = tpu.memref_slice %arg4[%select_n3A_814, %dma_start3A_1246, %add3A_1245, %dma_start3A_1250, %dma_start3A_1251] : memref<50x8x128x8x128xf32, #tpu.memory_space<hbm>> -> memref<1x1x1x8x128xf32, #tpu.memory_space<hbm>>
      %dma_start3A_1253 = tpu.memref_squeeze %dma_start3A_1252 : memref<1x1x1x8x128xf32, #tpu.memory_space<hbm>> -> memref<8x128xf32, #tpu.memory_space<hbm>>
      %dma_start3A_1254 = arith.constant 0 : i32
      %dma_start3A_1255 = arith.constant 0 : i32
      %dma_start3A_1256 = tpu.memref_slice %arg4[%select_n3A_814, %dma_start3A_1246, %add3A_1245, %dma_start3A_1254, %dma_start3A_1255] : memref<50x8x128x8x128xf32, #tpu.memory_space<hbm>> -> memref<1x1x1x8x128xf32, #tpu.memory_space<hbm>>
      %dma_start3A_1257 = tpu.memref_squeeze %dma_start3A_1256 : memref<1x1x1x8x128xf32, #tpu.memory_space<hbm>> -> memref<8x128xf32, #tpu.memory_space<hbm>>
      %dma_start3A_1258 = arith.constant 48 : i32
      %dma_start3A_1259 = arith.constant 0 : i32
      %dma_start3A_1260 = tpu.memref_slice %arg8[%dma_start3A_1258, %dma_start3A_1259] : memref<256x128xf32, #tpu.memory_space<vmem>> -> memref<8x128xf32, #tpu.memory_space<vmem>>
      tpu.enqueue_dma source(%dma_start3A_1260 : memref<8x128xf32, #tpu.memory_space<vmem>>) target(%dma_start3A_1257 : memref<8x128xf32, #tpu.memory_space<hbm>>) target_semaphore(%arg11 : memref<!tpu.dma_semaphore, #tpu.memory_space<semaphore_mem>>)
      %add3A_1261 = arith.constant 1 : i32
      %add3A_1262 = arith.addi %mul3A_832, %add3A_1261 : i32
      %dma_start3A_1263 = arith.constant 6 : i32
      %dma_start3A_1264 = arith.constant 112 : i32
      %dma_start3A_1265 = arith.constant 0 : i32
      %dma_start3A_1266 = tpu.memref_slice %arg8[%dma_start3A_1264, %dma_start3A_1265] : memref<256x128xf32, #tpu.memory_space<vmem>> -> memref<8x128xf32, #tpu.memory_space<vmem>>
      %dma_start3A_1267 = arith.constant 0 : i32
      %dma_start3A_1268 = arith.constant 0 : i32
      %dma_start3A_1269 = tpu.memref_slice %arg4[%select_n3A_814, %dma_start3A_1263, %add3A_1262, %dma_start3A_1267, %dma_start3A_1268] : memref<50x8x128x8x128xf32, #tpu.memory_space<hbm>> -> memref<1x1x1x8x128xf32, #tpu.memory_space<hbm>>
      %dma_start3A_1270 = tpu.memref_squeeze %dma_start3A_1269 : memref<1x1x1x8x128xf32, #tpu.memory_space<hbm>> -> memref<8x128xf32, #tpu.memory_space<hbm>>
      %dma_start3A_1271 = arith.constant 0 : i32
      %dma_start3A_1272 = arith.constant 0 : i32
      %dma_start3A_1273 = tpu.memref_slice %arg4[%select_n3A_814, %dma_start3A_1263, %add3A_1262, %dma_start3A_1271, %dma_start3A_1272] : memref<50x8x128x8x128xf32, #tpu.memory_space<hbm>> -> memref<1x1x1x8x128xf32, #tpu.memory_space<hbm>>
      %dma_start3A_1274 = tpu.memref_squeeze %dma_start3A_1273 : memref<1x1x1x8x128xf32, #tpu.memory_space<hbm>> -> memref<8x128xf32, #tpu.memory_space<hbm>>
      %dma_start3A_1275 = arith.constant 112 : i32
      %dma_start3A_1276 = arith.constant 0 : i32
      %dma_start3A_1277 = tpu.memref_slice %arg8[%dma_start3A_1275, %dma_start3A_1276] : memref<256x128xf32, #tpu.memory_space<vmem>> -> memref<8x128xf32, #tpu.memory_space<vmem>>
      tpu.enqueue_dma source(%dma_start3A_1277 : memref<8x128xf32, #tpu.memory_space<vmem>>) target(%dma_start3A_1274 : memref<8x128xf32, #tpu.memory_space<hbm>>) target_semaphore(%arg11 : memref<!tpu.dma_semaphore, #tpu.memory_space<semaphore_mem>>)
      %add3A_1278 = arith.constant 2 : i32
      %add3A_1279 = arith.addi %mul3A_832, %add3A_1278 : i32
      %dma_start3A_1280 = arith.constant 6 : i32
      %dma_start3A_1281 = arith.constant 176 : i32
      %dma_start3A_1282 = arith.constant 0 : i32
      %dma_start3A_1283 = tpu.memref_slice %arg8[%dma_start3A_1281, %dma_start3A_1282] : memref<256x128xf32, #tpu.memory_space<vmem>> -> memref<8x128xf32, #tpu.memory_space<vmem>>
      %dma_start3A_1284 = arith.constant 0 : i32
      %dma_start3A_1285 = arith.constant 0 : i32
      %dma_start3A_1286 = tpu.memref_slice %arg4[%select_n3A_814, %dma_start3A_1280, %add3A_1279, %dma_start3A_1284, %dma_start3A_1285] : memref<50x8x128x8x128xf32, #tpu.memory_space<hbm>> -> memref<1x1x1x8x128xf32, #tpu.memory_space<hbm>>
      %dma_start3A_1287 = tpu.memref_squeeze %dma_start3A_1286 : memref<1x1x1x8x128xf32, #tpu.memory_space<hbm>> -> memref<8x128xf32, #tpu.memory_space<hbm>>
      %dma_start3A_1288 = arith.constant 0 : i32
      %dma_start3A_1289 = arith.constant 0 : i32
      %dma_start3A_1290 = tpu.memref_slice %arg4[%select_n3A_814, %dma_start3A_1280, %add3A_1279, %dma_start3A_1288, %dma_start3A_1289] : memref<50x8x128x8x128xf32, #tpu.memory_space<hbm>> -> memref<1x1x1x8x128xf32, #tpu.memory_space<hbm>>
      %dma_start3A_1291 = tpu.memref_squeeze %dma_start3A_1290 : memref<1x1x1x8x128xf32, #tpu.memory_space<hbm>> -> memref<8x128xf32, #tpu.memory_space<hbm>>
      %dma_start3A_1292 = arith.constant 176 : i32
      %dma_start3A_1293 = arith.constant 0 : i32
      %dma_start3A_1294 = tpu.memref_slice %arg8[%dma_start3A_1292, %dma_start3A_1293] : memref<256x128xf32, #tpu.memory_space<vmem>> -> memref<8x128xf32, #tpu.memory_space<vmem>>
      tpu.enqueue_dma source(%dma_start3A_1294 : memref<8x128xf32, #tpu.memory_space<vmem>>) target(%dma_start3A_1291 : memref<8x128xf32, #tpu.memory_space<hbm>>) target_semaphore(%arg11 : memref<!tpu.dma_semaphore, #tpu.memory_space<semaphore_mem>>)
      %add3A_1295 = arith.constant 3 : i32
      %add3A_1296 = arith.addi %mul3A_832, %add3A_1295 : i32
      %dma_start3A_1297 = arith.constant 6 : i32
      %dma_start3A_1298 = arith.constant 240 : i32
      %dma_start3A_1299 = arith.constant 0 : i32
      %dma_start3A_1300 = tpu.memref_slice %arg8[%dma_start3A_1298, %dma_start3A_1299] : memref<256x128xf32, #tpu.memory_space<vmem>> -> memref<8x128xf32, #tpu.memory_space<vmem>>
      %dma_start3A_1301 = arith.constant 0 : i32
      %dma_start3A_1302 = arith.constant 0 : i32
      %dma_start3A_1303 = tpu.memref_slice %arg4[%select_n3A_814, %dma_start3A_1297, %add3A_1296, %dma_start3A_1301, %dma_start3A_1302] : memref<50x8x128x8x128xf32, #tpu.memory_space<hbm>> -> memref<1x1x1x8x128xf32, #tpu.memory_space<hbm>>
      %dma_start3A_1304 = tpu.memref_squeeze %dma_start3A_1303 : memref<1x1x1x8x128xf32, #tpu.memory_space<hbm>> -> memref<8x128xf32, #tpu.memory_space<hbm>>
      %dma_start3A_1305 = arith.constant 0 : i32
      %dma_start3A_1306 = arith.constant 0 : i32
      %dma_start3A_1307 = tpu.memref_slice %arg4[%select_n3A_814, %dma_start3A_1297, %add3A_1296, %dma_start3A_1305, %dma_start3A_1306] : memref<50x8x128x8x128xf32, #tpu.memory_space<hbm>> -> memref<1x1x1x8x128xf32, #tpu.memory_space<hbm>>
      %dma_start3A_1308 = tpu.memref_squeeze %dma_start3A_1307 : memref<1x1x1x8x128xf32, #tpu.memory_space<hbm>> -> memref<8x128xf32, #tpu.memory_space<hbm>>
      %dma_start3A_1309 = arith.constant 240 : i32
      %dma_start3A_1310 = arith.constant 0 : i32
      %dma_start3A_1311 = tpu.memref_slice %arg8[%dma_start3A_1309, %dma_start3A_1310] : memref<256x128xf32, #tpu.memory_space<vmem>> -> memref<8x128xf32, #tpu.memory_space<vmem>>
      tpu.enqueue_dma source(%dma_start3A_1311 : memref<8x128xf32, #tpu.memory_space<vmem>>) target(%dma_start3A_1308 : memref<8x128xf32, #tpu.memory_space<hbm>>) target_semaphore(%arg11 : memref<!tpu.dma_semaphore, #tpu.memory_space<semaphore_mem>>)
      %add3A_1312 = arith.constant 0 : i32
      %add3A_1313 = arith.addi %mul3A_832, %add3A_1312 : i32
      %dma_start3A_1314 = arith.constant 7 : i32
      %dma_start3A_1315 = arith.constant 56 : i32
      %dma_start3A_1316 = arith.constant 0 : i32
      %dma_start3A_1317 = tpu.memref_slice %arg8[%dma_start3A_1315, %dma_start3A_1316] : memref<256x128xf32, #tpu.memory_space<vmem>> -> memref<8x128xf32, #tpu.memory_space<vmem>>
      %dma_start3A_1318 = arith.constant 0 : i32
      %dma_start3A_1319 = arith.constant 0 : i32
      %dma_start3A_1320 = tpu.memref_slice %arg4[%select_n3A_814, %dma_start3A_1314, %add3A_1313, %dma_start3A_1318, %dma_start3A_1319] : memref<50x8x128x8x128xf32, #tpu.memory_space<hbm>> -> memref<1x1x1x8x128xf32, #tpu.memory_space<hbm>>
      %dma_start3A_1321 = tpu.memref_squeeze %dma_start3A_1320 : memref<1x1x1x8x128xf32, #tpu.memory_space<hbm>> -> memref<8x128xf32, #tpu.memory_space<hbm>>
      %dma_start3A_1322 = arith.constant 0 : i32
      %dma_start3A_1323 = arith.constant 0 : i32
      %dma_start3A_1324 = tpu.memref_slice %arg4[%select_n3A_814, %dma_start3A_1314, %add3A_1313, %dma_start3A_1322, %dma_start3A_1323] : memref<50x8x128x8x128xf32, #tpu.memory_space<hbm>> -> memref<1x1x1x8x128xf32, #tpu.memory_space<hbm>>
      %dma_start3A_1325 = tpu.memref_squeeze %dma_start3A_1324 : memref<1x1x1x8x128xf32, #tpu.memory_space<hbm>> -> memref<8x128xf32, #tpu.memory_space<hbm>>
      %dma_start3A_1326 = arith.constant 56 : i32
      %dma_start3A_1327 = arith.constant 0 : i32
      %dma_start3A_1328 = tpu.memref_slice %arg8[%dma_start3A_1326, %dma_start3A_1327] : memref<256x128xf32, #tpu.memory_space<vmem>> -> memref<8x128xf32, #tpu.memory_space<vmem>>
      tpu.enqueue_dma source(%dma_start3A_1328 : memref<8x128xf32, #tpu.memory_space<vmem>>) target(%dma_start3A_1325 : memref<8x128xf32, #tpu.memory_space<hbm>>) target_semaphore(%arg11 : memref<!tpu.dma_semaphore, #tpu.memory_space<semaphore_mem>>)
      %add3A_1329 = arith.constant 1 : i32
      %add3A_1330 = arith.addi %mul3A_832, %add3A_1329 : i32
      %dma_start3A_1331 = arith.constant 7 : i32
      %dma_start3A_1332 = arith.constant 120 : i32
      %dma_start3A_1333 = arith.constant 0 : i32
      %dma_start3A_1334 = tpu.memref_slice %arg8[%dma_start3A_1332, %dma_start3A_1333] : memref<256x128xf32, #tpu.memory_space<vmem>> -> memref<8x128xf32, #tpu.memory_space<vmem>>
      %dma_start3A_1335 = arith.constant 0 : i32
      %dma_start3A_1336 = arith.constant 0 : i32
      %dma_start3A_1337 = tpu.memref_slice %arg4[%select_n3A_814, %dma_start3A_1331, %add3A_1330, %dma_start3A_1335, %dma_start3A_1336] : memref<50x8x128x8x128xf32, #tpu.memory_space<hbm>> -> memref<1x1x1x8x128xf32, #tpu.memory_space<hbm>>
      %dma_start3A_1338 = tpu.memref_squeeze %dma_start3A_1337 : memref<1x1x1x8x128xf32, #tpu.memory_space<hbm>> -> memref<8x128xf32, #tpu.memory_space<hbm>>
      %dma_start3A_1339 = arith.constant 0 : i32
      %dma_start3A_1340 = arith.constant 0 : i32
      %dma_start3A_1341 = tpu.memref_slice %arg4[%select_n3A_814, %dma_start3A_1331, %add3A_1330, %dma_start3A_1339, %dma_start3A_1340] : memref<50x8x128x8x128xf32, #tpu.memory_space<hbm>> -> memref<1x1x1x8x128xf32, #tpu.memory_space<hbm>>
      %dma_start3A_1342 = tpu.memref_squeeze %dma_start3A_1341 : memref<1x1x1x8x128xf32, #tpu.memory_space<hbm>> -> memref<8x128xf32, #tpu.memory_space<hbm>>
      %dma_start3A_1343 = arith.constant 120 : i32
      %dma_start3A_1344 = arith.constant 0 : i32
      %dma_start3A_1345 = tpu.memref_slice %arg8[%dma_start3A_1343, %dma_start3A_1344] : memref<256x128xf32, #tpu.memory_space<vmem>> -> memref<8x128xf32, #tpu.memory_space<vmem>>
      tpu.enqueue_dma source(%dma_start3A_1345 : memref<8x128xf32, #tpu.memory_space<vmem>>) target(%dma_start3A_1342 : memref<8x128xf32, #tpu.memory_space<hbm>>) target_semaphore(%arg11 : memref<!tpu.dma_semaphore, #tpu.memory_space<semaphore_mem>>)
      %add3A_1346 = arith.constant 2 : i32
      %add3A_1347 = arith.addi %mul3A_832, %add3A_1346 : i32
      %dma_start3A_1348 = arith.constant 7 : i32
      %dma_start3A_1349 = arith.constant 184 : i32
      %dma_start3A_1350 = arith.constant 0 : i32
      %dma_start3A_1351 = tpu.memref_slice %arg8[%dma_start3A_1349, %dma_start3A_1350] : memref<256x128xf32, #tpu.memory_space<vmem>> -> memref<8x128xf32, #tpu.memory_space<vmem>>
      %dma_start3A_1352 = arith.constant 0 : i32
      %dma_start3A_1353 = arith.constant 0 : i32
      %dma_start3A_1354 = tpu.memref_slice %arg4[%select_n3A_814, %dma_start3A_1348, %add3A_1347, %dma_start3A_1352, %dma_start3A_1353] : memref<50x8x128x8x128xf32, #tpu.memory_space<hbm>> -> memref<1x1x1x8x128xf32, #tpu.memory_space<hbm>>
      %dma_start3A_1355 = tpu.memref_squeeze %dma_start3A_1354 : memref<1x1x1x8x128xf32, #tpu.memory_space<hbm>> -> memref<8x128xf32, #tpu.memory_space<hbm>>
      %dma_start3A_1356 = arith.constant 0 : i32
      %dma_start3A_1357 = arith.constant 0 : i32
      %dma_start3A_1358 = tpu.memref_slice %arg4[%select_n3A_814, %dma_start3A_1348, %add3A_1347, %dma_start3A_1356, %dma_start3A_1357] : memref<50x8x128x8x128xf32, #tpu.memory_space<hbm>> -> memref<1x1x1x8x128xf32, #tpu.memory_space<hbm>>
      %dma_start3A_1359 = tpu.memref_squeeze %dma_start3A_1358 : memref<1x1x1x8x128xf32, #tpu.memory_space<hbm>> -> memref<8x128xf32, #tpu.memory_space<hbm>>
      %dma_start3A_1360 = arith.constant 184 : i32
      %dma_start3A_1361 = arith.constant 0 : i32
      %dma_start3A_1362 = tpu.memref_slice %arg8[%dma_start3A_1360, %dma_start3A_1361] : memref<256x128xf32, #tpu.memory_space<vmem>> -> memref<8x128xf32, #tpu.memory_space<vmem>>
      tpu.enqueue_dma source(%dma_start3A_1362 : memref<8x128xf32, #tpu.memory_space<vmem>>) target(%dma_start3A_1359 : memref<8x128xf32, #tpu.memory_space<hbm>>) target_semaphore(%arg11 : memref<!tpu.dma_semaphore, #tpu.memory_space<semaphore_mem>>)
      %add3A_1363 = arith.constant 3 : i32
      %add3A_1364 = arith.addi %mul3A_832, %add3A_1363 : i32
      %dma_start3A_1365 = arith.constant 7 : i32
      %dma_start3A_1366 = arith.constant 248 : i32
      %dma_start3A_1367 = arith.constant 0 : i32
      %dma_start3A_1368 = tpu.memref_slice %arg8[%dma_start3A_1366, %dma_start3A_1367] : memref<256x128xf32, #tpu.memory_space<vmem>> -> memref<8x128xf32, #tpu.memory_space<vmem>>
      %dma_start3A_1369 = arith.constant 0 : i32
      %dma_start3A_1370 = arith.constant 0 : i32
      %dma_start3A_1371 = tpu.memref_slice %arg4[%select_n3A_814, %dma_start3A_1365, %add3A_1364, %dma_start3A_1369, %dma_start3A_1370] : memref<50x8x128x8x128xf32, #tpu.memory_space<hbm>> -> memref<1x1x1x8x128xf32, #tpu.memory_space<hbm>>
      %dma_start3A_1372 = tpu.memref_squeeze %dma_start3A_1371 : memref<1x1x1x8x128xf32, #tpu.memory_space<hbm>> -> memref<8x128xf32, #tpu.memory_space<hbm>>
      %dma_start3A_1373 = arith.constant 0 : i32
      %dma_start3A_1374 = arith.constant 0 : i32
      %dma_start3A_1375 = tpu.memref_slice %arg4[%select_n3A_814, %dma_start3A_1365, %add3A_1364, %dma_start3A_1373, %dma_start3A_1374] : memref<50x8x128x8x128xf32, #tpu.memory_space<hbm>> -> memref<1x1x1x8x128xf32, #tpu.memory_space<hbm>>
      %dma_start3A_1376 = tpu.memref_squeeze %dma_start3A_1375 : memref<1x1x1x8x128xf32, #tpu.memory_space<hbm>> -> memref<8x128xf32, #tpu.memory_space<hbm>>
      %dma_start3A_1377 = arith.constant 248 : i32
      %dma_start3A_1378 = arith.constant 0 : i32
      %dma_start3A_1379 = tpu.memref_slice %arg8[%dma_start3A_1377, %dma_start3A_1378] : memref<256x128xf32, #tpu.memory_space<vmem>> -> memref<8x128xf32, #tpu.memory_space<vmem>>
      tpu.enqueue_dma source(%dma_start3A_1379 : memref<8x128xf32, #tpu.memory_space<vmem>>) target(%dma_start3A_1376 : memref<8x128xf32, #tpu.memory_space<hbm>>) target_semaphore(%arg11 : memref<!tpu.dma_semaphore, #tpu.memory_space<semaphore_mem>>)
    }
    %scan3A_67 = arith.constant 25 : i32
    tpu.wait_dma2 semaphore(%arg11 : memref<!tpu.dma_semaphore, #tpu.memory_space<semaphore_mem>>) src(%arg5 : memref<256x128xf32, #tpu.memory_space<hbm>>) dst(%arg8 : memref<256x128xf32, #tpu.memory_space<vmem>>)
    return
  }
}

</mosaic_0001>

<sc_bundles>
// kernel: kernel.3.cloned.1.call-start
scs
__scs_entry_jumppad:
0x0: {  	(pc) =	sbr.rel $0x88, $3  }
0x1: {  	(tag) =	ssettag $0x0;
	lr =	simm.s32 $0x1  }
0x2: {  	[smem:$0x3F9F] =	sst lr;
	_ =	strace $0xD0000000  }
0x3: {  	_ = 	snop  }
0x4: {  	_ = 	snop  }
0x5: {  	_ = 	snop  }
0x6: {  	_ = 	snop  }
0x7: {  	_ = 	snop  }
__scs_overlays_trampoline_lowered:
0x8: {  	[smem:$0x3FAE] =	sst s0  }
0x9: {  	[smem:$0x3FAF] =	sst s1  }
0xa: {  	[smem:$0x3FB0] =	sst s2  }
0xb: {  	[smem:$0x3FB1] =	sst s3  }
0xc: {  	[smem:$0x3FB2] =	sst s4  }
0xd: {  	[smem:$0x3FB3] =	sst s5  }
0xe: {  	[smem:$0x3FB4] =	sst s6  }
0xf: {  	[smem:$0x3FB5] =	sst s7  }
0x10: {  	[smem:$0x3FB6] =	sst s8  }
0x11: {  	[smem:$0x3FB7] =	sst s9;
	s0 =	simm.s32 @!p0 $0x0  }
0x12: {  	s1 =	sld [smem:$0x3F9D];
	s0 =	simm.s32 @p0 $0x1  }
0x13: {  	[smem:$0x3FB8] =	sst s0;
	s0 =	simm.s32 @!p1 $0x0  }
0x14: {  	s2 =	sld [smem:$0x3F9C];
	s0 =	simm.s32 @p1 $0x1  }
0x15: {  	[smem:$0x3FB9] =	sst s0;
	s0 =	simm.s32 @!p2 $0x0  }
0x16: {  	s3 =	sld [smem:$0x3FDB];
	s0 =	simm.s32 @p2 $0x1  }
0x17: {  	s4 =	simm.s32 $0x1BF5;
	[smem:$0x3FBB] =	sst s0  }
0x18: {  	s0 =	sld [smem:$0x3F9E];
	_ =	swait.ge [sflag:s4], $0x0  }
0x19: {  	s7 =	sld [smem:$0x3F9F]  }
0x1a: {  	s8 =	sadd.s32 $0xFFFFE003, lr  }
0x1b: {  	s9 =	sadd.s32 $0xFFFFFEF7, lr;
	s5 =	simm.s32 $0xFFFFFFFF;
	p2 =	slt.u32 s8, $0xFFFFF086  }
0x1c: {  	p1 =	slt.u32 s9, $0xF7A;
	s5 =	simm.s32 @!p2 $0x0  }
0x1d: {  	s5 =	simm.s32 @p1 $0x1;
	p0 =	seq.s32 s7, s2  }
0x1e: {  	s7 =	smul.u32 @!p0 $0xF7A, s2;
	p2 =	seq.s32 @!p0 s5, $0x0  }
0x1f: {  	s9 =	smul.u32 $0xF7A, s1;
	s8 =	simm.s32 @!p0 $0x1BF5;
	p2 =	por !p2, p0  }
0x20: {  	[sflag:s8] =	ssyncset.s32 @!p0 $0xFFFFF086;
	s6 =	sadd.s32 @!p0 s3, s7;
	s7 =	simm.s32 @!p0 $0x108  }
0x21: {  	s3 =	sadd.s32 s3, s9;
	s6 =	sadd.s32 @!p0 $0x88, s6;
	s7 =	simm.s32 @p2 $0x1082  }
0x22: {  	[simem:s7], [sflag:s8] =	dma.local @!p0 [hbm:s6], $0xF7A  }
0x23: {  	s9 =	sor.u32 $0xD0000000, s2;
	s6 =	simm.s32 $0x108;
	_ =	swait.ge @!p0 [sflag:s8], $0x0  }
0x24: {  	s3 =	sadd.s32 $0x88, s3;
	s6 =	simm.s32 @!p1 $0x1082;
	[sflag:s4] =	ssyncset.s32 $0xFFFFF086  }
0x25: {  	[simem:s6], [sflag:s4] =	dma.local [hbm:s3], $0xF7A  }
0x26: {  	[smem:$0x3F9F] =	sst s1;
	(tag) =	ssettag s2;
	_ =	strace s9  }
0x27: {  	s1 =	sld [smem:$0x3FAF]  }
0x28: {  	s2 =	sld [smem:$0x3FB0]  }
0x29: {  	s4 =	sld [smem:$0x3FB2]  }
0x2a: {  	p0 =	seq.s32 s5, $0x0;
	s5 =	sld [smem:$0x3FB3]  }
0x2b: {  	s6 =	sld [smem:$0x3FB4]  }
0x2c: {  	s7 =	sld [smem:$0x3FB5]  }
0x2d: {  	s3 =	simm.s32 $0x108;
	s8 =	sld [smem:$0x3FB6]  }
0x2e: {  	s3 =	simm.s32 @!p0 $0x1082;
	s9 =	sld [smem:$0x3FB7]  }
0x2f: {  	lr =	sadd.s32 s0, s3;
	s0 =	sld [smem:$0x3FAE]  }
0x30: {  	s3 =	sld [smem:$0x3FB1]  }
0x31: {  	[smem:$0x3FBA] =	sst s10  }
0x32: {  	s10 =	sld [smem:$0x3FB8];
	_ =	sdelay $0x3  }
0x33: {  	p0 =	seq.s32 s10, $0x1;
	s10 =	sld [smem:$0x3FBA];
	_ =	sdelay $0x3  }
0x34: {  	[smem:$0x3FBA] =	sst s10  }
0x35: {  	s10 =	sld [smem:$0x3FB9];
	_ =	sdelay $0x3  }
0x36: {  	p1 =	seq.s32 s10, $0x1;
	s10 =	sld [smem:$0x3FBA];
	_ =	sdelay $0x3  }
0x37: {  	[smem:$0x3FBA] =	sst s10  }
0x38: {  	s10 =	sld [smem:$0x3FBB]  }
0x39: {  	_ = 	snop;
	(pc) =	sbr.ind lr, $3  }
0x3a: {  	_ = 	snop  }
0x3b: {  	_ = 	snop  }
0x3c: {  	p2 =	seq.s32 s10, $0x1;
	s10 =	sld [smem:$0x3FBA]  }
0x3d: {  	_ =	shalt  }
0x3e: {  	_ =	shalt  }
0x3f: {  	_ =	shalt  }
0x40: {  	_ =	shalt  }
0x41: {  	_ =	shalt  }
0x42: {  	_ =	shalt  }
0x43: {  	_ =	shalt  }
0x44: {  	_ =	shalt  }
0x45: {  	_ =	shalt  }
0x46: {  	_ =	shalt  }
0x47: {  	_ =	shalt  }
0x48: {  	_ =	shalt  }
0x49: {  	_ =	shalt  }
0x4a: {  	_ =	shalt  }
0x4b: {  	_ =	shalt  }
0x4c: {  	_ =	shalt  }
0x4d: {  	_ =	shalt  }
0x4e: {  	_ =	shalt  }
0x4f: {  	_ =	shalt  }
0x50: {  	_ =	shalt  }
0x51: {  	_ =	shalt  }
0x52: {  	_ =	shalt  }
0x53: {  	_ =	shalt  }
0x54: {  	_ =	shalt  }
0x55: {  	_ =	shalt  }
0x56: {  	_ =	shalt  }
0x57: {  	_ =	shalt  }
0x58: {  	_ =	shalt  }
0x59: {  	_ =	shalt  }
0x5a: {  	_ =	shalt  }
0x5b: {  	_ =	shalt  }
0x5c: {  	_ =	shalt  }
0x5d: {  	_ =	shalt  }
0x5e: {  	_ =	shalt  }
0x5f: {  	_ =	shalt  }
0x60: {  	_ =	shalt  }
0x61: {  	_ =	shalt  }
0x62: {  	_ =	shalt  }
0x63: {  	_ =	shalt  }
0x64: {  	_ =	shalt  }
0x65: {  	_ =	shalt  }
0x66: {  	_ =	shalt  }
0x67: {  	_ =	shalt  }
0x68: {  	_ =	shalt  }
0x69: {  	_ =	shalt  }
0x6a: {  	_ =	shalt  }
0x6b: {  	_ =	shalt  }
0x6c: {  	_ =	shalt  }
0x6d: {  	_ =	shalt  }
0x6e: {  	_ =	shalt  }
0x6f: {  	_ =	shalt  }
0x70: {  	_ =	shalt  }
0x71: {  	_ =	shalt  }
0x72: {  	_ =	shalt  }
0x73: {  	_ =	shalt  }
0x74: {  	_ =	shalt  }
0x75: {  	_ =	shalt  }
0x76: {  	_ =	shalt  }
0x77: {  	_ =	shalt  }
0x78: {  	_ =	shalt  }
0x79: {  	_ =	shalt  }
0x7a: {  	_ =	shalt  }
0x7b: {  	_ =	shalt  }
0x7c: {  	_ =	shalt  }
0x7d: {  	_ =	shalt  }
0x7e: {  	_ =	shalt  }
0x7f: {  	_ =	shalt  }
0x80: {  	_ =	shalt  }
0x81: {  	_ =	shalt  }
0x82: {  	_ =	shalt  }
0x83: {  	_ =	shalt  }
0x84: {  	_ =	shalt  }
0x85: {  	_ =	shalt  }
0x86: {  	_ =	shalt  }
0x87: {  	_ =	shalt  }
.Lfunc_end0:
.L_simem_size_0:
called_computation_lowered:
.L_overlay_start_0:
0x88: {  	s2 =	sld [smem:$0x3FD9]  }
0x89: {  	s3 =	sld [smem:$0x3FFE];
	_ =	sdelay $0x1  }
0x8a: {  	s1 =	srdreg.scid  }
0x8b: {  	s0 =	sand.u32 $0x1, s1  }
0x8c: {  	s17 =	sshll.u32 s0, $0xA;
	s2 =	sadd.s32 s3, s2  }
0x8d: {  	s2 =	sadd.s32 s2, s17  }
0x8e: {  	[smem:$0x3FC6] =	sst s2  }
0x8f: {  	_ = 	snop  }
0x90: {  	s2 =	sld [smem:$0x3FD0];
	(tm) =	ssettm $0x1  }
0x91: {  	s18 =	sld [smem:$0x3FFB];
	_ =	sdelay $0x3  }
0x92: {  	_ =	strace s18  }
0x93: {  	s3 =	sld [smem:$0x3FFC];
	_ =	sdelay $0x3  }
0x94: {  	_ =	strace s3  }
0x95: {  	s3 =	sld [smem:$0x3FFD];
	_ =	sdelay $0x3  }
0x96: {  	_ =	strace s3  }
0x97: {  	_ =	strace $0x8FFFFFFF  }
0x98: {  	s19 =	sld [smem:$0x3FDB];
	_ =	sdelay $0x1  }
0x99: {  	s4 =	simm.s32 $_scs_section_size  }
0x9a: {  	s5 =	simm.s32 $_size__tile_overlayer_lowered;
	s6 =	simm.s32 $_tile_overlayer_lowered  }
0x9b: {  	s22 =	simm.s32 $0x1BFF;
	s21 =	sshll.u32 s6, $0x1;
	s3 =	sadd.s32 s4, s19  }
0x9c: {  	s7 =	simm.s32 $0x0;
	s20 =	sshll.u32 s5, $0x1;
	s5 =	sadd.s32 s21, s3  }
0x9d: {  	[timem:s7], [sflag:s22] =	dma.local [hbm:s5], s20  }
0x9e: {  	_ =	swait.ge [sflag:s22], s20  }
0x9f: {  	s4 =	ssub.s32 $0x0, s20;
	[sflag:s22] =	ssyncset.done $0x0  }
0xa0: {  	[sflag:s22] =	ssyncadd.s32 s4;
	_ =	sdelay $0x1  }
0xa1: {  	s23 =	simm.s32 $0x1B8B  }
0xa2: {  	_ =	swait.ge [sflag:s23], $0x1  }
0xa3: {  	[sflag:s23] =	ssyncset.done $0x0  }
0xa4: {  	s25 =	simm.s32 $0x1B8E;
	s24 =	sld [smem:$0x3FFE];
	[sflag:s23] =	ssyncadd.s32 $0xFFFFFFFF  }
0xa5: {  	s26 =	simm.s32 $execute0_lowered;
	[smem:$0x3FD2] =	sst s25  }
0xa6: {  	s5 =	sshll.u32 s26, $0x1;
	_ =	strace $0x80000046;
	[dreg:$0x1] =	wrdreg $0xFFFFFFFF  }
0xa7: {  	s28 =	simm.s32 $_size_execute0_lowered;
	s3 =	sadd.s32 s3, s5;
	[dreg:$0x0] =	wrdreg $0x0  }
0xa8: {  	s5 =	sshll.u32 s28, $0x1;
	[dreg:$0x2] =	wrdreg s3  }
0xa9: {  	[dreg:$0x3] =	wrdreg s5  }
0xaa: {  	[dreg:$0x4] =	wrdreg $0xC0  }
0xab: {  	_ =	task [dreg:s7], $0x5FFFF  }
0xac: {  	[dreg:$0x1] =	wrdreg $0xFFFFFFFF  }
0xad: {  	[dreg:$0x0] =	wrdreg $0x60  }
0xae: {  	[dreg:$0x2] =	wrdreg s24  }
0xaf: {  	[dreg:$0x3] =	wrdreg s2  }
0xb0: {  	[dreg:$0x4] =	wrdreg $0x9  }
0xb1: {  	_ =	task.clear_ibuf [dreg:s7], $0x5FFFF;
	_ =	strace $0x90000046  }
0xb2: {  	s29 =	simm.s32 $0x9;
	_ =	strace $0x80000048  }
0xb3: {  	_ =	swait.ge [sflag:s29], $0x1  }
0xb4: {  	[sflag:s29] =	ssyncadd.s32 $0xFFFFFFFF  }
0xb5: {  	_ =	strace $0x90000048  }
0xb6: {  	_ =	sfence  }
0xb7: {  	s30 =	sld [smem:$0x0];
	_ =	sdelay $0x2  }
0xb8: {  	s31 =	sshll.u32 s1, $0xD;
	s1 =	sshrl.u32 s1, $0x2  }
0xb9: {  	s3 =	sand.u32 $0x4000, s31;
	s1 =	sadd.s32 s1, s30  }
0xba: {  	s0 =	sor.u32 s3, s0;
	s1 =	sshll.u32 s1, $0x11  }
0xbb: {  	s0 =	sor.u32 s1, s0  }
0xbc: {  	s0 =	sadd.s32 $0x8F2B, s0  }
0xbd: {  	[sflag:s0] =	ssyncadd.remote.s32 $0x1  }
0xbe: {  	_ =	sfence.sel $0xFFFF  }
0xbf: {  	[dreg:$0x0] =	wrdreg $0xFFFFFFFF;
	(pc) =	sbr.abs _section_cstart, $3  }
0xc0: {  	[dreg:$0x1] =	wrdreg $0xFFFFFFFF  }
0xc1: {  	_ =	task.clear_ibuf [dreg:s7], $0x2FFFF;
	_ =	strace $0x9FFFFFFF  }
0xc2: {  	(tm) =	ssettm $0x7FFFFFFF  }
0xc3: {  	_ =	shalt  }
tec
execute0_lowered:
.L_overlay_start_1:
0x0: {  	(tag) =	ssettag $0x1  }
0x1: {  	s0 =	srdreg.scid;
	s1 =	rddreg [dreg:$0x0]  }
0x2: {  	s2 =	stileid.u32;
	s3 =	rddreg [dreg:$0x1]  }
0x3: {  	s5 =	simm.s32 $0x0;
	s28 =	simm.s32 $0x14400;
	s30 =	simm.s32 $0x16400  }
0x4: {  	s31 =	simm.s32 $0x16C00;
	s7 =	simm.s32 $0x19400;
	s6 =	simm.s32 $0x1AC00  }
0x5: {  	s29 =	simm.s32 $0x1CC00;
	[smem:$0x7FF] =	sst s5;
	s20 =	sadd.s32 $0x4000, s3  }
0x6: {  	s21 =	sadd.s32 $0x8000, s3;
	_ =	strace $0x80000047;
	[dreg:$0x7] =	wrdreg s20  }
0x7: {  	s8 =	simm.s32 $0x1D400;
	s22 =	sadd.s32 $0xC000, s3;
	[dreg:$0x8] =	wrdreg s21  }
0x8: {  	s9 =	simm.s32 $0x1DC00;
	s23 =	sadd.s32 $0x10000, s3;
	[dreg:$0x9] =	wrdreg s22  }
0x9: {  	s10 =	simm.s32 $0x0;
	s24 =	sadd.s32 $0x14000, s3;
	[dreg:$0xa] =	wrdreg s23  }
0xa: {  	s0 =	sand.u32 $0x1, s0;
	s25 =	sadd.s32 $0x18000, s3;
	[dreg:$0xb] =	wrdreg s24  }
0xb: {  	s2 =	sshll.u32 s2, $0x1;
	s26 =	sadd.s32 $0x1C000, s3;
	[dreg:$0xc] =	wrdreg s25  }
0xc: {  	s2 =	sor.u32 s0, s2;
	s0 =	ssub.s32 $0x2, s0;
	[dreg:$0xd] =	wrdreg s26  }
0xd: {  	s21 =	simm.s32 $0xA400;
	s23 =	simm.s32 $0xC400;
	s24 =	simm.s32 $0xE400  }
0xe: {  	s25 =	simm.s32 $0x10400;
	s26 =	simm.s32 $0x12400;
	s4 =	smul.u32 $0xC80, s2  }
0xf: {  	s20 =	simm.s32 $0x18400;
	s15 =	smul.u32 $0x32, s2;
	s17 =	sshrl.u32 s0, $0x1  }
0x10: {  	s22 =	simm.s32 $0x18C00;
	s2 =	simm.s32 $0x1C400;
	s0 =	ssub.s32 s0, s17  }
0x11: {  	s16 =	sadd.s32 s4, s1;
	s1 =	sadd.s32 $0x19800, s1;
	[dreg:$0x3] =	wrdreg s15  }
0x12: {  	s17 =	simm.s32 $0x1B400;
	s18 =	sadd.s32 $0x32, s15;
	[dreg:$0x4] =	wrdreg s1  }
0x13: {  	v0 =	vlaneseq.u32;
	s0 =	smax.u32 s0, $0x1;
	s15 =	simm.s32 $0x19C00;
	[dreg:$0x5] =	wrdreg s18  }
0x14: {  	v1 =	vand.u32 $0x7, v0;
	s4 =	simm.s32 $0x1BC00;
	s19 =	sadd.s32 $0x800, s16;
	[dreg:$0xe] =	wrdreg s0  }
0x15: {  	v2 =	vor.u32 $0x78, v1;
	s18 =	simm.s32 $0x6400;
	s1 =	simm.s32 $0x17400;
	s0 =	simm.s32 $0x17C00  }
0x16: {  	v3 =	vor.u32 $0x10, v1;
	v4 =	vor.u32 $0x20, v1;
	v5 =	vor.u32 $0x30, v1;
	s16 =	simm.s32 $0x1A400;
	[dreg:$0x6] =	wrdreg s19;
	s19 =	simm.s32 $0x8400  }
.LBB2_1:
0x17: {  	[dreg:$0xf] =	wrdreg s10  }
0x18: {  	s3 =	simm.s32 $0x0;
	s5 =	rddreg [dreg:$0x6];
	s10 =	simm.s32 $0x4  }
0x19: {  	[tilespmem:s3], [sflag:$0x4] =	stream.linear.gather [hbm4b:s5+s3], $0x6400, $0x38;
	[tilespmem:$0x1E400] =	vst v63  }
0x1a: {  	_ =	swait.ge [sflag:s10], $0x6400  }
0x1b: {  	[sflag:s10] =	ssyncset.done $0x0  }
0x1c: {  	s12 =	simm.s32 $0x80;
	s11 =	rddreg [dreg:$0x4];
	[sflag:s10] =	ssyncadd.s32 $0xFFFF9C00  }
0x1d: {  	[tilespmem:s18], [sflag:$0x1] =	stream.indirect.gather [hbm4b:s11+s12], $0x40, s3, s12, $0xb8;
	[tilespmem:$0x1E400] =	vst v63  }
0x1e: {  	_ = 	snop  }
0x1f: {  	[tilespmem:s19], [sflag:$0x1] =	stream.indirect.gather [hbm4b:s11+s12], $0x40, s12, s12, $0xb8;
	[tilespmem:$0x1E400] =	vst v63  }
0x20: {  	s13 =	simm.s32 $0x100  }
0x21: {  	[tilespmem:s21], [sflag:$0x1] =	stream.indirect.gather [hbm4b:s11+s12], $0x40, s13, s12, $0xb8;
	[tilespmem:$0x1E400] =	vst v63  }
0x22: {  	s14 =	simm.s32 $0x180;
	s10 =	simm.s32 $0x0  }
0x23: {  	[tilespmem:s23], [sflag:$0x1] =	stream.indirect.gather [hbm4b:s11+s12], $0x40, s14, s12, $0xb8;
	[tilespmem:$0x1E400] =	vst v63  }
.LBB2_2:
0x24: {  	s11 =	sshll.u32 s10, $0x1;
	s3 =	rddreg [dreg:$0x3]  }
0x25: {  	s5 =	sadd.s32 s3, s11  }
0x26: {  	[dreg:$0x13] =	wrdreg s5;
	s5 =	sor.u32 $0x1, s5  }
0x27: {  	s12 =	ssub.s32 s5, s3  }
0x28: {  	[dreg:$0x11] =	wrdreg s5;
	s12 =	sshll.u32 s12, $0xB  }
0x29: {  	s11 =	simm.s32 $0x80;
	s5 =	rddreg [dreg:$0x4];
	s12 =	sshra.s32 s12, $0x2  }
0x2a: {  	[tilespmem:s24], [sflag:$0x2] =	stream.indirect.gather [hbm4b:s5+s11], $0x40, s12, s11, $0xb8;
	[tilespmem:$0x1E400] =	vst v63  }
0x2b: {  	s13 =	sor.u32 $0x80, s12  }
0x2c: {  	[tilespmem:s25], [sflag:$0x2] =	stream.indirect.gather [hbm4b:s5+s11], $0x40, s13, s11, $0xb8;
	[tilespmem:$0x1E400] =	vst v63  }
0x2d: {  	s14 =	sor.u32 $0x100, s12  }
0x2e: {  	[tilespmem:s26], [sflag:$0x2] =	stream.indirect.gather [hbm4b:s5+s11], $0x40, s14, s11, $0xb8;
	[tilespmem:$0x1E400] =	vst v63  }
0x2f: {  	p0 =	seq.s32 s10, $0x0;
	s12 =	sor.u32 $0x180, s12  }
0x30: {  	[tilespmem:s28], [sflag:$0x2] =	stream.indirect.gather [hbm4b:s5+s11], $0x40, s12, s11, $0xb8;
	[tilespmem:$0x1E400] =	vst v63  }
0x31: {  	[dreg:$0x10] =	wrdreg s10;
	s12 =	simm.s32 @!p0 $0x3  }
0x32: {  	_ =	swait.ge @!p0 [sflag:s12], $0x8000  }
0x33: {  	[sflag:s12] =	ssyncset.done @!p0 $0x0  }
0x34: {  	[sflag:s12] =	ssyncadd.s32 @!p0 $0xFFFF8000;
	s12 =	simm.s32 $0x0  }
0x35: {  	s13 =	sand.u32 $0x8, s12  }
0x36: {  	s3 =	simm.s32 $0x1;
	s14 =	sand.u32 $0x70, s12;
	s10 =	sor.u32 $0x7, s13  }
0x37: {  	_ =	swait.ge [sflag:s3], $0x2000;
	v6 =	vadd.s32 s13, v0;
	v7 =	vor.u32 s14, v0;
	s11 =	sor.u32 $0x1, s13;
	v13 =	vadd.s32 s10, v0  }
0x38: {  	[sflag:s3] =	ssyncset.done $0x0;
	s14 =	sor.u32 $0x6, s13;
	v14 =	vadd.s32 s11, v0;
	v15 =	vshll.u32 v7, $0x6;
	v9 =	vand.u32 $0x8, v6  }
0x39: {  	[sflag:s3] =	ssyncadd.s32 $0xFFFFE000;
	s10 =	sor.u32 $0x2, s13;
	s11 =	sor.u32 $0x3, s13;
	v49 =	vadd.s32 s14, v0;
	v36 =	vand.u32 v2, v7;
	v6 =	vshll.u32 v6, $0x7  }
0x3a: {  	_ =	swait.ge [sflag:s3], $0x2000;
	v8 =	vand.u32 $0xF, v13;
	v16 =	vadd.s32 s10, v0;
	v46 =	vadd.s32 s11, v0  }
0x3b: {  	v17 =	vor.u32 v9, v15;
	v18 =	vand.u32 $0xF, v14;
	v9 =	vshll.u32 v13, $0x7;
	[sflag:s3] =	ssyncset.done $0x0  }
0x3c: {  	v37 =	vor.u32 $0x10, v15;
	v51 =	vand.u32 $0xF, v49;
	v35 =	vshll.u32 v49, $0x7;
	[sflag:s3] =	ssyncadd.s32 $0xFFFFE000  }
0x3d: {  	s10 =	sor.u32 $0x4, s13;
	s11 =	sor.u32 $0x5, s13;
	v52 =	vor.u32 $0x20, v15;
	v6 =	vand.u32 $0x780, v6;
	v31 =	vor.u32 v15, v8;
	_ =	swait.ge [sflag:s3], $0x2000  }
0x3e: {  	v47 =	vadd.s32 s10, v0;
	v48 =	vadd.s32 s11, v0;
	v19 =	vand.u32 $0xF, v16;
	[sflag:s3] =	ssyncset.done $0x0  }
0x3f: {  	v20 =	vand.u32 $0xF, v46;
	v7 =	vand.u32 $0x780, v9;
	v29 =	vor.u32 v15, v18;
	[sflag:s3] =	ssyncadd.s32 $0xFFFFE000  }
0x40: {  	v23 =	vor.u32 v1, v17;
	v38 =	vor.u32 v13, v37;
	v24 =	vor.u32 v15, v51;
	_ =	swait.ge [sflag:s3], $0x2000  }
0x41: {  	v11 =	vshll.u32 v46, $0x7;
	v21 =	vand.u32 $0xF, v47;
	v22 =	vor.u32 v7, v36;
	[sflag:s3] =	ssyncset.done $0x0  }
0x42: {  	v50 =	vand.u32 $0xF, v48;
	v7 =	vshll.u32 v14, $0x7;
	v25 =	vor.u32 v15, v21;
	[sflag:s3] =	ssyncadd.s32 $0xFFFFE000  }
0x43: {  	v44 =	vor.u32 v8, v52;
	v26 =	vor.u32 v15, v50;
	v7 =	vand.u32 $0x780, v7;
	v9 =	vld.idx.msk [tilespmem:v31+s18+$0x0], $0xffff  }
0x44: {  	v30 =	vor.u32 v14, v37;
	v33 =	vand.u32 $0x780, v11;
	v11 =	vor.u32 v7, v36;
	v40 =	vld.idx.msk [tilespmem:v29+s18+$0x0], $0xffff  }
0x45: {  	v28 =	vor.u32 v15, v19;
	v12 =	vshll.u32 v47, $0x7;
	v32 =	vshll.u32 v48, $0x7  }
0x46: {  	v7 =	vand.u32 $0x780, v12;
	v12 =	vor.u32 v6, v36;
	v6 =	vand.u32 $0x780, v32;
	v39 =	vld.idx.msk [tilespmem:v23+s18+$0x0], $0xffff  }
0x47: {  	v27 =	vor.u32 v15, v20;
	v8 =	vor.u32 v7, v36;
	v7 =	vor.u32 v6, v36;
	v43 =	vld.idx.msk [tilespmem:v25+s18+$0x0], $0xffff  }
0x48: {  	v10 =	vshll.u32 v16, $0x7;
	v6 =	vand.u32 $0x780, v35;
	v35 =	vor.u32 v47, v37;
	v53 =	vld.idx.msk [tilespmem:v26+s18+$0x0], $0xffff;
	[tilespmem:v22+s30+$0x0] =	vst.idx.msk $0xffff, v9  }
0x49: {  	v6 =	vor.u32 v6, v36;
	v54 =	vld.idx.msk [tilespmem:v24+s18+$0x0], $0xffff;
	v9 =	vand.u32 $0x780, v10;
	[tilespmem:v11+s30+$0x0] =	vst.idx.msk $0xffff, v40  }
0x4a: {  	v34 =	vld.idx.msk [tilespmem:v38+s18+$0x0], $0xffff;
	v10 =	vor.u32 v9, v36;
	v9 =	vor.u32 v33, v36;
	v33 =	vor.u32 v3, v17  }
0x4b: {  	v56 =	vor.u32 $0x30, v15;
	[tilespmem:v12+s30+$0x0] =	vst.idx.msk $0xffff, v39;
	v15 =	vld.idx.msk [tilespmem:v30+s18+$0x0], $0xffff;
	v36 =	vor.u32 v48, v37  }
0x4c: {  	v41 =	vld.idx.msk [tilespmem:v28+s18+$0x0], $0xffff;
	[tilespmem:v8+s30+$0x0] =	vst.idx.msk $0xffff, v43  }
0x4d: {  	v32 =	vor.u32 v16, v37;
	v42 =	vld.idx.msk [tilespmem:v27+s18+$0x0], $0xffff;
	[tilespmem:v7+s30+$0x0] =	vst.idx.msk $0xffff, v53  }
0x4e: {  	v40 =	vor.u32 v18, v52;
	[tilespmem:v6+s30+$0x0] =	vst.idx.msk $0xffff, v54;
	v18 =	vld.idx.msk [tilespmem:v35+s18+$0x0], $0xffff  }
0x4f: {  	v45 =	vor.u32 v13, v56;
	v43 =	vor.u32 v21, v52;
	[tilespmem:v22+s31+$0x0] =	vst.idx.msk $0xffff, v34;
	v13 =	vld.idx.msk [tilespmem:v33+s18+$0x0], $0xffff  }
0x50: {  	v34 =	vor.u32 v46, v37;
	[tilespmem:v11+s31+$0x0] =	vst.idx.msk $0xffff, v15;
	v15 =	vld.idx.msk [tilespmem:v36+s18+$0x0], $0xffff  }
0x51: {  	[tilespmem:v10+s30+$0x0] =	vst.idx.msk $0xffff, v41;
	v37 =	vor.u32 v49, v37;
	v55 =	vld.idx.msk [tilespmem:v44+s18+$0x0], $0xffff  }
0x52: {  	v39 =	vor.u32 v4, v17;
	[tilespmem:v9+s30+$0x0] =	vst.idx.msk $0xffff, v42;
	v57 =	vld.idx.msk [tilespmem:v32+s18+$0x0], $0xffff  }
0x53: {  	v21 =	vor.u32 v50, v52;
	[tilespmem:v8+s31+$0x0] =	vst.idx.msk $0xffff, v18;
	v63 =	vld.idx.msk [tilespmem:v40+s18+$0x0], $0xffff  }
0x54: {  	v59 =	vld.idx.msk [tilespmem:v43+s18+$0x0], $0xffff;
	[tilespmem:v12+s31+$0x0] =	vst.idx.msk $0xffff, v13  }
0x55: {  	v41 =	vor.u32 v19, v52;
	v58 =	vld.idx.msk [tilespmem:v34+s18+$0x0], $0xffff;
	[tilespmem:v7+s31+$0x0] =	vst.idx.msk $0xffff, v15  }
0x56: {  	v18 =	vor.u32 v14, v56;
	v13 =	vld.idx.msk [tilespmem:v37+s18+$0x0], $0xffff;
	[tilespmem:v22+s1+$0x0] =	vst.idx.msk $0xffff, v55  }
0x57: {  	v42 =	vor.u32 v20, v52;
	v62 =	vld.idx.msk [tilespmem:v39+s18+$0x0], $0xffff;
	[tilespmem:v10+s31+$0x0] =	vst.idx.msk $0xffff, v57  }
0x58: {  	v15 =	vor.u32 v47, v56;
	v60 =	vld.idx.msk [tilespmem:v21+s18+$0x0], $0xffff;
	[tilespmem:v11+s1+$0x0] =	vst.idx.msk $0xffff, v63  }
0x59: {  	v20 =	vor.u32 v51, v52;
	[tilespmem:v8+s1+$0x0] =	vst.idx.msk $0xffff, v59;
	v61 =	vld.idx.msk [tilespmem:v45+s18+$0x0], $0xffff  }
0x5a: {  	v19 =	vor.u32 v5, v17;
	v57 =	vld.idx.msk [tilespmem:v41+s18+$0x0], $0xffff;
	[tilespmem:v9+s31+$0x0] =	vst.idx.msk $0xffff, v58  }
0x5b: {  	v63 =	vld.idx.msk [tilespmem:v18+s18+$0x0], $0xffff;
	[tilespmem:v6+s31+$0x0] =	vst.idx.msk $0xffff, v13  }
0x5c: {  	v17 =	vor.u32 v16, v56;
	v58 =	vld.idx.msk [tilespmem:v42+s18+$0x0], $0xffff;
	[tilespmem:v12+s1+$0x0] =	vst.idx.msk $0xffff, v62  }
0x5d: {  	[tilespmem:v7+s1+$0x0] =	vst.idx.msk $0xffff, v60;
	v60 =	vld.idx.msk [tilespmem:v15+s18+$0x0], $0xffff  }
0x5e: {  	v16 =	vor.u32 v46, v56;
	[tilespmem:v22+s0+$0x0] =	vst.idx.msk $0xffff, v61;
	v61 =	vld.idx.msk [tilespmem:v20+s18+$0x0], $0xffff  }
0x5f: {  	v14 =	vor.u32 v48, v56;
	v62 =	vld.idx.msk [tilespmem:v19+s18+$0x0], $0xffff;
	[tilespmem:v10+s1+$0x0] =	vst.idx.msk $0xffff, v57  }
0x60: {  	v13 =	vor.u32 v49, v56;
	[tilespmem:v11+s0+$0x0] =	vst.idx.msk $0xffff, v63;
	v53 =	vld.idx.msk [tilespmem:v31+s19+$0x0], $0xffff  }
0x61: {  	v57 =	vld.idx.msk [tilespmem:v17+s18+$0x0], $0xffff;
	[tilespmem:v9+s1+$0x0] =	vst.idx.msk $0xffff, v58  }
0x62: {  	v56 =	vld.idx.msk [tilespmem:v29+s19+$0x0], $0xffff;
	[tilespmem:v8+s0+$0x0] =	vst.idx.msk $0xffff, v60  }
0x63: {  	v59 =	vld.idx.msk [tilespmem:v16+s18+$0x0], $0xffff;
	[tilespmem:v6+s1+$0x0] =	vst.idx.msk $0xffff, v61  }
0x64: {  	[tilespmem:v12+s0+$0x0] =	vst.idx.msk $0xffff, v62;
	v61 =	vld.idx.msk [tilespmem:v14+s18+$0x0], $0xffff  }
0x65: {  	[tilespmem:v22+s20+$0x0] =	vst.idx.msk $0xffff, v53;
	v62 =	vld.idx.msk [tilespmem:v13+s18+$0x0], $0xffff  }
0x66: {  	v63 =	vld.idx.msk [tilespmem:v23+s19+$0x0], $0xffff;
	[tilespmem:v10+s0+$0x0] =	vst.idx.msk $0xffff, v57  }
0x67: {  	[tilespmem:v11+s20+$0x0] =	vst.idx.msk $0xffff, v56;
	v58 =	vld.idx.msk [tilespmem:v38+s19+$0x0], $0xffff  }
0x68: {  	v57 =	vld.idx.msk [tilespmem:v28+s19+$0x0], $0xffff;
	[tilespmem:v9+s0+$0x0] =	vst.idx.msk $0xffff, v59  }
0x69: {  	[tilespmem:v7+s0+$0x0] =	vst.idx.msk $0xffff, v61;
	v59 =	vld.idx.msk [tilespmem:v25+s19+$0x0], $0xffff  }
0x6a: {  	[tilespmem:v6+s0+$0x0] =	vst.idx.msk $0xffff, v62;
	v60 =	vld.idx.msk [tilespmem:v26+s19+$0x0], $0xffff  }
0x6b: {  	[tilespmem:v12+s20+$0x0] =	vst.idx.msk $0xffff, v63;
	v63 =	vld.idx.msk [tilespmem:v30+s19+$0x0], $0xffff  }
0x6c: {  	[tilespmem:v22+s22+$0x0] =	vst.idx.msk $0xffff, v58;
	v58 =	vld.idx.msk [tilespmem:v27+s19+$0x0], $0xffff  }
0x6d: {  	v61 =	vld.idx.msk [tilespmem:v24+s19+$0x0], $0xffff  }
0x6e: {  	v62 =	vld.idx.msk [tilespmem:v33+s19+$0x0], $0xffff;
	[tilespmem:v10+s20+$0x0] =	vst.idx.msk $0xffff, v57  }
0x6f: {  	v50 =	vld.idx.msk [tilespmem:v44+s19+$0x0], $0xffff;
	[tilespmem:v8+s20+$0x0] =	vst.idx.msk $0xffff, v59  }
0x70: {  	v56 =	vld.idx.msk [tilespmem:v32+s19+$0x0], $0xffff;
	[tilespmem:v7+s20+$0x0] =	vst.idx.msk $0xffff, v60  }
0x71: {  	[tilespmem:v9+s20+$0x0] =	vst.idx.msk $0xffff, v58;
	v58 =	vld.idx.msk [tilespmem:v35+s19+$0x0], $0xffff  }
0x72: {  	[tilespmem:v11+s22+$0x0] =	vst.idx.msk $0xffff, v63;
	v59 =	vld.idx.msk [tilespmem:v36+s19+$0x0], $0xffff  }
0x73: {  	[tilespmem:v12+s22+$0x0] =	vst.idx.msk $0xffff, v62;
	v62 =	vld.idx.msk [tilespmem:v40+s19+$0x0], $0xffff  }
0x74: {  	[tilespmem:v6+s20+$0x0] =	vst.idx.msk $0xffff, v61;
	v57 =	vld.idx.msk [tilespmem:v34+s19+$0x0], $0xffff  }
0x75: {  	[tilespmem:v22+s7+$0x0] =	vst.idx.msk $0xffff, v50;
	v60 =	vld.idx.msk [tilespmem:v37+s19+$0x0], $0xffff  }
0x76: {  	v61 =	vld.idx.msk [tilespmem:v39+s19+$0x0], $0xffff;
	[tilespmem:v10+s22+$0x0] =	vst.idx.msk $0xffff, v56  }
0x77: {  	v50 =	vld.idx.msk [tilespmem:v45+s19+$0x0], $0xffff;
	[tilespmem:v8+s22+$0x0] =	vst.idx.msk $0xffff, v58  }
0x78: {  	v63 =	vld.idx.msk [tilespmem:v41+s19+$0x0], $0xffff;
	[tilespmem:v7+s22+$0x0] =	vst.idx.msk $0xffff, v59  }
0x79: {  	[tilespmem:v9+s22+$0x0] =	vst.idx.msk $0xffff, v57;
	v57 =	vld.idx.msk [tilespmem:v43+s19+$0x0], $0xffff  }
0x7a: {  	[tilespmem:v11+s7+$0x0] =	vst.idx.msk $0xffff, v62;
	v58 =	vld.idx.msk [tilespmem:v21+s19+$0x0], $0xffff  }
0x7b: {  	[tilespmem:v12+s7+$0x0] =	vst.idx.msk $0xffff, v61;
	v61 =	vld.idx.msk [tilespmem:v18+s19+$0x0], $0xffff  }
0x7c: {  	[tilespmem:v6+s22+$0x0] =	vst.idx.msk $0xffff, v60;
	v56 =	vld.idx.msk [tilespmem:v42+s19+$0x0], $0xffff  }
0x7d: {  	[tilespmem:v22+s15+$0x0] =	vst.idx.msk $0xffff, v50;
	v59 =	vld.idx.msk [tilespmem:v20+s19+$0x0], $0xffff  }
0x7e: {  	v60 =	vld.idx.msk [tilespmem:v19+s19+$0x0], $0xffff;
	[tilespmem:v10+s7+$0x0] =	vst.idx.msk $0xffff, v63  }
0x7f: {  	v50 =	vld.idx.msk [tilespmem:v31+s21+$0x0], $0xffff;
	[tilespmem:v8+s7+$0x0] =	vst.idx.msk $0xffff, v57  }
0x80: {  	v62 =	vld.idx.msk [tilespmem:v17+s19+$0x0], $0xffff;
	[tilespmem:v7+s7+$0x0] =	vst.idx.msk $0xffff, v58  }
0x81: {  	[tilespmem:v9+s7+$0x0] =	vst.idx.msk $0xffff, v56;
	v56 =	vld.idx.msk [tilespmem:v15+s19+$0x0], $0xffff  }
0x82: {  	[tilespmem:v11+s15+$0x0] =	vst.idx.msk $0xffff, v61;
	v57 =	vld.idx.msk [tilespmem:v14+s19+$0x0], $0xffff  }
0x83: {  	[tilespmem:v6+s7+$0x0] =	vst.idx.msk $0xffff, v59;
	v59 =	vld.idx.msk [tilespmem:v29+s21+$0x0], $0xffff  }
0x84: {  	[tilespmem:v12+s15+$0x0] =	vst.idx.msk $0xffff, v60;
	v63 =	vld.idx.msk [tilespmem:v16+s19+$0x0], $0xffff  }
0x85: {  	[tilespmem:v22+s16+$0x0] =	vst.idx.msk $0xffff, v50;
	v58 =	vld.idx.msk [tilespmem:v13+s19+$0x0], $0xffff  }
0x86: {  	v52 =	vld.idx.msk [tilespmem:v23+s21+$0x0], $0xffff;
	[tilespmem:v10+s15+$0x0] =	vst.idx.msk $0xffff, v62  }
0x87: {  	v50 =	vld.idx.msk [tilespmem:v38+s21+$0x0], $0xffff;
	[tilespmem:v8+s15+$0x0] =	vst.idx.msk $0xffff, v56  }
0x88: {  	v60 =	vld.idx.msk [tilespmem:v28+s21+$0x0], $0xffff;
	[tilespmem:v7+s15+$0x0] =	vst.idx.msk $0xffff, v57  }
0x89: {  	[tilespmem:v11+s16+$0x0] =	vst.idx.msk $0xffff, v59;
	v62 =	vld.idx.msk [tilespmem:v25+s21+$0x0], $0xffff  }
0x8a: {  	[tilespmem:v9+s15+$0x0] =	vst.idx.msk $0xffff, v63;
	v63 =	vld.idx.msk [tilespmem:v26+s21+$0x0], $0xffff  }
0x8b: {  	[tilespmem:v6+s15+$0x0] =	vst.idx.msk $0xffff, v58;
	v57 =	vld.idx.msk [tilespmem:v30+s21+$0x0], $0xffff  }
0x8c: {  	[tilespmem:v22+s6+$0x0] =	vst.idx.msk $0xffff, v50;
	v61 =	vld.idx.msk [tilespmem:v27+s21+$0x0], $0xffff  }
0x8d: {  	[tilespmem:v12+s16+$0x0] =	vst.idx.msk $0xffff, v52;
	v50 =	vld.idx.msk [tilespmem:v44+s21+$0x0], $0xffff  }
0x8e: {  	v56 =	vld.idx.msk [tilespmem:v24+s21+$0x0], $0xffff;
	[tilespmem:v10+s16+$0x0] =	vst.idx.msk $0xffff, v60  }
0x8f: {  	v52 =	vld.idx.msk [tilespmem:v33+s21+$0x0], $0xffff;
	[tilespmem:v8+s16+$0x0] =	vst.idx.msk $0xffff, v62  }
0x90: {  	v58 =	vld.idx.msk [tilespmem:v32+s21+$0x0], $0xffff;
	[tilespmem:v7+s16+$0x0] =	vst.idx.msk $0xffff, v63  }
0x91: {  	[tilespmem:v9+s16+$0x0] =	vst.idx.msk $0xffff, v61;
	v60 =	vld.idx.msk [tilespmem:v35+s21+$0x0], $0xffff  }
0x92: {  	v61 =	vld.idx.msk [tilespmem:v36+s21+$0x0], $0xffff;
	[tilespmem:v22+s17+$0x0] =	vst.idx.msk $0xffff, v50  }
0x93: {  	[tilespmem:v11+s6+$0x0] =	vst.idx.msk $0xffff, v57;
	v50 =	vld.idx.msk [tilespmem:v45+s21+$0x0], $0xffff  }
0x94: {  	[tilespmem:v6+s16+$0x0] =	vst.idx.msk $0xffff, v56;
	v53 =	vld.idx.msk [tilespmem:v40+s21+$0x0], $0xffff  }
0x95: {  	[tilespmem:v12+s6+$0x0] =	vst.idx.msk $0xffff, v52;
	v59 =	vld.idx.msk [tilespmem:v34+s21+$0x0], $0xffff  }
0x96: {  	v62 =	vld.idx.msk [tilespmem:v37+s21+$0x0], $0xffff;
	[tilespmem:v10+s6+$0x0] =	vst.idx.msk $0xffff, v58  }
0x97: {  	v63 =	vld.idx.msk [tilespmem:v39+s21+$0x0], $0xffff;
	[tilespmem:v8+s6+$0x0] =	vst.idx.msk $0xffff, v60  }
0x98: {  	v54 =	vld.idx.msk [tilespmem:v41+s21+$0x0], $0xffff;
	[tilespmem:v22+s4+$0x0] =	vst.idx.msk $0xffff, v50  }
0x99: {  	[tilespmem:v7+s6+$0x0] =	vst.idx.msk $0xffff, v61;
	v31 =	vld.idx.msk [tilespmem:v31+s23+$0x0], $0xffff  }
0x9a: {  	[tilespmem:v11+s17+$0x0] =	vst.idx.msk $0xffff, v53;
	v56 =	vld.idx.msk [tilespmem:v43+s21+$0x0], $0xffff  }
0x9b: {  	[tilespmem:v9+s6+$0x0] =	vst.idx.msk $0xffff, v59;
	v57 =	vld.idx.msk [tilespmem:v21+s21+$0x0], $0xffff  }
0x9c: {  	[tilespmem:v6+s6+$0x0] =	vst.idx.msk $0xffff, v62;
	v60 =	vld.idx.msk [tilespmem:v18+s21+$0x0], $0xffff  }
0x9d: {  	[tilespmem:v12+s17+$0x0] =	vst.idx.msk $0xffff, v63;
	v55 =	vld.idx.msk [tilespmem:v42+s21+$0x0], $0xffff  }
0x9e: {  	v58 =	vld.idx.msk [tilespmem:v20+s21+$0x0], $0xffff;
	[tilespmem:v22+s2+$0x0] =	vst.idx.msk $0xffff, v31  }
0x9f: {  	[tilespmem:v10+s17+$0x0] =	vst.idx.msk $0xffff, v54;
	v31 =	vld.idx.msk [tilespmem:v38+s23+$0x0], $0xffff  }
0xa0: {  	v59 =	vld.idx.msk [tilespmem:v19+s21+$0x0], $0xffff;
	[tilespmem:v8+s17+$0x0] =	vst.idx.msk $0xffff, v56  }
0xa1: {  	v61 =	vld.idx.msk [tilespmem:v17+s21+$0x0], $0xffff;
	[tilespmem:v7+s17+$0x0] =	vst.idx.msk $0xffff, v57  }
0xa2: {  	[tilespmem:v11+s4+$0x0] =	vst.idx.msk $0xffff, v60;
	v47 =	vld.idx.msk [tilespmem:v15+s21+$0x0], $0xffff  }
0xa3: {  	[tilespmem:v9+s17+$0x0] =	vst.idx.msk $0xffff, v55;
	v48 =	vld.idx.msk [tilespmem:v14+s21+$0x0], $0xffff  }
0xa4: {  	v46 =	vld.idx.msk [tilespmem:v16+s21+$0x0], $0xffff;
	[tilespmem:v22+s29+$0x0] =	vst.idx.msk $0xffff, v31  }
0xa5: {  	[tilespmem:v6+s17+$0x0] =	vst.idx.msk $0xffff, v58;
	v31 =	vld.idx.msk [tilespmem:v44+s23+$0x0], $0xffff  }
0xa6: {  	[tilespmem:v12+s4+$0x0] =	vst.idx.msk $0xffff, v59;
	v29 =	vld.idx.msk [tilespmem:v29+s23+$0x0], $0xffff  }
0xa7: {  	v49 =	vld.idx.msk [tilespmem:v13+s21+$0x0], $0xffff;
	[tilespmem:v10+s4+$0x0] =	vst.idx.msk $0xffff, v61  }
0xa8: {  	v23 =	vld.idx.msk [tilespmem:v23+s23+$0x0], $0xffff;
	[tilespmem:v8+s4+$0x0] =	vst.idx.msk $0xffff, v47  }
0xa9: {  	v28 =	vld.idx.msk [tilespmem:v28+s23+$0x0], $0xffff;
	[tilespmem:v9+s4+$0x0] =	vst.idx.msk $0xffff, v46  }
0xaa: {  	v27 =	vld.idx.msk [tilespmem:v27+s23+$0x0], $0xffff;
	[tilespmem:v22+s8+$0x0] =	vst.idx.msk $0xffff, v31  }
0xab: {  	[tilespmem:v7+s4+$0x0] =	vst.idx.msk $0xffff, v48;
	v31 =	vld.idx.msk [tilespmem:v45+s23+$0x0], $0xffff  }
0xac: {  	v25 =	vld.idx.msk [tilespmem:v25+s23+$0x0], $0xffff;
	[tilespmem:v6+s4+$0x0] =	vst.idx.msk $0xffff, v49  }
0xad: {  	v26 =	vld.idx.msk [tilespmem:v26+s23+$0x0], $0xffff;
	[tilespmem:v12+s2+$0x0] =	vst.idx.msk $0xffff, v23  }
0xae: {  	v23 =	vld.idx.msk [tilespmem:v33+s23+$0x0], $0xffff;
	[tilespmem:v10+s2+$0x0] =	vst.idx.msk $0xffff, v28  }
0xaf: {  	v28 =	vld.idx.msk [tilespmem:v32+s23+$0x0], $0xffff;
	[tilespmem:v9+s2+$0x0] =	vst.idx.msk $0xffff, v27  }
0xb0: {  	[tilespmem:v22+s9+$0x0] =	vst.idx.msk $0xffff, v31;
	v22 =	vld.idx.msk [tilespmem:v24+s23+$0x0], $0xffff  }
0xb1: {  	[tilespmem:v11+s2+$0x0] =	vst.idx.msk $0xffff, v29;
	v29 =	vld.idx.msk [tilespmem:v34+s23+$0x0], $0xffff  }
0xb2: {  	[tilespmem:v8+s2+$0x0] =	vst.idx.msk $0xffff, v25;
	v24 =	vld.idx.msk [tilespmem:v30+s23+$0x0], $0xffff  }
0xb3: {  	[tilespmem:v7+s2+$0x0] =	vst.idx.msk $0xffff, v26;
	v62 =	vld.idx.msk [tilespmem:v35+s23+$0x0], $0xffff  }
0xb4: {  	v63 =	vld.idx.msk [tilespmem:v36+s23+$0x0], $0xffff;
	[tilespmem:v12+s29+$0x0] =	vst.idx.msk $0xffff, v23  }
0xb5: {  	v26 =	vld.idx.msk [tilespmem:v39+s23+$0x0], $0xffff;
	[tilespmem:v6+s2+$0x0] =	vst.idx.msk $0xffff, v22  }
0xb6: {  	[tilespmem:v9+s29+$0x0] =	vst.idx.msk $0xffff, v29;
	v27 =	vld.idx.msk [tilespmem:v37+s23+$0x0], $0xffff  }
0xb7: {  	v23 =	vld.idx.msk [tilespmem:v42+s23+$0x0], $0xffff;
	[tilespmem:v11+s29+$0x0] =	vst.idx.msk $0xffff, v24  }
0xb8: {  	[tilespmem:v10+s29+$0x0] =	vst.idx.msk $0xffff, v28;
	v25 =	vld.idx.msk [tilespmem:v40+s23+$0x0], $0xffff  }
0xb9: {  	[tilespmem:v8+s29+$0x0] =	vst.idx.msk $0xffff, v62;
	v24 =	vld.idx.msk [tilespmem:v41+s23+$0x0], $0xffff  }
0xba: {  	[tilespmem:v7+s29+$0x0] =	vst.idx.msk $0xffff, v63;
	v22 =	vld.idx.msk [tilespmem:v43+s23+$0x0], $0xffff  }
.LBB2_3:
0xbb: {  	s12 =	sadd.s32 $0x8, s12;
	v21 =	vld.idx.msk [tilespmem:v21+s23+$0x0], $0xffff;
	[tilespmem:v6+s29+$0x0] =	vst.idx.msk $0xffff, v27  }
0xbc: {  	s5 =	sand.u32 $0x8, s12;
	p0 =	slt.u32 s12, $0x78;
	[tilespmem:v12+s8+$0x0] =	vst.idx.msk $0xffff, v26;
	v20 =	vld.idx.msk [tilespmem:v20+s23+$0x0], $0xffff  }
0xbd: {  	s13 =	sand.u32 $0x70, s12;
	v30 =	vadd.s32 s5, v0;
	s14 =	sor.u32 $0x1, s5;
	s10 =	sor.u32 $0x7, s5;
	v19 =	vld.idx.msk [tilespmem:v19+s23+$0x0], $0xffff;
	[tilespmem:v11+s8+$0x0] =	vst.idx.msk $0xffff, v25  }
0xbe: {  	v25 =	vor.u32 s13, v0;
	s13 =	sor.u32 $0x2, s5;
	s11 =	sor.u32 $0x3, s5;
	s3 =	sor.u32 $0x4, s5;
	v26 =	vand.u32 $0x8, v30;
	v45 =	vadd.s32 s10, v0;
	v18 =	vld.idx.msk [tilespmem:v18+s23+$0x0], $0xffff;
	[tilespmem:v10+s8+$0x0] =	vst.idx.msk $0xffff, v24  }
0xbf: {  	v31 =	vshll.u32 v25, $0x6;
	v46 =	vadd.s32 s14, v0;
	s10 =	sor.u32 $0x5, s5;
	s5 =	sor.u32 $0x6, s5;
	v32 =	vand.u32 $0xF, v45;
	v17 =	vld.idx.msk [tilespmem:v17+s23+$0x0], $0xffff;
	[tilespmem:v9+s8+$0x0] =	vst.idx.msk $0xffff, v23  }
0xc0: {  	v47 =	vadd.s32 s13, v0;
	v48 =	vadd.s32 s11, v0;
	v42 =	vor.u32 v31, v32;
	v16 =	vld.idx.msk [tilespmem:v16+s23+$0x0], $0xffff;
	[tilespmem:v8+s8+$0x0] =	vst.idx.msk $0xffff, v22  }
0xc1: {  	v49 =	vadd.s32 s3, v0;
	v50 =	vadd.s32 s10, v0;
	v51 =	vadd.s32 s5, v0;
	[tilespmem:v7+s8+$0x0] =	vst.idx.msk $0xffff, v21  }
0xc2: {  	v52 =	vor.u32 v26, v31;
	v34 =	vand.u32 $0xF, v47;
	v21 =	vand.u32 $0xF, v46;
	v15 =	vld.idx.msk [tilespmem:v15+s23+$0x0], $0xffff;
	[tilespmem:v6+s8+$0x0] =	vst.idx.msk $0xffff, v20  }
0xc3: {  	v53 =	vand.u32 $0xF, v49;
	v54 =	vand.u32 $0xF, v50;
	v20 =	vand.u32 $0xF, v48;
	[tilespmem:v12+s9+$0x0] =	vst.idx.msk $0xffff, v19;
	v12 =	vld.idx.msk [tilespmem:v14+s23+$0x0], $0xffff  }
0xc4: {  	v23 =	vor.u32 v1, v52;
	v14 =	vand.u32 $0xF, v51;
	v19 =	vshll.u32 v45, $0x7;
	[tilespmem:v11+s9+$0x0] =	vst.idx.msk $0xffff, v18;
	v11 =	vld.idx.msk [tilespmem:v13+s23+$0x0], $0xffff  }
0xc5: {  	v13 =	vand.u32 v2, v25;
	v25 =	vor.u32 v31, v21;
	v19 =	vand.u32 $0x780, v19;
	v18 =	vld.idx.msk [tilespmem:v42+s18+$0x0], $0xffff  }
0xc6: {  	v33 =	vor.u32 $0x10, v31;
	v27 =	vor.u32 v31, v34;
	v22 =	vor.u32 v19, v13;
	[tilespmem:v10+s9+$0x0] =	vst.idx.msk $0xffff, v17  }
0xc7: {  	v26 =	vor.u32 v31, v53;
	v43 =	vor.u32 v45, v33;
	v29 =	vor.u32 v31, v20  }
0xc8: {  	v28 =	vor.u32 v31, v54;
	v24 =	vor.u32 v31, v14;
	v10 =	vshll.u32 v46, $0x7;
	[tilespmem:v9+s9+$0x0] =	vst.idx.msk $0xffff, v16  }
0xc9: {  	v19 =	vshll.u32 v49, $0x7;
	v17 =	vshll.u32 v48, $0x7;
	v9 =	vshll.u32 v47, $0x7;
	v16 =	vld.idx.msk [tilespmem:v23+s18+$0x0], $0xffff;
	[tilespmem:v8+s9+$0x0] =	vst.idx.msk $0xffff, v15  }
0xca: {  	v35 =	vshll.u32 v51, $0x7;
	v8 =	vshll.u32 v30, $0x7;
	v30 =	vshll.u32 v50, $0x7;
	v15 =	vld.idx.msk [tilespmem:v25+s18+$0x0], $0xffff;
	[tilespmem:v7+s9+$0x0] =	vst.idx.msk $0xffff, v12  }
0xcb: {  	v9 =	vand.u32 $0x780, v9;
	v7 =	vand.u32 $0x780, v10;
	v12 =	vand.u32 $0x780, v17;
	v55 =	vld.idx.msk [tilespmem:v27+s18+$0x0], $0xffff;
	[tilespmem:v22+s30+$0x0] =	vst.idx.msk $0xffff, v18  }
0xcc: {  	v17 =	vand.u32 $0x780, v19;
	v19 =	vand.u32 $0x780, v35;
	v18 =	vand.u32 $0x780, v30;
	v30 =	vld.idx.msk [tilespmem:v43+s18+$0x0], $0xffff;
	[tilespmem:v6+s9+$0x0] =	vst.idx.msk $0xffff, v11  }
0xcd: {  	v56 =	vor.u32 $0x20, v31;
	v35 =	vand.u32 $0x780, v8;
	v11 =	vor.u32 v7, v13;
	v57 =	vld.idx.msk [tilespmem:v29+s18+$0x0], $0xffff  }
0xce: {  	v44 =	vor.u32 v32, v56;
	v10 =	vor.u32 v9, v13;
	v9 =	vor.u32 v12, v13;
	v58 =	vld.idx.msk [tilespmem:v26+s18+$0x0], $0xffff  }
0xcf: {  	v8 =	vor.u32 v17, v13;
	v7 =	vor.u32 v18, v13;
	v6 =	vor.u32 v19, v13;
	v59 =	vld.idx.msk [tilespmem:v28+s18+$0x0], $0xffff  }
0xd0: {  	v41 =	vor.u32 v3, v52;
	v39 =	vor.u32 v46, v33;
	v12 =	vor.u32 v35, v13;
	v13 =	vld.idx.msk [tilespmem:v24+s18+$0x0], $0xffff  }
0xd1: {  	v40 =	vor.u32 v47, v33;
	v38 =	vor.u32 v48, v33;
	v37 =	vor.u32 v49, v33  }
0xd2: {  	v36 =	vor.u32 v50, v33;
	v32 =	vor.u32 v51, v33;
	[tilespmem:v22+s31+$0x0] =	vst.idx.msk $0xffff, v30  }
0xd3: {  	v33 =	vor.u32 v4, v52;
	v30 =	vor.u32 v21, v56;
	[tilespmem:v11+s30+$0x0] =	vst.idx.msk $0xffff, v15;
	v60 =	vld.idx.msk [tilespmem:v44+s18+$0x0], $0xffff  }
0xd4: {  	v61 =	vor.u32 $0x30, v31;
	v31 =	vor.u32 v20, v56;
	v35 =	vor.u32 v34, v56;
	[tilespmem:v10+s30+$0x0] =	vst.idx.msk $0xffff, v55  }
0xd5: {  	v45 =	vor.u32 v45, v61;
	v34 =	vor.u32 v53, v56;
	[tilespmem:v12+s30+$0x0] =	vst.idx.msk $0xffff, v16;
	v55 =	vld.idx.msk [tilespmem:v39+s18+$0x0], $0xffff  }
0xd6: {  	v20 =	vor.u32 v14, v56;
	v21 =	vor.u32 v54, v56;
	v53 =	vld.idx.msk [tilespmem:v41+s18+$0x0], $0xffff;
	[tilespmem:v9+s30+$0x0] =	vst.idx.msk $0xffff, v57  }
0xd7: {  	v19 =	vor.u32 v5, v52;
	v18 =	vor.u32 v46, v61;
	v46 =	vld.idx.msk [tilespmem:v40+s18+$0x0], $0xffff;
	[tilespmem:v8+s30+$0x0] =	vst.idx.msk $0xffff, v58  }
0xd8: {  	v17 =	vor.u32 v47, v61;
	v16 =	vor.u32 v48, v61;
	v47 =	vld.idx.msk [tilespmem:v38+s18+$0x0], $0xffff;
	[tilespmem:v7+s30+$0x0] =	vst.idx.msk $0xffff, v59  }
0xd9: {  	v14 =	vor.u32 v50, v61;
	v15 =	vor.u32 v49, v61;
	v48 =	vld.idx.msk [tilespmem:v37+s18+$0x0], $0xffff;
	[tilespmem:v22+s1+$0x0] =	vst.idx.msk $0xffff, v60  }
0xda: {  	[tilespmem:v6+s30+$0x0] =	vst.idx.msk $0xffff, v13;
	v13 =	vor.u32 v51, v61;
	v49 =	vld.idx.msk [tilespmem:v45+s18+$0x0], $0xffff  }
0xdb: {  	[tilespmem:v11+s31+$0x0] =	vst.idx.msk $0xffff, v55;
	v50 =	vld.idx.msk [tilespmem:v36+s18+$0x0], $0xffff  }
0xdc: {  	[tilespmem:v12+s31+$0x0] =	vst.idx.msk $0xffff, v53;
	v51 =	vld.idx.msk [tilespmem:v32+s18+$0x0], $0xffff  }
0xdd: {  	v52 =	vld.idx.msk [tilespmem:v33+s18+$0x0], $0xffff;
	[tilespmem:v10+s31+$0x0] =	vst.idx.msk $0xffff, v46  }
0xde: {  	v46 =	vld.idx.msk [tilespmem:v30+s18+$0x0], $0xffff;
	[tilespmem:v9+s31+$0x0] =	vst.idx.msk $0xffff, v47  }
0xdf: {  	v47 =	vld.idx.msk [tilespmem:v35+s18+$0x0], $0xffff;
	[tilespmem:v8+s31+$0x0] =	vst.idx.msk $0xffff, v48  }
0xe0: {  	v48 =	vld.idx.msk [tilespmem:v31+s18+$0x0], $0xffff;
	[tilespmem:v22+s0+$0x0] =	vst.idx.msk $0xffff, v49  }
0xe1: {  	[tilespmem:v7+s31+$0x0] =	vst.idx.msk $0xffff, v50;
	v49 =	vld.idx.msk [tilespmem:v42+s19+$0x0], $0xffff  }
0xe2: {  	v50 =	vld.idx.msk [tilespmem:v34+s18+$0x0], $0xffff;
	[tilespmem:v6+s31+$0x0] =	vst.idx.msk $0xffff, v51  }
0xe3: {  	[tilespmem:v12+s1+$0x0] =	vst.idx.msk $0xffff, v52;
	v51 =	vld.idx.msk [tilespmem:v21+s18+$0x0], $0xffff  }
0xe4: {  	[tilespmem:v11+s1+$0x0] =	vst.idx.msk $0xffff, v46;
	v46 =	vld.idx.msk [tilespmem:v20+s18+$0x0], $0xffff  }
0xe5: {  	v52 =	vld.idx.msk [tilespmem:v19+s18+$0x0], $0xffff;
	[tilespmem:v10+s1+$0x0] =	vst.idx.msk $0xffff, v47  }
0xe6: {  	v47 =	vld.idx.msk [tilespmem:v18+s18+$0x0], $0xffff;
	[tilespmem:v9+s1+$0x0] =	vst.idx.msk $0xffff, v48  }
0xe7: {  	v48 =	vld.idx.msk [tilespmem:v17+s18+$0x0], $0xffff;
	[tilespmem:v22+s20+$0x0] =	vst.idx.msk $0xffff, v49  }
0xe8: {  	[tilespmem:v8+s1+$0x0] =	vst.idx.msk $0xffff, v50;
	v49 =	vld.idx.msk [tilespmem:v43+s19+$0x0], $0xffff  }
0xe9: {  	v50 =	vld.idx.msk [tilespmem:v16+s18+$0x0], $0xffff;
	[tilespmem:v7+s1+$0x0] =	vst.idx.msk $0xffff, v51  }
0xea: {  	v51 =	vld.idx.msk [tilespmem:v15+s18+$0x0], $0xffff;
	[tilespmem:v6+s1+$0x0] =	vst.idx.msk $0xffff, v46  }
0xeb: {  	[tilespmem:v12+s0+$0x0] =	vst.idx.msk $0xffff, v52;
	v46 =	vld.idx.msk [tilespmem:v14+s18+$0x0], $0xffff  }
0xec: {  	[tilespmem:v11+s0+$0x0] =	vst.idx.msk $0xffff, v47;
	v47 =	vld.idx.msk [tilespmem:v13+s18+$0x0], $0xffff  }
0xed: {  	v52 =	vld.idx.msk [tilespmem:v23+s19+$0x0], $0xffff;
	[tilespmem:v10+s0+$0x0] =	vst.idx.msk $0xffff, v48  }
0xee: {  	v48 =	vld.idx.msk [tilespmem:v25+s19+$0x0], $0xffff;
	[tilespmem:v22+s22+$0x0] =	vst.idx.msk $0xffff, v49  }
0xef: {  	[tilespmem:v9+s0+$0x0] =	vst.idx.msk $0xffff, v50;
	v49 =	vld.idx.msk [tilespmem:v44+s19+$0x0], $0xffff  }
0xf0: {  	v50 =	vld.idx.msk [tilespmem:v27+s19+$0x0], $0xffff;
	[tilespmem:v8+s0+$0x0] =	vst.idx.msk $0xffff, v51  }
0xf1: {  	v51 =	vld.idx.msk [tilespmem:v29+s19+$0x0], $0xffff;
	[tilespmem:v7+s0+$0x0] =	vst.idx.msk $0xffff, v46  }
0xf2: {  	v46 =	vld.idx.msk [tilespmem:v26+s19+$0x0], $0xffff;
	[tilespmem:v6+s0+$0x0] =	vst.idx.msk $0xffff, v47  }
0xf3: {  	[tilespmem:v12+s20+$0x0] =	vst.idx.msk $0xffff, v52;
	v47 =	vld.idx.msk [tilespmem:v28+s19+$0x0], $0xffff  }
0xf4: {  	[tilespmem:v11+s20+$0x0] =	vst.idx.msk $0xffff, v48;
	v48 =	vld.idx.msk [tilespmem:v24+s19+$0x0], $0xffff  }
0xf5: {  	v52 =	vld.idx.msk [tilespmem:v41+s19+$0x0], $0xffff;
	[tilespmem:v22+s7+$0x0] =	vst.idx.msk $0xffff, v49  }
0xf6: {  	[tilespmem:v10+s20+$0x0] =	vst.idx.msk $0xffff, v50;
	v49 =	vld.idx.msk [tilespmem:v45+s19+$0x0], $0xffff  }
0xf7: {  	v50 =	vld.idx.msk [tilespmem:v39+s19+$0x0], $0xffff;
	[tilespmem:v9+s20+$0x0] =	vst.idx.msk $0xffff, v51  }
0xf8: {  	v51 =	vld.idx.msk [tilespmem:v40+s19+$0x0], $0xffff;
	[tilespmem:v8+s20+$0x0] =	vst.idx.msk $0xffff, v46  }
0xf9: {  	v46 =	vld.idx.msk [tilespmem:v38+s19+$0x0], $0xffff;
	[tilespmem:v7+s20+$0x0] =	vst.idx.msk $0xffff, v47  }
0xfa: {  	v47 =	vld.idx.msk [tilespmem:v37+s19+$0x0], $0xffff;
	[tilespmem:v6+s20+$0x0] =	vst.idx.msk $0xffff, v48  }
0xfb: {  	[tilespmem:v12+s22+$0x0] =	vst.idx.msk $0xffff, v52;
	v48 =	vld.idx.msk [tilespmem:v36+s19+$0x0], $0xffff  }
0xfc: {  	v52 =	vld.idx.msk [tilespmem:v32+s19+$0x0], $0xffff;
	[tilespmem:v22+s15+$0x0] =	vst.idx.msk $0xffff, v49  }
0xfd: {  	[tilespmem:v11+s22+$0x0] =	vst.idx.msk $0xffff, v50;
	v49 =	vld.idx.msk [tilespmem:v42+s21+$0x0], $0xffff  }
0xfe: {  	v50 =	vld.idx.msk [tilespmem:v33+s19+$0x0], $0xffff;
	[tilespmem:v10+s22+$0x0] =	vst.idx.msk $0xffff, v51  }
0xff: {  	v51 =	vld.idx.msk [tilespmem:v30+s19+$0x0], $0xffff;
	[tilespmem:v9+s22+$0x0] =	vst.idx.msk $0xffff, v46  }
0x100: {  	v46 =	vld.idx.msk [tilespmem:v35+s19+$0x0], $0xffff;
	[tilespmem:v8+s22+$0x0] =	vst.idx.msk $0xffff, v47  }
0x101: {  	v47 =	vld.idx.msk [tilespmem:v31+s19+$0x0], $0xffff;
	[tilespmem:v7+s22+$0x0] =	vst.idx.msk $0xffff, v48  }
0x102: {  	v48 =	vld.idx.msk [tilespmem:v34+s19+$0x0], $0xffff;
	[tilespmem:v6+s22+$0x0] =	vst.idx.msk $0xffff, v52  }
0x103: {  	v52 =	vld.idx.msk [tilespmem:v21+s19+$0x0], $0xffff;
	[tilespmem:v22+s16+$0x0] =	vst.idx.msk $0xffff, v49  }
0x104: {  	[tilespmem:v12+s7+$0x0] =	vst.idx.msk $0xffff, v50;
	v49 =	vld.idx.msk [tilespmem:v43+s21+$0x0], $0xffff  }
0x105: {  	[tilespmem:v11+s7+$0x0] =	vst.idx.msk $0xffff, v51;
	v50 =	vld.idx.msk [tilespmem:v20+s19+$0x0], $0xffff  }
0x106: {  	v51 =	vld.idx.msk [tilespmem:v19+s19+$0x0], $0xffff;
	[tilespmem:v10+s7+$0x0] =	vst.idx.msk $0xffff, v46  }
0x107: {  	v46 =	vld.idx.msk [tilespmem:v18+s19+$0x0], $0xffff;
	[tilespmem:v9+s7+$0x0] =	vst.idx.msk $0xffff, v47  }
0x108: {  	v47 =	vld.idx.msk [tilespmem:v17+s19+$0x0], $0xffff;
	[tilespmem:v8+s7+$0x0] =	vst.idx.msk $0xffff, v48  }
0x109: {  	v48 =	vld.idx.msk [tilespmem:v16+s19+$0x0], $0xffff;
	[tilespmem:v7+s7+$0x0] =	vst.idx.msk $0xffff, v52  }
0x10a: {  	v52 =	vld.idx.msk [tilespmem:v15+s19+$0x0], $0xffff;
	[tilespmem:v22+s6+$0x0] =	vst.idx.msk $0xffff, v49  }
0x10b: {  	[tilespmem:v6+s7+$0x0] =	vst.idx.msk $0xffff, v50;
	v49 =	vld.idx.msk [tilespmem:v44+s21+$0x0], $0xffff  }
0x10c: {  	[tilespmem:v12+s15+$0x0] =	vst.idx.msk $0xffff, v51;
	v50 =	vld.idx.msk [tilespmem:v14+s19+$0x0], $0xffff  }
0x10d: {  	[tilespmem:v11+s15+$0x0] =	vst.idx.msk $0xffff, v46;
	v46 =	vld.idx.msk [tilespmem:v13+s19+$0x0], $0xffff  }
0x10e: {  	v51 =	vld.idx.msk [tilespmem:v23+s21+$0x0], $0xffff;
	[tilespmem:v10+s15+$0x0] =	vst.idx.msk $0xffff, v47  }
0x10f: {  	v47 =	vld.idx.msk [tilespmem:v25+s21+$0x0], $0xffff;
	[tilespmem:v9+s15+$0x0] =	vst.idx.msk $0xffff, v48  }
0x110: {  	v48 =	vld.idx.msk [tilespmem:v27+s21+$0x0], $0xffff;
	[tilespmem:v8+s15+$0x0] =	vst.idx.msk $0xffff, v52  }
0x111: {  	v52 =	vld.idx.msk [tilespmem:v29+s21+$0x0], $0xffff;
	[tilespmem:v22+s17+$0x0] =	vst.idx.msk $0xffff, v49  }
0x112: {  	[tilespmem:v7+s15+$0x0] =	vst.idx.msk $0xffff, v50;
	v49 =	vld.idx.msk [tilespmem:v45+s21+$0x0], $0xffff  }
0x113: {  	v50 =	vld.idx.msk [tilespmem:v26+s21+$0x0], $0xffff;
	[tilespmem:v6+s15+$0x0] =	vst.idx.msk $0xffff, v46  }
0x114: {  	[tilespmem:v12+s16+$0x0] =	vst.idx.msk $0xffff, v51;
	v46 =	vld.idx.msk [tilespmem:v28+s21+$0x0], $0xffff  }
0x115: {  	[tilespmem:v11+s16+$0x0] =	vst.idx.msk $0xffff, v47;
	v47 =	vld.idx.msk [tilespmem:v24+s21+$0x0], $0xffff  }
0x116: {  	v51 =	vld.idx.msk [tilespmem:v41+s21+$0x0], $0xffff;
	[tilespmem:v10+s16+$0x0] =	vst.idx.msk $0xffff, v48  }
0x117: {  	v48 =	vld.idx.msk [tilespmem:v39+s21+$0x0], $0xffff;
	[tilespmem:v9+s16+$0x0] =	vst.idx.msk $0xffff, v52  }
0x118: {  	v52 =	vld.idx.msk [tilespmem:v40+s21+$0x0], $0xffff;
	[tilespmem:v22+s4+$0x0] =	vst.idx.msk $0xffff, v49  }
0x119: {  	[tilespmem:v8+s16+$0x0] =	vst.idx.msk $0xffff, v50;
	v42 =	vld.idx.msk [tilespmem:v42+s23+$0x0], $0xffff  }
0x11a: {  	v49 =	vld.idx.msk [tilespmem:v38+s21+$0x0], $0xffff;
	[tilespmem:v7+s16+$0x0] =	vst.idx.msk $0xffff, v46  }
0x11b: {  	v46 =	vld.idx.msk [tilespmem:v37+s21+$0x0], $0xffff;
	[tilespmem:v6+s16+$0x0] =	vst.idx.msk $0xffff, v47  }
0x11c: {  	[tilespmem:v12+s6+$0x0] =	vst.idx.msk $0xffff, v51;
	v47 =	vld.idx.msk [tilespmem:v36+s21+$0x0], $0xffff  }
0x11d: {  	[tilespmem:v11+s6+$0x0] =	vst.idx.msk $0xffff, v48;
	v48 =	vld.idx.msk [tilespmem:v32+s21+$0x0], $0xffff  }
0x11e: {  	v50 =	vld.idx.msk [tilespmem:v33+s21+$0x0], $0xffff;
	[tilespmem:v10+s6+$0x0] =	vst.idx.msk $0xffff, v52  }
0x11f: {  	v51 =	vld.idx.msk [tilespmem:v30+s21+$0x0], $0xffff;
	[tilespmem:v22+s2+$0x0] =	vst.idx.msk $0xffff, v42  }
0x120: {  	[tilespmem:v9+s6+$0x0] =	vst.idx.msk $0xffff, v49;
	v42 =	vld.idx.msk [tilespmem:v43+s23+$0x0], $0xffff  }
0x121: {  	v43 =	vld.idx.msk [tilespmem:v35+s21+$0x0], $0xffff;
	[tilespmem:v8+s6+$0x0] =	vst.idx.msk $0xffff, v46  }
0x122: {  	v46 =	vld.idx.msk [tilespmem:v31+s21+$0x0], $0xffff;
	[tilespmem:v7+s6+$0x0] =	vst.idx.msk $0xffff, v47  }
0x123: {  	v47 =	vld.idx.msk [tilespmem:v34+s21+$0x0], $0xffff;
	[tilespmem:v6+s6+$0x0] =	vst.idx.msk $0xffff, v48  }
0x124: {  	[tilespmem:v12+s17+$0x0] =	vst.idx.msk $0xffff, v50;
	v48 =	vld.idx.msk [tilespmem:v21+s21+$0x0], $0xffff  }
0x125: {  	[tilespmem:v11+s17+$0x0] =	vst.idx.msk $0xffff, v51;
	v49 =	vld.idx.msk [tilespmem:v20+s21+$0x0], $0xffff  }
0x126: {  	v50 =	vld.idx.msk [tilespmem:v19+s21+$0x0], $0xffff;
	[tilespmem:v22+s29+$0x0] =	vst.idx.msk $0xffff, v42  }
0x127: {  	[tilespmem:v10+s17+$0x0] =	vst.idx.msk $0xffff, v43;
	v42 =	vld.idx.msk [tilespmem:v44+s23+$0x0], $0xffff  }
0x128: {  	v43 =	vld.idx.msk [tilespmem:v18+s21+$0x0], $0xffff;
	[tilespmem:v9+s17+$0x0] =	vst.idx.msk $0xffff, v46  }
0x129: {  	v44 =	vld.idx.msk [tilespmem:v17+s21+$0x0], $0xffff;
	[tilespmem:v8+s17+$0x0] =	vst.idx.msk $0xffff, v47  }
0x12a: {  	v46 =	vld.idx.msk [tilespmem:v16+s21+$0x0], $0xffff;
	[tilespmem:v7+s17+$0x0] =	vst.idx.msk $0xffff, v48  }
0x12b: {  	v47 =	vld.idx.msk [tilespmem:v15+s21+$0x0], $0xffff;
	[tilespmem:v6+s17+$0x0] =	vst.idx.msk $0xffff, v49  }
0x12c: {  	[tilespmem:v12+s4+$0x0] =	vst.idx.msk $0xffff, v50;
	v48 =	vld.idx.msk [tilespmem:v14+s21+$0x0], $0xffff  }
0x12d: {  	v49 =	vld.idx.msk [tilespmem:v13+s21+$0x0], $0xffff;
	[tilespmem:v22+s8+$0x0] =	vst.idx.msk $0xffff, v42  }
0x12e: {  	[tilespmem:v11+s4+$0x0] =	vst.idx.msk $0xffff, v43;
	v42 =	vld.idx.msk [tilespmem:v45+s23+$0x0], $0xffff  }
0x12f: {  	v23 =	vld.idx.msk [tilespmem:v23+s23+$0x0], $0xffff;
	[tilespmem:v10+s4+$0x0] =	vst.idx.msk $0xffff, v44  }
0x130: {  	v25 =	vld.idx.msk [tilespmem:v25+s23+$0x0], $0xffff;
	[tilespmem:v9+s4+$0x0] =	vst.idx.msk $0xffff, v46  }
0x131: {  	v27 =	vld.idx.msk [tilespmem:v27+s23+$0x0], $0xffff;
	[tilespmem:v8+s4+$0x0] =	vst.idx.msk $0xffff, v47  }
0x132: {  	v29 =	vld.idx.msk [tilespmem:v29+s23+$0x0], $0xffff;
	[tilespmem:v7+s4+$0x0] =	vst.idx.msk $0xffff, v48  }
0x133: {  	v26 =	vld.idx.msk [tilespmem:v26+s23+$0x0], $0xffff;
	[tilespmem:v6+s4+$0x0] =	vst.idx.msk $0xffff, v49  }
0x134: {  	v28 =	vld.idx.msk [tilespmem:v28+s23+$0x0], $0xffff;
	[tilespmem:v22+s9+$0x0] =	vst.idx.msk $0xffff, v42  }
0x135: {  	[tilespmem:v12+s2+$0x0] =	vst.idx.msk $0xffff, v23;
	v22 =	vld.idx.msk [tilespmem:v24+s23+$0x0], $0xffff  }
0x136: {  	v23 =	vld.idx.msk [tilespmem:v41+s23+$0x0], $0xffff;
	[tilespmem:v11+s2+$0x0] =	vst.idx.msk $0xffff, v25  }
0x137: {  	v24 =	vld.idx.msk [tilespmem:v39+s23+$0x0], $0xffff;
	[tilespmem:v10+s2+$0x0] =	vst.idx.msk $0xffff, v27  }
0x138: {  	v39 =	vld.idx.msk [tilespmem:v40+s23+$0x0], $0xffff;
	[tilespmem:v9+s2+$0x0] =	vst.idx.msk $0xffff, v29  }
0x139: {  	v29 =	vld.idx.msk [tilespmem:v38+s23+$0x0], $0xffff;
	[tilespmem:v8+s2+$0x0] =	vst.idx.msk $0xffff, v26  }
0x13a: {  	v37 =	vld.idx.msk [tilespmem:v37+s23+$0x0], $0xffff;
	[tilespmem:v7+s2+$0x0] =	vst.idx.msk $0xffff, v28  }
0x13b: {  	v28 =	vld.idx.msk [tilespmem:v36+s23+$0x0], $0xffff;
	[tilespmem:v6+s2+$0x0] =	vst.idx.msk $0xffff, v22  }
0x13c: {  	[tilespmem:v12+s29+$0x0] =	vst.idx.msk $0xffff, v23;
	v27 =	vld.idx.msk [tilespmem:v32+s23+$0x0], $0xffff  }
.Ltmp0:
0x13d: {  	v26 =	vld.idx.msk [tilespmem:v33+s23+$0x0], $0xffff;
	[tilespmem:v11+s29+$0x0] =	vst.idx.msk $0xffff, v24;
	(pc) =	sbr.rel @p0 .LBB2_3-.Ltmp0, $4  }
0x13e: {  	v25 =	vld.idx.msk [tilespmem:v30+s23+$0x0], $0xffff;
	[tilespmem:v10+s29+$0x0] =	vst.idx.msk $0xffff, v39  }
0x13f: {  	v24 =	vld.idx.msk [tilespmem:v35+s23+$0x0], $0xffff;
	[tilespmem:v9+s29+$0x0] =	vst.idx.msk $0xffff, v29  }
0x140: {  	v23 =	vld.idx.msk [tilespmem:v31+s23+$0x0], $0xffff;
	[tilespmem:v8+s29+$0x0] =	vst.idx.msk $0xffff, v37  }
0x141: {  	v22 =	vld.idx.msk [tilespmem:v34+s23+$0x0], $0xffff;
	[tilespmem:v7+s29+$0x0] =	vst.idx.msk $0xffff, v28  }
0x142: {  	_ =	sdelay $0x3  }
0x143: {  	[tilespmem:v6+s29+$0x0] =	vst.idx.msk $0xffff, v27  }
0x144: {  	v21 =	vld.idx.msk [tilespmem:v21+s23+$0x0], $0xffff;
	[tilespmem:v12+s8+$0x0] =	vst.idx.msk $0xffff, v26  }
0x145: {  	v20 =	vld.idx.msk [tilespmem:v20+s23+$0x0], $0xffff;
	[tilespmem:v11+s8+$0x0] =	vst.idx.msk $0xffff, v25  }
0x146: {  	v19 =	vld.idx.msk [tilespmem:v19+s23+$0x0], $0xffff;
	[tilespmem:v10+s8+$0x0] =	vst.idx.msk $0xffff, v24  }
0x147: {  	v18 =	vld.idx.msk [tilespmem:v18+s23+$0x0], $0xffff;
	[tilespmem:v9+s8+$0x0] =	vst.idx.msk $0xffff, v23  }
0x148: {  	v17 =	vld.idx.msk [tilespmem:v17+s23+$0x0], $0xffff;
	[tilespmem:v8+s8+$0x0] =	vst.idx.msk $0xffff, v22  }
0x149: {  	[tilespmem:v7+s8+$0x0] =	vst.idx.msk $0xffff, v21  }
0x14a: {  	v16 =	vld.idx.msk [tilespmem:v16+s23+$0x0], $0xffff;
	[tilespmem:v6+s8+$0x0] =	vst.idx.msk $0xffff, v20  }
0x14b: {  	v15 =	vld.idx.msk [tilespmem:v15+s23+$0x0], $0xffff;
	[tilespmem:v12+s9+$0x0] =	vst.idx.msk $0xffff, v19  }
0x14c: {  	[tilespmem:v11+s9+$0x0] =	vst.idx.msk $0xffff, v18  }
0x14d: {  	v12 =	vld.idx.msk [tilespmem:v14+s23+$0x0], $0xffff;
	[tilespmem:v10+s9+$0x0] =	vst.idx.msk $0xffff, v17  }
0x14e: {  	v11 =	vld.idx.msk [tilespmem:v13+s23+$0x0], $0xffff;
	s5 =	rddreg [dreg:$0x13]  }
0x14f: {  	[tilespmem:v9+s9+$0x0] =	vst.idx.msk $0xffff, v16;
	s3 =	sshll.u32 s5, $0xC;
	s5 =	sshll.u32 s5, $0xF  }
0x150: {  	[tilespmem:v8+s9+$0x0] =	vst.idx.msk $0xffff, v15;
	s3 =	sand.u32 $0x1E000, s3;
	s5 =	sand.u32 $0x7FF00000, s5  }
0x151: {  	[dreg:$0x12] =	wrdreg s5;
	s3 =	sor.u32 s3, s5  }
0x152: {  	s12 =	rddreg [dreg:$0x1];
	[tilespmem:v7+s9+$0x0] =	vst.idx.msk $0xffff, v12;
	s3 =	sshrl.u32 s3, $0x3  }
0x153: {  	s13 =	simm.s32 $0x0;
	[tilespmem:v6+s9+$0x0] =	vst.idx.msk $0xffff, v11;
	s14 =	sadd.s32 s12, s3;
	s10 =	sor.u32 $0x80, s3  }
0x154: {  	[hbm4b:s14+s13] =	stream.linear.scatter [tilespmem:s30], [sflag:$0x3], $0x400, $0x38;
	[tilespmem:$0x1E400] =	vst v63  }
0x155: {  	s11 =	sor.u32 $0x100, s3;
	[dreg:$0x16] =	wrdreg s10  }
0x156: {  	s10 =	sadd.s32 s12, s10;
	[dreg:$0x18] =	wrdreg s11;
	s14 =	sor.u32 $0x180, s3  }
0x157: {  	[hbm4b:s10+s13] =	stream.linear.scatter [tilespmem:s20], [sflag:$0x3], $0x400, $0x38;
	[tilespmem:$0x1E400] =	vst v63  }
0x158: {  	s11 =	sadd.s32 s12, s11;
	[dreg:$0x14] =	wrdreg s14  }
0x159: {  	[hbm4b:s11+s13] =	stream.linear.scatter [tilespmem:s16], [sflag:$0x3], $0x400, $0x38;
	[tilespmem:$0x1E400] =	vst v63  }
0x15a: {  	s12 =	sadd.s32 s12, s14;
	s14 =	rddreg [dreg:$0x7]  }
0x15b: {  	[hbm4b:s12+s13] =	stream.linear.scatter [tilespmem:s2], [sflag:$0x3], $0x400, $0x38;
	[tilespmem:$0x1E400] =	vst v63  }
0x15c: {  	s10 =	sadd.s32 s3, s14;
	s11 =	simm.s32 $0x16800  }
0x15d: {  	[hbm4b:s10+s13] =	stream.linear.scatter [tilespmem:s11], [sflag:$0x3], $0x400, $0x38;
	[tilespmem:$0x1E400] =	vst v63  }
0x15e: {  	s10 =	rddreg [dreg:$0x16]  }
0x15f: {  	s11 =	simm.s32 $0x18800;
	s5 =	sadd.s32 s10, s14  }
0x160: {  	[hbm4b:s5+s13] =	stream.linear.scatter [tilespmem:s11], [sflag:$0x3], $0x400, $0x38;
	[tilespmem:$0x1E400] =	vst v63  }
0x161: {  	s11 =	rddreg [dreg:$0x18]  }
0x162: {  	s5 =	simm.s32 $0x1A800;
	s12 =	sadd.s32 s11, s14  }
0x163: {  	[hbm4b:s12+s13] =	stream.linear.scatter [tilespmem:s5], [sflag:$0x3], $0x400, $0x38;
	[tilespmem:$0x1E400] =	vst v63  }
0x164: {  	s12 =	rddreg [dreg:$0x14]  }
0x165: {  	s5 =	sadd.s32 s12, s14;
	s14 =	simm.s32 $0x1C800  }
0x166: {  	[hbm4b:s5+s13] =	stream.linear.scatter [tilespmem:s14], [sflag:$0x3], $0x400, $0x38;
	[tilespmem:$0x1E400] =	vst v63  }
0x167: {  	s14 =	rddreg [dreg:$0x8]  }
0x168: {  	s5 =	sadd.s32 s3, s14  }
0x169: {  	[hbm4b:s5+s13] =	stream.linear.scatter [tilespmem:s31], [sflag:$0x3], $0x400, $0x38;
	[tilespmem:$0x1E400] =	vst v63  }
0x16a: {  	s5 =	sadd.s32 s10, s14  }
0x16b: {  	[hbm4b:s5+s13] =	stream.linear.scatter [tilespmem:s22], [sflag:$0x3], $0x400, $0x38;
	[tilespmem:$0x1E400] =	vst v63  }
0x16c: {  	s12 =	rddreg [dreg:$0x14];
	s5 =	sadd.s32 s11, s14  }
0x16d: {  	[hbm4b:s5+s13] =	stream.linear.scatter [tilespmem:s6], [sflag:$0x3], $0x400, $0x38;
	[tilespmem:$0x1E400] =	vst v63  }
0x16e: {  	s5 =	sadd.s32 s12, s14;
	s14 =	rddreg [dreg:$0x9]  }
0x16f: {  	[hbm4b:s5+s13] =	stream.linear.scatter [tilespmem:s29], [sflag:$0x3], $0x400, $0x38;
	[tilespmem:$0x1E400] =	vst v63  }
0x170: {  	s12 =	sadd.s32 s3, s14;
	s5 =	simm.s32 $0x17000  }
0x171: {  	[hbm4b:s12+s13] =	stream.linear.scatter [tilespmem:s5], [sflag:$0x3], $0x400, $0x38;
	[tilespmem:$0x1E400] =	vst v63  }
0x172: {  	s12 =	sadd.s32 s10, s14;
	s5 =	simm.s32 $0x19000  }
0x173: {  	[hbm4b:s12+s13] =	stream.linear.scatter [tilespmem:s5], [sflag:$0x3], $0x400, $0x38;
	[tilespmem:$0x1E400] =	vst v63  }
0x174: {  	s12 =	sadd.s32 s11, s14;
	s5 =	simm.s32 $0x1B000  }
0x175: {  	[hbm4b:s12+s13] =	stream.linear.scatter [tilespmem:s5], [sflag:$0x3], $0x400, $0x38;
	[tilespmem:$0x1E400] =	vst v63  }
0x176: {  	s12 =	rddreg [dreg:$0x14]  }
0x177: {  	s5 =	sadd.s32 s12, s14;
	s14 =	simm.s32 $0x1D000  }
0x178: {  	[hbm4b:s5+s13] =	stream.linear.scatter [tilespmem:s14], [sflag:$0x3], $0x400, $0x38;
	[tilespmem:$0x1E400] =	vst v63  }
0x179: {  	s14 =	rddreg [dreg:$0xa]  }
0x17a: {  	s5 =	sadd.s32 s3, s14  }
0x17b: {  	[hbm4b:s5+s13] =	stream.linear.scatter [tilespmem:s1], [sflag:$0x3], $0x400, $0x38;
	[tilespmem:$0x1E400] =	vst v63  }
0x17c: {  	s5 =	sadd.s32 s10, s14  }
0x17d: {  	[hbm4b:s5+s13] =	stream.linear.scatter [tilespmem:s7], [sflag:$0x3], $0x400, $0x38;
	[tilespmem:$0x1E400] =	vst v63  }
0x17e: {  	s12 =	rddreg [dreg:$0x14];
	s5 =	sadd.s32 s11, s14  }
0x17f: {  	[hbm4b:s5+s13] =	stream.linear.scatter [tilespmem:s17], [sflag:$0x3], $0x400, $0x38;
	[tilespmem:$0x1E400] =	vst v63  }
0x180: {  	s14 =	sadd.s32 s12, s14  }
0x181: {  	[hbm4b:s14+s13] =	stream.linear.scatter [tilespmem:s8], [sflag:$0x3], $0x400, $0x38;
	[tilespmem:$0x1E400] =	vst v63  }
0x182: {  	s14 =	rddreg [dreg:$0xb]  }
0x183: {  	s5 =	simm.s32 $0x17800;
	s12 =	sadd.s32 s3, s14  }
0x184: {  	[hbm4b:s12+s13] =	stream.linear.scatter [tilespmem:s5], [sflag:$0x3], $0x400, $0x38;
	[tilespmem:$0x1E400] =	vst v63  }
0x185: {  	s12 =	sadd.s32 s10, s14;
	s5 =	simm.s32 $0x19800  }
0x186: {  	[hbm4b:s12+s13] =	stream.linear.scatter [tilespmem:s5], [sflag:$0x3], $0x400, $0x38;
	[tilespmem:$0x1E400] =	vst v63  }
0x187: {  	s5 =	sadd.s32 s11, s14;
	s11 =	simm.s32 $0x1B800  }
0x188: {  	[hbm4b:s5+s13] =	stream.linear.scatter [tilespmem:s11], [sflag:$0x3], $0x400, $0x38;
	[tilespmem:$0x1E400] =	vst v63  }
0x189: {  	s11 =	rddreg [dreg:$0x14]  }
0x18a: {  	s5 =	sadd.s32 s11, s14;
	s14 =	simm.s32 $0x1D800  }
0x18b: {  	[hbm4b:s5+s13] =	stream.linear.scatter [tilespmem:s14], [sflag:$0x3], $0x400, $0x38;
	[tilespmem:$0x1E400] =	vst v63  }
0x18c: {  	s14 =	rddreg [dreg:$0xc]  }
0x18d: {  	s5 =	sadd.s32 s3, s14  }
0x18e: {  	[hbm4b:s5+s13] =	stream.linear.scatter [tilespmem:s0], [sflag:$0x3], $0x400, $0x38;
	[tilespmem:$0x1E400] =	vst v63  }
0x18f: {  	s10 =	sadd.s32 s10, s14  }
0x190: {  	[hbm4b:s10+s13] =	stream.linear.scatter [tilespmem:s15], [sflag:$0x3], $0x400, $0x38;
	[tilespmem:$0x1E400] =	vst v63  }
0x191: {  	s10 =	rddreg [dreg:$0x18]  }
0x192: {  	s5 =	sadd.s32 s10, s14  }
0x193: {  	[hbm4b:s5+s13] =	stream.linear.scatter [tilespmem:s4], [sflag:$0x3], $0x400, $0x38;
	[tilespmem:$0x1E400] =	vst v63  }
0x194: {  	s12 =	rddreg [dreg:$0xd];
	s5 =	sadd.s32 s11, s14  }
0x195: {  	[hbm4b:s5+s13] =	stream.linear.scatter [tilespmem:s9], [sflag:$0x3], $0x400, $0x38;
	[tilespmem:$0x1E400] =	vst v63  }
0x196: {  	s3 =	sadd.s32 s3, s12;
	s14 =	simm.s32 $0x18000;
	s5 =	rddreg [dreg:$0x16]  }
0x197: {  	[hbm4b:s3+s13] =	stream.linear.scatter [tilespmem:s14], [sflag:$0x3], $0x400, $0x38;
	[tilespmem:$0x1E400] =	vst v63  }
0x198: {  	s3 =	sadd.s32 s5, s12;
	s14 =	simm.s32 $0x1A000  }
0x199: {  	[hbm4b:s3+s13] =	stream.linear.scatter [tilespmem:s14], [sflag:$0x3], $0x400, $0x38;
	[tilespmem:$0x1E400] =	vst v63  }
0x19a: {  	s5 =	sadd.s32 s10, s12;
	s10 =	simm.s32 $0x1C000  }
0x19b: {  	[hbm4b:s5+s13] =	stream.linear.scatter [tilespmem:s10], [sflag:$0x3], $0x400, $0x38;
	[tilespmem:$0x1E400] =	vst v63  }
0x19c: {  	s11 =	sadd.s32 s11, s12;
	s12 =	simm.s32 $0x1E000  }
0x19d: {  	[hbm4b:s11+s13] =	stream.linear.scatter [tilespmem:s12], [sflag:$0x3], $0x400, $0x38;
	[tilespmem:$0x1E400] =	vst v63  }
0x19e: {  	s13 =	rddreg [dreg:$0x13]  }
0x19f: {  	s14 =	rddreg [dreg:$0x5];
	s3 =	sadd.s32 $0x2, s13  }
0x1a0: {  	s5 =	rddreg [dreg:$0x3];
	p0 =	sge.u32 s3, s14  }
0x1a1: {  	s3 =	ssub.s32 @!p0 s3, s5  }
0x1a2: {  	s12 =	rddreg [dreg:$0x4];
	s3 =	sshll.u32 @!p0 s3, $0x9  }
0x1a3: {  	s5 =	simm.s32 @!p0 $0x80;
	s10 =	simm.s32 @!p0 $0x6400;
	s3 =	sand.u32 @!p0 $0x3FFFFE00, s3  }
0x1a4: {  	[tilespmem:s10], [sflag:$0x1] =	stream.indirect.gather @!p0 [hbm4b:s12+s5], $0x40, s3, s5, $0xb8;
	[tilespmem:$0x1E400] =	vst v63  }
0x1a5: {  	s11 =	simm.s32 @!p0 $0x8400;
	s10 =	sor.u32 @!p0 $0x80, s3  }
0x1a6: {  	[tilespmem:s11], [sflag:$0x1] =	stream.indirect.gather @!p0 [hbm4b:s12+s5], $0x40, s10, s5, $0xb8;
	[tilespmem:$0x1E400] =	vst v63  }
0x1a7: {  	s10 =	sor.u32 @!p0 $0x100, s3;
	s11 =	simm.s32 @!p0 $0xA400  }
0x1a8: {  	[tilespmem:s11], [sflag:$0x1] =	stream.indirect.gather @!p0 [hbm4b:s12+s5], $0x40, s10, s5, $0xb8;
	[tilespmem:$0x1E400] =	vst v63  }
0x1a9: {  	s3 =	sor.u32 @!p0 $0x180, s3;
	s10 =	simm.s32 @!p0 $0xC400  }
0x1aa: {  	[tilespmem:s10], [sflag:$0x1] =	stream.indirect.gather @!p0 [hbm4b:s12+s5], $0x40, s3, s5, $0xb8;
	[tilespmem:$0x1E400] =	vst v63  }
0x1ab: {  	s5 =	simm.s32 $0x3  }
0x1ac: {  	s11 =	simm.s32 $0x0;
	_ =	swait.ge [sflag:s5], $0x8000  }
0x1ad: {  	s12 =	simm.s32 $0x2;
	s3 =	sand.u32 $0x8, s11;
	[sflag:s5] =	ssyncset.done $0x0  }
0x1ae: {  	s10 =	sand.u32 $0x70, s11;
	s13 =	sor.u32 $0x7, s3;
	[sflag:s5] =	ssyncadd.s32 $0xFFFF8000  }
0x1af: {  	v6 =	vadd.s32 s3, v0;
	v7 =	vor.u32 s10, v0;
	s14 =	sor.u32 $0x1, s3;
	v13 =	vadd.s32 s13, v0;
	_ =	swait.ge [sflag:s12], $0x2000  }
0x1b0: {  	v14 =	vadd.s32 s14, v0;
	v15 =	vshll.u32 v7, $0x6;
	v9 =	vand.u32 $0x8, v6;
	[sflag:s12] =	ssyncset.done $0x0  }
0x1b1: {  	s13 =	sor.u32 $0x2, s3;
	s14 =	sor.u32 $0x3, s3;
	v36 =	vand.u32 v2, v7;
	v6 =	vshll.u32 v6, $0x7;
	v8 =	vand.u32 $0xF, v13;
	[sflag:s12] =	ssyncadd.s32 $0xFFFFE000  }
0x1b2: {  	v16 =	vadd.s32 s13, v0;
	v46 =	vadd.s32 s14, v0;
	v17 =	vor.u32 v9, v15;
	_ =	swait.ge [sflag:s12], $0x2000  }
0x1b3: {  	s13 =	sor.u32 $0x4, s3;
	v18 =	vand.u32 $0xF, v14;
	v9 =	vshll.u32 v13, $0x7;
	v37 =	vor.u32 $0x10, v15;
	[sflag:s12] =	ssyncset.done $0x0  }
0x1b4: {  	s14 =	sor.u32 $0x5, s3;
	s3 =	sor.u32 $0x6, s3;
	v52 =	vor.u32 $0x20, v15;
	v6 =	vand.u32 $0x780, v6;
	v31 =	vor.u32 v15, v8;
	[sflag:s12] =	ssyncadd.s32 $0xFFFFE000  }
0x1b5: {  	v47 =	vadd.s32 s13, v0;
	v48 =	vadd.s32 s14, v0;
	v49 =	vadd.s32 s3, v0;
	_ =	swait.ge [sflag:s12], $0x2000  }
0x1b6: {  	v19 =	vand.u32 $0xF, v16;
	v20 =	vand.u32 $0xF, v46;
	v7 =	vand.u32 $0x780, v9;
	[sflag:s12] =	ssyncset.done $0x0  }
0x1b7: {  	v23 =	vor.u32 v1, v17;
	v38 =	vor.u32 v13, v37;
	v29 =	vor.u32 v15, v18;
	[sflag:s12] =	ssyncadd.s32 $0xFFFFE000  }
0x1b8: {  	v11 =	vshll.u32 v46, $0x7;
	v44 =	vor.u32 v8, v52;
	v30 =	vor.u32 v14, v37;
	_ =	swait.ge [sflag:s12], $0x2000  }
0x1b9: {  	v21 =	vand.u32 $0xF, v47;
	v22 =	vor.u32 v7, v36;
	v50 =	vand.u32 $0xF, v48;
	[sflag:s12] =	ssyncset.done $0x0  }
0x1ba: {  	v51 =	vand.u32 $0xF, v49;
	v7 =	vshll.u32 v14, $0x7;
	v25 =	vor.u32 v15, v21;
	[sflag:s12] =	ssyncadd.s32 $0xFFFFE000  }
0x1bb: {  	v28 =	vor.u32 v15, v19;
	v26 =	vor.u32 v15, v50;
	v7 =	vand.u32 $0x780, v7;
	v9 =	vld.idx.msk [tilespmem:v31+s24+$0x0], $0xffff  }
0x1bc: {  	v33 =	vand.u32 $0x780, v11;
	v24 =	vor.u32 v15, v51;
	v11 =	vor.u32 v7, v36;
	v40 =	vld.idx.msk [tilespmem:v29+s24+$0x0], $0xffff  }
0x1bd: {  	v27 =	vor.u32 v15, v20;
	v12 =	vshll.u32 v47, $0x7;
	v32 =	vshll.u32 v48, $0x7  }
0x1be: {  	v7 =	vand.u32 $0x780, v12;
	v12 =	vor.u32 v6, v36;
	v6 =	vand.u32 $0x780, v32;
	v39 =	vld.idx.msk [tilespmem:v23+s24+$0x0], $0xffff  }
0x1bf: {  	v35 =	vshll.u32 v49, $0x7;
	v8 =	vor.u32 v7, v36;
	v7 =	vor.u32 v6, v36;
	v43 =	vld.idx.msk [tilespmem:v25+s24+$0x0], $0xffff  }
0x1c0: {  	v10 =	vshll.u32 v16, $0x7;
	v6 =	vand.u32 $0x780, v35;
	v35 =	vor.u32 v47, v37;
	v53 =	vld.idx.msk [tilespmem:v26+s24+$0x0], $0xffff;
	[tilespmem:v22+s30+$0x0] =	vst.idx.msk $0xffff, v9  }
0x1c1: {  	v6 =	vor.u32 v6, v36;
	v54 =	vld.idx.msk [tilespmem:v24+s24+$0x0], $0xffff;
	v9 =	vand.u32 $0x780, v10;
	[tilespmem:v11+s30+$0x0] =	vst.idx.msk $0xffff, v40  }
0x1c2: {  	v34 =	vld.idx.msk [tilespmem:v38+s24+$0x0], $0xffff;
	v10 =	vor.u32 v9, v36;
	v9 =	vor.u32 v33, v36;
	v33 =	vor.u32 v3, v17  }
0x1c3: {  	v56 =	vor.u32 $0x30, v15;
	[tilespmem:v12+s30+$0x0] =	vst.idx.msk $0xffff, v39;
	v15 =	vld.idx.msk [tilespmem:v30+s24+$0x0], $0xffff;
	v36 =	vor.u32 v48, v37  }
0x1c4: {  	v41 =	vld.idx.msk [tilespmem:v28+s24+$0x0], $0xffff;
	[tilespmem:v8+s30+$0x0] =	vst.idx.msk $0xffff, v43  }
0x1c5: {  	v32 =	vor.u32 v16, v37;
	v42 =	vld.idx.msk [tilespmem:v27+s24+$0x0], $0xffff;
	[tilespmem:v7+s30+$0x0] =	vst.idx.msk $0xffff, v53  }
0x1c6: {  	v40 =	vor.u32 v18, v52;
	[tilespmem:v6+s30+$0x0] =	vst.idx.msk $0xffff, v54;
	v18 =	vld.idx.msk [tilespmem:v35+s24+$0x0], $0xffff  }
0x1c7: {  	v45 =	vor.u32 v13, v56;
	v43 =	vor.u32 v21, v52;
	[tilespmem:v22+s31+$0x0] =	vst.idx.msk $0xffff, v34;
	v13 =	vld.idx.msk [tilespmem:v33+s24+$0x0], $0xffff  }
0x1c8: {  	v34 =	vor.u32 v46, v37;
	[tilespmem:v11+s31+$0x0] =	vst.idx.msk $0xffff, v15;
	v15 =	vld.idx.msk [tilespmem:v36+s24+$0x0], $0xffff  }
0x1c9: {  	[tilespmem:v10+s30+$0x0] =	vst.idx.msk $0xffff, v41;
	v37 =	vor.u32 v49, v37;
	v55 =	vld.idx.msk [tilespmem:v44+s24+$0x0], $0xffff  }
0x1ca: {  	v39 =	vor.u32 v4, v17;
	[tilespmem:v9+s30+$0x0] =	vst.idx.msk $0xffff, v42;
	v57 =	vld.idx.msk [tilespmem:v32+s24+$0x0], $0xffff  }
0x1cb: {  	v21 =	vor.u32 v50, v52;
	[tilespmem:v8+s31+$0x0] =	vst.idx.msk $0xffff, v18;
	v63 =	vld.idx.msk [tilespmem:v40+s24+$0x0], $0xffff  }
0x1cc: {  	v59 =	vld.idx.msk [tilespmem:v43+s24+$0x0], $0xffff;
	[tilespmem:v12+s31+$0x0] =	vst.idx.msk $0xffff, v13  }
0x1cd: {  	v41 =	vor.u32 v19, v52;
	v58 =	vld.idx.msk [tilespmem:v34+s24+$0x0], $0xffff;
	[tilespmem:v7+s31+$0x0] =	vst.idx.msk $0xffff, v15  }
0x1ce: {  	v18 =	vor.u32 v14, v56;
	v13 =	vld.idx.msk [tilespmem:v37+s24+$0x0], $0xffff;
	[tilespmem:v22+s1+$0x0] =	vst.idx.msk $0xffff, v55  }
0x1cf: {  	v42 =	vor.u32 v20, v52;
	v62 =	vld.idx.msk [tilespmem:v39+s24+$0x0], $0xffff;
	[tilespmem:v10+s31+$0x0] =	vst.idx.msk $0xffff, v57  }
0x1d0: {  	v15 =	vor.u32 v47, v56;
	v60 =	vld.idx.msk [tilespmem:v21+s24+$0x0], $0xffff;
	[tilespmem:v11+s1+$0x0] =	vst.idx.msk $0xffff, v63  }
0x1d1: {  	v20 =	vor.u32 v51, v52;
	[tilespmem:v8+s1+$0x0] =	vst.idx.msk $0xffff, v59;
	v61 =	vld.idx.msk [tilespmem:v45+s24+$0x0], $0xffff  }
0x1d2: {  	v19 =	vor.u32 v5, v17;
	v57 =	vld.idx.msk [tilespmem:v41+s24+$0x0], $0xffff;
	[tilespmem:v9+s31+$0x0] =	vst.idx.msk $0xffff, v58  }
0x1d3: {  	v63 =	vld.idx.msk [tilespmem:v18+s24+$0x0], $0xffff;
	[tilespmem:v6+s31+$0x0] =	vst.idx.msk $0xffff, v13  }
0x1d4: {  	v17 =	vor.u32 v16, v56;
	v58 =	vld.idx.msk [tilespmem:v42+s24+$0x0], $0xffff;
	[tilespmem:v12+s1+$0x0] =	vst.idx.msk $0xffff, v62  }
0x1d5: {  	[tilespmem:v7+s1+$0x0] =	vst.idx.msk $0xffff, v60;
	v60 =	vld.idx.msk [tilespmem:v15+s24+$0x0], $0xffff  }
0x1d6: {  	v16 =	vor.u32 v46, v56;
	[tilespmem:v22+s0+$0x0] =	vst.idx.msk $0xffff, v61;
	v61 =	vld.idx.msk [tilespmem:v20+s24+$0x0], $0xffff  }
0x1d7: {  	v14 =	vor.u32 v48, v56;
	v62 =	vld.idx.msk [tilespmem:v19+s24+$0x0], $0xffff;
	[tilespmem:v10+s1+$0x0] =	vst.idx.msk $0xffff, v57  }
0x1d8: {  	v13 =	vor.u32 v49, v56;
	[tilespmem:v11+s0+$0x0] =	vst.idx.msk $0xffff, v63;
	v53 =	vld.idx.msk [tilespmem:v31+s25+$0x0], $0xffff  }
0x1d9: {  	v57 =	vld.idx.msk [tilespmem:v17+s24+$0x0], $0xffff;
	[tilespmem:v9+s1+$0x0] =	vst.idx.msk $0xffff, v58  }
0x1da: {  	v56 =	vld.idx.msk [tilespmem:v29+s25+$0x0], $0xffff;
	[tilespmem:v8+s0+$0x0] =	vst.idx.msk $0xffff, v60  }
0x1db: {  	v59 =	vld.idx.msk [tilespmem:v16+s24+$0x0], $0xffff;
	[tilespmem:v6+s1+$0x0] =	vst.idx.msk $0xffff, v61  }
0x1dc: {  	[tilespmem:v12+s0+$0x0] =	vst.idx.msk $0xffff, v62;
	v61 =	vld.idx.msk [tilespmem:v14+s24+$0x0], $0xffff  }
0x1dd: {  	[tilespmem:v22+s20+$0x0] =	vst.idx.msk $0xffff, v53;
	v62 =	vld.idx.msk [tilespmem:v13+s24+$0x0], $0xffff  }
0x1de: {  	v63 =	vld.idx.msk [tilespmem:v23+s25+$0x0], $0xffff;
	[tilespmem:v10+s0+$0x0] =	vst.idx.msk $0xffff, v57  }
0x1df: {  	[tilespmem:v11+s20+$0x0] =	vst.idx.msk $0xffff, v56;
	v58 =	vld.idx.msk [tilespmem:v38+s25+$0x0], $0xffff  }
0x1e0: {  	v57 =	vld.idx.msk [tilespmem:v28+s25+$0x0], $0xffff;
	[tilespmem:v9+s0+$0x0] =	vst.idx.msk $0xffff, v59  }
0x1e1: {  	[tilespmem:v7+s0+$0x0] =	vst.idx.msk $0xffff, v61;
	v59 =	vld.idx.msk [tilespmem:v25+s25+$0x0], $0xffff  }
0x1e2: {  	[tilespmem:v6+s0+$0x0] =	vst.idx.msk $0xffff, v62;
	v60 =	vld.idx.msk [tilespmem:v26+s25+$0x0], $0xffff  }
0x1e3: {  	[tilespmem:v12+s20+$0x0] =	vst.idx.msk $0xffff, v63;
	v63 =	vld.idx.msk [tilespmem:v30+s25+$0x0], $0xffff  }
0x1e4: {  	[tilespmem:v22+s22+$0x0] =	vst.idx.msk $0xffff, v58;
	v58 =	vld.idx.msk [tilespmem:v27+s25+$0x0], $0xffff  }
0x1e5: {  	v61 =	vld.idx.msk [tilespmem:v24+s25+$0x0], $0xffff  }
0x1e6: {  	v62 =	vld.idx.msk [tilespmem:v33+s25+$0x0], $0xffff;
	[tilespmem:v10+s20+$0x0] =	vst.idx.msk $0xffff, v57  }
0x1e7: {  	v50 =	vld.idx.msk [tilespmem:v44+s25+$0x0], $0xffff;
	[tilespmem:v8+s20+$0x0] =	vst.idx.msk $0xffff, v59  }
0x1e8: {  	v56 =	vld.idx.msk [tilespmem:v32+s25+$0x0], $0xffff;
	[tilespmem:v7+s20+$0x0] =	vst.idx.msk $0xffff, v60  }
0x1e9: {  	[tilespmem:v9+s20+$0x0] =	vst.idx.msk $0xffff, v58;
	v58 =	vld.idx.msk [tilespmem:v35+s25+$0x0], $0xffff  }
0x1ea: {  	[tilespmem:v11+s22+$0x0] =	vst.idx.msk $0xffff, v63;
	v59 =	vld.idx.msk [tilespmem:v36+s25+$0x0], $0xffff  }
0x1eb: {  	[tilespmem:v12+s22+$0x0] =	vst.idx.msk $0xffff, v62;
	v62 =	vld.idx.msk [tilespmem:v40+s25+$0x0], $0xffff  }
0x1ec: {  	[tilespmem:v6+s20+$0x0] =	vst.idx.msk $0xffff, v61;
	v57 =	vld.idx.msk [tilespmem:v34+s25+$0x0], $0xffff  }
0x1ed: {  	[tilespmem:v22+s7+$0x0] =	vst.idx.msk $0xffff, v50;
	v60 =	vld.idx.msk [tilespmem:v37+s25+$0x0], $0xffff  }
0x1ee: {  	v61 =	vld.idx.msk [tilespmem:v39+s25+$0x0], $0xffff;
	[tilespmem:v10+s22+$0x0] =	vst.idx.msk $0xffff, v56  }
0x1ef: {  	v50 =	vld.idx.msk [tilespmem:v45+s25+$0x0], $0xffff;
	[tilespmem:v8+s22+$0x0] =	vst.idx.msk $0xffff, v58  }
0x1f0: {  	v63 =	vld.idx.msk [tilespmem:v41+s25+$0x0], $0xffff;
	[tilespmem:v7+s22+$0x0] =	vst.idx.msk $0xffff, v59  }
0x1f1: {  	[tilespmem:v9+s22+$0x0] =	vst.idx.msk $0xffff, v57;
	v57 =	vld.idx.msk [tilespmem:v43+s25+$0x0], $0xffff  }
0x1f2: {  	[tilespmem:v11+s7+$0x0] =	vst.idx.msk $0xffff, v62;
	v58 =	vld.idx.msk [tilespmem:v21+s25+$0x0], $0xffff  }
0x1f3: {  	[tilespmem:v12+s7+$0x0] =	vst.idx.msk $0xffff, v61;
	v61 =	vld.idx.msk [tilespmem:v18+s25+$0x0], $0xffff  }
0x1f4: {  	[tilespmem:v6+s22+$0x0] =	vst.idx.msk $0xffff, v60;
	v56 =	vld.idx.msk [tilespmem:v42+s25+$0x0], $0xffff  }
0x1f5: {  	[tilespmem:v22+s15+$0x0] =	vst.idx.msk $0xffff, v50;
	v59 =	vld.idx.msk [tilespmem:v20+s25+$0x0], $0xffff  }
0x1f6: {  	v60 =	vld.idx.msk [tilespmem:v19+s25+$0x0], $0xffff;
	[tilespmem:v10+s7+$0x0] =	vst.idx.msk $0xffff, v63  }
0x1f7: {  	v50 =	vld.idx.msk [tilespmem:v31+s26+$0x0], $0xffff;
	[tilespmem:v8+s7+$0x0] =	vst.idx.msk $0xffff, v57  }
0x1f8: {  	v62 =	vld.idx.msk [tilespmem:v17+s25+$0x0], $0xffff;
	[tilespmem:v7+s7+$0x0] =	vst.idx.msk $0xffff, v58  }
0x1f9: {  	[tilespmem:v9+s7+$0x0] =	vst.idx.msk $0xffff, v56;
	v56 =	vld.idx.msk [tilespmem:v15+s25+$0x0], $0xffff  }
0x1fa: {  	[tilespmem:v11+s15+$0x0] =	vst.idx.msk $0xffff, v61;
	v57 =	vld.idx.msk [tilespmem:v14+s25+$0x0], $0xffff  }
0x1fb: {  	[tilespmem:v6+s7+$0x0] =	vst.idx.msk $0xffff, v59;
	v59 =	vld.idx.msk [tilespmem:v29+s26+$0x0], $0xffff  }
0x1fc: {  	[tilespmem:v12+s15+$0x0] =	vst.idx.msk $0xffff, v60;
	v63 =	vld.idx.msk [tilespmem:v16+s25+$0x0], $0xffff  }
0x1fd: {  	[tilespmem:v22+s16+$0x0] =	vst.idx.msk $0xffff, v50;
	v58 =	vld.idx.msk [tilespmem:v13+s25+$0x0], $0xffff  }
0x1fe: {  	v52 =	vld.idx.msk [tilespmem:v23+s26+$0x0], $0xffff;
	[tilespmem:v10+s15+$0x0] =	vst.idx.msk $0xffff, v62  }
0x1ff: {  	v50 =	vld.idx.msk [tilespmem:v38+s26+$0x0], $0xffff;
	[tilespmem:v8+s15+$0x0] =	vst.idx.msk $0xffff, v56  }
0x200: {  	v60 =	vld.idx.msk [tilespmem:v28+s26+$0x0], $0xffff;
	[tilespmem:v7+s15+$0x0] =	vst.idx.msk $0xffff, v57  }
0x201: {  	[tilespmem:v11+s16+$0x0] =	vst.idx.msk $0xffff, v59;
	v62 =	vld.idx.msk [tilespmem:v25+s26+$0x0], $0xffff  }
0x202: {  	[tilespmem:v9+s15+$0x0] =	vst.idx.msk $0xffff, v63;
	v63 =	vld.idx.msk [tilespmem:v26+s26+$0x0], $0xffff  }
0x203: {  	[tilespmem:v6+s15+$0x0] =	vst.idx.msk $0xffff, v58;
	v57 =	vld.idx.msk [tilespmem:v30+s26+$0x0], $0xffff  }
0x204: {  	[tilespmem:v22+s6+$0x0] =	vst.idx.msk $0xffff, v50;
	v61 =	vld.idx.msk [tilespmem:v27+s26+$0x0], $0xffff  }
0x205: {  	[tilespmem:v12+s16+$0x0] =	vst.idx.msk $0xffff, v52;
	v50 =	vld.idx.msk [tilespmem:v44+s26+$0x0], $0xffff  }
0x206: {  	v56 =	vld.idx.msk [tilespmem:v24+s26+$0x0], $0xffff;
	[tilespmem:v10+s16+$0x0] =	vst.idx.msk $0xffff, v60  }
0x207: {  	v52 =	vld.idx.msk [tilespmem:v33+s26+$0x0], $0xffff;
	[tilespmem:v8+s16+$0x0] =	vst.idx.msk $0xffff, v62  }
0x208: {  	v58 =	vld.idx.msk [tilespmem:v32+s26+$0x0], $0xffff;
	[tilespmem:v7+s16+$0x0] =	vst.idx.msk $0xffff, v63  }
0x209: {  	[tilespmem:v9+s16+$0x0] =	vst.idx.msk $0xffff, v61;
	v60 =	vld.idx.msk [tilespmem:v35+s26+$0x0], $0xffff  }
0x20a: {  	v61 =	vld.idx.msk [tilespmem:v36+s26+$0x0], $0xffff;
	[tilespmem:v22+s17+$0x0] =	vst.idx.msk $0xffff, v50  }
0x20b: {  	[tilespmem:v11+s6+$0x0] =	vst.idx.msk $0xffff, v57;
	v50 =	vld.idx.msk [tilespmem:v45+s26+$0x0], $0xffff  }
0x20c: {  	[tilespmem:v6+s16+$0x0] =	vst.idx.msk $0xffff, v56;
	v53 =	vld.idx.msk [tilespmem:v40+s26+$0x0], $0xffff  }
0x20d: {  	[tilespmem:v12+s6+$0x0] =	vst.idx.msk $0xffff, v52;
	v59 =	vld.idx.msk [tilespmem:v34+s26+$0x0], $0xffff  }
0x20e: {  	v62 =	vld.idx.msk [tilespmem:v37+s26+$0x0], $0xffff;
	[tilespmem:v10+s6+$0x0] =	vst.idx.msk $0xffff, v58  }
0x20f: {  	v63 =	vld.idx.msk [tilespmem:v39+s26+$0x0], $0xffff;
	[tilespmem:v8+s6+$0x0] =	vst.idx.msk $0xffff, v60  }
0x210: {  	v54 =	vld.idx.msk [tilespmem:v41+s26+$0x0], $0xffff;
	[tilespmem:v22+s4+$0x0] =	vst.idx.msk $0xffff, v50  }
0x211: {  	[tilespmem:v7+s6+$0x0] =	vst.idx.msk $0xffff, v61;
	v31 =	vld.idx.msk [tilespmem:v31+s28+$0x0], $0xffff  }
0x212: {  	[tilespmem:v11+s17+$0x0] =	vst.idx.msk $0xffff, v53;
	v56 =	vld.idx.msk [tilespmem:v43+s26+$0x0], $0xffff  }
0x213: {  	[tilespmem:v9+s6+$0x0] =	vst.idx.msk $0xffff, v59;
	v57 =	vld.idx.msk [tilespmem:v21+s26+$0x0], $0xffff  }
0x214: {  	[tilespmem:v6+s6+$0x0] =	vst.idx.msk $0xffff, v62;
	v60 =	vld.idx.msk [tilespmem:v18+s26+$0x0], $0xffff  }
0x215: {  	[tilespmem:v12+s17+$0x0] =	vst.idx.msk $0xffff, v63;
	v55 =	vld.idx.msk [tilespmem:v42+s26+$0x0], $0xffff  }
0x216: {  	v58 =	vld.idx.msk [tilespmem:v20+s26+$0x0], $0xffff;
	[tilespmem:v22+s2+$0x0] =	vst.idx.msk $0xffff, v31  }
0x217: {  	[tilespmem:v10+s17+$0x0] =	vst.idx.msk $0xffff, v54;
	v31 =	vld.idx.msk [tilespmem:v38+s28+$0x0], $0xffff  }
0x218: {  	v59 =	vld.idx.msk [tilespmem:v19+s26+$0x0], $0xffff;
	[tilespmem:v8+s17+$0x0] =	vst.idx.msk $0xffff, v56  }
0x219: {  	v61 =	vld.idx.msk [tilespmem:v17+s26+$0x0], $0xffff;
	[tilespmem:v7+s17+$0x0] =	vst.idx.msk $0xffff, v57  }
0x21a: {  	[tilespmem:v11+s4+$0x0] =	vst.idx.msk $0xffff, v60;
	v47 =	vld.idx.msk [tilespmem:v15+s26+$0x0], $0xffff  }
0x21b: {  	[tilespmem:v9+s17+$0x0] =	vst.idx.msk $0xffff, v55;
	v48 =	vld.idx.msk [tilespmem:v14+s26+$0x0], $0xffff  }
0x21c: {  	v46 =	vld.idx.msk [tilespmem:v16+s26+$0x0], $0xffff;
	[tilespmem:v22+s29+$0x0] =	vst.idx.msk $0xffff, v31  }
0x21d: {  	[tilespmem:v6+s17+$0x0] =	vst.idx.msk $0xffff, v58;
	v31 =	vld.idx.msk [tilespmem:v44+s28+$0x0], $0xffff  }
0x21e: {  	[tilespmem:v12+s4+$0x0] =	vst.idx.msk $0xffff, v59;
	v29 =	vld.idx.msk [tilespmem:v29+s28+$0x0], $0xffff  }
0x21f: {  	v49 =	vld.idx.msk [tilespmem:v13+s26+$0x0], $0xffff;
	[tilespmem:v10+s4+$0x0] =	vst.idx.msk $0xffff, v61  }
0x220: {  	v23 =	vld.idx.msk [tilespmem:v23+s28+$0x0], $0xffff;
	[tilespmem:v8+s4+$0x0] =	vst.idx.msk $0xffff, v47  }
0x221: {  	v28 =	vld.idx.msk [tilespmem:v28+s28+$0x0], $0xffff;
	[tilespmem:v9+s4+$0x0] =	vst.idx.msk $0xffff, v46  }
0x222: {  	v27 =	vld.idx.msk [tilespmem:v27+s28+$0x0], $0xffff;
	[tilespmem:v22+s8+$0x0] =	vst.idx.msk $0xffff, v31  }
0x223: {  	[tilespmem:v7+s4+$0x0] =	vst.idx.msk $0xffff, v48;
	v31 =	vld.idx.msk [tilespmem:v45+s28+$0x0], $0xffff  }
0x224: {  	v25 =	vld.idx.msk [tilespmem:v25+s28+$0x0], $0xffff;
	[tilespmem:v6+s4+$0x0] =	vst.idx.msk $0xffff, v49  }
0x225: {  	v26 =	vld.idx.msk [tilespmem:v26+s28+$0x0], $0xffff;
	[tilespmem:v12+s2+$0x0] =	vst.idx.msk $0xffff, v23  }
0x226: {  	v23 =	vld.idx.msk [tilespmem:v33+s28+$0x0], $0xffff;
	[tilespmem:v10+s2+$0x0] =	vst.idx.msk $0xffff, v28  }
0x227: {  	v28 =	vld.idx.msk [tilespmem:v32+s28+$0x0], $0xffff;
	[tilespmem:v9+s2+$0x0] =	vst.idx.msk $0xffff, v27  }
0x228: {  	[tilespmem:v22+s9+$0x0] =	vst.idx.msk $0xffff, v31;
	v22 =	vld.idx.msk [tilespmem:v24+s28+$0x0], $0xffff  }
0x229: {  	[tilespmem:v11+s2+$0x0] =	vst.idx.msk $0xffff, v29;
	v29 =	vld.idx.msk [tilespmem:v34+s28+$0x0], $0xffff  }
0x22a: {  	[tilespmem:v8+s2+$0x0] =	vst.idx.msk $0xffff, v25;
	v24 =	vld.idx.msk [tilespmem:v30+s28+$0x0], $0xffff  }
0x22b: {  	[tilespmem:v7+s2+$0x0] =	vst.idx.msk $0xffff, v26;
	v62 =	vld.idx.msk [tilespmem:v35+s28+$0x0], $0xffff  }
0x22c: {  	v63 =	vld.idx.msk [tilespmem:v36+s28+$0x0], $0xffff;
	[tilespmem:v12+s29+$0x0] =	vst.idx.msk $0xffff, v23  }
0x22d: {  	v26 =	vld.idx.msk [tilespmem:v39+s28+$0x0], $0xffff;
	[tilespmem:v6+s2+$0x0] =	vst.idx.msk $0xffff, v22  }
0x22e: {  	[tilespmem:v9+s29+$0x0] =	vst.idx.msk $0xffff, v29;
	v27 =	vld.idx.msk [tilespmem:v37+s28+$0x0], $0xffff  }
0x22f: {  	v23 =	vld.idx.msk [tilespmem:v42+s28+$0x0], $0xffff;
	[tilespmem:v11+s29+$0x0] =	vst.idx.msk $0xffff, v24  }
0x230: {  	[tilespmem:v10+s29+$0x0] =	vst.idx.msk $0xffff, v28;
	v25 =	vld.idx.msk [tilespmem:v40+s28+$0x0], $0xffff  }
0x231: {  	[tilespmem:v8+s29+$0x0] =	vst.idx.msk $0xffff, v62;
	v24 =	vld.idx.msk [tilespmem:v41+s28+$0x0], $0xffff  }
0x232: {  	[tilespmem:v7+s29+$0x0] =	vst.idx.msk $0xffff, v63;
	v22 =	vld.idx.msk [tilespmem:v43+s28+$0x0], $0xffff  }
.LBB2_5:
0x233: {  	s11 =	sadd.s32 $0x8, s11;
	v21 =	vld.idx.msk [tilespmem:v21+s28+$0x0], $0xffff;
	[tilespmem:v6+s29+$0x0] =	vst.idx.msk $0xffff, v27  }
0x234: {  	s3 =	sand.u32 $0x8, s11;
	p0 =	slt.u32 s11, $0x78;
	[tilespmem:v12+s8+$0x0] =	vst.idx.msk $0xffff, v26;
	v20 =	vld.idx.msk [tilespmem:v20+s28+$0x0], $0xffff  }
0x235: {  	s5 =	sand.u32 $0x70, s11;
	v30 =	vadd.s32 s3, v0;
	s10 =	sor.u32 $0x1, s3;
	s12 =	sor.u32 $0x7, s3;
	v19 =	vld.idx.msk [tilespmem:v19+s28+$0x0], $0xffff;
	[tilespmem:v11+s8+$0x0] =	vst.idx.msk $0xffff, v25  }
0x236: {  	v25 =	vor.u32 s5, v0;
	s5 =	sor.u32 $0x2, s3;
	s13 =	sor.u32 $0x3, s3;
	s14 =	sor.u32 $0x4, s3;
	v26 =	vand.u32 $0x8, v30;
	v45 =	vadd.s32 s12, v0;
	v18 =	vld.idx.msk [tilespmem:v18+s28+$0x0], $0xffff;
	[tilespmem:v10+s8+$0x0] =	vst.idx.msk $0xffff, v24  }
0x237: {  	v31 =	vshll.u32 v25, $0x6;
	v46 =	vadd.s32 s10, v0;
	s10 =	sor.u32 $0x5, s3;
	s3 =	sor.u32 $0x6, s3;
	v32 =	vand.u32 $0xF, v45;
	v17 =	vld.idx.msk [tilespmem:v17+s28+$0x0], $0xffff;
	[tilespmem:v9+s8+$0x0] =	vst.idx.msk $0xffff, v23  }
0x238: {  	v47 =	vadd.s32 s5, v0;
	v48 =	vadd.s32 s13, v0;
	v42 =	vor.u32 v31, v32;
	v16 =	vld.idx.msk [tilespmem:v16+s28+$0x0], $0xffff;
	[tilespmem:v8+s8+$0x0] =	vst.idx.msk $0xffff, v22  }
0x239: {  	v49 =	vadd.s32 s14, v0;
	v50 =	vadd.s32 s10, v0;
	v51 =	vadd.s32 s3, v0;
	[tilespmem:v7+s8+$0x0] =	vst.idx.msk $0xffff, v21  }
0x23a: {  	v52 =	vor.u32 v26, v31;
	v34 =	vand.u32 $0xF, v47;
	v21 =	vand.u32 $0xF, v46;
	v15 =	vld.idx.msk [tilespmem:v15+s28+$0x0], $0xffff;
	[tilespmem:v6+s8+$0x0] =	vst.idx.msk $0xffff, v20  }
0x23b: {  	v53 =	vand.u32 $0xF, v49;
	v54 =	vand.u32 $0xF, v50;
	v20 =	vand.u32 $0xF, v48;
	[tilespmem:v12+s9+$0x0] =	vst.idx.msk $0xffff, v19;
	v12 =	vld.idx.msk [tilespmem:v14+s28+$0x0], $0xffff  }
0x23c: {  	v23 =	vor.u32 v1, v52;
	v14 =	vand.u32 $0xF, v51;
	v19 =	vshll.u32 v45, $0x7;
	[tilespmem:v11+s9+$0x0] =	vst.idx.msk $0xffff, v18;
	v11 =	vld.idx.msk [tilespmem:v13+s28+$0x0], $0xffff  }
0x23d: {  	v13 =	vand.u32 v2, v25;
	v25 =	vor.u32 v31, v21;
	v19 =	vand.u32 $0x780, v19;
	v18 =	vld.idx.msk [tilespmem:v42+s24+$0x0], $0xffff  }
0x23e: {  	v33 =	vor.u32 $0x10, v31;
	v27 =	vor.u32 v31, v34;
	v22 =	vor.u32 v19, v13;
	[tilespmem:v10+s9+$0x0] =	vst.idx.msk $0xffff, v17  }
0x23f: {  	v26 =	vor.u32 v31, v53;
	v43 =	vor.u32 v45, v33;
	v29 =	vor.u32 v31, v20  }
0x240: {  	v28 =	vor.u32 v31, v54;
	v24 =	vor.u32 v31, v14;
	v10 =	vshll.u32 v46, $0x7;
	[tilespmem:v9+s9+$0x0] =	vst.idx.msk $0xffff, v16  }
0x241: {  	v19 =	vshll.u32 v49, $0x7;
	v17 =	vshll.u32 v48, $0x7;
	v9 =	vshll.u32 v47, $0x7;
	v16 =	vld.idx.msk [tilespmem:v23+s24+$0x0], $0xffff;
	[tilespmem:v8+s9+$0x0] =	vst.idx.msk $0xffff, v15  }
0x242: {  	v35 =	vshll.u32 v51, $0x7;
	v8 =	vshll.u32 v30, $0x7;
	v30 =	vshll.u32 v50, $0x7;
	v15 =	vld.idx.msk [tilespmem:v25+s24+$0x0], $0xffff;
	[tilespmem:v7+s9+$0x0] =	vst.idx.msk $0xffff, v12  }
0x243: {  	v9 =	vand.u32 $0x780, v9;
	v7 =	vand.u32 $0x780, v10;
	v12 =	vand.u32 $0x780, v17;
	v55 =	vld.idx.msk [tilespmem:v27+s24+$0x0], $0xffff;
	[tilespmem:v22+s30+$0x0] =	vst.idx.msk $0xffff, v18  }
0x244: {  	v17 =	vand.u32 $0x780, v19;
	v19 =	vand.u32 $0x780, v35;
	v18 =	vand.u32 $0x780, v30;
	v30 =	vld.idx.msk [tilespmem:v43+s24+$0x0], $0xffff;
	[tilespmem:v6+s9+$0x0] =	vst.idx.msk $0xffff, v11  }
0x245: {  	v56 =	vor.u32 $0x20, v31;
	v35 =	vand.u32 $0x780, v8;
	v11 =	vor.u32 v7, v13;
	v57 =	vld.idx.msk [tilespmem:v29+s24+$0x0], $0xffff  }
0x246: {  	v44 =	vor.u32 v32, v56;
	v10 =	vor.u32 v9, v13;
	v9 =	vor.u32 v12, v13;
	v58 =	vld.idx.msk [tilespmem:v26+s24+$0x0], $0xffff  }
0x247: {  	v8 =	vor.u32 v17, v13;
	v7 =	vor.u32 v18, v13;
	v6 =	vor.u32 v19, v13;
	v59 =	vld.idx.msk [tilespmem:v28+s24+$0x0], $0xffff  }
0x248: {  	v41 =	vor.u32 v3, v52;
	v39 =	vor.u32 v46, v33;
	v12 =	vor.u32 v35, v13;
	v13 =	vld.idx.msk [tilespmem:v24+s24+$0x0], $0xffff  }
0x249: {  	v40 =	vor.u32 v47, v33;
	v38 =	vor.u32 v48, v33;
	v37 =	vor.u32 v49, v33  }
0x24a: {  	v36 =	vor.u32 v50, v33;
	v32 =	vor.u32 v51, v33;
	[tilespmem:v22+s31+$0x0] =	vst.idx.msk $0xffff, v30  }
0x24b: {  	v33 =	vor.u32 v4, v52;
	v30 =	vor.u32 v21, v56;
	[tilespmem:v11+s30+$0x0] =	vst.idx.msk $0xffff, v15;
	v60 =	vld.idx.msk [tilespmem:v44+s24+$0x0], $0xffff  }
0x24c: {  	v61 =	vor.u32 $0x30, v31;
	v31 =	vor.u32 v20, v56;
	v35 =	vor.u32 v34, v56;
	[tilespmem:v10+s30+$0x0] =	vst.idx.msk $0xffff, v55  }
0x24d: {  	v45 =	vor.u32 v45, v61;
	v34 =	vor.u32 v53, v56;
	[tilespmem:v12+s30+$0x0] =	vst.idx.msk $0xffff, v16;
	v55 =	vld.idx.msk [tilespmem:v39+s24+$0x0], $0xffff  }
0x24e: {  	v20 =	vor.u32 v14, v56;
	v21 =	vor.u32 v54, v56;
	v53 =	vld.idx.msk [tilespmem:v41+s24+$0x0], $0xffff;
	[tilespmem:v9+s30+$0x0] =	vst.idx.msk $0xffff, v57  }
0x24f: {  	v19 =	vor.u32 v5, v52;
	v18 =	vor.u32 v46, v61;
	v46 =	vld.idx.msk [tilespmem:v40+s24+$0x0], $0xffff;
	[tilespmem:v8+s30+$0x0] =	vst.idx.msk $0xffff, v58  }
0x250: {  	v17 =	vor.u32 v47, v61;
	v16 =	vor.u32 v48, v61;
	v47 =	vld.idx.msk [tilespmem:v38+s24+$0x0], $0xffff;
	[tilespmem:v7+s30+$0x0] =	vst.idx.msk $0xffff, v59  }
0x251: {  	v14 =	vor.u32 v50, v61;
	v15 =	vor.u32 v49, v61;
	v48 =	vld.idx.msk [tilespmem:v37+s24+$0x0], $0xffff;
	[tilespmem:v22+s1+$0x0] =	vst.idx.msk $0xffff, v60  }
0x252: {  	[tilespmem:v6+s30+$0x0] =	vst.idx.msk $0xffff, v13;
	v13 =	vor.u32 v51, v61;
	v49 =	vld.idx.msk [tilespmem:v45+s24+$0x0], $0xffff  }
0x253: {  	[tilespmem:v11+s31+$0x0] =	vst.idx.msk $0xffff, v55;
	v50 =	vld.idx.msk [tilespmem:v36+s24+$0x0], $0xffff  }
0x254: {  	[tilespmem:v12+s31+$0x0] =	vst.idx.msk $0xffff, v53;
	v51 =	vld.idx.msk [tilespmem:v32+s24+$0x0], $0xffff  }
0x255: {  	v52 =	vld.idx.msk [tilespmem:v33+s24+$0x0], $0xffff;
	[tilespmem:v10+s31+$0x0] =	vst.idx.msk $0xffff, v46  }
0x256: {  	v46 =	vld.idx.msk [tilespmem:v30+s24+$0x0], $0xffff;
	[tilespmem:v9+s31+$0x0] =	vst.idx.msk $0xffff, v47  }
0x257: {  	v47 =	vld.idx.msk [tilespmem:v35+s24+$0x0], $0xffff;
	[tilespmem:v8+s31+$0x0] =	vst.idx.msk $0xffff, v48  }
0x258: {  	v48 =	vld.idx.msk [tilespmem:v31+s24+$0x0], $0xffff;
	[tilespmem:v22+s0+$0x0] =	vst.idx.msk $0xffff, v49  }
0x259: {  	[tilespmem:v7+s31+$0x0] =	vst.idx.msk $0xffff, v50;
	v49 =	vld.idx.msk [tilespmem:v42+s25+$0x0], $0xffff  }
0x25a: {  	v50 =	vld.idx.msk [tilespmem:v34+s24+$0x0], $0xffff;
	[tilespmem:v6+s31+$0x0] =	vst.idx.msk $0xffff, v51  }
0x25b: {  	[tilespmem:v12+s1+$0x0] =	vst.idx.msk $0xffff, v52;
	v51 =	vld.idx.msk [tilespmem:v21+s24+$0x0], $0xffff  }
0x25c: {  	[tilespmem:v11+s1+$0x0] =	vst.idx.msk $0xffff, v46;
	v46 =	vld.idx.msk [tilespmem:v20+s24+$0x0], $0xffff  }
0x25d: {  	v52 =	vld.idx.msk [tilespmem:v19+s24+$0x0], $0xffff;
	[tilespmem:v10+s1+$0x0] =	vst.idx.msk $0xffff, v47  }
0x25e: {  	v47 =	vld.idx.msk [tilespmem:v18+s24+$0x0], $0xffff;
	[tilespmem:v9+s1+$0x0] =	vst.idx.msk $0xffff, v48  }
0x25f: {  	v48 =	vld.idx.msk [tilespmem:v17+s24+$0x0], $0xffff;
	[tilespmem:v22+s20+$0x0] =	vst.idx.msk $0xffff, v49  }
0x260: {  	[tilespmem:v8+s1+$0x0] =	vst.idx.msk $0xffff, v50;
	v49 =	vld.idx.msk [tilespmem:v43+s25+$0x0], $0xffff  }
0x261: {  	v50 =	vld.idx.msk [tilespmem:v16+s24+$0x0], $0xffff;
	[tilespmem:v7+s1+$0x0] =	vst.idx.msk $0xffff, v51  }
0x262: {  	v51 =	vld.idx.msk [tilespmem:v15+s24+$0x0], $0xffff;
	[tilespmem:v6+s1+$0x0] =	vst.idx.msk $0xffff, v46  }
0x263: {  	[tilespmem:v12+s0+$0x0] =	vst.idx.msk $0xffff, v52;
	v46 =	vld.idx.msk [tilespmem:v14+s24+$0x0], $0xffff  }
0x264: {  	[tilespmem:v11+s0+$0x0] =	vst.idx.msk $0xffff, v47;
	v47 =	vld.idx.msk [tilespmem:v13+s24+$0x0], $0xffff  }
0x265: {  	v52 =	vld.idx.msk [tilespmem:v23+s25+$0x0], $0xffff;
	[tilespmem:v10+s0+$0x0] =	vst.idx.msk $0xffff, v48  }
0x266: {  	v48 =	vld.idx.msk [tilespmem:v25+s25+$0x0], $0xffff;
	[tilespmem:v22+s22+$0x0] =	vst.idx.msk $0xffff, v49  }
0x267: {  	[tilespmem:v9+s0+$0x0] =	vst.idx.msk $0xffff, v50;
	v49 =	vld.idx.msk [tilespmem:v44+s25+$0x0], $0xffff  }
0x268: {  	v50 =	vld.idx.msk [tilespmem:v27+s25+$0x0], $0xffff;
	[tilespmem:v8+s0+$0x0] =	vst.idx.msk $0xffff, v51  }
0x269: {  	v51 =	vld.idx.msk [tilespmem:v29+s25+$0x0], $0xffff;
	[tilespmem:v7+s0+$0x0] =	vst.idx.msk $0xffff, v46  }
0x26a: {  	v46 =	vld.idx.msk [tilespmem:v26+s25+$0x0], $0xffff;
	[tilespmem:v6+s0+$0x0] =	vst.idx.msk $0xffff, v47  }
0x26b: {  	[tilespmem:v12+s20+$0x0] =	vst.idx.msk $0xffff, v52;
	v47 =	vld.idx.msk [tilespmem:v28+s25+$0x0], $0xffff  }
0x26c: {  	[tilespmem:v11+s20+$0x0] =	vst.idx.msk $0xffff, v48;
	v48 =	vld.idx.msk [tilespmem:v24+s25+$0x0], $0xffff  }
0x26d: {  	v52 =	vld.idx.msk [tilespmem:v41+s25+$0x0], $0xffff;
	[tilespmem:v22+s7+$0x0] =	vst.idx.msk $0xffff, v49  }
0x26e: {  	[tilespmem:v10+s20+$0x0] =	vst.idx.msk $0xffff, v50;
	v49 =	vld.idx.msk [tilespmem:v45+s25+$0x0], $0xffff  }
0x26f: {  	v50 =	vld.idx.msk [tilespmem:v39+s25+$0x0], $0xffff;
	[tilespmem:v9+s20+$0x0] =	vst.idx.msk $0xffff, v51  }
0x270: {  	v51 =	vld.idx.msk [tilespmem:v40+s25+$0x0], $0xffff;
	[tilespmem:v8+s20+$0x0] =	vst.idx.msk $0xffff, v46  }
0x271: {  	v46 =	vld.idx.msk [tilespmem:v38+s25+$0x0], $0xffff;
	[tilespmem:v7+s20+$0x0] =	vst.idx.msk $0xffff, v47  }
0x272: {  	v47 =	vld.idx.msk [tilespmem:v37+s25+$0x0], $0xffff;
	[tilespmem:v6+s20+$0x0] =	vst.idx.msk $0xffff, v48  }
0x273: {  	[tilespmem:v12+s22+$0x0] =	vst.idx.msk $0xffff, v52;
	v48 =	vld.idx.msk [tilespmem:v36+s25+$0x0], $0xffff  }
0x274: {  	v52 =	vld.idx.msk [tilespmem:v32+s25+$0x0], $0xffff;
	[tilespmem:v22+s15+$0x0] =	vst.idx.msk $0xffff, v49  }
0x275: {  	[tilespmem:v11+s22+$0x0] =	vst.idx.msk $0xffff, v50;
	v49 =	vld.idx.msk [tilespmem:v42+s26+$0x0], $0xffff  }
0x276: {  	v50 =	vld.idx.msk [tilespmem:v33+s25+$0x0], $0xffff;
	[tilespmem:v10+s22+$0x0] =	vst.idx.msk $0xffff, v51  }
0x277: {  	v51 =	vld.idx.msk [tilespmem:v30+s25+$0x0], $0xffff;
	[tilespmem:v9+s22+$0x0] =	vst.idx.msk $0xffff, v46  }
0x278: {  	v46 =	vld.idx.msk [tilespmem:v35+s25+$0x0], $0xffff;
	[tilespmem:v8+s22+$0x0] =	vst.idx.msk $0xffff, v47  }
0x279: {  	v47 =	vld.idx.msk [tilespmem:v31+s25+$0x0], $0xffff;
	[tilespmem:v7+s22+$0x0] =	vst.idx.msk $0xffff, v48  }
0x27a: {  	v48 =	vld.idx.msk [tilespmem:v34+s25+$0x0], $0xffff;
	[tilespmem:v6+s22+$0x0] =	vst.idx.msk $0xffff, v52  }
0x27b: {  	v52 =	vld.idx.msk [tilespmem:v21+s25+$0x0], $0xffff;
	[tilespmem:v22+s16+$0x0] =	vst.idx.msk $0xffff, v49  }
0x27c: {  	[tilespmem:v12+s7+$0x0] =	vst.idx.msk $0xffff, v50;
	v49 =	vld.idx.msk [tilespmem:v43+s26+$0x0], $0xffff  }
0x27d: {  	[tilespmem:v11+s7+$0x0] =	vst.idx.msk $0xffff, v51;
	v50 =	vld.idx.msk [tilespmem:v20+s25+$0x0], $0xffff  }
0x27e: {  	v51 =	vld.idx.msk [tilespmem:v19+s25+$0x0], $0xffff;
	[tilespmem:v10+s7+$0x0] =	vst.idx.msk $0xffff, v46  }
0x27f: {  	v46 =	vld.idx.msk [tilespmem:v18+s25+$0x0], $0xffff;
	[tilespmem:v9+s7+$0x0] =	vst.idx.msk $0xffff, v47  }
0x280: {  	v47 =	vld.idx.msk [tilespmem:v17+s25+$0x0], $0xffff;
	[tilespmem:v8+s7+$0x0] =	vst.idx.msk $0xffff, v48  }
0x281: {  	v48 =	vld.idx.msk [tilespmem:v16+s25+$0x0], $0xffff;
	[tilespmem:v7+s7+$0x0] =	vst.idx.msk $0xffff, v52  }
0x282: {  	v52 =	vld.idx.msk [tilespmem:v15+s25+$0x0], $0xffff;
	[tilespmem:v22+s6+$0x0] =	vst.idx.msk $0xffff, v49  }
0x283: {  	[tilespmem:v6+s7+$0x0] =	vst.idx.msk $0xffff, v50;
	v49 =	vld.idx.msk [tilespmem:v44+s26+$0x0], $0xffff  }
0x284: {  	[tilespmem:v12+s15+$0x0] =	vst.idx.msk $0xffff, v51;
	v50 =	vld.idx.msk [tilespmem:v14+s25+$0x0], $0xffff  }
0x285: {  	[tilespmem:v11+s15+$0x0] =	vst.idx.msk $0xffff, v46;
	v46 =	vld.idx.msk [tilespmem:v13+s25+$0x0], $0xffff  }
0x286: {  	v51 =	vld.idx.msk [tilespmem:v23+s26+$0x0], $0xffff;
	[tilespmem:v10+s15+$0x0] =	vst.idx.msk $0xffff, v47  }
0x287: {  	v47 =	vld.idx.msk [tilespmem:v25+s26+$0x0], $0xffff;
	[tilespmem:v9+s15+$0x0] =	vst.idx.msk $0xffff, v48  }
0x288: {  	v48 =	vld.idx.msk [tilespmem:v27+s26+$0x0], $0xffff;
	[tilespmem:v8+s15+$0x0] =	vst.idx.msk $0xffff, v52  }
0x289: {  	v52 =	vld.idx.msk [tilespmem:v29+s26+$0x0], $0xffff;
	[tilespmem:v22+s17+$0x0] =	vst.idx.msk $0xffff, v49  }
0x28a: {  	[tilespmem:v7+s15+$0x0] =	vst.idx.msk $0xffff, v50;
	v49 =	vld.idx.msk [tilespmem:v45+s26+$0x0], $0xffff  }
0x28b: {  	v50 =	vld.idx.msk [tilespmem:v26+s26+$0x0], $0xffff;
	[tilespmem:v6+s15+$0x0] =	vst.idx.msk $0xffff, v46  }
0x28c: {  	[tilespmem:v12+s16+$0x0] =	vst.idx.msk $0xffff, v51;
	v46 =	vld.idx.msk [tilespmem:v28+s26+$0x0], $0xffff  }
0x28d: {  	[tilespmem:v11+s16+$0x0] =	vst.idx.msk $0xffff, v47;
	v47 =	vld.idx.msk [tilespmem:v24+s26+$0x0], $0xffff  }
0x28e: {  	v51 =	vld.idx.msk [tilespmem:v41+s26+$0x0], $0xffff;
	[tilespmem:v10+s16+$0x0] =	vst.idx.msk $0xffff, v48  }
0x28f: {  	v48 =	vld.idx.msk [tilespmem:v39+s26+$0x0], $0xffff;
	[tilespmem:v9+s16+$0x0] =	vst.idx.msk $0xffff, v52  }
0x290: {  	v52 =	vld.idx.msk [tilespmem:v40+s26+$0x0], $0xffff;
	[tilespmem:v22+s4+$0x0] =	vst.idx.msk $0xffff, v49  }
0x291: {  	[tilespmem:v8+s16+$0x0] =	vst.idx.msk $0xffff, v50;
	v42 =	vld.idx.msk [tilespmem:v42+s28+$0x0], $0xffff  }
0x292: {  	v49 =	vld.idx.msk [tilespmem:v38+s26+$0x0], $0xffff;
	[tilespmem:v7+s16+$0x0] =	vst.idx.msk $0xffff, v46  }
0x293: {  	v46 =	vld.idx.msk [tilespmem:v37+s26+$0x0], $0xffff;
	[tilespmem:v6+s16+$0x0] =	vst.idx.msk $0xffff, v47  }
0x294: {  	[tilespmem:v12+s6+$0x0] =	vst.idx.msk $0xffff, v51;
	v47 =	vld.idx.msk [tilespmem:v36+s26+$0x0], $0xffff  }
0x295: {  	[tilespmem:v11+s6+$0x0] =	vst.idx.msk $0xffff, v48;
	v48 =	vld.idx.msk [tilespmem:v32+s26+$0x0], $0xffff  }
0x296: {  	v50 =	vld.idx.msk [tilespmem:v33+s26+$0x0], $0xffff;
	[tilespmem:v10+s6+$0x0] =	vst.idx.msk $0xffff, v52  }
0x297: {  	v51 =	vld.idx.msk [tilespmem:v30+s26+$0x0], $0xffff;
	[tilespmem:v22+s2+$0x0] =	vst.idx.msk $0xffff, v42  }
0x298: {  	[tilespmem:v9+s6+$0x0] =	vst.idx.msk $0xffff, v49;
	v42 =	vld.idx.msk [tilespmem:v43+s28+$0x0], $0xffff  }
0x299: {  	v43 =	vld.idx.msk [tilespmem:v35+s26+$0x0], $0xffff;
	[tilespmem:v8+s6+$0x0] =	vst.idx.msk $0xffff, v46  }
0x29a: {  	v46 =	vld.idx.msk [tilespmem:v31+s26+$0x0], $0xffff;
	[tilespmem:v7+s6+$0x0] =	vst.idx.msk $0xffff, v47  }
0x29b: {  	v47 =	vld.idx.msk [tilespmem:v34+s26+$0x0], $0xffff;
	[tilespmem:v6+s6+$0x0] =	vst.idx.msk $0xffff, v48  }
0x29c: {  	[tilespmem:v12+s17+$0x0] =	vst.idx.msk $0xffff, v50;
	v48 =	vld.idx.msk [tilespmem:v21+s26+$0x0], $0xffff  }
0x29d: {  	[tilespmem:v11+s17+$0x0] =	vst.idx.msk $0xffff, v51;
	v49 =	vld.idx.msk [tilespmem:v20+s26+$0x0], $0xffff  }
0x29e: {  	v50 =	vld.idx.msk [tilespmem:v19+s26+$0x0], $0xffff;
	[tilespmem:v22+s29+$0x0] =	vst.idx.msk $0xffff, v42  }
0x29f: {  	[tilespmem:v10+s17+$0x0] =	vst.idx.msk $0xffff, v43;
	v42 =	vld.idx.msk [tilespmem:v44+s28+$0x0], $0xffff  }
0x2a0: {  	v43 =	vld.idx.msk [tilespmem:v18+s26+$0x0], $0xffff;
	[tilespmem:v9+s17+$0x0] =	vst.idx.msk $0xffff, v46  }
0x2a1: {  	v44 =	vld.idx.msk [tilespmem:v17+s26+$0x0], $0xffff;
	[tilespmem:v8+s17+$0x0] =	vst.idx.msk $0xffff, v47  }
0x2a2: {  	v46 =	vld.idx.msk [tilespmem:v16+s26+$0x0], $0xffff;
	[tilespmem:v7+s17+$0x0] =	vst.idx.msk $0xffff, v48  }
0x2a3: {  	v47 =	vld.idx.msk [tilespmem:v15+s26+$0x0], $0xffff;
	[tilespmem:v6+s17+$0x0] =	vst.idx.msk $0xffff, v49  }
0x2a4: {  	[tilespmem:v12+s4+$0x0] =	vst.idx.msk $0xffff, v50;
	v48 =	vld.idx.msk [tilespmem:v14+s26+$0x0], $0xffff  }
0x2a5: {  	v49 =	vld.idx.msk [tilespmem:v13+s26+$0x0], $0xffff;
	[tilespmem:v22+s8+$0x0] =	vst.idx.msk $0xffff, v42  }
0x2a6: {  	[tilespmem:v11+s4+$0x0] =	vst.idx.msk $0xffff, v43;
	v42 =	vld.idx.msk [tilespmem:v45+s28+$0x0], $0xffff  }
0x2a7: {  	v23 =	vld.idx.msk [tilespmem:v23+s28+$0x0], $0xffff;
	[tilespmem:v10+s4+$0x0] =	vst.idx.msk $0xffff, v44  }
0x2a8: {  	v25 =	vld.idx.msk [tilespmem:v25+s28+$0x0], $0xffff;
	[tilespmem:v9+s4+$0x0] =	vst.idx.msk $0xffff, v46  }
0x2a9: {  	v27 =	vld.idx.msk [tilespmem:v27+s28+$0x0], $0xffff;
	[tilespmem:v8+s4+$0x0] =	vst.idx.msk $0xffff, v47  }
0x2aa: {  	v29 =	vld.idx.msk [tilespmem:v29+s28+$0x0], $0xffff;
	[tilespmem:v7+s4+$0x0] =	vst.idx.msk $0xffff, v48  }
0x2ab: {  	v26 =	vld.idx.msk [tilespmem:v26+s28+$0x0], $0xffff;
	[tilespmem:v6+s4+$0x0] =	vst.idx.msk $0xffff, v49  }
0x2ac: {  	v28 =	vld.idx.msk [tilespmem:v28+s28+$0x0], $0xffff;
	[tilespmem:v22+s9+$0x0] =	vst.idx.msk $0xffff, v42  }
0x2ad: {  	[tilespmem:v12+s2+$0x0] =	vst.idx.msk $0xffff, v23;
	v22 =	vld.idx.msk [tilespmem:v24+s28+$0x0], $0xffff  }
0x2ae: {  	v23 =	vld.idx.msk [tilespmem:v41+s28+$0x0], $0xffff;
	[tilespmem:v11+s2+$0x0] =	vst.idx.msk $0xffff, v25  }
0x2af: {  	v24 =	vld.idx.msk [tilespmem:v39+s28+$0x0], $0xffff;
	[tilespmem:v10+s2+$0x0] =	vst.idx.msk $0xffff, v27  }
0x2b0: {  	v39 =	vld.idx.msk [tilespmem:v40+s28+$0x0], $0xffff;
	[tilespmem:v9+s2+$0x0] =	vst.idx.msk $0xffff, v29  }
0x2b1: {  	v29 =	vld.idx.msk [tilespmem:v38+s28+$0x0], $0xffff;
	[tilespmem:v8+s2+$0x0] =	vst.idx.msk $0xffff, v26  }
0x2b2: {  	v37 =	vld.idx.msk [tilespmem:v37+s28+$0x0], $0xffff;
	[tilespmem:v7+s2+$0x0] =	vst.idx.msk $0xffff, v28  }
0x2b3: {  	v28 =	vld.idx.msk [tilespmem:v36+s28+$0x0], $0xffff;
	[tilespmem:v6+s2+$0x0] =	vst.idx.msk $0xffff, v22  }
0x2b4: {  	[tilespmem:v12+s29+$0x0] =	vst.idx.msk $0xffff, v23;
	v27 =	vld.idx.msk [tilespmem:v32+s28+$0x0], $0xffff  }
.Ltmp1:
0x2b5: {  	v26 =	vld.idx.msk [tilespmem:v33+s28+$0x0], $0xffff;
	[tilespmem:v11+s29+$0x0] =	vst.idx.msk $0xffff, v24;
	(pc) =	sbr.rel @p0 .LBB2_5-.Ltmp1, $4  }
0x2b6: {  	v25 =	vld.idx.msk [tilespmem:v30+s28+$0x0], $0xffff;
	[tilespmem:v10+s29+$0x0] =	vst.idx.msk $0xffff, v39  }
0x2b7: {  	v24 =	vld.idx.msk [tilespmem:v35+s28+$0x0], $0xffff;
	[tilespmem:v9+s29+$0x0] =	vst.idx.msk $0xffff, v29  }
0x2b8: {  	v23 =	vld.idx.msk [tilespmem:v31+s28+$0x0], $0xffff;
	[tilespmem:v8+s29+$0x0] =	vst.idx.msk $0xffff, v37  }
0x2b9: {  	v22 =	vld.idx.msk [tilespmem:v34+s28+$0x0], $0xffff;
	[tilespmem:v7+s29+$0x0] =	vst.idx.msk $0xffff, v28  }
0x2ba: {  	_ =	sdelay $0x3  }
0x2bb: {  	[tilespmem:v6+s29+$0x0] =	vst.idx.msk $0xffff, v27  }
0x2bc: {  	v21 =	vld.idx.msk [tilespmem:v21+s28+$0x0], $0xffff;
	[tilespmem:v12+s8+$0x0] =	vst.idx.msk $0xffff, v26  }
0x2bd: {  	v20 =	vld.idx.msk [tilespmem:v20+s28+$0x0], $0xffff;
	[tilespmem:v11+s8+$0x0] =	vst.idx.msk $0xffff, v25  }
0x2be: {  	v19 =	vld.idx.msk [tilespmem:v19+s28+$0x0], $0xffff;
	[tilespmem:v10+s8+$0x0] =	vst.idx.msk $0xffff, v24  }
0x2bf: {  	v18 =	vld.idx.msk [tilespmem:v18+s28+$0x0], $0xffff;
	[tilespmem:v9+s8+$0x0] =	vst.idx.msk $0xffff, v23  }
0x2c0: {  	v17 =	vld.idx.msk [tilespmem:v17+s28+$0x0], $0xffff;
	[tilespmem:v8+s8+$0x0] =	vst.idx.msk $0xffff, v22  }
0x2c1: {  	v16 =	vld.idx.msk [tilespmem:v16+s28+$0x0], $0xffff;
	[tilespmem:v7+s8+$0x0] =	vst.idx.msk $0xffff, v21  }
0x2c2: {  	v15 =	vld.idx.msk [tilespmem:v15+s28+$0x0], $0xffff;
	[tilespmem:v6+s8+$0x0] =	vst.idx.msk $0xffff, v20  }
0x2c3: {  	[tilespmem:v12+s9+$0x0] =	vst.idx.msk $0xffff, v19  }
0x2c4: {  	[tilespmem:v11+s9+$0x0] =	vst.idx.msk $0xffff, v18  }
0x2c5: {  	v62 =	vld.idx.msk [tilespmem:v14+s28+$0x0], $0xffff;
	[tilespmem:v10+s9+$0x0] =	vst.idx.msk $0xffff, v17  }
0x2c6: {  	v63 =	vld.idx.msk [tilespmem:v13+s28+$0x0], $0xffff;
	s3 =	rddreg [dreg:$0x11];
	[tilespmem:v9+s9+$0x0] =	vst.idx.msk $0xffff, v16  }
0x2c7: {  	s3 =	sshll.u32 s3, $0xC;
	[tilespmem:v8+s9+$0x0] =	vst.idx.msk $0xffff, v15  }
0x2c8: {  	s3 =	sand.u32 $0x1F000, s3;
	s5 =	rddreg [dreg:$0x12]  }
0x2c9: {  	s3 =	sor.u32 s5, s3  }
0x2ca: {  	s12 =	rddreg [dreg:$0x1];
	[tilespmem:v7+s9+$0x0] =	vst.idx.msk $0xffff, v62;
	s3 =	sshrl.u32 s3, $0x3  }
0x2cb: {  	s13 =	simm.s32 $0x0;
	[tilespmem:v6+s9+$0x0] =	vst.idx.msk $0xffff, v63;
	s14 =	sadd.s32 s12, s3;
	s10 =	sor.u32 $0x80, s3  }
0x2cc: {  	[hbm4b:s14+s13] =	stream.linear.scatter [tilespmem:s30], [sflag:$0x3], $0x400, $0x38;
	[tilespmem:$0x1E400] =	vst v63  }
0x2cd: {  	s11 =	sor.u32 $0x100, s3;
	[dreg:$0x17] =	wrdreg s10  }
0x2ce: {  	s10 =	sadd.s32 s12, s10;
	[dreg:$0x19] =	wrdreg s11;
	s14 =	sor.u32 $0x180, s3  }
0x2cf: {  	[hbm4b:s10+s13] =	stream.linear.scatter [tilespmem:s20], [sflag:$0x3], $0x400, $0x38;
	[tilespmem:$0x1E400] =	vst v63  }
0x2d0: {  	s11 =	sadd.s32 s12, s11;
	[dreg:$0x15] =	wrdreg s14  }
0x2d1: {  	[hbm4b:s11+s13] =	stream.linear.scatter [tilespmem:s16], [sflag:$0x3], $0x400, $0x38;
	[tilespmem:$0x1E400] =	vst v63  }
0x2d2: {  	s12 =	sadd.s32 s12, s14;
	s14 =	rddreg [dreg:$0x7]  }
0x2d3: {  	[hbm4b:s12+s13] =	stream.linear.scatter [tilespmem:s2], [sflag:$0x3], $0x400, $0x38;
	[tilespmem:$0x1E400] =	vst v63  }
0x2d4: {  	s10 =	sadd.s32 s3, s14;
	s11 =	simm.s32 $0x16800  }
0x2d5: {  	[hbm4b:s10+s13] =	stream.linear.scatter [tilespmem:s11], [sflag:$0x3], $0x400, $0x38;
	[tilespmem:$0x1E400] =	vst v63  }
0x2d6: {  	s10 =	rddreg [dreg:$0x17]  }
0x2d7: {  	s11 =	simm.s32 $0x18800;
	s5 =	sadd.s32 s10, s14  }
0x2d8: {  	[hbm4b:s5+s13] =	stream.linear.scatter [tilespmem:s11], [sflag:$0x3], $0x400, $0x38;
	[tilespmem:$0x1E400] =	vst v63  }
0x2d9: {  	s11 =	rddreg [dreg:$0x19]  }
0x2da: {  	s5 =	simm.s32 $0x1A800;
	s12 =	sadd.s32 s11, s14  }
0x2db: {  	[hbm4b:s12+s13] =	stream.linear.scatter [tilespmem:s5], [sflag:$0x3], $0x400, $0x38;
	[tilespmem:$0x1E400] =	vst v63  }
0x2dc: {  	s12 =	rddreg [dreg:$0x15]  }
0x2dd: {  	s5 =	sadd.s32 s12, s14;
	s14 =	simm.s32 $0x1C800  }
0x2de: {  	[hbm4b:s5+s13] =	stream.linear.scatter [tilespmem:s14], [sflag:$0x3], $0x400, $0x38;
	[tilespmem:$0x1E400] =	vst v63  }
0x2df: {  	s14 =	rddreg [dreg:$0x8]  }
0x2e0: {  	s5 =	sadd.s32 s3, s14  }
0x2e1: {  	[hbm4b:s5+s13] =	stream.linear.scatter [tilespmem:s31], [sflag:$0x3], $0x400, $0x38;
	[tilespmem:$0x1E400] =	vst v63  }
0x2e2: {  	s5 =	sadd.s32 s10, s14  }
0x2e3: {  	[hbm4b:s5+s13] =	stream.linear.scatter [tilespmem:s22], [sflag:$0x3], $0x400, $0x38;
	[tilespmem:$0x1E400] =	vst v63  }
0x2e4: {  	s12 =	rddreg [dreg:$0x15];
	s5 =	sadd.s32 s11, s14  }
0x2e5: {  	[hbm4b:s5+s13] =	stream.linear.scatter [tilespmem:s6], [sflag:$0x3], $0x400, $0x38;
	[tilespmem:$0x1E400] =	vst v63  }
0x2e6: {  	s5 =	sadd.s32 s12, s14;
	s14 =	rddreg [dreg:$0x9]  }
0x2e7: {  	[hbm4b:s5+s13] =	stream.linear.scatter [tilespmem:s29], [sflag:$0x3], $0x400, $0x38;
	[tilespmem:$0x1E400] =	vst v63  }
0x2e8: {  	s12 =	sadd.s32 s3, s14;
	s5 =	simm.s32 $0x17000  }
0x2e9: {  	[hbm4b:s12+s13] =	stream.linear.scatter [tilespmem:s5], [sflag:$0x3], $0x400, $0x38;
	[tilespmem:$0x1E400] =	vst v63  }
0x2ea: {  	s12 =	sadd.s32 s10, s14;
	s5 =	simm.s32 $0x19000  }
0x2eb: {  	[hbm4b:s12+s13] =	stream.linear.scatter [tilespmem:s5], [sflag:$0x3], $0x400, $0x38;
	[tilespmem:$0x1E400] =	vst v63  }
0x2ec: {  	s12 =	sadd.s32 s11, s14;
	s5 =	simm.s32 $0x1B000  }
0x2ed: {  	[hbm4b:s12+s13] =	stream.linear.scatter [tilespmem:s5], [sflag:$0x3], $0x400, $0x38;
	[tilespmem:$0x1E400] =	vst v63  }
0x2ee: {  	s12 =	rddreg [dreg:$0x15]  }
0x2ef: {  	s5 =	sadd.s32 s12, s14;
	s14 =	simm.s32 $0x1D000  }
0x2f0: {  	[hbm4b:s5+s13] =	stream.linear.scatter [tilespmem:s14], [sflag:$0x3], $0x400, $0x38;
	[tilespmem:$0x1E400] =	vst v63  }
0x2f1: {  	s14 =	rddreg [dreg:$0xa]  }
0x2f2: {  	s5 =	sadd.s32 s3, s14  }
0x2f3: {  	[hbm4b:s5+s13] =	stream.linear.scatter [tilespmem:s1], [sflag:$0x3], $0x400, $0x38;
	[tilespmem:$0x1E400] =	vst v63  }
0x2f4: {  	s5 =	sadd.s32 s10, s14  }
0x2f5: {  	[hbm4b:s5+s13] =	stream.linear.scatter [tilespmem:s7], [sflag:$0x3], $0x400, $0x38;
	[tilespmem:$0x1E400] =	vst v63  }
0x2f6: {  	s12 =	rddreg [dreg:$0x15];
	s5 =	sadd.s32 s11, s14  }
0x2f7: {  	[hbm4b:s5+s13] =	stream.linear.scatter [tilespmem:s17], [sflag:$0x3], $0x400, $0x38;
	[tilespmem:$0x1E400] =	vst v63  }
0x2f8: {  	s14 =	sadd.s32 s12, s14  }
0x2f9: {  	[hbm4b:s14+s13] =	stream.linear.scatter [tilespmem:s8], [sflag:$0x3], $0x400, $0x38;
	[tilespmem:$0x1E400] =	vst v63  }
0x2fa: {  	s14 =	rddreg [dreg:$0xb]  }
0x2fb: {  	s5 =	simm.s32 $0x17800;
	s12 =	sadd.s32 s3, s14  }
0x2fc: {  	[hbm4b:s12+s13] =	stream.linear.scatter [tilespmem:s5], [sflag:$0x3], $0x400, $0x38;
	[tilespmem:$0x1E400] =	vst v63  }
0x2fd: {  	s12 =	sadd.s32 s10, s14;
	s5 =	simm.s32 $0x19800  }
0x2fe: {  	[hbm4b:s12+s13] =	stream.linear.scatter [tilespmem:s5], [sflag:$0x3], $0x400, $0x38;
	[tilespmem:$0x1E400] =	vst v63  }
0x2ff: {  	s5 =	sadd.s32 s11, s14;
	s11 =	simm.s32 $0x1B800  }
0x300: {  	[hbm4b:s5+s13] =	stream.linear.scatter [tilespmem:s11], [sflag:$0x3], $0x400, $0x38;
	[tilespmem:$0x1E400] =	vst v63  }
0x301: {  	s11 =	rddreg [dreg:$0x15]  }
0x302: {  	s5 =	sadd.s32 s11, s14;
	s14 =	simm.s32 $0x1D800  }
0x303: {  	[hbm4b:s5+s13] =	stream.linear.scatter [tilespmem:s14], [sflag:$0x3], $0x400, $0x38;
	[tilespmem:$0x1E400] =	vst v63  }
0x304: {  	s14 =	rddreg [dreg:$0xc]  }
0x305: {  	s5 =	sadd.s32 s3, s14  }
0x306: {  	[hbm4b:s5+s13] =	stream.linear.scatter [tilespmem:s0], [sflag:$0x3], $0x400, $0x38;
	[tilespmem:$0x1E400] =	vst v63  }
0x307: {  	s10 =	sadd.s32 s10, s14  }
0x308: {  	[hbm4b:s10+s13] =	stream.linear.scatter [tilespmem:s15], [sflag:$0x3], $0x400, $0x38;
	[tilespmem:$0x1E400] =	vst v63  }
0x309: {  	s10 =	rddreg [dreg:$0x19]  }
0x30a: {  	s5 =	sadd.s32 s10, s14  }
0x30b: {  	[hbm4b:s5+s13] =	stream.linear.scatter [tilespmem:s4], [sflag:$0x3], $0x400, $0x38;
	[tilespmem:$0x1E400] =	vst v63  }
0x30c: {  	s12 =	rddreg [dreg:$0xd];
	s5 =	sadd.s32 s11, s14  }
0x30d: {  	[hbm4b:s5+s13] =	stream.linear.scatter [tilespmem:s9], [sflag:$0x3], $0x400, $0x38;
	[tilespmem:$0x1E400] =	vst v63  }
0x30e: {  	s3 =	sadd.s32 s3, s12;
	s14 =	simm.s32 $0x18000;
	s5 =	rddreg [dreg:$0x17]  }
0x30f: {  	[hbm4b:s3+s13] =	stream.linear.scatter [tilespmem:s14], [sflag:$0x3], $0x400, $0x38;
	[tilespmem:$0x1E400] =	vst v63  }
0x310: {  	s3 =	sadd.s32 s5, s12;
	s14 =	simm.s32 $0x1A000  }
0x311: {  	[hbm4b:s3+s13] =	stream.linear.scatter [tilespmem:s14], [sflag:$0x3], $0x400, $0x38;
	[tilespmem:$0x1E400] =	vst v63  }
0x312: {  	s5 =	sadd.s32 s10, s12;
	s10 =	simm.s32 $0x1C000;
	s14 =	rddreg [dreg:$0x10]  }
0x313: {  	[hbm4b:s5+s13] =	stream.linear.scatter [tilespmem:s10], [sflag:$0x3], $0x400, $0x38;
	[tilespmem:$0x1E400] =	vst v63  }
0x314: {  	s10 =	sadd.s32 $0x1, s14  }
0x315: {  	p0 =	sne.s32 s10, $0x19  }
.Ltmp2:
0x316: {  	_ = 	snop;
	(pc) =	sbr.rel @p0 .LBB2_2-.Ltmp2, $3  }
0x317: {  	_ =	sdelay $0x1  }
0x318: {  	s11 =	sadd.s32 s11, s12;
	s12 =	simm.s32 $0x1E000  }
0x319: {  	[hbm4b:s11+s13] =	stream.linear.scatter [tilespmem:s12], [sflag:$0x3], $0x400, $0x38;
	[tilespmem:$0x1E400] =	vst v63  }
0x31a: {  	s5 =	simm.s32 $0x3  }
0x31b: {  	_ =	swait.ge [sflag:s5], $0x8000  }
0x31c: {  	s10 =	rddreg [dreg:$0xf]  }
0x31d: {  	s3 =	rddreg [dreg:$0xe];
	s10 =	sadd.s32 $0x1, s10  }
0x31e: {  	p0 =	sne.s32 s10, s3  }
.Ltmp3:
0x31f: {  	_ = 	snop;
	(pc) =	sbr.rel @p0 .LBB2_1-.Ltmp3, $3  }
0x320: {  	_ =	sdelay $0x1  }
0x321: {  	[sflag:s5] =	ssyncset.done $0x0  }
0x322: {  	[sflag:s5] =	ssyncadd.s32 $0xFFFF8000  }
0x323: {  	_ =	sfence.sel $0x180000  }
0x324: {  	[bflag:$0x0] =	sbarrier.arrive $0xFFFF  }
0x325: {  	_ =	strace $0x90000047  }
0x326: {  	s0 =	stileid.u32;
	[bflag:$0x2] =	sbarrier.arrive $0xFFFF  }
0x327: {  	p0 =	sne.s32 s0, $0x0;
	s0 =	rddreg [dreg:$0x2]  }
0x328: {  	s0 =	sadd.s32 @!p0 $0x100000, s0  }
0x329: {  	[sflag:s0] =	ssyncadd.tile.s32 @!p0 $0x1;
	_ =	shalt  }
.Lfunc_end2:
_tile_overlayer_lowered:
.L_overlay_start_2:
0x32a: {  	(tag) =	ssettag $0x2  }
0x32b: {  	s0 =	rddreg [dreg:$0x0];
	s2 =	stileid.u32  }
0x32c: {  	s1 =	rddreg [dreg:$0x1];
	p0 =	sne.s32 s2, $0x0  }
0x32d: {  	s3 =	rddreg [dreg:$0x2];
	[bflag:$0x3] =	sbarrier.arrive $0xFFFF;
	s2 =	simm.s32 @!p0 $0x1C04  }
0x32e: {  	[timem:s3], [sflag:s2] =	dma.local @!p0 [hbm:s0], s1  }
0x32f: {  	s0 =	simm.s32 @!p0 $0x4  }
0x330: {  	_ =	swait.ge @!p0 [sflag:s0], s1  }
0x331: {  	s1 =	ssub.s32 @!p0 $0x0, s1;
	[sflag:s0] =	ssyncset.done @!p0 $0x0  }
0x332: {  	[sflag:s0] =	ssyncadd.s32 @!p0 s1  }
0x333: {  	[bflag:$0x3] =	sbarrier.arrive $0xFFFF  }
0x334: {  	_ =	shalt  }

</sc_bundles>
